<compile_context>
chip_gen: v7x
topology: tpu7x:2x2x1
jax: 0.10.2.dev20260603
libtpu: 0.0.44.dev20260713+nightly
codegen_flags: <defaults>
</compile_context>

<pallas_src>
import functools

import jax
import jax.numpy as jnp
from jax import lax
from jax.experimental import pallas as pl
from jax.experimental.pallas import tpu as pltpu
from jax.experimental.pallas import tpu_sc as plsc

_L = 16


def _make_sc_gather_max(N, K, D, NC, NS, C=32, interpret=False):
    NW = NC * NS
    CK = C * K
    T = -(-N // (NW * C))
    Npad = NW * T * C
    VL = 2 * _L

    def body(y_hbm, idx_hbm, out_hbm, idx_v, rows0, rows1, out_v, sem0, sem1):
        wid = lax.axis_index("s") * NC + lax.axis_index("c")
        pltpu.sync_copy(idx_hbm.at[wid], idx_v)
        base = wid * (T * C)
        rows = (rows0, rows1)
        sems = (sem0, sem1)

        def phase(t, b):
            @pl.when(t + 1 < T)
            def _():
                pltpu.async_copy(y_hbm.at[idx_v.at[t + 1]], rows[1 - b],
                                 sems[1 - b])

            pltpu.make_async_copy(y_hbm.at[idx_v.at[t]], rows[b],
                                  sems[b]).wait()
            rv = rows[b]

            def node(c, carry2):
                r0 = c * K
                for d in range(D // VL):
                    sl = pl.ds(d * VL, VL)
                    acc = rv[r0, sl]
                    for k in range(1, K):
                        acc = jnp.maximum(acc, rv[r0 + k, sl])
                    out_v[c, sl] = acc
                return carry2

            lax.fori_loop(0, C, node, 0)
            pltpu.sync_copy(out_v, out_hbm.at[pl.ds(base + t * C, C)])

        pltpu.async_copy(y_hbm.at[idx_v.at[0]], rows0, sem0)

        def two(i, carry):
            phase(2 * i, 0)
            phase(2 * i + 1, 1)
            return carry

        lax.fori_loop(0, T // 2, two, 0)
        for tt in range(2 * (T // 2), T):
            phase(tt, tt % 2)

    mesh = plsc.VectorSubcoreMesh(core_axis_name="c", subcore_axis_name="s",
                                  num_cores=NC, num_subcores=NS)
    gm = pl.kernel(
        body,
        out_type=jax.ShapeDtypeStruct((Npad, D), jnp.bfloat16),
        mesh=mesh,
        scratch_types=[
            pltpu.VMEM((T, CK), jnp.int32),
            pltpu.VMEM((CK, D), jnp.bfloat16),
            pltpu.VMEM((CK, D), jnp.bfloat16),
            pltpu.VMEM((C, D), jnp.bfloat16),
            pltpu.SemaphoreType.DMA,
            pltpu.SemaphoreType.DMA,
        ],
        compiler_params=pltpu.CompilerParams(use_tc_tiling_on_sc=False),
        interpret=interpret,
    )
    return gm, NW, T, C, Npad


def _mm_body(x_ref, w_ref, o_ref):
    o_ref[...] = jnp.dot(x_ref[...], w_ref[...],
                         preferred_element_type=jnp.float32).astype(jnp.bfloat16)


def _combine_mid_body(x_ref, agg_ref, ws_ref, wa_ref, b_ref, bp_ref, g_ref,
                      beta_ref, wpn_ref, out_ref, y_ref):
    agg = jnp.maximum(agg_ref[...].astype(jnp.float32) + bp_ref[0], 0.0)
    h = jnp.dot(x_ref[...].astype(jnp.float32), ws_ref[...],
                preferred_element_type=jnp.float32)
    h = h + jnp.dot(agg, wa_ref[...], preferred_element_type=jnp.float32)
    h = h + b_ref[0]
    mu = jnp.mean(h, axis=-1, keepdims=True)
    var = jnp.mean((h - mu) ** 2, axis=-1, keepdims=True)
    ln = (h - mu) * lax.rsqrt(var + 1e-5) * g_ref[0] + beta_ref[0]
    h = jnp.maximum(ln, 0.0) + h
    out_ref[...] = h.astype(jnp.bfloat16)
    y_ref[...] = jnp.dot(h, wpn_ref[...],
                         preferred_element_type=jnp.float32).astype(jnp.bfloat16)


def _combine_last_body(x_ref, agg_ref, ws_ref, wa_ref, b_ref, bp_ref, out_ref):
    agg = jnp.maximum(agg_ref[...].astype(jnp.float32) + bp_ref[0], 0.0)
    h = jnp.dot(x_ref[...].astype(jnp.float32), ws_ref[...],
                preferred_element_type=jnp.float32)
    h = h + jnp.dot(agg, wa_ref[...], preferred_element_type=jnp.float32)
    out_ref[...] = h + b_ref[0]


def _row_spec(BN, D):
    return pl.BlockSpec((BN, D), lambda i: (i, 0))


def _full_spec(shape):
    return pl.BlockSpec(shape, lambda i: tuple(0 for _ in shape))


def _tc_matmul(x, w, BN):
    N, D = x.shape
    Dout = w.shape[1]
    return pl.pallas_call(
        _mm_body,
        grid=(N // BN,),
        in_specs=[_row_spec(BN, D), _full_spec(w.shape)],
        out_specs=_row_spec(BN, Dout),
        out_shape=jax.ShapeDtypeStruct((N, Dout), jnp.bfloat16),
    )(x, w)


def _tc_combine_mid(x, agg_pad, ws, wa, b, bp, g, beta, wpn, BN):
    N, D = x.shape
    grid = (N // BN,)
    out_shape = [
        jax.ShapeDtypeStruct((N, D), jnp.bfloat16),
        jax.ShapeDtypeStruct((N, D), jnp.bfloat16),
    ]
    return pl.pallas_call(
        _combine_mid_body,
        grid=grid,
        in_specs=[
            _row_spec(BN, D),
            _row_spec(BN, D),
            _full_spec(ws.shape),
            _full_spec(wa.shape),
            _full_spec(b.shape),
            _full_spec(bp.shape),
            _full_spec(g.shape),
            _full_spec(beta.shape),
            _full_spec(wpn.shape),
        ],
        out_specs=[_row_spec(BN, D), _row_spec(BN, D)],
        out_shape=out_shape,
    )(x, agg_pad, ws, wa, b, bp, g, beta, wpn)


def _tc_combine_last(x, agg_pad, ws, wa, b, bp, BN):
    N, D = x.shape
    Dout = ws.shape[1]
    return pl.pallas_call(
        _combine_last_body,
        grid=(N // BN,),
        in_specs=[
            _row_spec(BN, D),
            _row_spec(BN, D),
            _full_spec(ws.shape),
            _full_spec(wa.shape),
            _full_spec(b.shape),
            _full_spec(bp.shape),
        ],
        out_specs=_row_spec(BN, Dout),
        out_shape=jax.ShapeDtypeStruct((N, Dout), jnp.float32),
    )(x, agg_pad, ws, wa, b, bp)


def kernel(features, neighbors, Wp0, bp0, Wp1, bp1, Wp2, bp2,
           W0, b0, W1, b1, W2, b2, g0, beta0, g1, beta1):
    N, D = features.shape
    K = neighbors.shape[1]
    try:
        info = plsc.get_sparse_core_info()
        nc, ns = info.num_cores, info.num_subcores
    except Exception:
        nc, ns = 2, 16
    H = 1
    Nh = N // H
    gm, NW, T, Cn, Npad = _make_sc_gather_max(Nh, K, D, nc, ns)
    BN = next((c for c in (2000, 1000, 1024, 512, 256, 8) if Nh % c == 0), Nh)

    idx = neighbors.astype(jnp.int32).reshape(H, Nh * K)
    idxs = [
        jnp.pad(idx[j], (0, Npad * K - Nh * K)).reshape(NW, T, -1)
        for j in range(H)
    ]

    r2 = lambda v: v.reshape(1, -1)
    pools = [(Wp0, r2(bp0)), (Wp1, r2(bp1)), (Wp2, r2(bp2))]
    lins = [(W0, r2(b0)), (W1, r2(b1)), (W2, r2(b2))]
    norms = [(r2(g0), r2(beta0)), (r2(g1), r2(beta1))]

    xs = [features[j * Nh:(j + 1) * Nh] for j in range(H)]
    y = _tc_matmul(features, Wp0, BN)
    for i in range(3):
        aggs = [gm(y, idxs[j]) for j in range(H)]
        W, b = lins[i]
        ws, wa = W[:D], W[D:]
        bp = pools[i][1]
        if i < 2:
            g, beta = norms[i]
            wpn = pools[i + 1][0]
            res = [_tc_combine_mid(xs[j], aggs[j], ws, wa, b, bp, g, beta,
                                   wpn, BN) for j in range(H)]
            xs = [r[0] for r in res]
            ys = [r[1] for r in res]
            y = ys[0] if H == 1 else jnp.concatenate(ys, axis=0)
        else:
            xs = [_tc_combine_last(xs[j], aggs[j], ws, wa, b, bp, BN)
                  for j in range(H)]
    return xs[0] if H == 1 else jnp.concatenate(xs, axis=0)

# --- scband reference (transcript-rebuilt; emitter-appended) ---
"""Pipeline reference for scband-graph-sage-59133109732148 (READ-ONLY COPY).

The authoritative reference and input builder live on the scoring server;
editing this copy changes nothing except your own understanding.
"""

import jax, jax.numpy as jnp
import numpy as np

N = 50000
K = 10
D_IN = 128
D_H = 128
D_OUT = 128


def _linear_params(key, fan_in, fan_out):
    k1, k2 = jax.random.split(key)
    bound = 1.0 / np.sqrt(fan_in)
    W = jax.random.uniform(k1, (fan_in, fan_out), minval=-bound, maxval=bound, dtype=jnp.float32)
    b = jax.random.uniform(k2, (fan_out,), minval=-bound, maxval=bound, dtype=jnp.float32)
    return W, b


def _layernorm(x, g, b, eps=1e-5):
    mu = jnp.mean(x, axis=-1, keepdims=True)
    var = jnp.mean((x - mu) ** 2, axis=-1, keepdims=True)
    return (x - mu) * jax.lax.rsqrt(var + eps) * g + b


def setup_inputs(seed: int = 0) -> dict:
    key = jax.random.key(seed)
    ks = jax.random.split(key, 10)
    features = jax.random.normal(ks[0], (N, D_IN), dtype=jnp.float32)
    # precomputed sampled neighbor indices (replaces networkx graph + _sample_neighbors)
    neighbors = jax.random.randint(ks[1], (N, K), 0, N)
    # max_pool aggregator linear layers (one per GNN layer)
    Wp0, bp0 = _linear_params(ks[2], D_IN, D_H)
    Wp1, bp1 = _linear_params(ks[3], D_H, D_H)
    Wp2, bp2 = _linear_params(ks[4], D_H, D_H)
    # main layers: concat(self, agg) -> out
    W0, b0 = _linear_params(ks[5], D_IN + D_H, D_H)
    W1, b1 = _linear_params(ks[6], 2 * D_H, D_H)
    W2, b2 = _linear_params(ks[7], 2 * D_H, D_OUT)
    # layernorms for the first num_layers-1 layers
    g0 = jnp.ones((D_H,), dtype=jnp.float32)
    beta0 = jnp.zeros((D_H,), dtype=jnp.float32)
    g1 = jnp.ones((D_H,), dtype=jnp.float32)
    beta1 = jnp.zeros((D_H,), dtype=jnp.float32)
    return {
        "features": features, "neighbors": neighbors,
        "Wp0": Wp0, "bp0": bp0, "Wp1": Wp1, "bp1": bp1, "Wp2": Wp2, "bp2": bp2,
        "W0": W0, "b0": b0, "W1": W1, "b1": b1, "W2": W2, "b2": b2,
        "g0": g0, "beta0": beta0, "g1": g1, "beta1": beta1,
    }


def reference(features, neighbors, Wp0, bp0, Wp1, bp1, Wp2, bp2,
              W0, b0, W1, b1, W2, b2, g0, beta0, g1, beta1):
    pools = [(Wp0, bp0), (Wp1, bp1), (Wp2, bp2)]
    lins = [(W0, b0), (W1, b1), (W2, b2)]
    norms = [(g0, beta0), (g1, beta1)]
    x = features
    num_layers = 3
    for i in range(num_layers):
        # gather sampled neighbor features: [N, K, d_in]
        neighbor_feats = jnp.take(x, neighbors, axis=0)
        Wp, bp = pools[i]
        pooled = jax.nn.relu(neighbor_feats @ Wp + bp)   # [N, K, D_H]
        agg = jnp.max(pooled, axis=1)                     # [N, D_H]
        x = jnp.concatenate([x, agg], axis=1)
        W, b = lins[i]
        x = x @ W + b
        if i < num_layers - 1:
            residual = x
            g, bb = norms[i]
            x = _layernorm(x, g, bb)
            x = jax.nn.relu(x)
            # dropout is identity in eval mode
            x = x + residual
    return x

if __name__ == "__main__":
    import jax
    _d = setup_inputs()
    print(jax.jit(kernel)(*tuple(_d.values())))

</pallas_src>

<mosaic_0001>
#map = affine_map<(d0, d1) -> (0, 0)>
#map1 = affine_map<(d0, d1) -> (0, 0, 0)>
module attributes {stable_mosaic.version = 14 : i64} {
  func.func @body(%arg0: i32, %arg1: i32, %arg2: memref<50000x128xbf16, #tpu.memory_space<hbm>>, %arg3: memref<32x49x320xi32, #tpu.memory_space<hbm>>, %arg4: memref<50176x128xbf16, #tpu.memory_space<hbm>>, %arg5: memref<49x320xi32, #tpu.memory_space<vmem>>, %arg6: memref<320x128xbf16, #tpu.memory_space<vmem>>, %arg7: memref<320x128xbf16, #tpu.memory_space<vmem>>, %arg8: memref<32x128xbf16, #tpu.memory_space<vmem>>, %arg9: memref<!tpu.dma_semaphore, #tpu.memory_space<semaphore_mem>>, %arg10: memref<!tpu.dma_semaphore, #tpu.memory_space<semaphore_mem>>) attributes {dimension_semantics = [#tpu.dimension_semantics<core_parallel>, #tpu.dimension_semantics<subcore_parallel>], iteration_bounds = array<i64: 2, 16>, scalar_prefetch = 0 : i64, scratch_operands = 6 : i64, tpu.core_type = #tpu.core_type<sc_vector_subcore>, window_params = [{transform_indices = #map}, {transform_indices = #map1}, {transform_indices = #map}]} {
    %mul3A = arith.constant 2 : i32
    %mul3A_0 = arith.muli %arg1, %mul3A : i32
    %add3A = arith.addi %mul3A_0, %arg0 : i32
    "tpu.region"() ({
      %run_scoped3A = tpu.sem_alloc : memref<!tpu.dma_semaphore, #tpu.memory_space<semaphore_mem>>
      %dma_start3A_28 = arith.constant 0 : i32
      %dma_start3A_29 = arith.constant 0 : i32
      %dma_start3A_30 = tpu.memref_slice %arg3[%add3A, %dma_start3A_28, %dma_start3A_29] : memref<32x49x320xi32, #tpu.memory_space<hbm>> -> memref<1x49x320xi32, #tpu.memory_space<hbm>>
      %dma_start3A_31 = tpu.memref_squeeze %dma_start3A_30 : memref<1x49x320xi32, #tpu.memory_space<hbm>> -> memref<49x320xi32, #tpu.memory_space<hbm>>
      %dma_start3A_32 = arith.constant 0 : i32
      %dma_start3A_33 = arith.constant 0 : i32
      %dma_start3A_34 = tpu.memref_slice %arg3[%add3A, %dma_start3A_32, %dma_start3A_33] : memref<32x49x320xi32, #tpu.memory_space<hbm>> -> memref<1x49x320xi32, #tpu.memory_space<hbm>>
      %dma_start3A_35 = tpu.memref_squeeze %dma_start3A_34 : memref<1x49x320xi32, #tpu.memory_space<hbm>> -> memref<49x320xi32, #tpu.memory_space<hbm>>
      tpu.enqueue_dma source(%dma_start3A_35 : memref<49x320xi32, #tpu.memory_space<hbm>>) target(%arg5 : memref<49x320xi32, #tpu.memory_space<vmem>>) target_semaphore(%run_scoped3A : memref<!tpu.dma_semaphore, #tpu.memory_space<semaphore_mem>>)
      %dma_wait3A_36 = arith.constant 0 : i32
      %dma_wait3A_37 = arith.constant 0 : i32
      %dma_wait3A_38 = tpu.memref_slice %arg3[%add3A, %dma_wait3A_36, %dma_wait3A_37] : memref<32x49x320xi32, #tpu.memory_space<hbm>> -> memref<1x49x320xi32, #tpu.memory_space<hbm>>
      %dma_wait3A_39 = tpu.memref_squeeze %dma_wait3A_38 : memref<1x49x320xi32, #tpu.memory_space<hbm>> -> memref<49x320xi32, #tpu.memory_space<hbm>>
      %dma_wait3A_40 = arith.constant 0 : i32
      %dma_wait3A_41 = arith.constant 0 : i32
      %dma_wait3A_42 = tpu.memref_slice %arg3[%add3A, %dma_wait3A_40, %dma_wait3A_41] : memref<32x49x320xi32, #tpu.memory_space<hbm>> -> memref<1x49x320xi32, #tpu.memory_space<hbm>>
      %dma_wait3A_43 = tpu.memref_squeeze %dma_wait3A_42 : memref<1x49x320xi32, #tpu.memory_space<hbm>> -> memref<49x320xi32, #tpu.memory_space<hbm>>
      tpu.wait_dma2 semaphore(%run_scoped3A : memref<!tpu.dma_semaphore, #tpu.memory_space<semaphore_mem>>) src(%dma_wait3A_43 : memref<49x320xi32, #tpu.memory_space<hbm>>) dst(%arg5 : memref<49x320xi32, #tpu.memory_space<vmem>>)
      tpu.yield
    }) : () -> ()
    %mul3A_1 = arith.constant 1568 : i32
    %mul3A_2 = arith.muli %add3A, %mul3A_1 : i32
    %dma_start3A = arith.constant 0 : i32
    %dma_start3A_3 = arith.constant 0 : i32
    %dma_start3A_4 = tpu.memref_slice %arg5[%dma_start3A, %dma_start3A_3] : memref<49x320xi32, #tpu.memory_space<vmem>> -> memref<1x320xi32, #tpu.memory_space<vmem>>
    %dma_start3A_5 = tpu.memref_squeeze %dma_start3A_4 : memref<1x320xi32, #tpu.memory_space<vmem>> -> memref<320xi32, #tpu.memory_space<vmem>>
    %dma_start3A_6 = arith.constant 0 : i32
    %dma_start3A_7 = arith.constant 0 : i32
    %dma_start3A_8 = tpu.memref_slice %arg2[%dma_start3A_6, %dma_start3A_7] : memref<50000x128xbf16, #tpu.memory_space<hbm>> -> memref<50000x128xbf16, #tpu.memory_space<hbm>>
    tpu.enqueue_indirect_dma source(%dma_start3A_8 : memref<50000x128xbf16, #tpu.memory_space<hbm>>) target(%arg6 : memref<320x128xbf16, #tpu.memory_space<vmem>>) offsets(%dma_start3A_5 : memref<320xi32, #tpu.memory_space<vmem>>) semaphore(%arg9 : memref<!tpu.dma_semaphore, #tpu.memory_space<semaphore_mem>>)
    %scan3A = arith.constant 0 : i32
    %scan3A_9 = arith.constant 0 : i32
    %scan3A_10 = arith.constant 24 : i32
    %scan3A_11 = arith.addi %scan3A_9, %scan3A_10 : i32
    %scan3A_12 = arith.constant 1 : i32
    scf.for %scan3A_28 = %scan3A_9 to %scan3A_11 step %scan3A_12  : i32 {
      %mul3A_29 = arith.constant 2 : i32
      %mul3A_30 = arith.muli %mul3A_29, %scan3A_28 : i32
      %add3A_31 = arith.constant 1 : i32
      %add3A_32 = arith.addi %mul3A_30, %add3A_31 : i32
      %lt3A = arith.constant 49 : i32
      %lt3A_33 = arith.cmpi slt, %add3A_32, %lt3A : i32
      %convert_element_type3A = arith.extui %lt3A_33 : i1 to i32
      %cond3A = arith.constant 0 : i32
      %cond3A_34 = arith.cmpi ne, %convert_element_type3A, %cond3A : i32
      scf.if %cond3A_34 {
        %add3A_76 = arith.constant 1 : i32
        %add3A_77 = arith.addi %mul3A_30, %add3A_76 : i32
        %dma_start3A_78 = arith.constant 0 : i32
        %dma_start3A_79 = tpu.memref_slice %arg5[%add3A_77, %dma_start3A_78] : memref<49x320xi32, #tpu.memory_space<vmem>> -> memref<1x320xi32, #tpu.memory_space<vmem>>
        %dma_start3A_80 = tpu.memref_squeeze %dma_start3A_79 : memref<1x320xi32, #tpu.memory_space<vmem>> -> memref<320xi32, #tpu.memory_space<vmem>>
        %dma_start3A_81 = arith.constant 0 : i32
        %dma_start3A_82 = arith.constant 0 : i32
        %dma_start3A_83 = tpu.memref_slice %arg2[%dma_start3A_81, %dma_start3A_82] : memref<50000x128xbf16, #tpu.memory_space<hbm>> -> memref<50000x128xbf16, #tpu.memory_space<hbm>>
        tpu.enqueue_indirect_dma source(%dma_start3A_83 : memref<50000x128xbf16, #tpu.memory_space<hbm>>) target(%arg7 : memref<320x128xbf16, #tpu.memory_space<vmem>>) offsets(%dma_start3A_80 : memref<320xi32, #tpu.memory_space<vmem>>) semaphore(%arg10 : memref<!tpu.dma_semaphore, #tpu.memory_space<semaphore_mem>>)
      } else {
      }
      %dma_wait3A_35 = arith.constant 0 : i32
      %dma_wait3A_36 = tpu.memref_slice %arg5[%mul3A_30, %dma_wait3A_35] : memref<49x320xi32, #tpu.memory_space<vmem>> -> memref<1x320xi32, #tpu.memory_space<vmem>>
      %dma_wait3A_37 = tpu.memref_squeeze %dma_wait3A_36 : memref<1x320xi32, #tpu.memory_space<vmem>> -> memref<320xi32, #tpu.memory_space<vmem>>
      %dma_wait3A_38 = arith.constant 0 : i32
      %dma_wait3A_39 = arith.constant 0 : i32
      %dma_wait3A_40 = tpu.memref_slice %arg2[%dma_wait3A_38, %dma_wait3A_39] : memref<50000x128xbf16, #tpu.memory_space<hbm>> -> memref<50000x128xbf16, #tpu.memory_space<hbm>>
      tpu.wait_indirect_dma semaphore(%arg9 : memref<!tpu.dma_semaphore, #tpu.memory_space<semaphore_mem>>) src(%dma_wait3A_40 : memref<50000x128xbf16, #tpu.memory_space<hbm>>) dst(%arg6 : memref<320x128xbf16, #tpu.memory_space<vmem>>)
      %scan3A_41 = arith.constant 0 : i32
      %scan3A_42 = arith.constant 0 : i32
      %scan3A_43 = arith.constant 32 : i32
      %scan3A_44 = arith.addi %scan3A_42, %scan3A_43 : i32
      %scan3A_45 = arith.constant 1 : i32
      scf.for %scan3A_76 = %scan3A_42 to %scan3A_44 step %scan3A_45  : i32 {
        %mul3A_77 = arith.constant 10 : i32
        %mul3A_78 = arith.muli %scan3A_76, %mul3A_77 : i32
        %get3A = arith.index_cast %mul3A_78 : i32 to index
        %get3A_79 = arith.constant 0 : index
        %get3A_80 = tpu.vector_load %arg6[%get3A, %get3A_79] {strides = array<i32>} : memref<320x128xbf16, #tpu.memory_space<vmem>>, vector<1x32xbf16>,
        %get3A_81 = vector.shape_cast %get3A_80 : vector<1x32xbf16> to vector<32xbf16>
        %add3A_82 = arith.constant 1 : i32
        %add3A_83 = arith.addi %mul3A_78, %add3A_82 : i32
        %get3A_84 = arith.index_cast %add3A_83 : i32 to index
        %get3A_85 = arith.constant 0 : index
        %get3A_86 = tpu.vector_load %arg6[%get3A_84, %get3A_85] {strides = array<i32>} : memref<320x128xbf16, #tpu.memory_space<vmem>>, vector<1x32xbf16>,
        %get3A_87 = vector.shape_cast %get3A_86 : vector<1x32xbf16> to vector<32xbf16>
        %max3A = arith.maximumf %get3A_81, %get3A_87 : vector<32xbf16>
        %add3A_88 = arith.constant 2 : i32
        %add3A_89 = arith.addi %mul3A_78, %add3A_88 : i32
        %get3A_90 = arith.index_cast %add3A_89 : i32 to index
        %get3A_91 = arith.constant 0 : index
        %get3A_92 = tpu.vector_load %arg6[%get3A_90, %get3A_91] {strides = array<i32>} : memref<320x128xbf16, #tpu.memory_space<vmem>>, vector<1x32xbf16>,
        %get3A_93 = vector.shape_cast %get3A_92 : vector<1x32xbf16> to vector<32xbf16>
        %max3A_94 = arith.maximumf %max3A, %get3A_93 : vector<32xbf16>
        %add3A_95 = arith.constant 3 : i32
        %add3A_96 = arith.addi %mul3A_78, %add3A_95 : i32
        %get3A_97 = arith.index_cast %add3A_96 : i32 to index
        %get3A_98 = arith.constant 0 : index
        %get3A_99 = tpu.vector_load %arg6[%get3A_97, %get3A_98] {strides = array<i32>} : memref<320x128xbf16, #tpu.memory_space<vmem>>, vector<1x32xbf16>,
        %get3A_100 = vector.shape_cast %get3A_99 : vector<1x32xbf16> to vector<32xbf16>
        %max3A_101 = arith.maximumf %max3A_94, %get3A_100 : vector<32xbf16>
        %add3A_102 = arith.constant 4 : i32
        %add3A_103 = arith.addi %mul3A_78, %add3A_102 : i32
        %get3A_104 = arith.index_cast %add3A_103 : i32 to index
        %get3A_105 = arith.constant 0 : index
        %get3A_106 = tpu.vector_load %arg6[%get3A_104, %get3A_105] {strides = array<i32>} : memref<320x128xbf16, #tpu.memory_space<vmem>>, vector<1x32xbf16>,
        %get3A_107 = vector.shape_cast %get3A_106 : vector<1x32xbf16> to vector<32xbf16>
        %max3A_108 = arith.maximumf %max3A_101, %get3A_107 : vector<32xbf16>
        %add3A_109 = arith.constant 5 : i32
        %add3A_110 = arith.addi %mul3A_78, %add3A_109 : i32
        %get3A_111 = arith.index_cast %add3A_110 : i32 to index
        %get3A_112 = arith.constant 0 : index
        %get3A_113 = tpu.vector_load %arg6[%get3A_111, %get3A_112] {strides = array<i32>} : memref<320x128xbf16, #tpu.memory_space<vmem>>, vector<1x32xbf16>,
        %get3A_114 = vector.shape_cast %get3A_113 : vector<1x32xbf16> to vector<32xbf16>
        %max3A_115 = arith.maximumf %max3A_108, %get3A_114 : vector<32xbf16>
        %add3A_116 = arith.constant 6 : i32
        %add3A_117 = arith.addi %mul3A_78, %add3A_116 : i32
        %get3A_118 = arith.index_cast %add3A_117 : i32 to index
        %get3A_119 = arith.constant 0 : index
        %get3A_120 = tpu.vector_load %arg6[%get3A_118, %get3A_119] {strides = array<i32>} : memref<320x128xbf16, #tpu.memory_space<vmem>>, vector<1x32xbf16>,
        %get3A_121 = vector.shape_cast %get3A_120 : vector<1x32xbf16> to vector<32xbf16>
        %max3A_122 = arith.maximumf %max3A_115, %get3A_121 : vector<32xbf16>
        %add3A_123 = arith.constant 7 : i32
        %add3A_124 = arith.addi %mul3A_78, %add3A_123 : i32
        %get3A_125 = arith.index_cast %add3A_124 : i32 to index
        %get3A_126 = arith.constant 0 : index
        %get3A_127 = tpu.vector_load %arg6[%get3A_125, %get3A_126] {strides = array<i32>} : memref<320x128xbf16, #tpu.memory_space<vmem>>, vector<1x32xbf16>,
        %get3A_128 = vector.shape_cast %get3A_127 : vector<1x32xbf16> to vector<32xbf16>
        %max3A_129 = arith.maximumf %max3A_122, %get3A_128 : vector<32xbf16>
        %add3A_130 = arith.constant 8 : i32
        %add3A_131 = arith.addi %mul3A_78, %add3A_130 : i32
        %get3A_132 = arith.index_cast %add3A_131 : i32 to index
        %get3A_133 = arith.constant 0 : index
        %get3A_134 = tpu.vector_load %arg6[%get3A_132, %get3A_133] {strides = array<i32>} : memref<320x128xbf16, #tpu.memory_space<vmem>>, vector<1x32xbf16>,
        %get3A_135 = vector.shape_cast %get3A_134 : vector<1x32xbf16> to vector<32xbf16>
        %max3A_136 = arith.maximumf %max3A_129, %get3A_135 : vector<32xbf16>
        %add3A_137 = arith.constant 9 : i32
        %add3A_138 = arith.addi %mul3A_78, %add3A_137 : i32
        %get3A_139 = arith.index_cast %add3A_138 : i32 to index
        %get3A_140 = arith.constant 0 : index
        %get3A_141 = tpu.vector_load %arg6[%get3A_139, %get3A_140] {strides = array<i32>} : memref<320x128xbf16, #tpu.memory_space<vmem>>, vector<1x32xbf16>,
        %get3A_142 = vector.shape_cast %get3A_141 : vector<1x32xbf16> to vector<32xbf16>
        %max3A_143 = arith.maximumf %max3A_136, %get3A_142 : vector<32xbf16>
        %swap3A = arith.index_cast %scan3A_76 : i32 to index
        %swap3A_144 = arith.constant 0 : index
        %swap3A_145 = tpu.vector_load %arg8[%swap3A, %swap3A_144] {strides = array<i32>} : memref<32x128xbf16, #tpu.memory_space<vmem>>, vector<1x32xbf16>,
        %swap3A_146 = vector.shape_cast %swap3A_145 : vector<1x32xbf16> to vector<32xbf16>
        %swap3A_147 = vector.shape_cast %max3A_143 : vector<32xbf16> to vector<1x32xbf16>
        tpu.vector_store %arg8[%swap3A, %swap3A_144], %swap3A_147 {strides = array<i32>} : memref<32x128xbf16, #tpu.memory_space<vmem>>, vector<1x32xbf16>,
        %get3A_148 = arith.index_cast %mul3A_78 : i32 to index
        %get3A_149 = arith.constant 32 : index
        %get3A_150 = tpu.vector_load %arg6[%get3A_148, %get3A_149] {strides = array<i32>} : memref<320x128xbf16, #tpu.memory_space<vmem>>, vector<1x32xbf16>,
        %get3A_151 = vector.shape_cast %get3A_150 : vector<1x32xbf16> to vector<32xbf16>
        %add3A_152 = arith.constant 1 : i32
        %add3A_153 = arith.addi %mul3A_78, %add3A_152 : i32
        %get3A_154 = arith.index_cast %add3A_153 : i32 to index
        %get3A_155 = arith.constant 32 : index
        %get3A_156 = tpu.vector_load %arg6[%get3A_154, %get3A_155] {strides = array<i32>} : memref<320x128xbf16, #tpu.memory_space<vmem>>, vector<1x32xbf16>,
        %get3A_157 = vector.shape_cast %get3A_156 : vector<1x32xbf16> to vector<32xbf16>
        %max3A_158 = arith.maximumf %get3A_151, %get3A_157 : vector<32xbf16>
        %add3A_159 = arith.constant 2 : i32
        %add3A_160 = arith.addi %mul3A_78, %add3A_159 : i32
        %get3A_161 = arith.index_cast %add3A_160 : i32 to index
        %get3A_162 = arith.constant 32 : index
        %get3A_163 = tpu.vector_load %arg6[%get3A_161, %get3A_162] {strides = array<i32>} : memref<320x128xbf16, #tpu.memory_space<vmem>>, vector<1x32xbf16>,
        %get3A_164 = vector.shape_cast %get3A_163 : vector<1x32xbf16> to vector<32xbf16>
        %max3A_165 = arith.maximumf %max3A_158, %get3A_164 : vector<32xbf16>
        %add3A_166 = arith.constant 3 : i32
        %add3A_167 = arith.addi %mul3A_78, %add3A_166 : i32
        %get3A_168 = arith.index_cast %add3A_167 : i32 to index
        %get3A_169 = arith.constant 32 : index
        %get3A_170 = tpu.vector_load %arg6[%get3A_168, %get3A_169] {strides = array<i32>} : memref<320x128xbf16, #tpu.memory_space<vmem>>, vector<1x32xbf16>,
        %get3A_171 = vector.shape_cast %get3A_170 : vector<1x32xbf16> to vector<32xbf16>
        %max3A_172 = arith.maximumf %max3A_165, %get3A_171 : vector<32xbf16>
        %add3A_173 = arith.constant 4 : i32
        %add3A_174 = arith.addi %mul3A_78, %add3A_173 : i32
        %get3A_175 = arith.index_cast %add3A_174 : i32 to index
        %get3A_176 = arith.constant 32 : index
        %get3A_177 = tpu.vector_load %arg6[%get3A_175, %get3A_176] {strides = array<i32>} : memref<320x128xbf16, #tpu.memory_space<vmem>>, vector<1x32xbf16>,
        %get3A_178 = vector.shape_cast %get3A_177 : vector<1x32xbf16> to vector<32xbf16>
        %max3A_179 = arith.maximumf %max3A_172, %get3A_178 : vector<32xbf16>
        %add3A_180 = arith.constant 5 : i32
        %add3A_181 = arith.addi %mul3A_78, %add3A_180 : i32
        %get3A_182 = arith.index_cast %add3A_181 : i32 to index
        %get3A_183 = arith.constant 32 : index
        %get3A_184 = tpu.vector_load %arg6[%get3A_182, %get3A_183] {strides = array<i32>} : memref<320x128xbf16, #tpu.memory_space<vmem>>, vector<1x32xbf16>,
        %get3A_185 = vector.shape_cast %get3A_184 : vector<1x32xbf16> to vector<32xbf16>
        %max3A_186 = arith.maximumf %max3A_179, %get3A_185 : vector<32xbf16>
        %add3A_187 = arith.constant 6 : i32
        %add3A_188 = arith.addi %mul3A_78, %add3A_187 : i32
        %get3A_189 = arith.index_cast %add3A_188 : i32 to index
        %get3A_190 = arith.constant 32 : index
        %get3A_191 = tpu.vector_load %arg6[%get3A_189, %get3A_190] {strides = array<i32>} : memref<320x128xbf16, #tpu.memory_space<vmem>>, vector<1x32xbf16>,
        %get3A_192 = vector.shape_cast %get3A_191 : vector<1x32xbf16> to vector<32xbf16>
        %max3A_193 = arith.maximumf %max3A_186, %get3A_192 : vector<32xbf16>
        %add3A_194 = arith.constant 7 : i32
        %add3A_195 = arith.addi %mul3A_78, %add3A_194 : i32
        %get3A_196 = arith.index_cast %add3A_195 : i32 to index
        %get3A_197 = arith.constant 32 : index
        %get3A_198 = tpu.vector_load %arg6[%get3A_196, %get3A_197] {strides = array<i32>} : memref<320x128xbf16, #tpu.memory_space<vmem>>, vector<1x32xbf16>,
        %get3A_199 = vector.shape_cast %get3A_198 : vector<1x32xbf16> to vector<32xbf16>
        %max3A_200 = arith.maximumf %max3A_193, %get3A_199 : vector<32xbf16>
        %add3A_201 = arith.constant 8 : i32
        %add3A_202 = arith.addi %mul3A_78, %add3A_201 : i32
        %get3A_203 = arith.index_cast %add3A_202 : i32 to index
        %get3A_204 = arith.constant 32 : index
        %get3A_205 = tpu.vector_load %arg6[%get3A_203, %get3A_204] {strides = array<i32>} : memref<320x128xbf16, #tpu.memory_space<vmem>>, vector<1x32xbf16>,
        %get3A_206 = vector.shape_cast %get3A_205 : vector<1x32xbf16> to vector<32xbf16>
        %max3A_207 = arith.maximumf %max3A_200, %get3A_206 : vector<32xbf16>
        %add3A_208 = arith.constant 9 : i32
        %add3A_209 = arith.addi %mul3A_78, %add3A_208 : i32
        %get3A_210 = arith.index_cast %add3A_209 : i32 to index
        %get3A_211 = arith.constant 32 : index
        %get3A_212 = tpu.vector_load %arg6[%get3A_210, %get3A_211] {strides = array<i32>} : memref<320x128xbf16, #tpu.memory_space<vmem>>, vector<1x32xbf16>,
        %get3A_213 = vector.shape_cast %get3A_212 : vector<1x32xbf16> to vector<32xbf16>
        %max3A_214 = arith.maximumf %max3A_207, %get3A_213 : vector<32xbf16>
        %swap3A_215 = arith.index_cast %scan3A_76 : i32 to index
        %swap3A_216 = arith.constant 32 : index
        %swap3A_217 = tpu.vector_load %arg8[%swap3A_215, %swap3A_216] {strides = array<i32>} : memref<32x128xbf16, #tpu.memory_space<vmem>>, vector<1x32xbf16>,
        %swap3A_218 = vector.shape_cast %swap3A_217 : vector<1x32xbf16> to vector<32xbf16>
        %swap3A_219 = vector.shape_cast %max3A_214 : vector<32xbf16> to vector<1x32xbf16>
        tpu.vector_store %arg8[%swap3A_215, %swap3A_216], %swap3A_219 {strides = array<i32>} : memref<32x128xbf16, #tpu.memory_space<vmem>>, vector<1x32xbf16>,
        %get3A_220 = arith.index_cast %mul3A_78 : i32 to index
        %get3A_221 = arith.constant 64 : index
        %get3A_222 = tpu.vector_load %arg6[%get3A_220, %get3A_221] {strides = array<i32>} : memref<320x128xbf16, #tpu.memory_space<vmem>>, vector<1x32xbf16>,
        %get3A_223 = vector.shape_cast %get3A_222 : vector<1x32xbf16> to vector<32xbf16>
        %add3A_224 = arith.constant 1 : i32
        %add3A_225 = arith.addi %mul3A_78, %add3A_224 : i32
        %get3A_226 = arith.index_cast %add3A_225 : i32 to index
        %get3A_227 = arith.constant 64 : index
        %get3A_228 = tpu.vector_load %arg6[%get3A_226, %get3A_227] {strides = array<i32>} : memref<320x128xbf16, #tpu.memory_space<vmem>>, vector<1x32xbf16>,
        %get3A_229 = vector.shape_cast %get3A_228 : vector<1x32xbf16> to vector<32xbf16>
        %max3A_230 = arith.maximumf %get3A_223, %get3A_229 : vector<32xbf16>
        %add3A_231 = arith.constant 2 : i32
        %add3A_232 = arith.addi %mul3A_78, %add3A_231 : i32
        %get3A_233 = arith.index_cast %add3A_232 : i32 to index
        %get3A_234 = arith.constant 64 : index
        %get3A_235 = tpu.vector_load %arg6[%get3A_233, %get3A_234] {strides = array<i32>} : memref<320x128xbf16, #tpu.memory_space<vmem>>, vector<1x32xbf16>,
        %get3A_236 = vector.shape_cast %get3A_235 : vector<1x32xbf16> to vector<32xbf16>
        %max3A_237 = arith.maximumf %max3A_230, %get3A_236 : vector<32xbf16>
        %add3A_238 = arith.constant 3 : i32
        %add3A_239 = arith.addi %mul3A_78, %add3A_238 : i32
        %get3A_240 = arith.index_cast %add3A_239 : i32 to index
        %get3A_241 = arith.constant 64 : index
        %get3A_242 = tpu.vector_load %arg6[%get3A_240, %get3A_241] {strides = array<i32>} : memref<320x128xbf16, #tpu.memory_space<vmem>>, vector<1x32xbf16>,
        %get3A_243 = vector.shape_cast %get3A_242 : vector<1x32xbf16> to vector<32xbf16>
        %max3A_244 = arith.maximumf %max3A_237, %get3A_243 : vector<32xbf16>
        %add3A_245 = arith.constant 4 : i32
        %add3A_246 = arith.addi %mul3A_78, %add3A_245 : i32
        %get3A_247 = arith.index_cast %add3A_246 : i32 to index
        %get3A_248 = arith.constant 64 : index
        %get3A_249 = tpu.vector_load %arg6[%get3A_247, %get3A_248] {strides = array<i32>} : memref<320x128xbf16, #tpu.memory_space<vmem>>, vector<1x32xbf16>,
        %get3A_250 = vector.shape_cast %get3A_249 : vector<1x32xbf16> to vector<32xbf16>
        %max3A_251 = arith.maximumf %max3A_244, %get3A_250 : vector<32xbf16>
        %add3A_252 = arith.constant 5 : i32
        %add3A_253 = arith.addi %mul3A_78, %add3A_252 : i32
        %get3A_254 = arith.index_cast %add3A_253 : i32 to index
        %get3A_255 = arith.constant 64 : index
        %get3A_256 = tpu.vector_load %arg6[%get3A_254, %get3A_255] {strides = array<i32>} : memref<320x128xbf16, #tpu.memory_space<vmem>>, vector<1x32xbf16>,
        %get3A_257 = vector.shape_cast %get3A_256 : vector<1x32xbf16> to vector<32xbf16>
        %max3A_258 = arith.maximumf %max3A_251, %get3A_257 : vector<32xbf16>
        %add3A_259 = arith.constant 6 : i32
        %add3A_260 = arith.addi %mul3A_78, %add3A_259 : i32
        %get3A_261 = arith.index_cast %add3A_260 : i32 to index
        %get3A_262 = arith.constant 64 : index
        %get3A_263 = tpu.vector_load %arg6[%get3A_261, %get3A_262] {strides = array<i32>} : memref<320x128xbf16, #tpu.memory_space<vmem>>, vector<1x32xbf16>,
        %get3A_264 = vector.shape_cast %get3A_263 : vector<1x32xbf16> to vector<32xbf16>
        %max3A_265 = arith.maximumf %max3A_258, %get3A_264 : vector<32xbf16>
        %add3A_266 = arith.constant 7 : i32
        %add3A_267 = arith.addi %mul3A_78, %add3A_266 : i32
        %get3A_268 = arith.index_cast %add3A_267 : i32 to index
        %get3A_269 = arith.constant 64 : index
        %get3A_270 = tpu.vector_load %arg6[%get3A_268, %get3A_269] {strides = array<i32>} : memref<320x128xbf16, #tpu.memory_space<vmem>>, vector<1x32xbf16>,
        %get3A_271 = vector.shape_cast %get3A_270 : vector<1x32xbf16> to vector<32xbf16>
        %max3A_272 = arith.maximumf %max3A_265, %get3A_271 : vector<32xbf16>
        %add3A_273 = arith.constant 8 : i32
        %add3A_274 = arith.addi %mul3A_78, %add3A_273 : i32
        %get3A_275 = arith.index_cast %add3A_274 : i32 to index
        %get3A_276 = arith.constant 64 : index
        %get3A_277 = tpu.vector_load %arg6[%get3A_275, %get3A_276] {strides = array<i32>} : memref<320x128xbf16, #tpu.memory_space<vmem>>, vector<1x32xbf16>,
        %get3A_278 = vector.shape_cast %get3A_277 : vector<1x32xbf16> to vector<32xbf16>
        %max3A_279 = arith.maximumf %max3A_272, %get3A_278 : vector<32xbf16>
        %add3A_280 = arith.constant 9 : i32
        %add3A_281 = arith.addi %mul3A_78, %add3A_280 : i32
        %get3A_282 = arith.index_cast %add3A_281 : i32 to index
        %get3A_283 = arith.constant 64 : index
        %get3A_284 = tpu.vector_load %arg6[%get3A_282, %get3A_283] {strides = array<i32>} : memref<320x128xbf16, #tpu.memory_space<vmem>>, vector<1x32xbf16>,
        %get3A_285 = vector.shape_cast %get3A_284 : vector<1x32xbf16> to vector<32xbf16>
        %max3A_286 = arith.maximumf %max3A_279, %get3A_285 : vector<32xbf16>
        %swap3A_287 = arith.index_cast %scan3A_76 : i32 to index
        %swap3A_288 = arith.constant 64 : index
        %swap3A_289 = tpu.vector_load %arg8[%swap3A_287, %swap3A_288] {strides = array<i32>} : memref<32x128xbf16, #tpu.memory_space<vmem>>, vector<1x32xbf16>,
        %swap3A_290 = vector.shape_cast %swap3A_289 : vector<1x32xbf16> to vector<32xbf16>
        %swap3A_291 = vector.shape_cast %max3A_286 : vector<32xbf16> to vector<1x32xbf16>
        tpu.vector_store %arg8[%swap3A_287, %swap3A_288], %swap3A_291 {strides = array<i32>} : memref<32x128xbf16, #tpu.memory_space<vmem>>, vector<1x32xbf16>,
        %get3A_292 = arith.index_cast %mul3A_78 : i32 to index
        %get3A_293 = arith.constant 96 : index
        %get3A_294 = tpu.vector_load %arg6[%get3A_292, %get3A_293] {strides = array<i32>} : memref<320x128xbf16, #tpu.memory_space<vmem>>, vector<1x32xbf16>,
        %get3A_295 = vector.shape_cast %get3A_294 : vector<1x32xbf16> to vector<32xbf16>
        %add3A_296 = arith.constant 1 : i32
        %add3A_297 = arith.addi %mul3A_78, %add3A_296 : i32
        %get3A_298 = arith.index_cast %add3A_297 : i32 to index
        %get3A_299 = arith.constant 96 : index
        %get3A_300 = tpu.vector_load %arg6[%get3A_298, %get3A_299] {strides = array<i32>} : memref<320x128xbf16, #tpu.memory_space<vmem>>, vector<1x32xbf16>,
        %get3A_301 = vector.shape_cast %get3A_300 : vector<1x32xbf16> to vector<32xbf16>
        %max3A_302 = arith.maximumf %get3A_295, %get3A_301 : vector<32xbf16>
        %add3A_303 = arith.constant 2 : i32
        %add3A_304 = arith.addi %mul3A_78, %add3A_303 : i32
        %get3A_305 = arith.index_cast %add3A_304 : i32 to index
        %get3A_306 = arith.constant 96 : index
        %get3A_307 = tpu.vector_load %arg6[%get3A_305, %get3A_306] {strides = array<i32>} : memref<320x128xbf16, #tpu.memory_space<vmem>>, vector<1x32xbf16>,
        %get3A_308 = vector.shape_cast %get3A_307 : vector<1x32xbf16> to vector<32xbf16>
        %max3A_309 = arith.maximumf %max3A_302, %get3A_308 : vector<32xbf16>
        %add3A_310 = arith.constant 3 : i32
        %add3A_311 = arith.addi %mul3A_78, %add3A_310 : i32
        %get3A_312 = arith.index_cast %add3A_311 : i32 to index
        %get3A_313 = arith.constant 96 : index
        %get3A_314 = tpu.vector_load %arg6[%get3A_312, %get3A_313] {strides = array<i32>} : memref<320x128xbf16, #tpu.memory_space<vmem>>, vector<1x32xbf16>,
        %get3A_315 = vector.shape_cast %get3A_314 : vector<1x32xbf16> to vector<32xbf16>
        %max3A_316 = arith.maximumf %max3A_309, %get3A_315 : vector<32xbf16>
        %add3A_317 = arith.constant 4 : i32
        %add3A_318 = arith.addi %mul3A_78, %add3A_317 : i32
        %get3A_319 = arith.index_cast %add3A_318 : i32 to index
        %get3A_320 = arith.constant 96 : index
        %get3A_321 = tpu.vector_load %arg6[%get3A_319, %get3A_320] {strides = array<i32>} : memref<320x128xbf16, #tpu.memory_space<vmem>>, vector<1x32xbf16>,
        %get3A_322 = vector.shape_cast %get3A_321 : vector<1x32xbf16> to vector<32xbf16>
        %max3A_323 = arith.maximumf %max3A_316, %get3A_322 : vector<32xbf16>
        %add3A_324 = arith.constant 5 : i32
        %add3A_325 = arith.addi %mul3A_78, %add3A_324 : i32
        %get3A_326 = arith.index_cast %add3A_325 : i32 to index
        %get3A_327 = arith.constant 96 : index
        %get3A_328 = tpu.vector_load %arg6[%get3A_326, %get3A_327] {strides = array<i32>} : memref<320x128xbf16, #tpu.memory_space<vmem>>, vector<1x32xbf16>,
        %get3A_329 = vector.shape_cast %get3A_328 : vector<1x32xbf16> to vector<32xbf16>
        %max3A_330 = arith.maximumf %max3A_323, %get3A_329 : vector<32xbf16>
        %add3A_331 = arith.constant 6 : i32
        %add3A_332 = arith.addi %mul3A_78, %add3A_331 : i32
        %get3A_333 = arith.index_cast %add3A_332 : i32 to index
        %get3A_334 = arith.constant 96 : index
        %get3A_335 = tpu.vector_load %arg6[%get3A_333, %get3A_334] {strides = array<i32>} : memref<320x128xbf16, #tpu.memory_space<vmem>>, vector<1x32xbf16>,
        %get3A_336 = vector.shape_cast %get3A_335 : vector<1x32xbf16> to vector<32xbf16>
        %max3A_337 = arith.maximumf %max3A_330, %get3A_336 : vector<32xbf16>
        %add3A_338 = arith.constant 7 : i32
        %add3A_339 = arith.addi %mul3A_78, %add3A_338 : i32
        %get3A_340 = arith.index_cast %add3A_339 : i32 to index
        %get3A_341 = arith.constant 96 : index
        %get3A_342 = tpu.vector_load %arg6[%get3A_340, %get3A_341] {strides = array<i32>} : memref<320x128xbf16, #tpu.memory_space<vmem>>, vector<1x32xbf16>,
        %get3A_343 = vector.shape_cast %get3A_342 : vector<1x32xbf16> to vector<32xbf16>
        %max3A_344 = arith.maximumf %max3A_337, %get3A_343 : vector<32xbf16>
        %add3A_345 = arith.constant 8 : i32
        %add3A_346 = arith.addi %mul3A_78, %add3A_345 : i32
        %get3A_347 = arith.index_cast %add3A_346 : i32 to index
        %get3A_348 = arith.constant 96 : index
        %get3A_349 = tpu.vector_load %arg6[%get3A_347, %get3A_348] {strides = array<i32>} : memref<320x128xbf16, #tpu.memory_space<vmem>>, vector<1x32xbf16>,
        %get3A_350 = vector.shape_cast %get3A_349 : vector<1x32xbf16> to vector<32xbf16>
        %max3A_351 = arith.maximumf %max3A_344, %get3A_350 : vector<32xbf16>
        %add3A_352 = arith.constant 9 : i32
        %add3A_353 = arith.addi %mul3A_78, %add3A_352 : i32
        %get3A_354 = arith.index_cast %add3A_353 : i32 to index
        %get3A_355 = arith.constant 96 : index
        %get3A_356 = tpu.vector_load %arg6[%get3A_354, %get3A_355] {strides = array<i32>} : memref<320x128xbf16, #tpu.memory_space<vmem>>, vector<1x32xbf16>,
        %get3A_357 = vector.shape_cast %get3A_356 : vector<1x32xbf16> to vector<32xbf16>
        %max3A_358 = arith.maximumf %max3A_351, %get3A_357 : vector<32xbf16>
        %swap3A_359 = arith.index_cast %scan3A_76 : i32 to index
        %swap3A_360 = arith.constant 96 : index
        %swap3A_361 = tpu.vector_load %arg8[%swap3A_359, %swap3A_360] {strides = array<i32>} : memref<32x128xbf16, #tpu.memory_space<vmem>>, vector<1x32xbf16>,
        %swap3A_362 = vector.shape_cast %swap3A_361 : vector<1x32xbf16> to vector<32xbf16>
        %swap3A_363 = vector.shape_cast %max3A_358 : vector<32xbf16> to vector<1x32xbf16>
        tpu.vector_store %arg8[%swap3A_359, %swap3A_360], %swap3A_363 {strides = array<i32>} : memref<32x128xbf16, #tpu.memory_space<vmem>>, vector<1x32xbf16>,
      }
      %scan3A_46 = arith.constant 32 : i32
      %mul3A_47 = arith.constant 32 : i32
      %mul3A_48 = arith.muli %mul3A_30, %mul3A_47 : i32
      %add3A_49 = arith.addi %mul3A_2, %mul3A_48 : i32
      "tpu.region"() ({
        %run_scoped3A = tpu.sem_alloc : memref<!tpu.dma_semaphore, #tpu.memory_space<semaphore_mem>>
        %dma_start3A_76 = arith.constant 0 : i32
        %dma_start3A_77 = tpu.memref_slice %arg4[%add3A_49, %dma_start3A_76] : memref<50176x128xbf16, #tpu.memory_space<hbm>> -> memref<32x128xbf16, #tpu.memory_space<hbm>>
        %dma_start3A_78 = arith.constant 0 : i32
        %dma_start3A_79 = tpu.memref_slice %arg4[%add3A_49, %dma_start3A_78] : memref<50176x128xbf16, #tpu.memory_space<hbm>> -> memref<32x128xbf16, #tpu.memory_space<hbm>>
        tpu.enqueue_dma source(%arg8 : memref<32x128xbf16, #tpu.memory_space<vmem>>) target(%dma_start3A_79 : memref<32x128xbf16, #tpu.memory_space<hbm>>) target_semaphore(%run_scoped3A : memref<!tpu.dma_semaphore, #tpu.memory_space<semaphore_mem>>)
        %dma_wait3A_80 = arith.constant 0 : i32
        %dma_wait3A_81 = tpu.memref_slice %arg4[%add3A_49, %dma_wait3A_80] : memref<50176x128xbf16, #tpu.memory_space<hbm>> -> memref<32x128xbf16, #tpu.memory_space<hbm>>
        %dma_wait3A_82 = arith.constant 0 : i32
        %dma_wait3A_83 = tpu.memref_slice %arg4[%add3A_49, %dma_wait3A_82] : memref<50176x128xbf16, #tpu.memory_space<hbm>> -> memref<32x128xbf16, #tpu.memory_space<hbm>>
        tpu.wait_dma2 semaphore(%run_scoped3A : memref<!tpu.dma_semaphore, #tpu.memory_space<semaphore_mem>>) src(%arg8 : memref<32x128xbf16, #tpu.memory_space<vmem>>) dst(%dma_wait3A_83 : memref<32x128xbf16, #tpu.memory_space<hbm>>)
        tpu.yield
      }) : () -> ()
      %mul3A_50 = arith.constant 2 : i32
      %mul3A_51 = arith.muli %mul3A_50, %scan3A_28 : i32
      %add3A_52 = arith.constant 1 : i32
      %add3A_53 = arith.addi %mul3A_51, %add3A_52 : i32
      %add3A_54 = arith.constant 1 : i32
      %add3A_55 = arith.addi %add3A_53, %add3A_54 : i32
      %lt3A_56 = arith.constant 49 : i32
      %lt3A_57 = arith.cmpi slt, %add3A_55, %lt3A_56 : i32
      %convert_element_type3A_58 = arith.extui %lt3A_57 : i1 to i32
      %cond3A_59 = arith.constant 0 : i32
      %cond3A_60 = arith.cmpi ne, %convert_element_type3A_58, %cond3A_59 : i32
      scf.if %cond3A_60 {
        %add3A_76 = arith.constant 1 : i32
        %add3A_77 = arith.addi %add3A_53, %add3A_76 : i32
        %dma_start3A_78 = arith.constant 0 : i32
        %dma_start3A_79 = tpu.memref_slice %arg5[%add3A_77, %dma_start3A_78] : memref<49x320xi32, #tpu.memory_space<vmem>> -> memref<1x320xi32, #tpu.memory_space<vmem>>
        %dma_start3A_80 = tpu.memref_squeeze %dma_start3A_79 : memref<1x320xi32, #tpu.memory_space<vmem>> -> memref<320xi32, #tpu.memory_space<vmem>>
        %dma_start3A_81 = arith.constant 0 : i32
        %dma_start3A_82 = arith.constant 0 : i32
        %dma_start3A_83 = tpu.memref_slice %arg2[%dma_start3A_81, %dma_start3A_82] : memref<50000x128xbf16, #tpu.memory_space<hbm>> -> memref<50000x128xbf16, #tpu.memory_space<hbm>>
        tpu.enqueue_indirect_dma source(%dma_start3A_83 : memref<50000x128xbf16, #tpu.memory_space<hbm>>) target(%arg6 : memref<320x128xbf16, #tpu.memory_space<vmem>>) offsets(%dma_start3A_80 : memref<320xi32, #tpu.memory_space<vmem>>) semaphore(%arg9 : memref<!tpu.dma_semaphore, #tpu.memory_space<semaphore_mem>>)
      } else {
      }
      %dma_wait3A_61 = arith.constant 0 : i32
      %dma_wait3A_62 = tpu.memref_slice %arg5[%add3A_53, %dma_wait3A_61] : memref<49x320xi32, #tpu.memory_space<vmem>> -> memref<1x320xi32, #tpu.memory_space<vmem>>
      %dma_wait3A_63 = tpu.memref_squeeze %dma_wait3A_62 : memref<1x320xi32, #tpu.memory_space<vmem>> -> memref<320xi32, #tpu.memory_space<vmem>>
      %dma_wait3A_64 = arith.constant 0 : i32
      %dma_wait3A_65 = arith.constant 0 : i32
      %dma_wait3A_66 = tpu.memref_slice %arg2[%dma_wait3A_64, %dma_wait3A_65] : memref<50000x128xbf16, #tpu.memory_space<hbm>> -> memref<50000x128xbf16, #tpu.memory_space<hbm>>
      tpu.wait_indirect_dma semaphore(%arg10 : memref<!tpu.dma_semaphore, #tpu.memory_space<semaphore_mem>>) src(%dma_wait3A_66 : memref<50000x128xbf16, #tpu.memory_space<hbm>>) dst(%arg7 : memref<320x128xbf16, #tpu.memory_space<vmem>>)
      %scan3A_67 = arith.constant 0 : i32
      %scan3A_68 = arith.constant 0 : i32
      %scan3A_69 = arith.constant 32 : i32
      %scan3A_70 = arith.addi %scan3A_68, %scan3A_69 : i32
      %scan3A_71 = arith.constant 1 : i32
      scf.for %scan3A_76 = %scan3A_68 to %scan3A_70 step %scan3A_71  : i32 {
        %mul3A_77 = arith.constant 10 : i32
        %mul3A_78 = arith.muli %scan3A_76, %mul3A_77 : i32
        %get3A = arith.index_cast %mul3A_78 : i32 to index
        %get3A_79 = arith.constant 0 : index
        %get3A_80 = tpu.vector_load %arg7[%get3A, %get3A_79] {strides = array<i32>} : memref<320x128xbf16, #tpu.memory_space<vmem>>, vector<1x32xbf16>,
        %get3A_81 = vector.shape_cast %get3A_80 : vector<1x32xbf16> to vector<32xbf16>
        %add3A_82 = arith.constant 1 : i32
        %add3A_83 = arith.addi %mul3A_78, %add3A_82 : i32
        %get3A_84 = arith.index_cast %add3A_83 : i32 to index
        %get3A_85 = arith.constant 0 : index
        %get3A_86 = tpu.vector_load %arg7[%get3A_84, %get3A_85] {strides = array<i32>} : memref<320x128xbf16, #tpu.memory_space<vmem>>, vector<1x32xbf16>,
        %get3A_87 = vector.shape_cast %get3A_86 : vector<1x32xbf16> to vector<32xbf16>
        %max3A = arith.maximumf %get3A_81, %get3A_87 : vector<32xbf16>
        %add3A_88 = arith.constant 2 : i32
        %add3A_89 = arith.addi %mul3A_78, %add3A_88 : i32
        %get3A_90 = arith.index_cast %add3A_89 : i32 to index
        %get3A_91 = arith.constant 0 : index
        %get3A_92 = tpu.vector_load %arg7[%get3A_90, %get3A_91] {strides = array<i32>} : memref<320x128xbf16, #tpu.memory_space<vmem>>, vector<1x32xbf16>,
        %get3A_93 = vector.shape_cast %get3A_92 : vector<1x32xbf16> to vector<32xbf16>
        %max3A_94 = arith.maximumf %max3A, %get3A_93 : vector<32xbf16>
        %add3A_95 = arith.constant 3 : i32
        %add3A_96 = arith.addi %mul3A_78, %add3A_95 : i32
        %get3A_97 = arith.index_cast %add3A_96 : i32 to index
        %get3A_98 = arith.constant 0 : index
        %get3A_99 = tpu.vector_load %arg7[%get3A_97, %get3A_98] {strides = array<i32>} : memref<320x128xbf16, #tpu.memory_space<vmem>>, vector<1x32xbf16>,
        %get3A_100 = vector.shape_cast %get3A_99 : vector<1x32xbf16> to vector<32xbf16>
        %max3A_101 = arith.maximumf %max3A_94, %get3A_100 : vector<32xbf16>
        %add3A_102 = arith.constant 4 : i32
        %add3A_103 = arith.addi %mul3A_78, %add3A_102 : i32
        %get3A_104 = arith.index_cast %add3A_103 : i32 to index
        %get3A_105 = arith.constant 0 : index
        %get3A_106 = tpu.vector_load %arg7[%get3A_104, %get3A_105] {strides = array<i32>} : memref<320x128xbf16, #tpu.memory_space<vmem>>, vector<1x32xbf16>,
        %get3A_107 = vector.shape_cast %get3A_106 : vector<1x32xbf16> to vector<32xbf16>
        %max3A_108 = arith.maximumf %max3A_101, %get3A_107 : vector<32xbf16>
        %add3A_109 = arith.constant 5 : i32
        %add3A_110 = arith.addi %mul3A_78, %add3A_109 : i32
        %get3A_111 = arith.index_cast %add3A_110 : i32 to index
        %get3A_112 = arith.constant 0 : index
        %get3A_113 = tpu.vector_load %arg7[%get3A_111, %get3A_112] {strides = array<i32>} : memref<320x128xbf16, #tpu.memory_space<vmem>>, vector<1x32xbf16>,
        %get3A_114 = vector.shape_cast %get3A_113 : vector<1x32xbf16> to vector<32xbf16>
        %max3A_115 = arith.maximumf %max3A_108, %get3A_114 : vector<32xbf16>
        %add3A_116 = arith.constant 6 : i32
        %add3A_117 = arith.addi %mul3A_78, %add3A_116 : i32
        %get3A_118 = arith.index_cast %add3A_117 : i32 to index
        %get3A_119 = arith.constant 0 : index
        %get3A_120 = tpu.vector_load %arg7[%get3A_118, %get3A_119] {strides = array<i32>} : memref<320x128xbf16, #tpu.memory_space<vmem>>, vector<1x32xbf16>,
        %get3A_121 = vector.shape_cast %get3A_120 : vector<1x32xbf16> to vector<32xbf16>
        %max3A_122 = arith.maximumf %max3A_115, %get3A_121 : vector<32xbf16>
        %add3A_123 = arith.constant 7 : i32
        %add3A_124 = arith.addi %mul3A_78, %add3A_123 : i32
        %get3A_125 = arith.index_cast %add3A_124 : i32 to index
        %get3A_126 = arith.constant 0 : index
        %get3A_127 = tpu.vector_load %arg7[%get3A_125, %get3A_126] {strides = array<i32>} : memref<320x128xbf16, #tpu.memory_space<vmem>>, vector<1x32xbf16>,
        %get3A_128 = vector.shape_cast %get3A_127 : vector<1x32xbf16> to vector<32xbf16>
        %max3A_129 = arith.maximumf %max3A_122, %get3A_128 : vector<32xbf16>
        %add3A_130 = arith.constant 8 : i32
        %add3A_131 = arith.addi %mul3A_78, %add3A_130 : i32
        %get3A_132 = arith.index_cast %add3A_131 : i32 to index
        %get3A_133 = arith.constant 0 : index
        %get3A_134 = tpu.vector_load %arg7[%get3A_132, %get3A_133] {strides = array<i32>} : memref<320x128xbf16, #tpu.memory_space<vmem>>, vector<1x32xbf16>,
        %get3A_135 = vector.shape_cast %get3A_134 : vector<1x32xbf16> to vector<32xbf16>
        %max3A_136 = arith.maximumf %max3A_129, %get3A_135 : vector<32xbf16>
        %add3A_137 = arith.constant 9 : i32
        %add3A_138 = arith.addi %mul3A_78, %add3A_137 : i32
        %get3A_139 = arith.index_cast %add3A_138 : i32 to index
        %get3A_140 = arith.constant 0 : index
        %get3A_141 = tpu.vector_load %arg7[%get3A_139, %get3A_140] {strides = array<i32>} : memref<320x128xbf16, #tpu.memory_space<vmem>>, vector<1x32xbf16>,
        %get3A_142 = vector.shape_cast %get3A_141 : vector<1x32xbf16> to vector<32xbf16>
        %max3A_143 = arith.maximumf %max3A_136, %get3A_142 : vector<32xbf16>
        %swap3A = arith.index_cast %scan3A_76 : i32 to index
        %swap3A_144 = arith.constant 0 : index
        %swap3A_145 = tpu.vector_load %arg8[%swap3A, %swap3A_144] {strides = array<i32>} : memref<32x128xbf16, #tpu.memory_space<vmem>>, vector<1x32xbf16>,
        %swap3A_146 = vector.shape_cast %swap3A_145 : vector<1x32xbf16> to vector<32xbf16>
        %swap3A_147 = vector.shape_cast %max3A_143 : vector<32xbf16> to vector<1x32xbf16>
        tpu.vector_store %arg8[%swap3A, %swap3A_144], %swap3A_147 {strides = array<i32>} : memref<32x128xbf16, #tpu.memory_space<vmem>>, vector<1x32xbf16>,
        %get3A_148 = arith.index_cast %mul3A_78 : i32 to index
        %get3A_149 = arith.constant 32 : index
        %get3A_150 = tpu.vector_load %arg7[%get3A_148, %get3A_149] {strides = array<i32>} : memref<320x128xbf16, #tpu.memory_space<vmem>>, vector<1x32xbf16>,
        %get3A_151 = vector.shape_cast %get3A_150 : vector<1x32xbf16> to vector<32xbf16>
        %add3A_152 = arith.constant 1 : i32
        %add3A_153 = arith.addi %mul3A_78, %add3A_152 : i32
        %get3A_154 = arith.index_cast %add3A_153 : i32 to index
        %get3A_155 = arith.constant 32 : index
        %get3A_156 = tpu.vector_load %arg7[%get3A_154, %get3A_155] {strides = array<i32>} : memref<320x128xbf16, #tpu.memory_space<vmem>>, vector<1x32xbf16>,
        %get3A_157 = vector.shape_cast %get3A_156 : vector<1x32xbf16> to vector<32xbf16>
        %max3A_158 = arith.maximumf %get3A_151, %get3A_157 : vector<32xbf16>
        %add3A_159 = arith.constant 2 : i32
        %add3A_160 = arith.addi %mul3A_78, %add3A_159 : i32
        %get3A_161 = arith.index_cast %add3A_160 : i32 to index
        %get3A_162 = arith.constant 32 : index
        %get3A_163 = tpu.vector_load %arg7[%get3A_161, %get3A_162] {strides = array<i32>} : memref<320x128xbf16, #tpu.memory_space<vmem>>, vector<1x32xbf16>,
        %get3A_164 = vector.shape_cast %get3A_163 : vector<1x32xbf16> to vector<32xbf16>
        %max3A_165 = arith.maximumf %max3A_158, %get3A_164 : vector<32xbf16>
        %add3A_166 = arith.constant 3 : i32
        %add3A_167 = arith.addi %mul3A_78, %add3A_166 : i32
        %get3A_168 = arith.index_cast %add3A_167 : i32 to index
        %get3A_169 = arith.constant 32 : index
        %get3A_170 = tpu.vector_load %arg7[%get3A_168, %get3A_169] {strides = array<i32>} : memref<320x128xbf16, #tpu.memory_space<vmem>>, vector<1x32xbf16>,
        %get3A_171 = vector.shape_cast %get3A_170 : vector<1x32xbf16> to vector<32xbf16>
        %max3A_172 = arith.maximumf %max3A_165, %get3A_171 : vector<32xbf16>
        %add3A_173 = arith.constant 4 : i32
        %add3A_174 = arith.addi %mul3A_78, %add3A_173 : i32
        %get3A_175 = arith.index_cast %add3A_174 : i32 to index
        %get3A_176 = arith.constant 32 : index
        %get3A_177 = tpu.vector_load %arg7[%get3A_175, %get3A_176] {strides = array<i32>} : memref<320x128xbf16, #tpu.memory_space<vmem>>, vector<1x32xbf16>,
        %get3A_178 = vector.shape_cast %get3A_177 : vector<1x32xbf16> to vector<32xbf16>
        %max3A_179 = arith.maximumf %max3A_172, %get3A_178 : vector<32xbf16>
        %add3A_180 = arith.constant 5 : i32
        %add3A_181 = arith.addi %mul3A_78, %add3A_180 : i32
        %get3A_182 = arith.index_cast %add3A_181 : i32 to index
        %get3A_183 = arith.constant 32 : index
        %get3A_184 = tpu.vector_load %arg7[%get3A_182, %get3A_183] {strides = array<i32>} : memref<320x128xbf16, #tpu.memory_space<vmem>>, vector<1x32xbf16>,
        %get3A_185 = vector.shape_cast %get3A_184 : vector<1x32xbf16> to vector<32xbf16>
        %max3A_186 = arith.maximumf %max3A_179, %get3A_185 : vector<32xbf16>
        %add3A_187 = arith.constant 6 : i32
        %add3A_188 = arith.addi %mul3A_78, %add3A_187 : i32
        %get3A_189 = arith.index_cast %add3A_188 : i32 to index
        %get3A_190 = arith.constant 32 : index
        %get3A_191 = tpu.vector_load %arg7[%get3A_189, %get3A_190] {strides = array<i32>} : memref<320x128xbf16, #tpu.memory_space<vmem>>, vector<1x32xbf16>,
        %get3A_192 = vector.shape_cast %get3A_191 : vector<1x32xbf16> to vector<32xbf16>
        %max3A_193 = arith.maximumf %max3A_186, %get3A_192 : vector<32xbf16>
        %add3A_194 = arith.constant 7 : i32
        %add3A_195 = arith.addi %mul3A_78, %add3A_194 : i32
        %get3A_196 = arith.index_cast %add3A_195 : i32 to index
        %get3A_197 = arith.constant 32 : index
        %get3A_198 = tpu.vector_load %arg7[%get3A_196, %get3A_197] {strides = array<i32>} : memref<320x128xbf16, #tpu.memory_space<vmem>>, vector<1x32xbf16>,
        %get3A_199 = vector.shape_cast %get3A_198 : vector<1x32xbf16> to vector<32xbf16>
        %max3A_200 = arith.maximumf %max3A_193, %get3A_199 : vector<32xbf16>
        %add3A_201 = arith.constant 8 : i32
        %add3A_202 = arith.addi %mul3A_78, %add3A_201 : i32
        %get3A_203 = arith.index_cast %add3A_202 : i32 to index
        %get3A_204 = arith.constant 32 : index
        %get3A_205 = tpu.vector_load %arg7[%get3A_203, %get3A_204] {strides = array<i32>} : memref<320x128xbf16, #tpu.memory_space<vmem>>, vector<1x32xbf16>,
        %get3A_206 = vector.shape_cast %get3A_205 : vector<1x32xbf16> to vector<32xbf16>
        %max3A_207 = arith.maximumf %max3A_200, %get3A_206 : vector<32xbf16>
        %add3A_208 = arith.constant 9 : i32
        %add3A_209 = arith.addi %mul3A_78, %add3A_208 : i32
        %get3A_210 = arith.index_cast %add3A_209 : i32 to index
        %get3A_211 = arith.constant 32 : index
        %get3A_212 = tpu.vector_load %arg7[%get3A_210, %get3A_211] {strides = array<i32>} : memref<320x128xbf16, #tpu.memory_space<vmem>>, vector<1x32xbf16>,
        %get3A_213 = vector.shape_cast %get3A_212 : vector<1x32xbf16> to vector<32xbf16>
        %max3A_214 = arith.maximumf %max3A_207, %get3A_213 : vector<32xbf16>
        %swap3A_215 = arith.index_cast %scan3A_76 : i32 to index
        %swap3A_216 = arith.constant 32 : index
        %swap3A_217 = tpu.vector_load %arg8[%swap3A_215, %swap3A_216] {strides = array<i32>} : memref<32x128xbf16, #tpu.memory_space<vmem>>, vector<1x32xbf16>,
        %swap3A_218 = vector.shape_cast %swap3A_217 : vector<1x32xbf16> to vector<32xbf16>
        %swap3A_219 = vector.shape_cast %max3A_214 : vector<32xbf16> to vector<1x32xbf16>
        tpu.vector_store %arg8[%swap3A_215, %swap3A_216], %swap3A_219 {strides = array<i32>} : memref<32x128xbf16, #tpu.memory_space<vmem>>, vector<1x32xbf16>,
        %get3A_220 = arith.index_cast %mul3A_78 : i32 to index
        %get3A_221 = arith.constant 64 : index
        %get3A_222 = tpu.vector_load %arg7[%get3A_220, %get3A_221] {strides = array<i32>} : memref<320x128xbf16, #tpu.memory_space<vmem>>, vector<1x32xbf16>,
        %get3A_223 = vector.shape_cast %get3A_222 : vector<1x32xbf16> to vector<32xbf16>
        %add3A_224 = arith.constant 1 : i32
        %add3A_225 = arith.addi %mul3A_78, %add3A_224 : i32
        %get3A_226 = arith.index_cast %add3A_225 : i32 to index
        %get3A_227 = arith.constant 64 : index
        %get3A_228 = tpu.vector_load %arg7[%get3A_226, %get3A_227] {strides = array<i32>} : memref<320x128xbf16, #tpu.memory_space<vmem>>, vector<1x32xbf16>,
        %get3A_229 = vector.shape_cast %get3A_228 : vector<1x32xbf16> to vector<32xbf16>
        %max3A_230 = arith.maximumf %get3A_223, %get3A_229 : vector<32xbf16>
        %add3A_231 = arith.constant 2 : i32
        %add3A_232 = arith.addi %mul3A_78, %add3A_231 : i32
        %get3A_233 = arith.index_cast %add3A_232 : i32 to index
        %get3A_234 = arith.constant 64 : index
        %get3A_235 = tpu.vector_load %arg7[%get3A_233, %get3A_234] {strides = array<i32>} : memref<320x128xbf16, #tpu.memory_space<vmem>>, vector<1x32xbf16>,
        %get3A_236 = vector.shape_cast %get3A_235 : vector<1x32xbf16> to vector<32xbf16>
        %max3A_237 = arith.maximumf %max3A_230, %get3A_236 : vector<32xbf16>
        %add3A_238 = arith.constant 3 : i32
        %add3A_239 = arith.addi %mul3A_78, %add3A_238 : i32
        %get3A_240 = arith.index_cast %add3A_239 : i32 to index
        %get3A_241 = arith.constant 64 : index
        %get3A_242 = tpu.vector_load %arg7[%get3A_240, %get3A_241] {strides = array<i32>} : memref<320x128xbf16, #tpu.memory_space<vmem>>, vector<1x32xbf16>,
        %get3A_243 = vector.shape_cast %get3A_242 : vector<1x32xbf16> to vector<32xbf16>
        %max3A_244 = arith.maximumf %max3A_237, %get3A_243 : vector<32xbf16>
        %add3A_245 = arith.constant 4 : i32
        %add3A_246 = arith.addi %mul3A_78, %add3A_245 : i32
        %get3A_247 = arith.index_cast %add3A_246 : i32 to index
        %get3A_248 = arith.constant 64 : index
        %get3A_249 = tpu.vector_load %arg7[%get3A_247, %get3A_248] {strides = array<i32>} : memref<320x128xbf16, #tpu.memory_space<vmem>>, vector<1x32xbf16>,
        %get3A_250 = vector.shape_cast %get3A_249 : vector<1x32xbf16> to vector<32xbf16>
        %max3A_251 = arith.maximumf %max3A_244, %get3A_250 : vector<32xbf16>
        %add3A_252 = arith.constant 5 : i32
        %add3A_253 = arith.addi %mul3A_78, %add3A_252 : i32
        %get3A_254 = arith.index_cast %add3A_253 : i32 to index
        %get3A_255 = arith.constant 64 : index
        %get3A_256 = tpu.vector_load %arg7[%get3A_254, %get3A_255] {strides = array<i32>} : memref<320x128xbf16, #tpu.memory_space<vmem>>, vector<1x32xbf16>,
        %get3A_257 = vector.shape_cast %get3A_256 : vector<1x32xbf16> to vector<32xbf16>
        %max3A_258 = arith.maximumf %max3A_251, %get3A_257 : vector<32xbf16>
        %add3A_259 = arith.constant 6 : i32
        %add3A_260 = arith.addi %mul3A_78, %add3A_259 : i32
        %get3A_261 = arith.index_cast %add3A_260 : i32 to index
        %get3A_262 = arith.constant 64 : index
        %get3A_263 = tpu.vector_load %arg7[%get3A_261, %get3A_262] {strides = array<i32>} : memref<320x128xbf16, #tpu.memory_space<vmem>>, vector<1x32xbf16>,
        %get3A_264 = vector.shape_cast %get3A_263 : vector<1x32xbf16> to vector<32xbf16>
        %max3A_265 = arith.maximumf %max3A_258, %get3A_264 : vector<32xbf16>
        %add3A_266 = arith.constant 7 : i32
        %add3A_267 = arith.addi %mul3A_78, %add3A_266 : i32
        %get3A_268 = arith.index_cast %add3A_267 : i32 to index
        %get3A_269 = arith.constant 64 : index
        %get3A_270 = tpu.vector_load %arg7[%get3A_268, %get3A_269] {strides = array<i32>} : memref<320x128xbf16, #tpu.memory_space<vmem>>, vector<1x32xbf16>,
        %get3A_271 = vector.shape_cast %get3A_270 : vector<1x32xbf16> to vector<32xbf16>
        %max3A_272 = arith.maximumf %max3A_265, %get3A_271 : vector<32xbf16>
        %add3A_273 = arith.constant 8 : i32
        %add3A_274 = arith.addi %mul3A_78, %add3A_273 : i32
        %get3A_275 = arith.index_cast %add3A_274 : i32 to index
        %get3A_276 = arith.constant 64 : index
        %get3A_277 = tpu.vector_load %arg7[%get3A_275, %get3A_276] {strides = array<i32>} : memref<320x128xbf16, #tpu.memory_space<vmem>>, vector<1x32xbf16>,
        %get3A_278 = vector.shape_cast %get3A_277 : vector<1x32xbf16> to vector<32xbf16>
        %max3A_279 = arith.maximumf %max3A_272, %get3A_278 : vector<32xbf16>
        %add3A_280 = arith.constant 9 : i32
        %add3A_281 = arith.addi %mul3A_78, %add3A_280 : i32
        %get3A_282 = arith.index_cast %add3A_281 : i32 to index
        %get3A_283 = arith.constant 64 : index
        %get3A_284 = tpu.vector_load %arg7[%get3A_282, %get3A_283] {strides = array<i32>} : memref<320x128xbf16, #tpu.memory_space<vmem>>, vector<1x32xbf16>,
        %get3A_285 = vector.shape_cast %get3A_284 : vector<1x32xbf16> to vector<32xbf16>
        %max3A_286 = arith.maximumf %max3A_279, %get3A_285 : vector<32xbf16>
        %swap3A_287 = arith.index_cast %scan3A_76 : i32 to index
        %swap3A_288 = arith.constant 64 : index
        %swap3A_289 = tpu.vector_load %arg8[%swap3A_287, %swap3A_288] {strides = array<i32>} : memref<32x128xbf16, #tpu.memory_space<vmem>>, vector<1x32xbf16>,
        %swap3A_290 = vector.shape_cast %swap3A_289 : vector<1x32xbf16> to vector<32xbf16>
        %swap3A_291 = vector.shape_cast %max3A_286 : vector<32xbf16> to vector<1x32xbf16>
        tpu.vector_store %arg8[%swap3A_287, %swap3A_288], %swap3A_291 {strides = array<i32>} : memref<32x128xbf16, #tpu.memory_space<vmem>>, vector<1x32xbf16>,
        %get3A_292 = arith.index_cast %mul3A_78 : i32 to index
        %get3A_293 = arith.constant 96 : index
        %get3A_294 = tpu.vector_load %arg7[%get3A_292, %get3A_293] {strides = array<i32>} : memref<320x128xbf16, #tpu.memory_space<vmem>>, vector<1x32xbf16>,
        %get3A_295 = vector.shape_cast %get3A_294 : vector<1x32xbf16> to vector<32xbf16>
        %add3A_296 = arith.constant 1 : i32
        %add3A_297 = arith.addi %mul3A_78, %add3A_296 : i32
        %get3A_298 = arith.index_cast %add3A_297 : i32 to index
        %get3A_299 = arith.constant 96 : index
        %get3A_300 = tpu.vector_load %arg7[%get3A_298, %get3A_299] {strides = array<i32>} : memref<320x128xbf16, #tpu.memory_space<vmem>>, vector<1x32xbf16>,
        %get3A_301 = vector.shape_cast %get3A_300 : vector<1x32xbf16> to vector<32xbf16>
        %max3A_302 = arith.maximumf %get3A_295, %get3A_301 : vector<32xbf16>
        %add3A_303 = arith.constant 2 : i32
        %add3A_304 = arith.addi %mul3A_78, %add3A_303 : i32
        %get3A_305 = arith.index_cast %add3A_304 : i32 to index
        %get3A_306 = arith.constant 96 : index
        %get3A_307 = tpu.vector_load %arg7[%get3A_305, %get3A_306] {strides = array<i32>} : memref<320x128xbf16, #tpu.memory_space<vmem>>, vector<1x32xbf16>,
        %get3A_308 = vector.shape_cast %get3A_307 : vector<1x32xbf16> to vector<32xbf16>
        %max3A_309 = arith.maximumf %max3A_302, %get3A_308 : vector<32xbf16>
        %add3A_310 = arith.constant 3 : i32
        %add3A_311 = arith.addi %mul3A_78, %add3A_310 : i32
        %get3A_312 = arith.index_cast %add3A_311 : i32 to index
        %get3A_313 = arith.constant 96 : index
        %get3A_314 = tpu.vector_load %arg7[%get3A_312, %get3A_313] {strides = array<i32>} : memref<320x128xbf16, #tpu.memory_space<vmem>>, vector<1x32xbf16>,
        %get3A_315 = vector.shape_cast %get3A_314 : vector<1x32xbf16> to vector<32xbf16>
        %max3A_316 = arith.maximumf %max3A_309, %get3A_315 : vector<32xbf16>
        %add3A_317 = arith.constant 4 : i32
        %add3A_318 = arith.addi %mul3A_78, %add3A_317 : i32
        %get3A_319 = arith.index_cast %add3A_318 : i32 to index
        %get3A_320 = arith.constant 96 : index
        %get3A_321 = tpu.vector_load %arg7[%get3A_319, %get3A_320] {strides = array<i32>} : memref<320x128xbf16, #tpu.memory_space<vmem>>, vector<1x32xbf16>,
        %get3A_322 = vector.shape_cast %get3A_321 : vector<1x32xbf16> to vector<32xbf16>
        %max3A_323 = arith.maximumf %max3A_316, %get3A_322 : vector<32xbf16>
        %add3A_324 = arith.constant 5 : i32
        %add3A_325 = arith.addi %mul3A_78, %add3A_324 : i32
        %get3A_326 = arith.index_cast %add3A_325 : i32 to index
        %get3A_327 = arith.constant 96 : index
        %get3A_328 = tpu.vector_load %arg7[%get3A_326, %get3A_327] {strides = array<i32>} : memref<320x128xbf16, #tpu.memory_space<vmem>>, vector<1x32xbf16>,
        %get3A_329 = vector.shape_cast %get3A_328 : vector<1x32xbf16> to vector<32xbf16>
        %max3A_330 = arith.maximumf %max3A_323, %get3A_329 : vector<32xbf16>
        %add3A_331 = arith.constant 6 : i32
        %add3A_332 = arith.addi %mul3A_78, %add3A_331 : i32
        %get3A_333 = arith.index_cast %add3A_332 : i32 to index
        %get3A_334 = arith.constant 96 : index
        %get3A_335 = tpu.vector_load %arg7[%get3A_333, %get3A_334] {strides = array<i32>} : memref<320x128xbf16, #tpu.memory_space<vmem>>, vector<1x32xbf16>,
        %get3A_336 = vector.shape_cast %get3A_335 : vector<1x32xbf16> to vector<32xbf16>
        %max3A_337 = arith.maximumf %max3A_330, %get3A_336 : vector<32xbf16>
        %add3A_338 = arith.constant 7 : i32
        %add3A_339 = arith.addi %mul3A_78, %add3A_338 : i32
        %get3A_340 = arith.index_cast %add3A_339 : i32 to index
        %get3A_341 = arith.constant 96 : index
        %get3A_342 = tpu.vector_load %arg7[%get3A_340, %get3A_341] {strides = array<i32>} : memref<320x128xbf16, #tpu.memory_space<vmem>>, vector<1x32xbf16>,
        %get3A_343 = vector.shape_cast %get3A_342 : vector<1x32xbf16> to vector<32xbf16>
        %max3A_344 = arith.maximumf %max3A_337, %get3A_343 : vector<32xbf16>
        %add3A_345 = arith.constant 8 : i32
        %add3A_346 = arith.addi %mul3A_78, %add3A_345 : i32
        %get3A_347 = arith.index_cast %add3A_346 : i32 to index
        %get3A_348 = arith.constant 96 : index
        %get3A_349 = tpu.vector_load %arg7[%get3A_347, %get3A_348] {strides = array<i32>} : memref<320x128xbf16, #tpu.memory_space<vmem>>, vector<1x32xbf16>,
        %get3A_350 = vector.shape_cast %get3A_349 : vector<1x32xbf16> to vector<32xbf16>
        %max3A_351 = arith.maximumf %max3A_344, %get3A_350 : vector<32xbf16>
        %add3A_352 = arith.constant 9 : i32
        %add3A_353 = arith.addi %mul3A_78, %add3A_352 : i32
        %get3A_354 = arith.index_cast %add3A_353 : i32 to index
        %get3A_355 = arith.constant 96 : index
        %get3A_356 = tpu.vector_load %arg7[%get3A_354, %get3A_355] {strides = array<i32>} : memref<320x128xbf16, #tpu.memory_space<vmem>>, vector<1x32xbf16>,
        %get3A_357 = vector.shape_cast %get3A_356 : vector<1x32xbf16> to vector<32xbf16>
        %max3A_358 = arith.maximumf %max3A_351, %get3A_357 : vector<32xbf16>
        %swap3A_359 = arith.index_cast %scan3A_76 : i32 to index
        %swap3A_360 = arith.constant 96 : index
        %swap3A_361 = tpu.vector_load %arg8[%swap3A_359, %swap3A_360] {strides = array<i32>} : memref<32x128xbf16, #tpu.memory_space<vmem>>, vector<1x32xbf16>,
        %swap3A_362 = vector.shape_cast %swap3A_361 : vector<1x32xbf16> to vector<32xbf16>
        %swap3A_363 = vector.shape_cast %max3A_358 : vector<32xbf16> to vector<1x32xbf16>
        tpu.vector_store %arg8[%swap3A_359, %swap3A_360], %swap3A_363 {strides = array<i32>} : memref<32x128xbf16, #tpu.memory_space<vmem>>, vector<1x32xbf16>,
      }
      %scan3A_72 = arith.constant 32 : i32
      %mul3A_73 = arith.constant 32 : i32
      %mul3A_74 = arith.muli %add3A_53, %mul3A_73 : i32
      %add3A_75 = arith.addi %mul3A_2, %mul3A_74 : i32
      "tpu.region"() ({
        %run_scoped3A = tpu.sem_alloc : memref<!tpu.dma_semaphore, #tpu.memory_space<semaphore_mem>>
        %dma_start3A_76 = arith.constant 0 : i32
        %dma_start3A_77 = tpu.memref_slice %arg4[%add3A_75, %dma_start3A_76] : memref<50176x128xbf16, #tpu.memory_space<hbm>> -> memref<32x128xbf16, #tpu.memory_space<hbm>>
        %dma_start3A_78 = arith.constant 0 : i32
        %dma_start3A_79 = tpu.memref_slice %arg4[%add3A_75, %dma_start3A_78] : memref<50176x128xbf16, #tpu.memory_space<hbm>> -> memref<32x128xbf16, #tpu.memory_space<hbm>>
        tpu.enqueue_dma source(%arg8 : memref<32x128xbf16, #tpu.memory_space<vmem>>) target(%dma_start3A_79 : memref<32x128xbf16, #tpu.memory_space<hbm>>) target_semaphore(%run_scoped3A : memref<!tpu.dma_semaphore, #tpu.memory_space<semaphore_mem>>)
        %dma_wait3A_80 = arith.constant 0 : i32
        %dma_wait3A_81 = tpu.memref_slice %arg4[%add3A_75, %dma_wait3A_80] : memref<50176x128xbf16, #tpu.memory_space<hbm>> -> memref<32x128xbf16, #tpu.memory_space<hbm>>
        %dma_wait3A_82 = arith.constant 0 : i32
        %dma_wait3A_83 = tpu.memref_slice %arg4[%add3A_75, %dma_wait3A_82] : memref<50176x128xbf16, #tpu.memory_space<hbm>> -> memref<32x128xbf16, #tpu.memory_space<hbm>>
        tpu.wait_dma2 semaphore(%run_scoped3A : memref<!tpu.dma_semaphore, #tpu.memory_space<semaphore_mem>>) src(%arg8 : memref<32x128xbf16, #tpu.memory_space<vmem>>) dst(%dma_wait3A_83 : memref<32x128xbf16, #tpu.memory_space<hbm>>)
        tpu.yield
      }) : () -> ()
    }
    %scan3A_13 = arith.constant 24 : i32
    %dma_wait3A = arith.constant 48 : i32
    %dma_wait3A_14 = arith.constant 0 : i32
    %dma_wait3A_15 = tpu.memref_slice %arg5[%dma_wait3A, %dma_wait3A_14] : memref<49x320xi32, #tpu.memory_space<vmem>> -> memref<1x320xi32, #tpu.memory_space<vmem>>
    %dma_wait3A_16 = tpu.memref_squeeze %dma_wait3A_15 : memref<1x320xi32, #tpu.memory_space<vmem>> -> memref<320xi32, #tpu.memory_space<vmem>>
    %dma_wait3A_17 = arith.constant 0 : i32
    %dma_wait3A_18 = arith.constant 0 : i32
    %dma_wait3A_19 = tpu.memref_slice %arg2[%dma_wait3A_17, %dma_wait3A_18] : memref<50000x128xbf16, #tpu.memory_space<hbm>> -> memref<50000x128xbf16, #tpu.memory_space<hbm>>
    tpu.wait_indirect_dma semaphore(%arg9 : memref<!tpu.dma_semaphore, #tpu.memory_space<semaphore_mem>>) src(%dma_wait3A_19 : memref<50000x128xbf16, #tpu.memory_space<hbm>>) dst(%arg6 : memref<320x128xbf16, #tpu.memory_space<vmem>>)
    %scan3A_20 = arith.constant 0 : i32
    %scan3A_21 = arith.constant 0 : i32
    %scan3A_22 = arith.constant 32 : i32
    %scan3A_23 = arith.addi %scan3A_21, %scan3A_22 : i32
    %scan3A_24 = arith.constant 1 : i32
    scf.for %scan3A_28 = %scan3A_21 to %scan3A_23 step %scan3A_24  : i32 {
      %mul3A_29 = arith.constant 10 : i32
      %mul3A_30 = arith.muli %scan3A_28, %mul3A_29 : i32
      %get3A = arith.index_cast %mul3A_30 : i32 to index
      %get3A_31 = arith.constant 0 : index
      %get3A_32 = tpu.vector_load %arg6[%get3A, %get3A_31] {strides = array<i32>} : memref<320x128xbf16, #tpu.memory_space<vmem>>, vector<1x32xbf16>,
      %get3A_33 = vector.shape_cast %get3A_32 : vector<1x32xbf16> to vector<32xbf16>
      %add3A_34 = arith.constant 1 : i32
      %add3A_35 = arith.addi %mul3A_30, %add3A_34 : i32
      %get3A_36 = arith.index_cast %add3A_35 : i32 to index
      %get3A_37 = arith.constant 0 : index
      %get3A_38 = tpu.vector_load %arg6[%get3A_36, %get3A_37] {strides = array<i32>} : memref<320x128xbf16, #tpu.memory_space<vmem>>, vector<1x32xbf16>,
      %get3A_39 = vector.shape_cast %get3A_38 : vector<1x32xbf16> to vector<32xbf16>
      %max3A = arith.maximumf %get3A_33, %get3A_39 : vector<32xbf16>
      %add3A_40 = arith.constant 2 : i32
      %add3A_41 = arith.addi %mul3A_30, %add3A_40 : i32
      %get3A_42 = arith.index_cast %add3A_41 : i32 to index
      %get3A_43 = arith.constant 0 : index
      %get3A_44 = tpu.vector_load %arg6[%get3A_42, %get3A_43] {strides = array<i32>} : memref<320x128xbf16, #tpu.memory_space<vmem>>, vector<1x32xbf16>,
      %get3A_45 = vector.shape_cast %get3A_44 : vector<1x32xbf16> to vector<32xbf16>
      %max3A_46 = arith.maximumf %max3A, %get3A_45 : vector<32xbf16>
      %add3A_47 = arith.constant 3 : i32
      %add3A_48 = arith.addi %mul3A_30, %add3A_47 : i32
      %get3A_49 = arith.index_cast %add3A_48 : i32 to index
      %get3A_50 = arith.constant 0 : index
      %get3A_51 = tpu.vector_load %arg6[%get3A_49, %get3A_50] {strides = array<i32>} : memref<320x128xbf16, #tpu.memory_space<vmem>>, vector<1x32xbf16>,
      %get3A_52 = vector.shape_cast %get3A_51 : vector<1x32xbf16> to vector<32xbf16>
      %max3A_53 = arith.maximumf %max3A_46, %get3A_52 : vector<32xbf16>
      %add3A_54 = arith.constant 4 : i32
      %add3A_55 = arith.addi %mul3A_30, %add3A_54 : i32
      %get3A_56 = arith.index_cast %add3A_55 : i32 to index
      %get3A_57 = arith.constant 0 : index
      %get3A_58 = tpu.vector_load %arg6[%get3A_56, %get3A_57] {strides = array<i32>} : memref<320x128xbf16, #tpu.memory_space<vmem>>, vector<1x32xbf16>,
      %get3A_59 = vector.shape_cast %get3A_58 : vector<1x32xbf16> to vector<32xbf16>
      %max3A_60 = arith.maximumf %max3A_53, %get3A_59 : vector<32xbf16>
      %add3A_61 = arith.constant 5 : i32
      %add3A_62 = arith.addi %mul3A_30, %add3A_61 : i32
      %get3A_63 = arith.index_cast %add3A_62 : i32 to index
      %get3A_64 = arith.constant 0 : index
      %get3A_65 = tpu.vector_load %arg6[%get3A_63, %get3A_64] {strides = array<i32>} : memref<320x128xbf16, #tpu.memory_space<vmem>>, vector<1x32xbf16>,
      %get3A_66 = vector.shape_cast %get3A_65 : vector<1x32xbf16> to vector<32xbf16>
      %max3A_67 = arith.maximumf %max3A_60, %get3A_66 : vector<32xbf16>
      %add3A_68 = arith.constant 6 : i32
      %add3A_69 = arith.addi %mul3A_30, %add3A_68 : i32
      %get3A_70 = arith.index_cast %add3A_69 : i32 to index
      %get3A_71 = arith.constant 0 : index
      %get3A_72 = tpu.vector_load %arg6[%get3A_70, %get3A_71] {strides = array<i32>} : memref<320x128xbf16, #tpu.memory_space<vmem>>, vector<1x32xbf16>,
      %get3A_73 = vector.shape_cast %get3A_72 : vector<1x32xbf16> to vector<32xbf16>
      %max3A_74 = arith.maximumf %max3A_67, %get3A_73 : vector<32xbf16>
      %add3A_75 = arith.constant 7 : i32
      %add3A_76 = arith.addi %mul3A_30, %add3A_75 : i32
      %get3A_77 = arith.index_cast %add3A_76 : i32 to index
      %get3A_78 = arith.constant 0 : index
      %get3A_79 = tpu.vector_load %arg6[%get3A_77, %get3A_78] {strides = array<i32>} : memref<320x128xbf16, #tpu.memory_space<vmem>>, vector<1x32xbf16>,
      %get3A_80 = vector.shape_cast %get3A_79 : vector<1x32xbf16> to vector<32xbf16>
      %max3A_81 = arith.maximumf %max3A_74, %get3A_80 : vector<32xbf16>
      %add3A_82 = arith.constant 8 : i32
      %add3A_83 = arith.addi %mul3A_30, %add3A_82 : i32
      %get3A_84 = arith.index_cast %add3A_83 : i32 to index
      %get3A_85 = arith.constant 0 : index
      %get3A_86 = tpu.vector_load %arg6[%get3A_84, %get3A_85] {strides = array<i32>} : memref<320x128xbf16, #tpu.memory_space<vmem>>, vector<1x32xbf16>,
      %get3A_87 = vector.shape_cast %get3A_86 : vector<1x32xbf16> to vector<32xbf16>
      %max3A_88 = arith.maximumf %max3A_81, %get3A_87 : vector<32xbf16>
      %add3A_89 = arith.constant 9 : i32
      %add3A_90 = arith.addi %mul3A_30, %add3A_89 : i32
      %get3A_91 = arith.index_cast %add3A_90 : i32 to index
      %get3A_92 = arith.constant 0 : index
      %get3A_93 = tpu.vector_load %arg6[%get3A_91, %get3A_92] {strides = array<i32>} : memref<320x128xbf16, #tpu.memory_space<vmem>>, vector<1x32xbf16>,
      %get3A_94 = vector.shape_cast %get3A_93 : vector<1x32xbf16> to vector<32xbf16>
      %max3A_95 = arith.maximumf %max3A_88, %get3A_94 : vector<32xbf16>
      %swap3A = arith.index_cast %scan3A_28 : i32 to index
      %swap3A_96 = arith.constant 0 : index
      %swap3A_97 = tpu.vector_load %arg8[%swap3A, %swap3A_96] {strides = array<i32>} : memref<32x128xbf16, #tpu.memory_space<vmem>>, vector<1x32xbf16>,
      %swap3A_98 = vector.shape_cast %swap3A_97 : vector<1x32xbf16> to vector<32xbf16>
      %swap3A_99 = vector.shape_cast %max3A_95 : vector<32xbf16> to vector<1x32xbf16>
      tpu.vector_store %arg8[%swap3A, %swap3A_96], %swap3A_99 {strides = array<i32>} : memref<32x128xbf16, #tpu.memory_space<vmem>>, vector<1x32xbf16>,
      %get3A_100 = arith.index_cast %mul3A_30 : i32 to index
      %get3A_101 = arith.constant 32 : index
      %get3A_102 = tpu.vector_load %arg6[%get3A_100, %get3A_101] {strides = array<i32>} : memref<320x128xbf16, #tpu.memory_space<vmem>>, vector<1x32xbf16>,
      %get3A_103 = vector.shape_cast %get3A_102 : vector<1x32xbf16> to vector<32xbf16>
      %add3A_104 = arith.constant 1 : i32
      %add3A_105 = arith.addi %mul3A_30, %add3A_104 : i32
      %get3A_106 = arith.index_cast %add3A_105 : i32 to index
      %get3A_107 = arith.constant 32 : index
      %get3A_108 = tpu.vector_load %arg6[%get3A_106, %get3A_107] {strides = array<i32>} : memref<320x128xbf16, #tpu.memory_space<vmem>>, vector<1x32xbf16>,
      %get3A_109 = vector.shape_cast %get3A_108 : vector<1x32xbf16> to vector<32xbf16>
      %max3A_110 = arith.maximumf %get3A_103, %get3A_109 : vector<32xbf16>
      %add3A_111 = arith.constant 2 : i32
      %add3A_112 = arith.addi %mul3A_30, %add3A_111 : i32
      %get3A_113 = arith.index_cast %add3A_112 : i32 to index
      %get3A_114 = arith.constant 32 : index
      %get3A_115 = tpu.vector_load %arg6[%get3A_113, %get3A_114] {strides = array<i32>} : memref<320x128xbf16, #tpu.memory_space<vmem>>, vector<1x32xbf16>,
      %get3A_116 = vector.shape_cast %get3A_115 : vector<1x32xbf16> to vector<32xbf16>
      %max3A_117 = arith.maximumf %max3A_110, %get3A_116 : vector<32xbf16>
      %add3A_118 = arith.constant 3 : i32
      %add3A_119 = arith.addi %mul3A_30, %add3A_118 : i32
      %get3A_120 = arith.index_cast %add3A_119 : i32 to index
      %get3A_121 = arith.constant 32 : index
      %get3A_122 = tpu.vector_load %arg6[%get3A_120, %get3A_121] {strides = array<i32>} : memref<320x128xbf16, #tpu.memory_space<vmem>>, vector<1x32xbf16>,
      %get3A_123 = vector.shape_cast %get3A_122 : vector<1x32xbf16> to vector<32xbf16>
      %max3A_124 = arith.maximumf %max3A_117, %get3A_123 : vector<32xbf16>
      %add3A_125 = arith.constant 4 : i32
      %add3A_126 = arith.addi %mul3A_30, %add3A_125 : i32
      %get3A_127 = arith.index_cast %add3A_126 : i32 to index
      %get3A_128 = arith.constant 32 : index
      %get3A_129 = tpu.vector_load %arg6[%get3A_127, %get3A_128] {strides = array<i32>} : memref<320x128xbf16, #tpu.memory_space<vmem>>, vector<1x32xbf16>,
      %get3A_130 = vector.shape_cast %get3A_129 : vector<1x32xbf16> to vector<32xbf16>
      %max3A_131 = arith.maximumf %max3A_124, %get3A_130 : vector<32xbf16>
      %add3A_132 = arith.constant 5 : i32
      %add3A_133 = arith.addi %mul3A_30, %add3A_132 : i32
      %get3A_134 = arith.index_cast %add3A_133 : i32 to index
      %get3A_135 = arith.constant 32 : index
      %get3A_136 = tpu.vector_load %arg6[%get3A_134, %get3A_135] {strides = array<i32>} : memref<320x128xbf16, #tpu.memory_space<vmem>>, vector<1x32xbf16>,
      %get3A_137 = vector.shape_cast %get3A_136 : vector<1x32xbf16> to vector<32xbf16>
      %max3A_138 = arith.maximumf %max3A_131, %get3A_137 : vector<32xbf16>
      %add3A_139 = arith.constant 6 : i32
      %add3A_140 = arith.addi %mul3A_30, %add3A_139 : i32
      %get3A_141 = arith.index_cast %add3A_140 : i32 to index
      %get3A_142 = arith.constant 32 : index
      %get3A_143 = tpu.vector_load %arg6[%get3A_141, %get3A_142] {strides = array<i32>} : memref<320x128xbf16, #tpu.memory_space<vmem>>, vector<1x32xbf16>,
      %get3A_144 = vector.shape_cast %get3A_143 : vector<1x32xbf16> to vector<32xbf16>
      %max3A_145 = arith.maximumf %max3A_138, %get3A_144 : vector<32xbf16>
      %add3A_146 = arith.constant 7 : i32
      %add3A_147 = arith.addi %mul3A_30, %add3A_146 : i32
      %get3A_148 = arith.index_cast %add3A_147 : i32 to index
      %get3A_149 = arith.constant 32 : index
      %get3A_150 = tpu.vector_load %arg6[%get3A_148, %get3A_149] {strides = array<i32>} : memref<320x128xbf16, #tpu.memory_space<vmem>>, vector<1x32xbf16>,
      %get3A_151 = vector.shape_cast %get3A_150 : vector<1x32xbf16> to vector<32xbf16>
      %max3A_152 = arith.maximumf %max3A_145, %get3A_151 : vector<32xbf16>
      %add3A_153 = arith.constant 8 : i32
      %add3A_154 = arith.addi %mul3A_30, %add3A_153 : i32
      %get3A_155 = arith.index_cast %add3A_154 : i32 to index
      %get3A_156 = arith.constant 32 : index
      %get3A_157 = tpu.vector_load %arg6[%get3A_155, %get3A_156] {strides = array<i32>} : memref<320x128xbf16, #tpu.memory_space<vmem>>, vector<1x32xbf16>,
      %get3A_158 = vector.shape_cast %get3A_157 : vector<1x32xbf16> to vector<32xbf16>
      %max3A_159 = arith.maximumf %max3A_152, %get3A_158 : vector<32xbf16>
      %add3A_160 = arith.constant 9 : i32
      %add3A_161 = arith.addi %mul3A_30, %add3A_160 : i32
      %get3A_162 = arith.index_cast %add3A_161 : i32 to index
      %get3A_163 = arith.constant 32 : index
      %get3A_164 = tpu.vector_load %arg6[%get3A_162, %get3A_163] {strides = array<i32>} : memref<320x128xbf16, #tpu.memory_space<vmem>>, vector<1x32xbf16>,
      %get3A_165 = vector.shape_cast %get3A_164 : vector<1x32xbf16> to vector<32xbf16>
      %max3A_166 = arith.maximumf %max3A_159, %get3A_165 : vector<32xbf16>
      %swap3A_167 = arith.index_cast %scan3A_28 : i32 to index
      %swap3A_168 = arith.constant 32 : index
      %swap3A_169 = tpu.vector_load %arg8[%swap3A_167, %swap3A_168] {strides = array<i32>} : memref<32x128xbf16, #tpu.memory_space<vmem>>, vector<1x32xbf16>,
      %swap3A_170 = vector.shape_cast %swap3A_169 : vector<1x32xbf16> to vector<32xbf16>
      %swap3A_171 = vector.shape_cast %max3A_166 : vector<32xbf16> to vector<1x32xbf16>
      tpu.vector_store %arg8[%swap3A_167, %swap3A_168], %swap3A_171 {strides = array<i32>} : memref<32x128xbf16, #tpu.memory_space<vmem>>, vector<1x32xbf16>,
      %get3A_172 = arith.index_cast %mul3A_30 : i32 to index
      %get3A_173 = arith.constant 64 : index
      %get3A_174 = tpu.vector_load %arg6[%get3A_172, %get3A_173] {strides = array<i32>} : memref<320x128xbf16, #tpu.memory_space<vmem>>, vector<1x32xbf16>,
      %get3A_175 = vector.shape_cast %get3A_174 : vector<1x32xbf16> to vector<32xbf16>
      %add3A_176 = arith.constant 1 : i32
      %add3A_177 = arith.addi %mul3A_30, %add3A_176 : i32
      %get3A_178 = arith.index_cast %add3A_177 : i32 to index
      %get3A_179 = arith.constant 64 : index
      %get3A_180 = tpu.vector_load %arg6[%get3A_178, %get3A_179] {strides = array<i32>} : memref<320x128xbf16, #tpu.memory_space<vmem>>, vector<1x32xbf16>,
      %get3A_181 = vector.shape_cast %get3A_180 : vector<1x32xbf16> to vector<32xbf16>
      %max3A_182 = arith.maximumf %get3A_175, %get3A_181 : vector<32xbf16>
      %add3A_183 = arith.constant 2 : i32
      %add3A_184 = arith.addi %mul3A_30, %add3A_183 : i32
      %get3A_185 = arith.index_cast %add3A_184 : i32 to index
      %get3A_186 = arith.constant 64 : index
      %get3A_187 = tpu.vector_load %arg6[%get3A_185, %get3A_186] {strides = array<i32>} : memref<320x128xbf16, #tpu.memory_space<vmem>>, vector<1x32xbf16>,
      %get3A_188 = vector.shape_cast %get3A_187 : vector<1x32xbf16> to vector<32xbf16>
      %max3A_189 = arith.maximumf %max3A_182, %get3A_188 : vector<32xbf16>
      %add3A_190 = arith.constant 3 : i32
      %add3A_191 = arith.addi %mul3A_30, %add3A_190 : i32
      %get3A_192 = arith.index_cast %add3A_191 : i32 to index
      %get3A_193 = arith.constant 64 : index
      %get3A_194 = tpu.vector_load %arg6[%get3A_192, %get3A_193] {strides = array<i32>} : memref<320x128xbf16, #tpu.memory_space<vmem>>, vector<1x32xbf16>,
      %get3A_195 = vector.shape_cast %get3A_194 : vector<1x32xbf16> to vector<32xbf16>
      %max3A_196 = arith.maximumf %max3A_189, %get3A_195 : vector<32xbf16>
      %add3A_197 = arith.constant 4 : i32
      %add3A_198 = arith.addi %mul3A_30, %add3A_197 : i32
      %get3A_199 = arith.index_cast %add3A_198 : i32 to index
      %get3A_200 = arith.constant 64 : index
      %get3A_201 = tpu.vector_load %arg6[%get3A_199, %get3A_200] {strides = array<i32>} : memref<320x128xbf16, #tpu.memory_space<vmem>>, vector<1x32xbf16>,
      %get3A_202 = vector.shape_cast %get3A_201 : vector<1x32xbf16> to vector<32xbf16>
      %max3A_203 = arith.maximumf %max3A_196, %get3A_202 : vector<32xbf16>
      %add3A_204 = arith.constant 5 : i32
      %add3A_205 = arith.addi %mul3A_30, %add3A_204 : i32
      %get3A_206 = arith.index_cast %add3A_205 : i32 to index
      %get3A_207 = arith.constant 64 : index
      %get3A_208 = tpu.vector_load %arg6[%get3A_206, %get3A_207] {strides = array<i32>} : memref<320x128xbf16, #tpu.memory_space<vmem>>, vector<1x32xbf16>,
      %get3A_209 = vector.shape_cast %get3A_208 : vector<1x32xbf16> to vector<32xbf16>
      %max3A_210 = arith.maximumf %max3A_203, %get3A_209 : vector<32xbf16>
      %add3A_211 = arith.constant 6 : i32
      %add3A_212 = arith.addi %mul3A_30, %add3A_211 : i32
      %get3A_213 = arith.index_cast %add3A_212 : i32 to index
      %get3A_214 = arith.constant 64 : index
      %get3A_215 = tpu.vector_load %arg6[%get3A_213, %get3A_214] {strides = array<i32>} : memref<320x128xbf16, #tpu.memory_space<vmem>>, vector<1x32xbf16>,
      %get3A_216 = vector.shape_cast %get3A_215 : vector<1x32xbf16> to vector<32xbf16>
      %max3A_217 = arith.maximumf %max3A_210, %get3A_216 : vector<32xbf16>
      %add3A_218 = arith.constant 7 : i32
      %add3A_219 = arith.addi %mul3A_30, %add3A_218 : i32
      %get3A_220 = arith.index_cast %add3A_219 : i32 to index
      %get3A_221 = arith.constant 64 : index
      %get3A_222 = tpu.vector_load %arg6[%get3A_220, %get3A_221] {strides = array<i32>} : memref<320x128xbf16, #tpu.memory_space<vmem>>, vector<1x32xbf16>,
      %get3A_223 = vector.shape_cast %get3A_222 : vector<1x32xbf16> to vector<32xbf16>
      %max3A_224 = arith.maximumf %max3A_217, %get3A_223 : vector<32xbf16>
      %add3A_225 = arith.constant 8 : i32
      %add3A_226 = arith.addi %mul3A_30, %add3A_225 : i32
      %get3A_227 = arith.index_cast %add3A_226 : i32 to index
      %get3A_228 = arith.constant 64 : index
      %get3A_229 = tpu.vector_load %arg6[%get3A_227, %get3A_228] {strides = array<i32>} : memref<320x128xbf16, #tpu.memory_space<vmem>>, vector<1x32xbf16>,
      %get3A_230 = vector.shape_cast %get3A_229 : vector<1x32xbf16> to vector<32xbf16>
      %max3A_231 = arith.maximumf %max3A_224, %get3A_230 : vector<32xbf16>
      %add3A_232 = arith.constant 9 : i32
      %add3A_233 = arith.addi %mul3A_30, %add3A_232 : i32
      %get3A_234 = arith.index_cast %add3A_233 : i32 to index
      %get3A_235 = arith.constant 64 : index
      %get3A_236 = tpu.vector_load %arg6[%get3A_234, %get3A_235] {strides = array<i32>} : memref<320x128xbf16, #tpu.memory_space<vmem>>, vector<1x32xbf16>,
      %get3A_237 = vector.shape_cast %get3A_236 : vector<1x32xbf16> to vector<32xbf16>
      %max3A_238 = arith.maximumf %max3A_231, %get3A_237 : vector<32xbf16>
      %swap3A_239 = arith.index_cast %scan3A_28 : i32 to index
      %swap3A_240 = arith.constant 64 : index
      %swap3A_241 = tpu.vector_load %arg8[%swap3A_239, %swap3A_240] {strides = array<i32>} : memref<32x128xbf16, #tpu.memory_space<vmem>>, vector<1x32xbf16>,
      %swap3A_242 = vector.shape_cast %swap3A_241 : vector<1x32xbf16> to vector<32xbf16>
      %swap3A_243 = vector.shape_cast %max3A_238 : vector<32xbf16> to vector<1x32xbf16>
      tpu.vector_store %arg8[%swap3A_239, %swap3A_240], %swap3A_243 {strides = array<i32>} : memref<32x128xbf16, #tpu.memory_space<vmem>>, vector<1x32xbf16>,
      %get3A_244 = arith.index_cast %mul3A_30 : i32 to index
      %get3A_245 = arith.constant 96 : index
      %get3A_246 = tpu.vector_load %arg6[%get3A_244, %get3A_245] {strides = array<i32>} : memref<320x128xbf16, #tpu.memory_space<vmem>>, vector<1x32xbf16>,
      %get3A_247 = vector.shape_cast %get3A_246 : vector<1x32xbf16> to vector<32xbf16>
      %add3A_248 = arith.constant 1 : i32
      %add3A_249 = arith.addi %mul3A_30, %add3A_248 : i32
      %get3A_250 = arith.index_cast %add3A_249 : i32 to index
      %get3A_251 = arith.constant 96 : index
      %get3A_252 = tpu.vector_load %arg6[%get3A_250, %get3A_251] {strides = array<i32>} : memref<320x128xbf16, #tpu.memory_space<vmem>>, vector<1x32xbf16>,
      %get3A_253 = vector.shape_cast %get3A_252 : vector<1x32xbf16> to vector<32xbf16>
      %max3A_254 = arith.maximumf %get3A_247, %get3A_253 : vector<32xbf16>
      %add3A_255 = arith.constant 2 : i32
      %add3A_256 = arith.addi %mul3A_30, %add3A_255 : i32
      %get3A_257 = arith.index_cast %add3A_256 : i32 to index
      %get3A_258 = arith.constant 96 : index
      %get3A_259 = tpu.vector_load %arg6[%get3A_257, %get3A_258] {strides = array<i32>} : memref<320x128xbf16, #tpu.memory_space<vmem>>, vector<1x32xbf16>,
      %get3A_260 = vector.shape_cast %get3A_259 : vector<1x32xbf16> to vector<32xbf16>
      %max3A_261 = arith.maximumf %max3A_254, %get3A_260 : vector<32xbf16>
      %add3A_262 = arith.constant 3 : i32
      %add3A_263 = arith.addi %mul3A_30, %add3A_262 : i32
      %get3A_264 = arith.index_cast %add3A_263 : i32 to index
      %get3A_265 = arith.constant 96 : index
      %get3A_266 = tpu.vector_load %arg6[%get3A_264, %get3A_265] {strides = array<i32>} : memref<320x128xbf16, #tpu.memory_space<vmem>>, vector<1x32xbf16>,
      %get3A_267 = vector.shape_cast %get3A_266 : vector<1x32xbf16> to vector<32xbf16>
      %max3A_268 = arith.maximumf %max3A_261, %get3A_267 : vector<32xbf16>
      %add3A_269 = arith.constant 4 : i32
      %add3A_270 = arith.addi %mul3A_30, %add3A_269 : i32
      %get3A_271 = arith.index_cast %add3A_270 : i32 to index
      %get3A_272 = arith.constant 96 : index
      %get3A_273 = tpu.vector_load %arg6[%get3A_271, %get3A_272] {strides = array<i32>} : memref<320x128xbf16, #tpu.memory_space<vmem>>, vector<1x32xbf16>,
      %get3A_274 = vector.shape_cast %get3A_273 : vector<1x32xbf16> to vector<32xbf16>
      %max3A_275 = arith.maximumf %max3A_268, %get3A_274 : vector<32xbf16>
      %add3A_276 = arith.constant 5 : i32
      %add3A_277 = arith.addi %mul3A_30, %add3A_276 : i32
      %get3A_278 = arith.index_cast %add3A_277 : i32 to index
      %get3A_279 = arith.constant 96 : index
      %get3A_280 = tpu.vector_load %arg6[%get3A_278, %get3A_279] {strides = array<i32>} : memref<320x128xbf16, #tpu.memory_space<vmem>>, vector<1x32xbf16>,
      %get3A_281 = vector.shape_cast %get3A_280 : vector<1x32xbf16> to vector<32xbf16>
      %max3A_282 = arith.maximumf %max3A_275, %get3A_281 : vector<32xbf16>
      %add3A_283 = arith.constant 6 : i32
      %add3A_284 = arith.addi %mul3A_30, %add3A_283 : i32
      %get3A_285 = arith.index_cast %add3A_284 : i32 to index
      %get3A_286 = arith.constant 96 : index
      %get3A_287 = tpu.vector_load %arg6[%get3A_285, %get3A_286] {strides = array<i32>} : memref<320x128xbf16, #tpu.memory_space<vmem>>, vector<1x32xbf16>,
      %get3A_288 = vector.shape_cast %get3A_287 : vector<1x32xbf16> to vector<32xbf16>
      %max3A_289 = arith.maximumf %max3A_282, %get3A_288 : vector<32xbf16>
      %add3A_290 = arith.constant 7 : i32
      %add3A_291 = arith.addi %mul3A_30, %add3A_290 : i32
      %get3A_292 = arith.index_cast %add3A_291 : i32 to index
      %get3A_293 = arith.constant 96 : index
      %get3A_294 = tpu.vector_load %arg6[%get3A_292, %get3A_293] {strides = array<i32>} : memref<320x128xbf16, #tpu.memory_space<vmem>>, vector<1x32xbf16>,
      %get3A_295 = vector.shape_cast %get3A_294 : vector<1x32xbf16> to vector<32xbf16>
      %max3A_296 = arith.maximumf %max3A_289, %get3A_295 : vector<32xbf16>
      %add3A_297 = arith.constant 8 : i32
      %add3A_298 = arith.addi %mul3A_30, %add3A_297 : i32
      %get3A_299 = arith.index_cast %add3A_298 : i32 to index
      %get3A_300 = arith.constant 96 : index
      %get3A_301 = tpu.vector_load %arg6[%get3A_299, %get3A_300] {strides = array<i32>} : memref<320x128xbf16, #tpu.memory_space<vmem>>, vector<1x32xbf16>,
      %get3A_302 = vector.shape_cast %get3A_301 : vector<1x32xbf16> to vector<32xbf16>
      %max3A_303 = arith.maximumf %max3A_296, %get3A_302 : vector<32xbf16>
      %add3A_304 = arith.constant 9 : i32
      %add3A_305 = arith.addi %mul3A_30, %add3A_304 : i32
      %get3A_306 = arith.index_cast %add3A_305 : i32 to index
      %get3A_307 = arith.constant 96 : index
      %get3A_308 = tpu.vector_load %arg6[%get3A_306, %get3A_307] {strides = array<i32>} : memref<320x128xbf16, #tpu.memory_space<vmem>>, vector<1x32xbf16>,
      %get3A_309 = vector.shape_cast %get3A_308 : vector<1x32xbf16> to vector<32xbf16>
      %max3A_310 = arith.maximumf %max3A_303, %get3A_309 : vector<32xbf16>
      %swap3A_311 = arith.index_cast %scan3A_28 : i32 to index
      %swap3A_312 = arith.constant 96 : index
      %swap3A_313 = tpu.vector_load %arg8[%swap3A_311, %swap3A_312] {strides = array<i32>} : memref<32x128xbf16, #tpu.memory_space<vmem>>, vector<1x32xbf16>,
      %swap3A_314 = vector.shape_cast %swap3A_313 : vector<1x32xbf16> to vector<32xbf16>
      %swap3A_315 = vector.shape_cast %max3A_310 : vector<32xbf16> to vector<1x32xbf16>
      tpu.vector_store %arg8[%swap3A_311, %swap3A_312], %swap3A_315 {strides = array<i32>} : memref<32x128xbf16, #tpu.memory_space<vmem>>, vector<1x32xbf16>,
    }
    %scan3A_25 = arith.constant 32 : i32
    %add3A_26 = arith.constant 1536 : i32
    %add3A_27 = arith.addi %mul3A_2, %add3A_26 : i32
    "tpu.region"() ({
      %run_scoped3A = tpu.sem_alloc : memref<!tpu.dma_semaphore, #tpu.memory_space<semaphore_mem>>
      %dma_start3A_28 = arith.constant 0 : i32
      %dma_start3A_29 = tpu.memref_slice %arg4[%add3A_27, %dma_start3A_28] : memref<50176x128xbf16, #tpu.memory_space<hbm>> -> memref<32x128xbf16, #tpu.memory_space<hbm>>
      %dma_start3A_30 = arith.constant 0 : i32
      %dma_start3A_31 = tpu.memref_slice %arg4[%add3A_27, %dma_start3A_30] : memref<50176x128xbf16, #tpu.memory_space<hbm>> -> memref<32x128xbf16, #tpu.memory_space<hbm>>
      tpu.enqueue_dma source(%arg8 : memref<32x128xbf16, #tpu.memory_space<vmem>>) target(%dma_start3A_31 : memref<32x128xbf16, #tpu.memory_space<hbm>>) target_semaphore(%run_scoped3A : memref<!tpu.dma_semaphore, #tpu.memory_space<semaphore_mem>>)
      %dma_wait3A_32 = arith.constant 0 : i32
      %dma_wait3A_33 = tpu.memref_slice %arg4[%add3A_27, %dma_wait3A_32] : memref<50176x128xbf16, #tpu.memory_space<hbm>> -> memref<32x128xbf16, #tpu.memory_space<hbm>>
      %dma_wait3A_34 = arith.constant 0 : i32
      %dma_wait3A_35 = tpu.memref_slice %arg4[%add3A_27, %dma_wait3A_34] : memref<50176x128xbf16, #tpu.memory_space<hbm>> -> memref<32x128xbf16, #tpu.memory_space<hbm>>
      tpu.wait_dma2 semaphore(%run_scoped3A : memref<!tpu.dma_semaphore, #tpu.memory_space<semaphore_mem>>) src(%arg8 : memref<32x128xbf16, #tpu.memory_space<vmem>>) dst(%dma_wait3A_35 : memref<32x128xbf16, #tpu.memory_space<hbm>>)
      tpu.yield
    }) : () -> ()
    return
  }
}

#map = affine_map<(d0, d1) -> (0, 0)>
#map1 = affine_map<(d0, d1) -> (0, 0, 0)>
module attributes {stable_mosaic.version = 14 : i64} {
  func.func @body(%arg0: i32, %arg1: i32, %arg2: memref<50000x128xbf16, #tpu.memory_space<hbm>>, %arg3: memref<32x49x320xi32, #tpu.memory_space<hbm>>, %arg4: memref<50176x128xbf16, #tpu.memory_space<hbm>>, %arg5: memref<49x320xi32, #tpu.memory_space<vmem>>, %arg6: memref<320x128xbf16, #tpu.memory_space<vmem>>, %arg7: memref<320x128xbf16, #tpu.memory_space<vmem>>, %arg8: memref<32x128xbf16, #tpu.memory_space<vmem>>, %arg9: memref<!tpu.dma_semaphore, #tpu.memory_space<semaphore_mem>>, %arg10: memref<!tpu.dma_semaphore, #tpu.memory_space<semaphore_mem>>) attributes {dimension_semantics = [#tpu.dimension_semantics<core_parallel>, #tpu.dimension_semantics<subcore_parallel>], iteration_bounds = array<i64: 2, 16>, scalar_prefetch = 0 : i64, scratch_operands = 6 : i64, tpu.core_type = #tpu.core_type<sc_vector_subcore>, window_params = [{transform_indices = #map}, {transform_indices = #map1}, {transform_indices = #map}]} {
    %mul3A = arith.constant 2 : i32
    %mul3A_0 = arith.muli %arg1, %mul3A : i32
    %add3A = arith.addi %mul3A_0, %arg0 : i32
    "tpu.region"() ({
      %run_scoped3A = tpu.sem_alloc : memref<!tpu.dma_semaphore, #tpu.memory_space<semaphore_mem>>
      %dma_start3A_28 = arith.constant 0 : i32
      %dma_start3A_29 = arith.constant 0 : i32
      %dma_start3A_30 = tpu.memref_slice %arg3[%add3A, %dma_start3A_28, %dma_start3A_29] : memref<32x49x320xi32, #tpu.memory_space<hbm>> -> memref<1x49x320xi32, #tpu.memory_space<hbm>>
      %dma_start3A_31 = tpu.memref_squeeze %dma_start3A_30 : memref<1x49x320xi32, #tpu.memory_space<hbm>> -> memref<49x320xi32, #tpu.memory_space<hbm>>
      %dma_start3A_32 = arith.constant 0 : i32
      %dma_start3A_33 = arith.constant 0 : i32
      %dma_start3A_34 = tpu.memref_slice %arg3[%add3A, %dma_start3A_32, %dma_start3A_33] : memref<32x49x320xi32, #tpu.memory_space<hbm>> -> memref<1x49x320xi32, #tpu.memory_space<hbm>>
      %dma_start3A_35 = tpu.memref_squeeze %dma_start3A_34 : memref<1x49x320xi32, #tpu.memory_space<hbm>> -> memref<49x320xi32, #tpu.memory_space<hbm>>
      tpu.enqueue_dma source(%dma_start3A_35 : memref<49x320xi32, #tpu.memory_space<hbm>>) target(%arg5 : memref<49x320xi32, #tpu.memory_space<vmem>>) target_semaphore(%run_scoped3A : memref<!tpu.dma_semaphore, #tpu.memory_space<semaphore_mem>>)
      %dma_wait3A_36 = arith.constant 0 : i32
      %dma_wait3A_37 = arith.constant 0 : i32
      %dma_wait3A_38 = tpu.memref_slice %arg3[%add3A, %dma_wait3A_36, %dma_wait3A_37] : memref<32x49x320xi32, #tpu.memory_space<hbm>> -> memref<1x49x320xi32, #tpu.memory_space<hbm>>
      %dma_wait3A_39 = tpu.memref_squeeze %dma_wait3A_38 : memref<1x49x320xi32, #tpu.memory_space<hbm>> -> memref<49x320xi32, #tpu.memory_space<hbm>>
      %dma_wait3A_40 = arith.constant 0 : i32
      %dma_wait3A_41 = arith.constant 0 : i32
      %dma_wait3A_42 = tpu.memref_slice %arg3[%add3A, %dma_wait3A_40, %dma_wait3A_41] : memref<32x49x320xi32, #tpu.memory_space<hbm>> -> memref<1x49x320xi32, #tpu.memory_space<hbm>>
      %dma_wait3A_43 = tpu.memref_squeeze %dma_wait3A_42 : memref<1x49x320xi32, #tpu.memory_space<hbm>> -> memref<49x320xi32, #tpu.memory_space<hbm>>
      tpu.wait_dma2 semaphore(%run_scoped3A : memref<!tpu.dma_semaphore, #tpu.memory_space<semaphore_mem>>) src(%dma_wait3A_43 : memref<49x320xi32, #tpu.memory_space<hbm>>) dst(%arg5 : memref<49x320xi32, #tpu.memory_space<vmem>>)
      tpu.yield
    }) : () -> ()
    %mul3A_1 = arith.constant 1568 : i32
    %mul3A_2 = arith.muli %add3A, %mul3A_1 : i32
    %dma_start3A = arith.constant 0 : i32
    %dma_start3A_3 = arith.constant 0 : i32
    %dma_start3A_4 = tpu.memref_slice %arg5[%dma_start3A, %dma_start3A_3] : memref<49x320xi32, #tpu.memory_space<vmem>> -> memref<1x320xi32, #tpu.memory_space<vmem>>
    %dma_start3A_5 = tpu.memref_squeeze %dma_start3A_4 : memref<1x320xi32, #tpu.memory_space<vmem>> -> memref<320xi32, #tpu.memory_space<vmem>>
    %dma_start3A_6 = arith.constant 0 : i32
    %dma_start3A_7 = arith.constant 0 : i32
    %dma_start3A_8 = tpu.memref_slice %arg2[%dma_start3A_6, %dma_start3A_7] : memref<50000x128xbf16, #tpu.memory_space<hbm>> -> memref<50000x128xbf16, #tpu.memory_space<hbm>>
    tpu.enqueue_indirect_dma source(%dma_start3A_8 : memref<50000x128xbf16, #tpu.memory_space<hbm>>) target(%arg6 : memref<320x128xbf16, #tpu.memory_space<vmem>>) offsets(%dma_start3A_5 : memref<320xi32, #tpu.memory_space<vmem>>) semaphore(%arg9 : memref<!tpu.dma_semaphore, #tpu.memory_space<semaphore_mem>>)
    %scan3A = arith.constant 0 : i32
    %scan3A_9 = arith.constant 0 : i32
    %scan3A_10 = arith.constant 24 : i32
    %scan3A_11 = arith.addi %scan3A_9, %scan3A_10 : i32
    %scan3A_12 = arith.constant 1 : i32
    scf.for %scan3A_28 = %scan3A_9 to %scan3A_11 step %scan3A_12  : i32 {
      %mul3A_29 = arith.constant 2 : i32
      %mul3A_30 = arith.muli %mul3A_29, %scan3A_28 : i32
      %add3A_31 = arith.constant 1 : i32
      %add3A_32 = arith.addi %mul3A_30, %add3A_31 : i32
      %lt3A = arith.constant 49 : i32
      %lt3A_33 = arith.cmpi slt, %add3A_32, %lt3A : i32
      %convert_element_type3A = arith.extui %lt3A_33 : i1 to i32
      %cond3A = arith.constant 0 : i32
      %cond3A_34 = arith.cmpi ne, %convert_element_type3A, %cond3A : i32
      scf.if %cond3A_34 {
        %add3A_76 = arith.constant 1 : i32
        %add3A_77 = arith.addi %mul3A_30, %add3A_76 : i32
        %dma_start3A_78 = arith.constant 0 : i32
        %dma_start3A_79 = tpu.memref_slice %arg5[%add3A_77, %dma_start3A_78] : memref<49x320xi32, #tpu.memory_space<vmem>> -> memref<1x320xi32, #tpu.memory_space<vmem>>
        %dma_start3A_80 = tpu.memref_squeeze %dma_start3A_79 : memref<1x320xi32, #tpu.memory_space<vmem>> -> memref<320xi32, #tpu.memory_space<vmem>>
        %dma_start3A_81 = arith.constant 0 : i32
        %dma_start3A_82 = arith.constant 0 : i32
        %dma_start3A_83 = tpu.memref_slice %arg2[%dma_start3A_81, %dma_start3A_82] : memref<50000x128xbf16, #tpu.memory_space<hbm>> -> memref<50000x128xbf16, #tpu.memory_space<hbm>>
        tpu.enqueue_indirect_dma source(%dma_start3A_83 : memref<50000x128xbf16, #tpu.memory_space<hbm>>) target(%arg7 : memref<320x128xbf16, #tpu.memory_space<vmem>>) offsets(%dma_start3A_80 : memref<320xi32, #tpu.memory_space<vmem>>) semaphore(%arg10 : memref<!tpu.dma_semaphore, #tpu.memory_space<semaphore_mem>>)
      } else {
      }
      %dma_wait3A_35 = arith.constant 0 : i32
      %dma_wait3A_36 = tpu.memref_slice %arg5[%mul3A_30, %dma_wait3A_35] : memref<49x320xi32, #tpu.memory_space<vmem>> -> memref<1x320xi32, #tpu.memory_space<vmem>>
      %dma_wait3A_37 = tpu.memref_squeeze %dma_wait3A_36 : memref<1x320xi32, #tpu.memory_space<vmem>> -> memref<320xi32, #tpu.memory_space<vmem>>
      %dma_wait3A_38 = arith.constant 0 : i32
      %dma_wait3A_39 = arith.constant 0 : i32
      %dma_wait3A_40 = tpu.memref_slice %arg2[%dma_wait3A_38, %dma_wait3A_39] : memref<50000x128xbf16, #tpu.memory_space<hbm>> -> memref<50000x128xbf16, #tpu.memory_space<hbm>>
      tpu.wait_indirect_dma semaphore(%arg9 : memref<!tpu.dma_semaphore, #tpu.memory_space<semaphore_mem>>) src(%dma_wait3A_40 : memref<50000x128xbf16, #tpu.memory_space<hbm>>) dst(%arg6 : memref<320x128xbf16, #tpu.memory_space<vmem>>)
      %scan3A_41 = arith.constant 0 : i32
      %scan3A_42 = arith.constant 0 : i32
      %scan3A_43 = arith.constant 32 : i32
      %scan3A_44 = arith.addi %scan3A_42, %scan3A_43 : i32
      %scan3A_45 = arith.constant 1 : i32
      scf.for %scan3A_76 = %scan3A_42 to %scan3A_44 step %scan3A_45  : i32 {
        %mul3A_77 = arith.constant 10 : i32
        %mul3A_78 = arith.muli %scan3A_76, %mul3A_77 : i32
        %get3A = arith.index_cast %mul3A_78 : i32 to index
        %get3A_79 = arith.constant 0 : index
        %get3A_80 = tpu.vector_load %arg6[%get3A, %get3A_79] {strides = array<i32>} : memref<320x128xbf16, #tpu.memory_space<vmem>>, vector<1x32xbf16>,
        %get3A_81 = vector.shape_cast %get3A_80 : vector<1x32xbf16> to vector<32xbf16>
        %add3A_82 = arith.constant 1 : i32
        %add3A_83 = arith.addi %mul3A_78, %add3A_82 : i32
        %get3A_84 = arith.index_cast %add3A_83 : i32 to index
        %get3A_85 = arith.constant 0 : index
        %get3A_86 = tpu.vector_load %arg6[%get3A_84, %get3A_85] {strides = array<i32>} : memref<320x128xbf16, #tpu.memory_space<vmem>>, vector<1x32xbf16>,
        %get3A_87 = vector.shape_cast %get3A_86 : vector<1x32xbf16> to vector<32xbf16>
        %max3A = arith.maximumf %get3A_81, %get3A_87 : vector<32xbf16>
        %add3A_88 = arith.constant 2 : i32
        %add3A_89 = arith.addi %mul3A_78, %add3A_88 : i32
        %get3A_90 = arith.index_cast %add3A_89 : i32 to index
        %get3A_91 = arith.constant 0 : index
        %get3A_92 = tpu.vector_load %arg6[%get3A_90, %get3A_91] {strides = array<i32>} : memref<320x128xbf16, #tpu.memory_space<vmem>>, vector<1x32xbf16>,
        %get3A_93 = vector.shape_cast %get3A_92 : vector<1x32xbf16> to vector<32xbf16>
        %max3A_94 = arith.maximumf %max3A, %get3A_93 : vector<32xbf16>
        %add3A_95 = arith.constant 3 : i32
        %add3A_96 = arith.addi %mul3A_78, %add3A_95 : i32
        %get3A_97 = arith.index_cast %add3A_96 : i32 to index
        %get3A_98 = arith.constant 0 : index
        %get3A_99 = tpu.vector_load %arg6[%get3A_97, %get3A_98] {strides = array<i32>} : memref<320x128xbf16, #tpu.memory_space<vmem>>, vector<1x32xbf16>,
        %get3A_100 = vector.shape_cast %get3A_99 : vector<1x32xbf16> to vector<32xbf16>
        %max3A_101 = arith.maximumf %max3A_94, %get3A_100 : vector<32xbf16>
        %add3A_102 = arith.constant 4 : i32
        %add3A_103 = arith.addi %mul3A_78, %add3A_102 : i32
        %get3A_104 = arith.index_cast %add3A_103 : i32 to index
        %get3A_105 = arith.constant 0 : index
        %get3A_106 = tpu.vector_load %arg6[%get3A_104, %get3A_105] {strides = array<i32>} : memref<320x128xbf16, #tpu.memory_space<vmem>>, vector<1x32xbf16>,
        %get3A_107 = vector.shape_cast %get3A_106 : vector<1x32xbf16> to vector<32xbf16>
        %max3A_108 = arith.maximumf %max3A_101, %get3A_107 : vector<32xbf16>
        %add3A_109 = arith.constant 5 : i32
        %add3A_110 = arith.addi %mul3A_78, %add3A_109 : i32
        %get3A_111 = arith.index_cast %add3A_110 : i32 to index
        %get3A_112 = arith.constant 0 : index
        %get3A_113 = tpu.vector_load %arg6[%get3A_111, %get3A_112] {strides = array<i32>} : memref<320x128xbf16, #tpu.memory_space<vmem>>, vector<1x32xbf16>,
        %get3A_114 = vector.shape_cast %get3A_113 : vector<1x32xbf16> to vector<32xbf16>
        %max3A_115 = arith.maximumf %max3A_108, %get3A_114 : vector<32xbf16>
        %add3A_116 = arith.constant 6 : i32
        %add3A_117 = arith.addi %mul3A_78, %add3A_116 : i32
        %get3A_118 = arith.index_cast %add3A_117 : i32 to index
        %get3A_119 = arith.constant 0 : index
        %get3A_120 = tpu.vector_load %arg6[%get3A_118, %get3A_119] {strides = array<i32>} : memref<320x128xbf16, #tpu.memory_space<vmem>>, vector<1x32xbf16>,
        %get3A_121 = vector.shape_cast %get3A_120 : vector<1x32xbf16> to vector<32xbf16>
        %max3A_122 = arith.maximumf %max3A_115, %get3A_121 : vector<32xbf16>
        %add3A_123 = arith.constant 7 : i32
        %add3A_124 = arith.addi %mul3A_78, %add3A_123 : i32
        %get3A_125 = arith.index_cast %add3A_124 : i32 to index
        %get3A_126 = arith.constant 0 : index
        %get3A_127 = tpu.vector_load %arg6[%get3A_125, %get3A_126] {strides = array<i32>} : memref<320x128xbf16, #tpu.memory_space<vmem>>, vector<1x32xbf16>,
        %get3A_128 = vector.shape_cast %get3A_127 : vector<1x32xbf16> to vector<32xbf16>
        %max3A_129 = arith.maximumf %max3A_122, %get3A_128 : vector<32xbf16>
        %add3A_130 = arith.constant 8 : i32
        %add3A_131 = arith.addi %mul3A_78, %add3A_130 : i32
        %get3A_132 = arith.index_cast %add3A_131 : i32 to index
        %get3A_133 = arith.constant 0 : index
        %get3A_134 = tpu.vector_load %arg6[%get3A_132, %get3A_133] {strides = array<i32>} : memref<320x128xbf16, #tpu.memory_space<vmem>>, vector<1x32xbf16>,
        %get3A_135 = vector.shape_cast %get3A_134 : vector<1x32xbf16> to vector<32xbf16>
        %max3A_136 = arith.maximumf %max3A_129, %get3A_135 : vector<32xbf16>
        %add3A_137 = arith.constant 9 : i32
        %add3A_138 = arith.addi %mul3A_78, %add3A_137 : i32
        %get3A_139 = arith.index_cast %add3A_138 : i32 to index
        %get3A_140 = arith.constant 0 : index
        %get3A_141 = tpu.vector_load %arg6[%get3A_139, %get3A_140] {strides = array<i32>} : memref<320x128xbf16, #tpu.memory_space<vmem>>, vector<1x32xbf16>,
        %get3A_142 = vector.shape_cast %get3A_141 : vector<1x32xbf16> to vector<32xbf16>
        %max3A_143 = arith.maximumf %max3A_136, %get3A_142 : vector<32xbf16>
        %swap3A = arith.index_cast %scan3A_76 : i32 to index
        %swap3A_144 = arith.constant 0 : index
        %swap3A_145 = tpu.vector_load %arg8[%swap3A, %swap3A_144] {strides = array<i32>} : memref<32x128xbf16, #tpu.memory_space<vmem>>, vector<1x32xbf16>,
        %swap3A_146 = vector.shape_cast %swap3A_145 : vector<1x32xbf16> to vector<32xbf16>
        %swap3A_147 = vector.shape_cast %max3A_143 : vector<32xbf16> to vector<1x32xbf16>
        tpu.vector_store %arg8[%swap3A, %swap3A_144], %swap3A_147 {strides = array<i32>} : memref<32x128xbf16, #tpu.memory_space<vmem>>, vector<1x32xbf16>,
        %get3A_148 = arith.index_cast %mul3A_78 : i32 to index
        %get3A_149 = arith.constant 32 : index
        %get3A_150 = tpu.vector_load %arg6[%get3A_148, %get3A_149] {strides = array<i32>} : memref<320x128xbf16, #tpu.memory_space<vmem>>, vector<1x32xbf16>,
        %get3A_151 = vector.shape_cast %get3A_150 : vector<1x32xbf16> to vector<32xbf16>
        %add3A_152 = arith.constant 1 : i32
        %add3A_153 = arith.addi %mul3A_78, %add3A_152 : i32
        %get3A_154 = arith.index_cast %add3A_153 : i32 to index
        %get3A_155 = arith.constant 32 : index
        %get3A_156 = tpu.vector_load %arg6[%get3A_154, %get3A_155] {strides = array<i32>} : memref<320x128xbf16, #tpu.memory_space<vmem>>, vector<1x32xbf16>,
        %get3A_157 = vector.shape_cast %get3A_156 : vector<1x32xbf16> to vector<32xbf16>
        %max3A_158 = arith.maximumf %get3A_151, %get3A_157 : vector<32xbf16>
        %add3A_159 = arith.constant 2 : i32
        %add3A_160 = arith.addi %mul3A_78, %add3A_159 : i32
        %get3A_161 = arith.index_cast %add3A_160 : i32 to index
        %get3A_162 = arith.constant 32 : index
        %get3A_163 = tpu.vector_load %arg6[%get3A_161, %get3A_162] {strides = array<i32>} : memref<320x128xbf16, #tpu.memory_space<vmem>>, vector<1x32xbf16>,
        %get3A_164 = vector.shape_cast %get3A_163 : vector<1x32xbf16> to vector<32xbf16>
        %max3A_165 = arith.maximumf %max3A_158, %get3A_164 : vector<32xbf16>
        %add3A_166 = arith.constant 3 : i32
        %add3A_167 = arith.addi %mul3A_78, %add3A_166 : i32
        %get3A_168 = arith.index_cast %add3A_167 : i32 to index
        %get3A_169 = arith.constant 32 : index
        %get3A_170 = tpu.vector_load %arg6[%get3A_168, %get3A_169] {strides = array<i32>} : memref<320x128xbf16, #tpu.memory_space<vmem>>, vector<1x32xbf16>,
        %get3A_171 = vector.shape_cast %get3A_170 : vector<1x32xbf16> to vector<32xbf16>
        %max3A_172 = arith.maximumf %max3A_165, %get3A_171 : vector<32xbf16>
        %add3A_173 = arith.constant 4 : i32
        %add3A_174 = arith.addi %mul3A_78, %add3A_173 : i32
        %get3A_175 = arith.index_cast %add3A_174 : i32 to index
        %get3A_176 = arith.constant 32 : index
        %get3A_177 = tpu.vector_load %arg6[%get3A_175, %get3A_176] {strides = array<i32>} : memref<320x128xbf16, #tpu.memory_space<vmem>>, vector<1x32xbf16>,
        %get3A_178 = vector.shape_cast %get3A_177 : vector<1x32xbf16> to vector<32xbf16>
        %max3A_179 = arith.maximumf %max3A_172, %get3A_178 : vector<32xbf16>
        %add3A_180 = arith.constant 5 : i32
        %add3A_181 = arith.addi %mul3A_78, %add3A_180 : i32
        %get3A_182 = arith.index_cast %add3A_181 : i32 to index
        %get3A_183 = arith.constant 32 : index
        %get3A_184 = tpu.vector_load %arg6[%get3A_182, %get3A_183] {strides = array<i32>} : memref<320x128xbf16, #tpu.memory_space<vmem>>, vector<1x32xbf16>,
        %get3A_185 = vector.shape_cast %get3A_184 : vector<1x32xbf16> to vector<32xbf16>
        %max3A_186 = arith.maximumf %max3A_179, %get3A_185 : vector<32xbf16>
        %add3A_187 = arith.constant 6 : i32
        %add3A_188 = arith.addi %mul3A_78, %add3A_187 : i32
        %get3A_189 = arith.index_cast %add3A_188 : i32 to index
        %get3A_190 = arith.constant 32 : index
        %get3A_191 = tpu.vector_load %arg6[%get3A_189, %get3A_190] {strides = array<i32>} : memref<320x128xbf16, #tpu.memory_space<vmem>>, vector<1x32xbf16>,
        %get3A_192 = vector.shape_cast %get3A_191 : vector<1x32xbf16> to vector<32xbf16>
        %max3A_193 = arith.maximumf %max3A_186, %get3A_192 : vector<32xbf16>
        %add3A_194 = arith.constant 7 : i32
        %add3A_195 = arith.addi %mul3A_78, %add3A_194 : i32
        %get3A_196 = arith.index_cast %add3A_195 : i32 to index
        %get3A_197 = arith.constant 32 : index
        %get3A_198 = tpu.vector_load %arg6[%get3A_196, %get3A_197] {strides = array<i32>} : memref<320x128xbf16, #tpu.memory_space<vmem>>, vector<1x32xbf16>,
        %get3A_199 = vector.shape_cast %get3A_198 : vector<1x32xbf16> to vector<32xbf16>
        %max3A_200 = arith.maximumf %max3A_193, %get3A_199 : vector<32xbf16>
        %add3A_201 = arith.constant 8 : i32
        %add3A_202 = arith.addi %mul3A_78, %add3A_201 : i32
        %get3A_203 = arith.index_cast %add3A_202 : i32 to index
        %get3A_204 = arith.constant 32 : index
        %get3A_205 = tpu.vector_load %arg6[%get3A_203, %get3A_204] {strides = array<i32>} : memref<320x128xbf16, #tpu.memory_space<vmem>>, vector<1x32xbf16>,
        %get3A_206 = vector.shape_cast %get3A_205 : vector<1x32xbf16> to vector<32xbf16>
        %max3A_207 = arith.maximumf %max3A_200, %get3A_206 : vector<32xbf16>
        %add3A_208 = arith.constant 9 : i32
        %add3A_209 = arith.addi %mul3A_78, %add3A_208 : i32
        %get3A_210 = arith.index_cast %add3A_209 : i32 to index
        %get3A_211 = arith.constant 32 : index
        %get3A_212 = tpu.vector_load %arg6[%get3A_210, %get3A_211] {strides = array<i32>} : memref<320x128xbf16, #tpu.memory_space<vmem>>, vector<1x32xbf16>,
        %get3A_213 = vector.shape_cast %get3A_212 : vector<1x32xbf16> to vector<32xbf16>
        %max3A_214 = arith.maximumf %max3A_207, %get3A_213 : vector<32xbf16>
        %swap3A_215 = arith.index_cast %scan3A_76 : i32 to index
        %swap3A_216 = arith.constant 32 : index
        %swap3A_217 = tpu.vector_load %arg8[%swap3A_215, %swap3A_216] {strides = array<i32>} : memref<32x128xbf16, #tpu.memory_space<vmem>>, vector<1x32xbf16>,
        %swap3A_218 = vector.shape_cast %swap3A_217 : vector<1x32xbf16> to vector<32xbf16>
        %swap3A_219 = vector.shape_cast %max3A_214 : vector<32xbf16> to vector<1x32xbf16>
        tpu.vector_store %arg8[%swap3A_215, %swap3A_216], %swap3A_219 {strides = array<i32>} : memref<32x128xbf16, #tpu.memory_space<vmem>>, vector<1x32xbf16>,
        %get3A_220 = arith.index_cast %mul3A_78 : i32 to index
        %get3A_221 = arith.constant 64 : index
        %get3A_222 = tpu.vector_load %arg6[%get3A_220, %get3A_221] {strides = array<i32>} : memref<320x128xbf16, #tpu.memory_space<vmem>>, vector<1x32xbf16>,
        %get3A_223 = vector.shape_cast %get3A_222 : vector<1x32xbf16> to vector<32xbf16>
        %add3A_224 = arith.constant 1 : i32
        %add3A_225 = arith.addi %mul3A_78, %add3A_224 : i32
        %get3A_226 = arith.index_cast %add3A_225 : i32 to index
        %get3A_227 = arith.constant 64 : index
        %get3A_228 = tpu.vector_load %arg6[%get3A_226, %get3A_227] {strides = array<i32>} : memref<320x128xbf16, #tpu.memory_space<vmem>>, vector<1x32xbf16>,
        %get3A_229 = vector.shape_cast %get3A_228 : vector<1x32xbf16> to vector<32xbf16>
        %max3A_230 = arith.maximumf %get3A_223, %get3A_229 : vector<32xbf16>
        %add3A_231 = arith.constant 2 : i32
        %add3A_232 = arith.addi %mul3A_78, %add3A_231 : i32
        %get3A_233 = arith.index_cast %add3A_232 : i32 to index
        %get3A_234 = arith.constant 64 : index
        %get3A_235 = tpu.vector_load %arg6[%get3A_233, %get3A_234] {strides = array<i32>} : memref<320x128xbf16, #tpu.memory_space<vmem>>, vector<1x32xbf16>,
        %get3A_236 = vector.shape_cast %get3A_235 : vector<1x32xbf16> to vector<32xbf16>
        %max3A_237 = arith.maximumf %max3A_230, %get3A_236 : vector<32xbf16>
        %add3A_238 = arith.constant 3 : i32
        %add3A_239 = arith.addi %mul3A_78, %add3A_238 : i32
        %get3A_240 = arith.index_cast %add3A_239 : i32 to index
        %get3A_241 = arith.constant 64 : index
        %get3A_242 = tpu.vector_load %arg6[%get3A_240, %get3A_241] {strides = array<i32>} : memref<320x128xbf16, #tpu.memory_space<vmem>>, vector<1x32xbf16>,
        %get3A_243 = vector.shape_cast %get3A_242 : vector<1x32xbf16> to vector<32xbf16>
        %max3A_244 = arith.maximumf %max3A_237, %get3A_243 : vector<32xbf16>
        %add3A_245 = arith.constant 4 : i32
        %add3A_246 = arith.addi %mul3A_78, %add3A_245 : i32
        %get3A_247 = arith.index_cast %add3A_246 : i32 to index
        %get3A_248 = arith.constant 64 : index
        %get3A_249 = tpu.vector_load %arg6[%get3A_247, %get3A_248] {strides = array<i32>} : memref<320x128xbf16, #tpu.memory_space<vmem>>, vector<1x32xbf16>,
        %get3A_250 = vector.shape_cast %get3A_249 : vector<1x32xbf16> to vector<32xbf16>
        %max3A_251 = arith.maximumf %max3A_244, %get3A_250 : vector<32xbf16>
        %add3A_252 = arith.constant 5 : i32
        %add3A_253 = arith.addi %mul3A_78, %add3A_252 : i32
        %get3A_254 = arith.index_cast %add3A_253 : i32 to index
        %get3A_255 = arith.constant 64 : index
        %get3A_256 = tpu.vector_load %arg6[%get3A_254, %get3A_255] {strides = array<i32>} : memref<320x128xbf16, #tpu.memory_space<vmem>>, vector<1x32xbf16>,
        %get3A_257 = vector.shape_cast %get3A_256 : vector<1x32xbf16> to vector<32xbf16>
        %max3A_258 = arith.maximumf %max3A_251, %get3A_257 : vector<32xbf16>
        %add3A_259 = arith.constant 6 : i32
        %add3A_260 = arith.addi %mul3A_78, %add3A_259 : i32
        %get3A_261 = arith.index_cast %add3A_260 : i32 to index
        %get3A_262 = arith.constant 64 : index
        %get3A_263 = tpu.vector_load %arg6[%get3A_261, %get3A_262] {strides = array<i32>} : memref<320x128xbf16, #tpu.memory_space<vmem>>, vector<1x32xbf16>,
        %get3A_264 = vector.shape_cast %get3A_263 : vector<1x32xbf16> to vector<32xbf16>
        %max3A_265 = arith.maximumf %max3A_258, %get3A_264 : vector<32xbf16>
        %add3A_266 = arith.constant 7 : i32
        %add3A_267 = arith.addi %mul3A_78, %add3A_266 : i32
        %get3A_268 = arith.index_cast %add3A_267 : i32 to index
        %get3A_269 = arith.constant 64 : index
        %get3A_270 = tpu.vector_load %arg6[%get3A_268, %get3A_269] {strides = array<i32>} : memref<320x128xbf16, #tpu.memory_space<vmem>>, vector<1x32xbf16>,
        %get3A_271 = vector.shape_cast %get3A_270 : vector<1x32xbf16> to vector<32xbf16>
        %max3A_272 = arith.maximumf %max3A_265, %get3A_271 : vector<32xbf16>
        %add3A_273 = arith.constant 8 : i32
        %add3A_274 = arith.addi %mul3A_78, %add3A_273 : i32
        %get3A_275 = arith.index_cast %add3A_274 : i32 to index
        %get3A_276 = arith.constant 64 : index
        %get3A_277 = tpu.vector_load %arg6[%get3A_275, %get3A_276] {strides = array<i32>} : memref<320x128xbf16, #tpu.memory_space<vmem>>, vector<1x32xbf16>,
        %get3A_278 = vector.shape_cast %get3A_277 : vector<1x32xbf16> to vector<32xbf16>
        %max3A_279 = arith.maximumf %max3A_272, %get3A_278 : vector<32xbf16>
        %add3A_280 = arith.constant 9 : i32
        %add3A_281 = arith.addi %mul3A_78, %add3A_280 : i32
        %get3A_282 = arith.index_cast %add3A_281 : i32 to index
        %get3A_283 = arith.constant 64 : index
        %get3A_284 = tpu.vector_load %arg6[%get3A_282, %get3A_283] {strides = array<i32>} : memref<320x128xbf16, #tpu.memory_space<vmem>>, vector<1x32xbf16>,
        %get3A_285 = vector.shape_cast %get3A_284 : vector<1x32xbf16> to vector<32xbf16>
        %max3A_286 = arith.maximumf %max3A_279, %get3A_285 : vector<32xbf16>
        %swap3A_287 = arith.index_cast %scan3A_76 : i32 to index
        %swap3A_288 = arith.constant 64 : index
        %swap3A_289 = tpu.vector_load %arg8[%swap3A_287, %swap3A_288] {strides = array<i32>} : memref<32x128xbf16, #tpu.memory_space<vmem>>, vector<1x32xbf16>,
        %swap3A_290 = vector.shape_cast %swap3A_289 : vector<1x32xbf16> to vector<32xbf16>
        %swap3A_291 = vector.shape_cast %max3A_286 : vector<32xbf16> to vector<1x32xbf16>
        tpu.vector_store %arg8[%swap3A_287, %swap3A_288], %swap3A_291 {strides = array<i32>} : memref<32x128xbf16, #tpu.memory_space<vmem>>, vector<1x32xbf16>,
        %get3A_292 = arith.index_cast %mul3A_78 : i32 to index
        %get3A_293 = arith.constant 96 : index
        %get3A_294 = tpu.vector_load %arg6[%get3A_292, %get3A_293] {strides = array<i32>} : memref<320x128xbf16, #tpu.memory_space<vmem>>, vector<1x32xbf16>,
        %get3A_295 = vector.shape_cast %get3A_294 : vector<1x32xbf16> to vector<32xbf16>
        %add3A_296 = arith.constant 1 : i32
        %add3A_297 = arith.addi %mul3A_78, %add3A_296 : i32
        %get3A_298 = arith.index_cast %add3A_297 : i32 to index
        %get3A_299 = arith.constant 96 : index
        %get3A_300 = tpu.vector_load %arg6[%get3A_298, %get3A_299] {strides = array<i32>} : memref<320x128xbf16, #tpu.memory_space<vmem>>, vector<1x32xbf16>,
        %get3A_301 = vector.shape_cast %get3A_300 : vector<1x32xbf16> to vector<32xbf16>
        %max3A_302 = arith.maximumf %get3A_295, %get3A_301 : vector<32xbf16>
        %add3A_303 = arith.constant 2 : i32
        %add3A_304 = arith.addi %mul3A_78, %add3A_303 : i32
        %get3A_305 = arith.index_cast %add3A_304 : i32 to index
        %get3A_306 = arith.constant 96 : index
        %get3A_307 = tpu.vector_load %arg6[%get3A_305, %get3A_306] {strides = array<i32>} : memref<320x128xbf16, #tpu.memory_space<vmem>>, vector<1x32xbf16>,
        %get3A_308 = vector.shape_cast %get3A_307 : vector<1x32xbf16> to vector<32xbf16>
        %max3A_309 = arith.maximumf %max3A_302, %get3A_308 : vector<32xbf16>
        %add3A_310 = arith.constant 3 : i32
        %add3A_311 = arith.addi %mul3A_78, %add3A_310 : i32
        %get3A_312 = arith.index_cast %add3A_311 : i32 to index
        %get3A_313 = arith.constant 96 : index
        %get3A_314 = tpu.vector_load %arg6[%get3A_312, %get3A_313] {strides = array<i32>} : memref<320x128xbf16, #tpu.memory_space<vmem>>, vector<1x32xbf16>,
        %get3A_315 = vector.shape_cast %get3A_314 : vector<1x32xbf16> to vector<32xbf16>
        %max3A_316 = arith.maximumf %max3A_309, %get3A_315 : vector<32xbf16>
        %add3A_317 = arith.constant 4 : i32
        %add3A_318 = arith.addi %mul3A_78, %add3A_317 : i32
        %get3A_319 = arith.index_cast %add3A_318 : i32 to index
        %get3A_320 = arith.constant 96 : index
        %get3A_321 = tpu.vector_load %arg6[%get3A_319, %get3A_320] {strides = array<i32>} : memref<320x128xbf16, #tpu.memory_space<vmem>>, vector<1x32xbf16>,
        %get3A_322 = vector.shape_cast %get3A_321 : vector<1x32xbf16> to vector<32xbf16>
        %max3A_323 = arith.maximumf %max3A_316, %get3A_322 : vector<32xbf16>
        %add3A_324 = arith.constant 5 : i32
        %add3A_325 = arith.addi %mul3A_78, %add3A_324 : i32
        %get3A_326 = arith.index_cast %add3A_325 : i32 to index
        %get3A_327 = arith.constant 96 : index
        %get3A_328 = tpu.vector_load %arg6[%get3A_326, %get3A_327] {strides = array<i32>} : memref<320x128xbf16, #tpu.memory_space<vmem>>, vector<1x32xbf16>,
        %get3A_329 = vector.shape_cast %get3A_328 : vector<1x32xbf16> to vector<32xbf16>
        %max3A_330 = arith.maximumf %max3A_323, %get3A_329 : vector<32xbf16>
        %add3A_331 = arith.constant 6 : i32
        %add3A_332 = arith.addi %mul3A_78, %add3A_331 : i32
        %get3A_333 = arith.index_cast %add3A_332 : i32 to index
        %get3A_334 = arith.constant 96 : index
        %get3A_335 = tpu.vector_load %arg6[%get3A_333, %get3A_334] {strides = array<i32>} : memref<320x128xbf16, #tpu.memory_space<vmem>>, vector<1x32xbf16>,
        %get3A_336 = vector.shape_cast %get3A_335 : vector<1x32xbf16> to vector<32xbf16>
        %max3A_337 = arith.maximumf %max3A_330, %get3A_336 : vector<32xbf16>
        %add3A_338 = arith.constant 7 : i32
        %add3A_339 = arith.addi %mul3A_78, %add3A_338 : i32
        %get3A_340 = arith.index_cast %add3A_339 : i32 to index
        %get3A_341 = arith.constant 96 : index
        %get3A_342 = tpu.vector_load %arg6[%get3A_340, %get3A_341] {strides = array<i32>} : memref<320x128xbf16, #tpu.memory_space<vmem>>, vector<1x32xbf16>,
        %get3A_343 = vector.shape_cast %get3A_342 : vector<1x32xbf16> to vector<32xbf16>
        %max3A_344 = arith.maximumf %max3A_337, %get3A_343 : vector<32xbf16>
        %add3A_345 = arith.constant 8 : i32
        %add3A_346 = arith.addi %mul3A_78, %add3A_345 : i32
        %get3A_347 = arith.index_cast %add3A_346 : i32 to index
        %get3A_348 = arith.constant 96 : index
        %get3A_349 = tpu.vector_load %arg6[%get3A_347, %get3A_348] {strides = array<i32>} : memref<320x128xbf16, #tpu.memory_space<vmem>>, vector<1x32xbf16>,
        %get3A_350 = vector.shape_cast %get3A_349 : vector<1x32xbf16> to vector<32xbf16>
        %max3A_351 = arith.maximumf %max3A_344, %get3A_350 : vector<32xbf16>
        %add3A_352 = arith.constant 9 : i32
        %add3A_353 = arith.addi %mul3A_78, %add3A_352 : i32
        %get3A_354 = arith.index_cast %add3A_353 : i32 to index
        %get3A_355 = arith.constant 96 : index
        %get3A_356 = tpu.vector_load %arg6[%get3A_354, %get3A_355] {strides = array<i32>} : memref<320x128xbf16, #tpu.memory_space<vmem>>, vector<1x32xbf16>,
        %get3A_357 = vector.shape_cast %get3A_356 : vector<1x32xbf16> to vector<32xbf16>
        %max3A_358 = arith.maximumf %max3A_351, %get3A_357 : vector<32xbf16>
        %swap3A_359 = arith.index_cast %scan3A_76 : i32 to index
        %swap3A_360 = arith.constant 96 : index
        %swap3A_361 = tpu.vector_load %arg8[%swap3A_359, %swap3A_360] {strides = array<i32>} : memref<32x128xbf16, #tpu.memory_space<vmem>>, vector<1x32xbf16>,
        %swap3A_362 = vector.shape_cast %swap3A_361 : vector<1x32xbf16> to vector<32xbf16>
        %swap3A_363 = vector.shape_cast %max3A_358 : vector<32xbf16> to vector<1x32xbf16>
        tpu.vector_store %arg8[%swap3A_359, %swap3A_360], %swap3A_363 {strides = array<i32>} : memref<32x128xbf16, #tpu.memory_space<vmem>>, vector<1x32xbf16>,
      }
      %scan3A_46 = arith.constant 32 : i32
      %mul3A_47 = arith.constant 32 : i32
      %mul3A_48 = arith.muli %mul3A_30, %mul3A_47 : i32
      %add3A_49 = arith.addi %mul3A_2, %mul3A_48 : i32
      "tpu.region"() ({
        %run_scoped3A = tpu.sem_alloc : memref<!tpu.dma_semaphore, #tpu.memory_space<semaphore_mem>>
        %dma_start3A_76 = arith.constant 0 : i32
        %dma_start3A_77 = tpu.memref_slice %arg4[%add3A_49, %dma_start3A_76] : memref<50176x128xbf16, #tpu.memory_space<hbm>> -> memref<32x128xbf16, #tpu.memory_space<hbm>>
        %dma_start3A_78 = arith.constant 0 : i32
        %dma_start3A_79 = tpu.memref_slice %arg4[%add3A_49, %dma_start3A_78] : memref<50176x128xbf16, #tpu.memory_space<hbm>> -> memref<32x128xbf16, #tpu.memory_space<hbm>>
        tpu.enqueue_dma source(%arg8 : memref<32x128xbf16, #tpu.memory_space<vmem>>) target(%dma_start3A_79 : memref<32x128xbf16, #tpu.memory_space<hbm>>) target_semaphore(%run_scoped3A : memref<!tpu.dma_semaphore, #tpu.memory_space<semaphore_mem>>)
        %dma_wait3A_80 = arith.constant 0 : i32
        %dma_wait3A_81 = tpu.memref_slice %arg4[%add3A_49, %dma_wait3A_80] : memref<50176x128xbf16, #tpu.memory_space<hbm>> -> memref<32x128xbf16, #tpu.memory_space<hbm>>
        %dma_wait3A_82 = arith.constant 0 : i32
        %dma_wait3A_83 = tpu.memref_slice %arg4[%add3A_49, %dma_wait3A_82] : memref<50176x128xbf16, #tpu.memory_space<hbm>> -> memref<32x128xbf16, #tpu.memory_space<hbm>>
        tpu.wait_dma2 semaphore(%run_scoped3A : memref<!tpu.dma_semaphore, #tpu.memory_space<semaphore_mem>>) src(%arg8 : memref<32x128xbf16, #tpu.memory_space<vmem>>) dst(%dma_wait3A_83 : memref<32x128xbf16, #tpu.memory_space<hbm>>)
        tpu.yield
      }) : () -> ()
      %mul3A_50 = arith.constant 2 : i32
      %mul3A_51 = arith.muli %mul3A_50, %scan3A_28 : i32
      %add3A_52 = arith.constant 1 : i32
      %add3A_53 = arith.addi %mul3A_51, %add3A_52 : i32
      %add3A_54 = arith.constant 1 : i32
      %add3A_55 = arith.addi %add3A_53, %add3A_54 : i32
      %lt3A_56 = arith.constant 49 : i32
      %lt3A_57 = arith.cmpi slt, %add3A_55, %lt3A_56 : i32
      %convert_element_type3A_58 = arith.extui %lt3A_57 : i1 to i32
      %cond3A_59 = arith.constant 0 : i32
      %cond3A_60 = arith.cmpi ne, %convert_element_type3A_58, %cond3A_59 : i32
      scf.if %cond3A_60 {
        %add3A_76 = arith.constant 1 : i32
        %add3A_77 = arith.addi %add3A_53, %add3A_76 : i32
        %dma_start3A_78 = arith.constant 0 : i32
        %dma_start3A_79 = tpu.memref_slice %arg5[%add3A_77, %dma_start3A_78] : memref<49x320xi32, #tpu.memory_space<vmem>> -> memref<1x320xi32, #tpu.memory_space<vmem>>
        %dma_start3A_80 = tpu.memref_squeeze %dma_start3A_79 : memref<1x320xi32, #tpu.memory_space<vmem>> -> memref<320xi32, #tpu.memory_space<vmem>>
        %dma_start3A_81 = arith.constant 0 : i32
        %dma_start3A_82 = arith.constant 0 : i32
        %dma_start3A_83 = tpu.memref_slice %arg2[%dma_start3A_81, %dma_start3A_82] : memref<50000x128xbf16, #tpu.memory_space<hbm>> -> memref<50000x128xbf16, #tpu.memory_space<hbm>>
        tpu.enqueue_indirect_dma source(%dma_start3A_83 : memref<50000x128xbf16, #tpu.memory_space<hbm>>) target(%arg6 : memref<320x128xbf16, #tpu.memory_space<vmem>>) offsets(%dma_start3A_80 : memref<320xi32, #tpu.memory_space<vmem>>) semaphore(%arg9 : memref<!tpu.dma_semaphore, #tpu.memory_space<semaphore_mem>>)
      } else {
      }
      %dma_wait3A_61 = arith.constant 0 : i32
      %dma_wait3A_62 = tpu.memref_slice %arg5[%add3A_53, %dma_wait3A_61] : memref<49x320xi32, #tpu.memory_space<vmem>> -> memref<1x320xi32, #tpu.memory_space<vmem>>
      %dma_wait3A_63 = tpu.memref_squeeze %dma_wait3A_62 : memref<1x320xi32, #tpu.memory_space<vmem>> -> memref<320xi32, #tpu.memory_space<vmem>>
      %dma_wait3A_64 = arith.constant 0 : i32
      %dma_wait3A_65 = arith.constant 0 : i32
      %dma_wait3A_66 = tpu.memref_slice %arg2[%dma_wait3A_64, %dma_wait3A_65] : memref<50000x128xbf16, #tpu.memory_space<hbm>> -> memref<50000x128xbf16, #tpu.memory_space<hbm>>
      tpu.wait_indirect_dma semaphore(%arg10 : memref<!tpu.dma_semaphore, #tpu.memory_space<semaphore_mem>>) src(%dma_wait3A_66 : memref<50000x128xbf16, #tpu.memory_space<hbm>>) dst(%arg7 : memref<320x128xbf16, #tpu.memory_space<vmem>>)
      %scan3A_67 = arith.constant 0 : i32
      %scan3A_68 = arith.constant 0 : i32
      %scan3A_69 = arith.constant 32 : i32
      %scan3A_70 = arith.addi %scan3A_68, %scan3A_69 : i32
      %scan3A_71 = arith.constant 1 : i32
      scf.for %scan3A_76 = %scan3A_68 to %scan3A_70 step %scan3A_71  : i32 {
        %mul3A_77 = arith.constant 10 : i32
        %mul3A_78 = arith.muli %scan3A_76, %mul3A_77 : i32
        %get3A = arith.index_cast %mul3A_78 : i32 to index
        %get3A_79 = arith.constant 0 : index
        %get3A_80 = tpu.vector_load %arg7[%get3A, %get3A_79] {strides = array<i32>} : memref<320x128xbf16, #tpu.memory_space<vmem>>, vector<1x32xbf16>,
        %get3A_81 = vector.shape_cast %get3A_80 : vector<1x32xbf16> to vector<32xbf16>
        %add3A_82 = arith.constant 1 : i32
        %add3A_83 = arith.addi %mul3A_78, %add3A_82 : i32
        %get3A_84 = arith.index_cast %add3A_83 : i32 to index
        %get3A_85 = arith.constant 0 : index
        %get3A_86 = tpu.vector_load %arg7[%get3A_84, %get3A_85] {strides = array<i32>} : memref<320x128xbf16, #tpu.memory_space<vmem>>, vector<1x32xbf16>,
        %get3A_87 = vector.shape_cast %get3A_86 : vector<1x32xbf16> to vector<32xbf16>
        %max3A = arith.maximumf %get3A_81, %get3A_87 : vector<32xbf16>
        %add3A_88 = arith.constant 2 : i32
        %add3A_89 = arith.addi %mul3A_78, %add3A_88 : i32
        %get3A_90 = arith.index_cast %add3A_89 : i32 to index
        %get3A_91 = arith.constant 0 : index
        %get3A_92 = tpu.vector_load %arg7[%get3A_90, %get3A_91] {strides = array<i32>} : memref<320x128xbf16, #tpu.memory_space<vmem>>, vector<1x32xbf16>,
        %get3A_93 = vector.shape_cast %get3A_92 : vector<1x32xbf16> to vector<32xbf16>
        %max3A_94 = arith.maximumf %max3A, %get3A_93 : vector<32xbf16>
        %add3A_95 = arith.constant 3 : i32
        %add3A_96 = arith.addi %mul3A_78, %add3A_95 : i32
        %get3A_97 = arith.index_cast %add3A_96 : i32 to index
        %get3A_98 = arith.constant 0 : index
        %get3A_99 = tpu.vector_load %arg7[%get3A_97, %get3A_98] {strides = array<i32>} : memref<320x128xbf16, #tpu.memory_space<vmem>>, vector<1x32xbf16>,
        %get3A_100 = vector.shape_cast %get3A_99 : vector<1x32xbf16> to vector<32xbf16>
        %max3A_101 = arith.maximumf %max3A_94, %get3A_100 : vector<32xbf16>
        %add3A_102 = arith.constant 4 : i32
        %add3A_103 = arith.addi %mul3A_78, %add3A_102 : i32
        %get3A_104 = arith.index_cast %add3A_103 : i32 to index
        %get3A_105 = arith.constant 0 : index
        %get3A_106 = tpu.vector_load %arg7[%get3A_104, %get3A_105] {strides = array<i32>} : memref<320x128xbf16, #tpu.memory_space<vmem>>, vector<1x32xbf16>,
        %get3A_107 = vector.shape_cast %get3A_106 : vector<1x32xbf16> to vector<32xbf16>
        %max3A_108 = arith.maximumf %max3A_101, %get3A_107 : vector<32xbf16>
        %add3A_109 = arith.constant 5 : i32
        %add3A_110 = arith.addi %mul3A_78, %add3A_109 : i32
        %get3A_111 = arith.index_cast %add3A_110 : i32 to index
        %get3A_112 = arith.constant 0 : index
        %get3A_113 = tpu.vector_load %arg7[%get3A_111, %get3A_112] {strides = array<i32>} : memref<320x128xbf16, #tpu.memory_space<vmem>>, vector<1x32xbf16>,
        %get3A_114 = vector.shape_cast %get3A_113 : vector<1x32xbf16> to vector<32xbf16>
        %max3A_115 = arith.maximumf %max3A_108, %get3A_114 : vector<32xbf16>
        %add3A_116 = arith.constant 6 : i32
        %add3A_117 = arith.addi %mul3A_78, %add3A_116 : i32
        %get3A_118 = arith.index_cast %add3A_117 : i32 to index
        %get3A_119 = arith.constant 0 : index
        %get3A_120 = tpu.vector_load %arg7[%get3A_118, %get3A_119] {strides = array<i32>} : memref<320x128xbf16, #tpu.memory_space<vmem>>, vector<1x32xbf16>,
        %get3A_121 = vector.shape_cast %get3A_120 : vector<1x32xbf16> to vector<32xbf16>
        %max3A_122 = arith.maximumf %max3A_115, %get3A_121 : vector<32xbf16>
        %add3A_123 = arith.constant 7 : i32
        %add3A_124 = arith.addi %mul3A_78, %add3A_123 : i32
        %get3A_125 = arith.index_cast %add3A_124 : i32 to index
        %get3A_126 = arith.constant 0 : index
        %get3A_127 = tpu.vector_load %arg7[%get3A_125, %get3A_126] {strides = array<i32>} : memref<320x128xbf16, #tpu.memory_space<vmem>>, vector<1x32xbf16>,
        %get3A_128 = vector.shape_cast %get3A_127 : vector<1x32xbf16> to vector<32xbf16>
        %max3A_129 = arith.maximumf %max3A_122, %get3A_128 : vector<32xbf16>
        %add3A_130 = arith.constant 8 : i32
        %add3A_131 = arith.addi %mul3A_78, %add3A_130 : i32
        %get3A_132 = arith.index_cast %add3A_131 : i32 to index
        %get3A_133 = arith.constant 0 : index
        %get3A_134 = tpu.vector_load %arg7[%get3A_132, %get3A_133] {strides = array<i32>} : memref<320x128xbf16, #tpu.memory_space<vmem>>, vector<1x32xbf16>,
        %get3A_135 = vector.shape_cast %get3A_134 : vector<1x32xbf16> to vector<32xbf16>
        %max3A_136 = arith.maximumf %max3A_129, %get3A_135 : vector<32xbf16>
        %add3A_137 = arith.constant 9 : i32
        %add3A_138 = arith.addi %mul3A_78, %add3A_137 : i32
        %get3A_139 = arith.index_cast %add3A_138 : i32 to index
        %get3A_140 = arith.constant 0 : index
        %get3A_141 = tpu.vector_load %arg7[%get3A_139, %get3A_140] {strides = array<i32>} : memref<320x128xbf16, #tpu.memory_space<vmem>>, vector<1x32xbf16>,
        %get3A_142 = vector.shape_cast %get3A_141 : vector<1x32xbf16> to vector<32xbf16>
        %max3A_143 = arith.maximumf %max3A_136, %get3A_142 : vector<32xbf16>
        %swap3A = arith.index_cast %scan3A_76 : i32 to index
        %swap3A_144 = arith.constant 0 : index
        %swap3A_145 = tpu.vector_load %arg8[%swap3A, %swap3A_144] {strides = array<i32>} : memref<32x128xbf16, #tpu.memory_space<vmem>>, vector<1x32xbf16>,
        %swap3A_146 = vector.shape_cast %swap3A_145 : vector<1x32xbf16> to vector<32xbf16>
        %swap3A_147 = vector.shape_cast %max3A_143 : vector<32xbf16> to vector<1x32xbf16>
        tpu.vector_store %arg8[%swap3A, %swap3A_144], %swap3A_147 {strides = array<i32>} : memref<32x128xbf16, #tpu.memory_space<vmem>>, vector<1x32xbf16>,
        %get3A_148 = arith.index_cast %mul3A_78 : i32 to index
        %get3A_149 = arith.constant 32 : index
        %get3A_150 = tpu.vector_load %arg7[%get3A_148, %get3A_149] {strides = array<i32>} : memref<320x128xbf16, #tpu.memory_space<vmem>>, vector<1x32xbf16>,
        %get3A_151 = vector.shape_cast %get3A_150 : vector<1x32xbf16> to vector<32xbf16>
        %add3A_152 = arith.constant 1 : i32
        %add3A_153 = arith.addi %mul3A_78, %add3A_152 : i32
        %get3A_154 = arith.index_cast %add3A_153 : i32 to index
        %get3A_155 = arith.constant 32 : index
        %get3A_156 = tpu.vector_load %arg7[%get3A_154, %get3A_155] {strides = array<i32>} : memref<320x128xbf16, #tpu.memory_space<vmem>>, vector<1x32xbf16>,
        %get3A_157 = vector.shape_cast %get3A_156 : vector<1x32xbf16> to vector<32xbf16>
        %max3A_158 = arith.maximumf %get3A_151, %get3A_157 : vector<32xbf16>
        %add3A_159 = arith.constant 2 : i32
        %add3A_160 = arith.addi %mul3A_78, %add3A_159 : i32
        %get3A_161 = arith.index_cast %add3A_160 : i32 to index
        %get3A_162 = arith.constant 32 : index
        %get3A_163 = tpu.vector_load %arg7[%get3A_161, %get3A_162] {strides = array<i32>} : memref<320x128xbf16, #tpu.memory_space<vmem>>, vector<1x32xbf16>,
        %get3A_164 = vector.shape_cast %get3A_163 : vector<1x32xbf16> to vector<32xbf16>
        %max3A_165 = arith.maximumf %max3A_158, %get3A_164 : vector<32xbf16>
        %add3A_166 = arith.constant 3 : i32
        %add3A_167 = arith.addi %mul3A_78, %add3A_166 : i32
        %get3A_168 = arith.index_cast %add3A_167 : i32 to index
        %get3A_169 = arith.constant 32 : index
        %get3A_170 = tpu.vector_load %arg7[%get3A_168, %get3A_169] {strides = array<i32>} : memref<320x128xbf16, #tpu.memory_space<vmem>>, vector<1x32xbf16>,
        %get3A_171 = vector.shape_cast %get3A_170 : vector<1x32xbf16> to vector<32xbf16>
        %max3A_172 = arith.maximumf %max3A_165, %get3A_171 : vector<32xbf16>
        %add3A_173 = arith.constant 4 : i32
        %add3A_174 = arith.addi %mul3A_78, %add3A_173 : i32
        %get3A_175 = arith.index_cast %add3A_174 : i32 to index
        %get3A_176 = arith.constant 32 : index
        %get3A_177 = tpu.vector_load %arg7[%get3A_175, %get3A_176] {strides = array<i32>} : memref<320x128xbf16, #tpu.memory_space<vmem>>, vector<1x32xbf16>,
        %get3A_178 = vector.shape_cast %get3A_177 : vector<1x32xbf16> to vector<32xbf16>
        %max3A_179 = arith.maximumf %max3A_172, %get3A_178 : vector<32xbf16>
        %add3A_180 = arith.constant 5 : i32
        %add3A_181 = arith.addi %mul3A_78, %add3A_180 : i32
        %get3A_182 = arith.index_cast %add3A_181 : i32 to index
        %get3A_183 = arith.constant 32 : index
        %get3A_184 = tpu.vector_load %arg7[%get3A_182, %get3A_183] {strides = array<i32>} : memref<320x128xbf16, #tpu.memory_space<vmem>>, vector<1x32xbf16>,
        %get3A_185 = vector.shape_cast %get3A_184 : vector<1x32xbf16> to vector<32xbf16>
        %max3A_186 = arith.maximumf %max3A_179, %get3A_185 : vector<32xbf16>
        %add3A_187 = arith.constant 6 : i32
        %add3A_188 = arith.addi %mul3A_78, %add3A_187 : i32
        %get3A_189 = arith.index_cast %add3A_188 : i32 to index
        %get3A_190 = arith.constant 32 : index
        %get3A_191 = tpu.vector_load %arg7[%get3A_189, %get3A_190] {strides = array<i32>} : memref<320x128xbf16, #tpu.memory_space<vmem>>, vector<1x32xbf16>,
        %get3A_192 = vector.shape_cast %get3A_191 : vector<1x32xbf16> to vector<32xbf16>
        %max3A_193 = arith.maximumf %max3A_186, %get3A_192 : vector<32xbf16>
        %add3A_194 = arith.constant 7 : i32
        %add3A_195 = arith.addi %mul3A_78, %add3A_194 : i32
        %get3A_196 = arith.index_cast %add3A_195 : i32 to index
        %get3A_197 = arith.constant 32 : index
        %get3A_198 = tpu.vector_load %arg7[%get3A_196, %get3A_197] {strides = array<i32>} : memref<320x128xbf16, #tpu.memory_space<vmem>>, vector<1x32xbf16>,
        %get3A_199 = vector.shape_cast %get3A_198 : vector<1x32xbf16> to vector<32xbf16>
        %max3A_200 = arith.maximumf %max3A_193, %get3A_199 : vector<32xbf16>
        %add3A_201 = arith.constant 8 : i32
        %add3A_202 = arith.addi %mul3A_78, %add3A_201 : i32
        %get3A_203 = arith.index_cast %add3A_202 : i32 to index
        %get3A_204 = arith.constant 32 : index
        %get3A_205 = tpu.vector_load %arg7[%get3A_203, %get3A_204] {strides = array<i32>} : memref<320x128xbf16, #tpu.memory_space<vmem>>, vector<1x32xbf16>,
        %get3A_206 = vector.shape_cast %get3A_205 : vector<1x32xbf16> to vector<32xbf16>
        %max3A_207 = arith.maximumf %max3A_200, %get3A_206 : vector<32xbf16>
        %add3A_208 = arith.constant 9 : i32
        %add3A_209 = arith.addi %mul3A_78, %add3A_208 : i32
        %get3A_210 = arith.index_cast %add3A_209 : i32 to index
        %get3A_211 = arith.constant 32 : index
        %get3A_212 = tpu.vector_load %arg7[%get3A_210, %get3A_211] {strides = array<i32>} : memref<320x128xbf16, #tpu.memory_space<vmem>>, vector<1x32xbf16>,
        %get3A_213 = vector.shape_cast %get3A_212 : vector<1x32xbf16> to vector<32xbf16>
        %max3A_214 = arith.maximumf %max3A_207, %get3A_213 : vector<32xbf16>
        %swap3A_215 = arith.index_cast %scan3A_76 : i32 to index
        %swap3A_216 = arith.constant 32 : index
        %swap3A_217 = tpu.vector_load %arg8[%swap3A_215, %swap3A_216] {strides = array<i32>} : memref<32x128xbf16, #tpu.memory_space<vmem>>, vector<1x32xbf16>,
        %swap3A_218 = vector.shape_cast %swap3A_217 : vector<1x32xbf16> to vector<32xbf16>
        %swap3A_219 = vector.shape_cast %max3A_214 : vector<32xbf16> to vector<1x32xbf16>
        tpu.vector_store %arg8[%swap3A_215, %swap3A_216], %swap3A_219 {strides = array<i32>} : memref<32x128xbf16, #tpu.memory_space<vmem>>, vector<1x32xbf16>,
        %get3A_220 = arith.index_cast %mul3A_78 : i32 to index
        %get3A_221 = arith.constant 64 : index
        %get3A_222 = tpu.vector_load %arg7[%get3A_220, %get3A_221] {strides = array<i32>} : memref<320x128xbf16, #tpu.memory_space<vmem>>, vector<1x32xbf16>,
        %get3A_223 = vector.shape_cast %get3A_222 : vector<1x32xbf16> to vector<32xbf16>
        %add3A_224 = arith.constant 1 : i32
        %add3A_225 = arith.addi %mul3A_78, %add3A_224 : i32
        %get3A_226 = arith.index_cast %add3A_225 : i32 to index
        %get3A_227 = arith.constant 64 : index
        %get3A_228 = tpu.vector_load %arg7[%get3A_226, %get3A_227] {strides = array<i32>} : memref<320x128xbf16, #tpu.memory_space<vmem>>, vector<1x32xbf16>,
        %get3A_229 = vector.shape_cast %get3A_228 : vector<1x32xbf16> to vector<32xbf16>
        %max3A_230 = arith.maximumf %get3A_223, %get3A_229 : vector<32xbf16>
        %add3A_231 = arith.constant 2 : i32
        %add3A_232 = arith.addi %mul3A_78, %add3A_231 : i32
        %get3A_233 = arith.index_cast %add3A_232 : i32 to index
        %get3A_234 = arith.constant 64 : index
        %get3A_235 = tpu.vector_load %arg7[%get3A_233, %get3A_234] {strides = array<i32>} : memref<320x128xbf16, #tpu.memory_space<vmem>>, vector<1x32xbf16>,
        %get3A_236 = vector.shape_cast %get3A_235 : vector<1x32xbf16> to vector<32xbf16>
        %max3A_237 = arith.maximumf %max3A_230, %get3A_236 : vector<32xbf16>
        %add3A_238 = arith.constant 3 : i32
        %add3A_239 = arith.addi %mul3A_78, %add3A_238 : i32
        %get3A_240 = arith.index_cast %add3A_239 : i32 to index
        %get3A_241 = arith.constant 64 : index
        %get3A_242 = tpu.vector_load %arg7[%get3A_240, %get3A_241] {strides = array<i32>} : memref<320x128xbf16, #tpu.memory_space<vmem>>, vector<1x32xbf16>,
        %get3A_243 = vector.shape_cast %get3A_242 : vector<1x32xbf16> to vector<32xbf16>
        %max3A_244 = arith.maximumf %max3A_237, %get3A_243 : vector<32xbf16>
        %add3A_245 = arith.constant 4 : i32
        %add3A_246 = arith.addi %mul3A_78, %add3A_245 : i32
        %get3A_247 = arith.index_cast %add3A_246 : i32 to index
        %get3A_248 = arith.constant 64 : index
        %get3A_249 = tpu.vector_load %arg7[%get3A_247, %get3A_248] {strides = array<i32>} : memref<320x128xbf16, #tpu.memory_space<vmem>>, vector<1x32xbf16>,
        %get3A_250 = vector.shape_cast %get3A_249 : vector<1x32xbf16> to vector<32xbf16>
        %max3A_251 = arith.maximumf %max3A_244, %get3A_250 : vector<32xbf16>
        %add3A_252 = arith.constant 5 : i32
        %add3A_253 = arith.addi %mul3A_78, %add3A_252 : i32
        %get3A_254 = arith.index_cast %add3A_253 : i32 to index
        %get3A_255 = arith.constant 64 : index
        %get3A_256 = tpu.vector_load %arg7[%get3A_254, %get3A_255] {strides = array<i32>} : memref<320x128xbf16, #tpu.memory_space<vmem>>, vector<1x32xbf16>,
        %get3A_257 = vector.shape_cast %get3A_256 : vector<1x32xbf16> to vector<32xbf16>
        %max3A_258 = arith.maximumf %max3A_251, %get3A_257 : vector<32xbf16>
        %add3A_259 = arith.constant 6 : i32
        %add3A_260 = arith.addi %mul3A_78, %add3A_259 : i32
        %get3A_261 = arith.index_cast %add3A_260 : i32 to index
        %get3A_262 = arith.constant 64 : index
        %get3A_263 = tpu.vector_load %arg7[%get3A_261, %get3A_262] {strides = array<i32>} : memref<320x128xbf16, #tpu.memory_space<vmem>>, vector<1x32xbf16>,
        %get3A_264 = vector.shape_cast %get3A_263 : vector<1x32xbf16> to vector<32xbf16>
        %max3A_265 = arith.maximumf %max3A_258, %get3A_264 : vector<32xbf16>
        %add3A_266 = arith.constant 7 : i32
        %add3A_267 = arith.addi %mul3A_78, %add3A_266 : i32
        %get3A_268 = arith.index_cast %add3A_267 : i32 to index
        %get3A_269 = arith.constant 64 : index
        %get3A_270 = tpu.vector_load %arg7[%get3A_268, %get3A_269] {strides = array<i32>} : memref<320x128xbf16, #tpu.memory_space<vmem>>, vector<1x32xbf16>,
        %get3A_271 = vector.shape_cast %get3A_270 : vector<1x32xbf16> to vector<32xbf16>
        %max3A_272 = arith.maximumf %max3A_265, %get3A_271 : vector<32xbf16>
        %add3A_273 = arith.constant 8 : i32
        %add3A_274 = arith.addi %mul3A_78, %add3A_273 : i32
        %get3A_275 = arith.index_cast %add3A_274 : i32 to index
        %get3A_276 = arith.constant 64 : index
        %get3A_277 = tpu.vector_load %arg7[%get3A_275, %get3A_276] {strides = array<i32>} : memref<320x128xbf16, #tpu.memory_space<vmem>>, vector<1x32xbf16>,
        %get3A_278 = vector.shape_cast %get3A_277 : vector<1x32xbf16> to vector<32xbf16>
        %max3A_279 = arith.maximumf %max3A_272, %get3A_278 : vector<32xbf16>
        %add3A_280 = arith.constant 9 : i32
        %add3A_281 = arith.addi %mul3A_78, %add3A_280 : i32
        %get3A_282 = arith.index_cast %add3A_281 : i32 to index
        %get3A_283 = arith.constant 64 : index
        %get3A_284 = tpu.vector_load %arg7[%get3A_282, %get3A_283] {strides = array<i32>} : memref<320x128xbf16, #tpu.memory_space<vmem>>, vector<1x32xbf16>,
        %get3A_285 = vector.shape_cast %get3A_284 : vector<1x32xbf16> to vector<32xbf16>
        %max3A_286 = arith.maximumf %max3A_279, %get3A_285 : vector<32xbf16>
        %swap3A_287 = arith.index_cast %scan3A_76 : i32 to index
        %swap3A_288 = arith.constant 64 : index
        %swap3A_289 = tpu.vector_load %arg8[%swap3A_287, %swap3A_288] {strides = array<i32>} : memref<32x128xbf16, #tpu.memory_space<vmem>>, vector<1x32xbf16>,
        %swap3A_290 = vector.shape_cast %swap3A_289 : vector<1x32xbf16> to vector<32xbf16>
        %swap3A_291 = vector.shape_cast %max3A_286 : vector<32xbf16> to vector<1x32xbf16>
        tpu.vector_store %arg8[%swap3A_287, %swap3A_288], %swap3A_291 {strides = array<i32>} : memref<32x128xbf16, #tpu.memory_space<vmem>>, vector<1x32xbf16>,
        %get3A_292 = arith.index_cast %mul3A_78 : i32 to index
        %get3A_293 = arith.constant 96 : index
        %get3A_294 = tpu.vector_load %arg7[%get3A_292, %get3A_293] {strides = array<i32>} : memref<320x128xbf16, #tpu.memory_space<vmem>>, vector<1x32xbf16>,
        %get3A_295 = vector.shape_cast %get3A_294 : vector<1x32xbf16> to vector<32xbf16>
        %add3A_296 = arith.constant 1 : i32
        %add3A_297 = arith.addi %mul3A_78, %add3A_296 : i32
        %get3A_298 = arith.index_cast %add3A_297 : i32 to index
        %get3A_299 = arith.constant 96 : index
        %get3A_300 = tpu.vector_load %arg7[%get3A_298, %get3A_299] {strides = array<i32>} : memref<320x128xbf16, #tpu.memory_space<vmem>>, vector<1x32xbf16>,
        %get3A_301 = vector.shape_cast %get3A_300 : vector<1x32xbf16> to vector<32xbf16>
        %max3A_302 = arith.maximumf %get3A_295, %get3A_301 : vector<32xbf16>
        %add3A_303 = arith.constant 2 : i32
        %add3A_304 = arith.addi %mul3A_78, %add3A_303 : i32
        %get3A_305 = arith.index_cast %add3A_304 : i32 to index
        %get3A_306 = arith.constant 96 : index
        %get3A_307 = tpu.vector_load %arg7[%get3A_305, %get3A_306] {strides = array<i32>} : memref<320x128xbf16, #tpu.memory_space<vmem>>, vector<1x32xbf16>,
        %get3A_308 = vector.shape_cast %get3A_307 : vector<1x32xbf16> to vector<32xbf16>
        %max3A_309 = arith.maximumf %max3A_302, %get3A_308 : vector<32xbf16>
        %add3A_310 = arith.constant 3 : i32
        %add3A_311 = arith.addi %mul3A_78, %add3A_310 : i32
        %get3A_312 = arith.index_cast %add3A_311 : i32 to index
        %get3A_313 = arith.constant 96 : index
        %get3A_314 = tpu.vector_load %arg7[%get3A_312, %get3A_313] {strides = array<i32>} : memref<320x128xbf16, #tpu.memory_space<vmem>>, vector<1x32xbf16>,
        %get3A_315 = vector.shape_cast %get3A_314 : vector<1x32xbf16> to vector<32xbf16>
        %max3A_316 = arith.maximumf %max3A_309, %get3A_315 : vector<32xbf16>
        %add3A_317 = arith.constant 4 : i32
        %add3A_318 = arith.addi %mul3A_78, %add3A_317 : i32
        %get3A_319 = arith.index_cast %add3A_318 : i32 to index
        %get3A_320 = arith.constant 96 : index
        %get3A_321 = tpu.vector_load %arg7[%get3A_319, %get3A_320] {strides = array<i32>} : memref<320x128xbf16, #tpu.memory_space<vmem>>, vector<1x32xbf16>,
        %get3A_322 = vector.shape_cast %get3A_321 : vector<1x32xbf16> to vector<32xbf16>
        %max3A_323 = arith.maximumf %max3A_316, %get3A_322 : vector<32xbf16>
        %add3A_324 = arith.constant 5 : i32
        %add3A_325 = arith.addi %mul3A_78, %add3A_324 : i32
        %get3A_326 = arith.index_cast %add3A_325 : i32 to index
        %get3A_327 = arith.constant 96 : index
        %get3A_328 = tpu.vector_load %arg7[%get3A_326, %get3A_327] {strides = array<i32>} : memref<320x128xbf16, #tpu.memory_space<vmem>>, vector<1x32xbf16>,
        %get3A_329 = vector.shape_cast %get3A_328 : vector<1x32xbf16> to vector<32xbf16>
        %max3A_330 = arith.maximumf %max3A_323, %get3A_329 : vector<32xbf16>
        %add3A_331 = arith.constant 6 : i32
        %add3A_332 = arith.addi %mul3A_78, %add3A_331 : i32
        %get3A_333 = arith.index_cast %add3A_332 : i32 to index
        %get3A_334 = arith.constant 96 : index
        %get3A_335 = tpu.vector_load %arg7[%get3A_333, %get3A_334] {strides = array<i32>} : memref<320x128xbf16, #tpu.memory_space<vmem>>, vector<1x32xbf16>,
        %get3A_336 = vector.shape_cast %get3A_335 : vector<1x32xbf16> to vector<32xbf16>
        %max3A_337 = arith.maximumf %max3A_330, %get3A_336 : vector<32xbf16>
        %add3A_338 = arith.constant 7 : i32
        %add3A_339 = arith.addi %mul3A_78, %add3A_338 : i32
        %get3A_340 = arith.index_cast %add3A_339 : i32 to index
        %get3A_341 = arith.constant 96 : index
        %get3A_342 = tpu.vector_load %arg7[%get3A_340, %get3A_341] {strides = array<i32>} : memref<320x128xbf16, #tpu.memory_space<vmem>>, vector<1x32xbf16>,
        %get3A_343 = vector.shape_cast %get3A_342 : vector<1x32xbf16> to vector<32xbf16>
        %max3A_344 = arith.maximumf %max3A_337, %get3A_343 : vector<32xbf16>
        %add3A_345 = arith.constant 8 : i32
        %add3A_346 = arith.addi %mul3A_78, %add3A_345 : i32
        %get3A_347 = arith.index_cast %add3A_346 : i32 to index
        %get3A_348 = arith.constant 96 : index
        %get3A_349 = tpu.vector_load %arg7[%get3A_347, %get3A_348] {strides = array<i32>} : memref<320x128xbf16, #tpu.memory_space<vmem>>, vector<1x32xbf16>,
        %get3A_350 = vector.shape_cast %get3A_349 : vector<1x32xbf16> to vector<32xbf16>
        %max3A_351 = arith.maximumf %max3A_344, %get3A_350 : vector<32xbf16>
        %add3A_352 = arith.constant 9 : i32
        %add3A_353 = arith.addi %mul3A_78, %add3A_352 : i32
        %get3A_354 = arith.index_cast %add3A_353 : i32 to index
        %get3A_355 = arith.constant 96 : index
        %get3A_356 = tpu.vector_load %arg7[%get3A_354, %get3A_355] {strides = array<i32>} : memref<320x128xbf16, #tpu.memory_space<vmem>>, vector<1x32xbf16>,
        %get3A_357 = vector.shape_cast %get3A_356 : vector<1x32xbf16> to vector<32xbf16>
        %max3A_358 = arith.maximumf %max3A_351, %get3A_357 : vector<32xbf16>
        %swap3A_359 = arith.index_cast %scan3A_76 : i32 to index
        %swap3A_360 = arith.constant 96 : index
        %swap3A_361 = tpu.vector_load %arg8[%swap3A_359, %swap3A_360] {strides = array<i32>} : memref<32x128xbf16, #tpu.memory_space<vmem>>, vector<1x32xbf16>,
        %swap3A_362 = vector.shape_cast %swap3A_361 : vector<1x32xbf16> to vector<32xbf16>
        %swap3A_363 = vector.shape_cast %max3A_358 : vector<32xbf16> to vector<1x32xbf16>
        tpu.vector_store %arg8[%swap3A_359, %swap3A_360], %swap3A_363 {strides = array<i32>} : memref<32x128xbf16, #tpu.memory_space<vmem>>, vector<1x32xbf16>,
      }
      %scan3A_72 = arith.constant 32 : i32
      %mul3A_73 = arith.constant 32 : i32
      %mul3A_74 = arith.muli %add3A_53, %mul3A_73 : i32
      %add3A_75 = arith.addi %mul3A_2, %mul3A_74 : i32
      "tpu.region"() ({
        %run_scoped3A = tpu.sem_alloc : memref<!tpu.dma_semaphore, #tpu.memory_space<semaphore_mem>>
        %dma_start3A_76 = arith.constant 0 : i32
        %dma_start3A_77 = tpu.memref_slice %arg4[%add3A_75, %dma_start3A_76] : memref<50176x128xbf16, #tpu.memory_space<hbm>> -> memref<32x128xbf16, #tpu.memory_space<hbm>>
        %dma_start3A_78 = arith.constant 0 : i32
        %dma_start3A_79 = tpu.memref_slice %arg4[%add3A_75, %dma_start3A_78] : memref<50176x128xbf16, #tpu.memory_space<hbm>> -> memref<32x128xbf16, #tpu.memory_space<hbm>>
        tpu.enqueue_dma source(%arg8 : memref<32x128xbf16, #tpu.memory_space<vmem>>) target(%dma_start3A_79 : memref<32x128xbf16, #tpu.memory_space<hbm>>) target_semaphore(%run_scoped3A : memref<!tpu.dma_semaphore, #tpu.memory_space<semaphore_mem>>)
        %dma_wait3A_80 = arith.constant 0 : i32
        %dma_wait3A_81 = tpu.memref_slice %arg4[%add3A_75, %dma_wait3A_80] : memref<50176x128xbf16, #tpu.memory_space<hbm>> -> memref<32x128xbf16, #tpu.memory_space<hbm>>
        %dma_wait3A_82 = arith.constant 0 : i32
        %dma_wait3A_83 = tpu.memref_slice %arg4[%add3A_75, %dma_wait3A_82] : memref<50176x128xbf16, #tpu.memory_space<hbm>> -> memref<32x128xbf16, #tpu.memory_space<hbm>>
        tpu.wait_dma2 semaphore(%run_scoped3A : memref<!tpu.dma_semaphore, #tpu.memory_space<semaphore_mem>>) src(%arg8 : memref<32x128xbf16, #tpu.memory_space<vmem>>) dst(%dma_wait3A_83 : memref<32x128xbf16, #tpu.memory_space<hbm>>)
        tpu.yield
      }) : () -> ()
    }
    %scan3A_13 = arith.constant 24 : i32
    %dma_wait3A = arith.constant 48 : i32
    %dma_wait3A_14 = arith.constant 0 : i32
    %dma_wait3A_15 = tpu.memref_slice %arg5[%dma_wait3A, %dma_wait3A_14] : memref<49x320xi32, #tpu.memory_space<vmem>> -> memref<1x320xi32, #tpu.memory_space<vmem>>
    %dma_wait3A_16 = tpu.memref_squeeze %dma_wait3A_15 : memref<1x320xi32, #tpu.memory_space<vmem>> -> memref<320xi32, #tpu.memory_space<vmem>>
    %dma_wait3A_17 = arith.constant 0 : i32
    %dma_wait3A_18 = arith.constant 0 : i32
    %dma_wait3A_19 = tpu.memref_slice %arg2[%dma_wait3A_17, %dma_wait3A_18] : memref<50000x128xbf16, #tpu.memory_space<hbm>> -> memref<50000x128xbf16, #tpu.memory_space<hbm>>
    tpu.wait_indirect_dma semaphore(%arg9 : memref<!tpu.dma_semaphore, #tpu.memory_space<semaphore_mem>>) src(%dma_wait3A_19 : memref<50000x128xbf16, #tpu.memory_space<hbm>>) dst(%arg6 : memref<320x128xbf16, #tpu.memory_space<vmem>>)
    %scan3A_20 = arith.constant 0 : i32
    %scan3A_21 = arith.constant 0 : i32
    %scan3A_22 = arith.constant 32 : i32
    %scan3A_23 = arith.addi %scan3A_21, %scan3A_22 : i32
    %scan3A_24 = arith.constant 1 : i32
    scf.for %scan3A_28 = %scan3A_21 to %scan3A_23 step %scan3A_24  : i32 {
      %mul3A_29 = arith.constant 10 : i32
      %mul3A_30 = arith.muli %scan3A_28, %mul3A_29 : i32
      %get3A = arith.index_cast %mul3A_30 : i32 to index
      %get3A_31 = arith.constant 0 : index
      %get3A_32 = tpu.vector_load %arg6[%get3A, %get3A_31] {strides = array<i32>} : memref<320x128xbf16, #tpu.memory_space<vmem>>, vector<1x32xbf16>,
      %get3A_33 = vector.shape_cast %get3A_32 : vector<1x32xbf16> to vector<32xbf16>
      %add3A_34 = arith.constant 1 : i32
      %add3A_35 = arith.addi %mul3A_30, %add3A_34 : i32
      %get3A_36 = arith.index_cast %add3A_35 : i32 to index
      %get3A_37 = arith.constant 0 : index
      %get3A_38 = tpu.vector_load %arg6[%get3A_36, %get3A_37] {strides = array<i32>} : memref<320x128xbf16, #tpu.memory_space<vmem>>, vector<1x32xbf16>,
      %get3A_39 = vector.shape_cast %get3A_38 : vector<1x32xbf16> to vector<32xbf16>
      %max3A = arith.maximumf %get3A_33, %get3A_39 : vector<32xbf16>
      %add3A_40 = arith.constant 2 : i32
      %add3A_41 = arith.addi %mul3A_30, %add3A_40 : i32
      %get3A_42 = arith.index_cast %add3A_41 : i32 to index
      %get3A_43 = arith.constant 0 : index
      %get3A_44 = tpu.vector_load %arg6[%get3A_42, %get3A_43] {strides = array<i32>} : memref<320x128xbf16, #tpu.memory_space<vmem>>, vector<1x32xbf16>,
      %get3A_45 = vector.shape_cast %get3A_44 : vector<1x32xbf16> to vector<32xbf16>
      %max3A_46 = arith.maximumf %max3A, %get3A_45 : vector<32xbf16>
      %add3A_47 = arith.constant 3 : i32
      %add3A_48 = arith.addi %mul3A_30, %add3A_47 : i32
      %get3A_49 = arith.index_cast %add3A_48 : i32 to index
      %get3A_50 = arith.constant 0 : index
      %get3A_51 = tpu.vector_load %arg6[%get3A_49, %get3A_50] {strides = array<i32>} : memref<320x128xbf16, #tpu.memory_space<vmem>>, vector<1x32xbf16>,
      %get3A_52 = vector.shape_cast %get3A_51 : vector<1x32xbf16> to vector<32xbf16>
      %max3A_53 = arith.maximumf %max3A_46, %get3A_52 : vector<32xbf16>
      %add3A_54 = arith.constant 4 : i32
      %add3A_55 = arith.addi %mul3A_30, %add3A_54 : i32
      %get3A_56 = arith.index_cast %add3A_55 : i32 to index
      %get3A_57 = arith.constant 0 : index
      %get3A_58 = tpu.vector_load %arg6[%get3A_56, %get3A_57] {strides = array<i32>} : memref<320x128xbf16, #tpu.memory_space<vmem>>, vector<1x32xbf16>,
      %get3A_59 = vector.shape_cast %get3A_58 : vector<1x32xbf16> to vector<32xbf16>
      %max3A_60 = arith.maximumf %max3A_53, %get3A_59 : vector<32xbf16>
      %add3A_61 = arith.constant 5 : i32
      %add3A_62 = arith.addi %mul3A_30, %add3A_61 : i32
      %get3A_63 = arith.index_cast %add3A_62 : i32 to index
      %get3A_64 = arith.constant 0 : index
      %get3A_65 = tpu.vector_load %arg6[%get3A_63, %get3A_64] {strides = array<i32>} : memref<320x128xbf16, #tpu.memory_space<vmem>>, vector<1x32xbf16>,
      %get3A_66 = vector.shape_cast %get3A_65 : vector<1x32xbf16> to vector<32xbf16>
      %max3A_67 = arith.maximumf %max3A_60, %get3A_66 : vector<32xbf16>
      %add3A_68 = arith.constant 6 : i32
      %add3A_69 = arith.addi %mul3A_30, %add3A_68 : i32
      %get3A_70 = arith.index_cast %add3A_69 : i32 to index
      %get3A_71 = arith.constant 0 : index
      %get3A_72 = tpu.vector_load %arg6[%get3A_70, %get3A_71] {strides = array<i32>} : memref<320x128xbf16, #tpu.memory_space<vmem>>, vector<1x32xbf16>,
      %get3A_73 = vector.shape_cast %get3A_72 : vector<1x32xbf16> to vector<32xbf16>
      %max3A_74 = arith.maximumf %max3A_67, %get3A_73 : vector<32xbf16>
      %add3A_75 = arith.constant 7 : i32
      %add3A_76 = arith.addi %mul3A_30, %add3A_75 : i32
      %get3A_77 = arith.index_cast %add3A_76 : i32 to index
      %get3A_78 = arith.constant 0 : index
      %get3A_79 = tpu.vector_load %arg6[%get3A_77, %get3A_78] {strides = array<i32>} : memref<320x128xbf16, #tpu.memory_space<vmem>>, vector<1x32xbf16>,
      %get3A_80 = vector.shape_cast %get3A_79 : vector<1x32xbf16> to vector<32xbf16>
      %max3A_81 = arith.maximumf %max3A_74, %get3A_80 : vector<32xbf16>
      %add3A_82 = arith.constant 8 : i32
      %add3A_83 = arith.addi %mul3A_30, %add3A_82 : i32
      %get3A_84 = arith.index_cast %add3A_83 : i32 to index
      %get3A_85 = arith.constant 0 : index
      %get3A_86 = tpu.vector_load %arg6[%get3A_84, %get3A_85] {strides = array<i32>} : memref<320x128xbf16, #tpu.memory_space<vmem>>, vector<1x32xbf16>,
      %get3A_87 = vector.shape_cast %get3A_86 : vector<1x32xbf16> to vector<32xbf16>
      %max3A_88 = arith.maximumf %max3A_81, %get3A_87 : vector<32xbf16>
      %add3A_89 = arith.constant 9 : i32
      %add3A_90 = arith.addi %mul3A_30, %add3A_89 : i32
      %get3A_91 = arith.index_cast %add3A_90 : i32 to index
      %get3A_92 = arith.constant 0 : index
      %get3A_93 = tpu.vector_load %arg6[%get3A_91, %get3A_92] {strides = array<i32>} : memref<320x128xbf16, #tpu.memory_space<vmem>>, vector<1x32xbf16>,
      %get3A_94 = vector.shape_cast %get3A_93 : vector<1x32xbf16> to vector<32xbf16>
      %max3A_95 = arith.maximumf %max3A_88, %get3A_94 : vector<32xbf16>
      %swap3A = arith.index_cast %scan3A_28 : i32 to index
      %swap3A_96 = arith.constant 0 : index
      %swap3A_97 = tpu.vector_load %arg8[%swap3A, %swap3A_96] {strides = array<i32>} : memref<32x128xbf16, #tpu.memory_space<vmem>>, vector<1x32xbf16>,
      %swap3A_98 = vector.shape_cast %swap3A_97 : vector<1x32xbf16> to vector<32xbf16>
      %swap3A_99 = vector.shape_cast %max3A_95 : vector<32xbf16> to vector<1x32xbf16>
      tpu.vector_store %arg8[%swap3A, %swap3A_96], %swap3A_99 {strides = array<i32>} : memref<32x128xbf16, #tpu.memory_space<vmem>>, vector<1x32xbf16>,
      %get3A_100 = arith.index_cast %mul3A_30 : i32 to index
      %get3A_101 = arith.constant 32 : index
      %get3A_102 = tpu.vector_load %arg6[%get3A_100, %get3A_101] {strides = array<i32>} : memref<320x128xbf16, #tpu.memory_space<vmem>>, vector<1x32xbf16>,
      %get3A_103 = vector.shape_cast %get3A_102 : vector<1x32xbf16> to vector<32xbf16>
      %add3A_104 = arith.constant 1 : i32
      %add3A_105 = arith.addi %mul3A_30, %add3A_104 : i32
      %get3A_106 = arith.index_cast %add3A_105 : i32 to index
      %get3A_107 = arith.constant 32 : index
      %get3A_108 = tpu.vector_load %arg6[%get3A_106, %get3A_107] {strides = array<i32>} : memref<320x128xbf16, #tpu.memory_space<vmem>>, vector<1x32xbf16>,
      %get3A_109 = vector.shape_cast %get3A_108 : vector<1x32xbf16> to vector<32xbf16>
      %max3A_110 = arith.maximumf %get3A_103, %get3A_109 : vector<32xbf16>
      %add3A_111 = arith.constant 2 : i32
      %add3A_112 = arith.addi %mul3A_30, %add3A_111 : i32
      %get3A_113 = arith.index_cast %add3A_112 : i32 to index
      %get3A_114 = arith.constant 32 : index
      %get3A_115 = tpu.vector_load %arg6[%get3A_113, %get3A_114] {strides = array<i32>} : memref<320x128xbf16, #tpu.memory_space<vmem>>, vector<1x32xbf16>,
      %get3A_116 = vector.shape_cast %get3A_115 : vector<1x32xbf16> to vector<32xbf16>
      %max3A_117 = arith.maximumf %max3A_110, %get3A_116 : vector<32xbf16>
      %add3A_118 = arith.constant 3 : i32
      %add3A_119 = arith.addi %mul3A_30, %add3A_118 : i32
      %get3A_120 = arith.index_cast %add3A_119 : i32 to index
      %get3A_121 = arith.constant 32 : index
      %get3A_122 = tpu.vector_load %arg6[%get3A_120, %get3A_121] {strides = array<i32>} : memref<320x128xbf16, #tpu.memory_space<vmem>>, vector<1x32xbf16>,
      %get3A_123 = vector.shape_cast %get3A_122 : vector<1x32xbf16> to vector<32xbf16>
      %max3A_124 = arith.maximumf %max3A_117, %get3A_123 : vector<32xbf16>
      %add3A_125 = arith.constant 4 : i32
      %add3A_126 = arith.addi %mul3A_30, %add3A_125 : i32
      %get3A_127 = arith.index_cast %add3A_126 : i32 to index
      %get3A_128 = arith.constant 32 : index
      %get3A_129 = tpu.vector_load %arg6[%get3A_127, %get3A_128] {strides = array<i32>} : memref<320x128xbf16, #tpu.memory_space<vmem>>, vector<1x32xbf16>,
      %get3A_130 = vector.shape_cast %get3A_129 : vector<1x32xbf16> to vector<32xbf16>
      %max3A_131 = arith.maximumf %max3A_124, %get3A_130 : vector<32xbf16>
      %add3A_132 = arith.constant 5 : i32
      %add3A_133 = arith.addi %mul3A_30, %add3A_132 : i32
      %get3A_134 = arith.index_cast %add3A_133 : i32 to index
      %get3A_135 = arith.constant 32 : index
      %get3A_136 = tpu.vector_load %arg6[%get3A_134, %get3A_135] {strides = array<i32>} : memref<320x128xbf16, #tpu.memory_space<vmem>>, vector<1x32xbf16>,
      %get3A_137 = vector.shape_cast %get3A_136 : vector<1x32xbf16> to vector<32xbf16>
      %max3A_138 = arith.maximumf %max3A_131, %get3A_137 : vector<32xbf16>
      %add3A_139 = arith.constant 6 : i32
      %add3A_140 = arith.addi %mul3A_30, %add3A_139 : i32
      %get3A_141 = arith.index_cast %add3A_140 : i32 to index
      %get3A_142 = arith.constant 32 : index
      %get3A_143 = tpu.vector_load %arg6[%get3A_141, %get3A_142] {strides = array<i32>} : memref<320x128xbf16, #tpu.memory_space<vmem>>, vector<1x32xbf16>,
      %get3A_144 = vector.shape_cast %get3A_143 : vector<1x32xbf16> to vector<32xbf16>
      %max3A_145 = arith.maximumf %max3A_138, %get3A_144 : vector<32xbf16>
      %add3A_146 = arith.constant 7 : i32
      %add3A_147 = arith.addi %mul3A_30, %add3A_146 : i32
      %get3A_148 = arith.index_cast %add3A_147 : i32 to index
      %get3A_149 = arith.constant 32 : index
      %get3A_150 = tpu.vector_load %arg6[%get3A_148, %get3A_149] {strides = array<i32>} : memref<320x128xbf16, #tpu.memory_space<vmem>>, vector<1x32xbf16>,
      %get3A_151 = vector.shape_cast %get3A_150 : vector<1x32xbf16> to vector<32xbf16>
      %max3A_152 = arith.maximumf %max3A_145, %get3A_151 : vector<32xbf16>
      %add3A_153 = arith.constant 8 : i32
      %add3A_154 = arith.addi %mul3A_30, %add3A_153 : i32
      %get3A_155 = arith.index_cast %add3A_154 : i32 to index
      %get3A_156 = arith.constant 32 : index
      %get3A_157 = tpu.vector_load %arg6[%get3A_155, %get3A_156] {strides = array<i32>} : memref<320x128xbf16, #tpu.memory_space<vmem>>, vector<1x32xbf16>,
      %get3A_158 = vector.shape_cast %get3A_157 : vector<1x32xbf16> to vector<32xbf16>
      %max3A_159 = arith.maximumf %max3A_152, %get3A_158 : vector<32xbf16>
      %add3A_160 = arith.constant 9 : i32
      %add3A_161 = arith.addi %mul3A_30, %add3A_160 : i32
      %get3A_162 = arith.index_cast %add3A_161 : i32 to index
      %get3A_163 = arith.constant 32 : index
      %get3A_164 = tpu.vector_load %arg6[%get3A_162, %get3A_163] {strides = array<i32>} : memref<320x128xbf16, #tpu.memory_space<vmem>>, vector<1x32xbf16>,
      %get3A_165 = vector.shape_cast %get3A_164 : vector<1x32xbf16> to vector<32xbf16>
      %max3A_166 = arith.maximumf %max3A_159, %get3A_165 : vector<32xbf16>
      %swap3A_167 = arith.index_cast %scan3A_28 : i32 to index
      %swap3A_168 = arith.constant 32 : index
      %swap3A_169 = tpu.vector_load %arg8[%swap3A_167, %swap3A_168] {strides = array<i32>} : memref<32x128xbf16, #tpu.memory_space<vmem>>, vector<1x32xbf16>,
      %swap3A_170 = vector.shape_cast %swap3A_169 : vector<1x32xbf16> to vector<32xbf16>
      %swap3A_171 = vector.shape_cast %max3A_166 : vector<32xbf16> to vector<1x32xbf16>
      tpu.vector_store %arg8[%swap3A_167, %swap3A_168], %swap3A_171 {strides = array<i32>} : memref<32x128xbf16, #tpu.memory_space<vmem>>, vector<1x32xbf16>,
      %get3A_172 = arith.index_cast %mul3A_30 : i32 to index
      %get3A_173 = arith.constant 64 : index
      %get3A_174 = tpu.vector_load %arg6[%get3A_172, %get3A_173] {strides = array<i32>} : memref<320x128xbf16, #tpu.memory_space<vmem>>, vector<1x32xbf16>,
      %get3A_175 = vector.shape_cast %get3A_174 : vector<1x32xbf16> to vector<32xbf16>
      %add3A_176 = arith.constant 1 : i32
      %add3A_177 = arith.addi %mul3A_30, %add3A_176 : i32
      %get3A_178 = arith.index_cast %add3A_177 : i32 to index
      %get3A_179 = arith.constant 64 : index
      %get3A_180 = tpu.vector_load %arg6[%get3A_178, %get3A_179] {strides = array<i32>} : memref<320x128xbf16, #tpu.memory_space<vmem>>, vector<1x32xbf16>,
      %get3A_181 = vector.shape_cast %get3A_180 : vector<1x32xbf16> to vector<32xbf16>
      %max3A_182 = arith.maximumf %get3A_175, %get3A_181 : vector<32xbf16>
      %add3A_183 = arith.constant 2 : i32
      %add3A_184 = arith.addi %mul3A_30, %add3A_183 : i32
      %get3A_185 = arith.index_cast %add3A_184 : i32 to index
      %get3A_186 = arith.constant 64 : index
      %get3A_187 = tpu.vector_load %arg6[%get3A_185, %get3A_186] {strides = array<i32>} : memref<320x128xbf16, #tpu.memory_space<vmem>>, vector<1x32xbf16>,
      %get3A_188 = vector.shape_cast %get3A_187 : vector<1x32xbf16> to vector<32xbf16>
      %max3A_189 = arith.maximumf %max3A_182, %get3A_188 : vector<32xbf16>
      %add3A_190 = arith.constant 3 : i32
      %add3A_191 = arith.addi %mul3A_30, %add3A_190 : i32
      %get3A_192 = arith.index_cast %add3A_191 : i32 to index
      %get3A_193 = arith.constant 64 : index
      %get3A_194 = tpu.vector_load %arg6[%get3A_192, %get3A_193] {strides = array<i32>} : memref<320x128xbf16, #tpu.memory_space<vmem>>, vector<1x32xbf16>,
      %get3A_195 = vector.shape_cast %get3A_194 : vector<1x32xbf16> to vector<32xbf16>
      %max3A_196 = arith.maximumf %max3A_189, %get3A_195 : vector<32xbf16>
      %add3A_197 = arith.constant 4 : i32
      %add3A_198 = arith.addi %mul3A_30, %add3A_197 : i32
      %get3A_199 = arith.index_cast %add3A_198 : i32 to index
      %get3A_200 = arith.constant 64 : index
      %get3A_201 = tpu.vector_load %arg6[%get3A_199, %get3A_200] {strides = array<i32>} : memref<320x128xbf16, #tpu.memory_space<vmem>>, vector<1x32xbf16>,
      %get3A_202 = vector.shape_cast %get3A_201 : vector<1x32xbf16> to vector<32xbf16>
      %max3A_203 = arith.maximumf %max3A_196, %get3A_202 : vector<32xbf16>
      %add3A_204 = arith.constant 5 : i32
      %add3A_205 = arith.addi %mul3A_30, %add3A_204 : i32
      %get3A_206 = arith.index_cast %add3A_205 : i32 to index
      %get3A_207 = arith.constant 64 : index
      %get3A_208 = tpu.vector_load %arg6[%get3A_206, %get3A_207] {strides = array<i32>} : memref<320x128xbf16, #tpu.memory_space<vmem>>, vector<1x32xbf16>,
      %get3A_209 = vector.shape_cast %get3A_208 : vector<1x32xbf16> to vector<32xbf16>
      %max3A_210 = arith.maximumf %max3A_203, %get3A_209 : vector<32xbf16>
      %add3A_211 = arith.constant 6 : i32
      %add3A_212 = arith.addi %mul3A_30, %add3A_211 : i32
      %get3A_213 = arith.index_cast %add3A_212 : i32 to index
      %get3A_214 = arith.constant 64 : index
      %get3A_215 = tpu.vector_load %arg6[%get3A_213, %get3A_214] {strides = array<i32>} : memref<320x128xbf16, #tpu.memory_space<vmem>>, vector<1x32xbf16>,
      %get3A_216 = vector.shape_cast %get3A_215 : vector<1x32xbf16> to vector<32xbf16>
      %max3A_217 = arith.maximumf %max3A_210, %get3A_216 : vector<32xbf16>
      %add3A_218 = arith.constant 7 : i32
      %add3A_219 = arith.addi %mul3A_30, %add3A_218 : i32
      %get3A_220 = arith.index_cast %add3A_219 : i32 to index
      %get3A_221 = arith.constant 64 : index
      %get3A_222 = tpu.vector_load %arg6[%get3A_220, %get3A_221] {strides = array<i32>} : memref<320x128xbf16, #tpu.memory_space<vmem>>, vector<1x32xbf16>,
      %get3A_223 = vector.shape_cast %get3A_222 : vector<1x32xbf16> to vector<32xbf16>
      %max3A_224 = arith.maximumf %max3A_217, %get3A_223 : vector<32xbf16>
      %add3A_225 = arith.constant 8 : i32
      %add3A_226 = arith.addi %mul3A_30, %add3A_225 : i32
      %get3A_227 = arith.index_cast %add3A_226 : i32 to index
      %get3A_228 = arith.constant 64 : index
      %get3A_229 = tpu.vector_load %arg6[%get3A_227, %get3A_228] {strides = array<i32>} : memref<320x128xbf16, #tpu.memory_space<vmem>>, vector<1x32xbf16>,
      %get3A_230 = vector.shape_cast %get3A_229 : vector<1x32xbf16> to vector<32xbf16>
      %max3A_231 = arith.maximumf %max3A_224, %get3A_230 : vector<32xbf16>
      %add3A_232 = arith.constant 9 : i32
      %add3A_233 = arith.addi %mul3A_30, %add3A_232 : i32
      %get3A_234 = arith.index_cast %add3A_233 : i32 to index
      %get3A_235 = arith.constant 64 : index
      %get3A_236 = tpu.vector_load %arg6[%get3A_234, %get3A_235] {strides = array<i32>} : memref<320x128xbf16, #tpu.memory_space<vmem>>, vector<1x32xbf16>,
      %get3A_237 = vector.shape_cast %get3A_236 : vector<1x32xbf16> to vector<32xbf16>
      %max3A_238 = arith.maximumf %max3A_231, %get3A_237 : vector<32xbf16>
      %swap3A_239 = arith.index_cast %scan3A_28 : i32 to index
      %swap3A_240 = arith.constant 64 : index
      %swap3A_241 = tpu.vector_load %arg8[%swap3A_239, %swap3A_240] {strides = array<i32>} : memref<32x128xbf16, #tpu.memory_space<vmem>>, vector<1x32xbf16>,
      %swap3A_242 = vector.shape_cast %swap3A_241 : vector<1x32xbf16> to vector<32xbf16>
      %swap3A_243 = vector.shape_cast %max3A_238 : vector<32xbf16> to vector<1x32xbf16>
      tpu.vector_store %arg8[%swap3A_239, %swap3A_240], %swap3A_243 {strides = array<i32>} : memref<32x128xbf16, #tpu.memory_space<vmem>>, vector<1x32xbf16>,
      %get3A_244 = arith.index_cast %mul3A_30 : i32 to index
      %get3A_245 = arith.constant 96 : index
      %get3A_246 = tpu.vector_load %arg6[%get3A_244, %get3A_245] {strides = array<i32>} : memref<320x128xbf16, #tpu.memory_space<vmem>>, vector<1x32xbf16>,
      %get3A_247 = vector.shape_cast %get3A_246 : vector<1x32xbf16> to vector<32xbf16>
      %add3A_248 = arith.constant 1 : i32
      %add3A_249 = arith.addi %mul3A_30, %add3A_248 : i32
      %get3A_250 = arith.index_cast %add3A_249 : i32 to index
      %get3A_251 = arith.constant 96 : index
      %get3A_252 = tpu.vector_load %arg6[%get3A_250, %get3A_251] {strides = array<i32>} : memref<320x128xbf16, #tpu.memory_space<vmem>>, vector<1x32xbf16>,
      %get3A_253 = vector.shape_cast %get3A_252 : vector<1x32xbf16> to vector<32xbf16>
      %max3A_254 = arith.maximumf %get3A_247, %get3A_253 : vector<32xbf16>
      %add3A_255 = arith.constant 2 : i32
      %add3A_256 = arith.addi %mul3A_30, %add3A_255 : i32
      %get3A_257 = arith.index_cast %add3A_256 : i32 to index
      %get3A_258 = arith.constant 96 : index
      %get3A_259 = tpu.vector_load %arg6[%get3A_257, %get3A_258] {strides = array<i32>} : memref<320x128xbf16, #tpu.memory_space<vmem>>, vector<1x32xbf16>,
      %get3A_260 = vector.shape_cast %get3A_259 : vector<1x32xbf16> to vector<32xbf16>
      %max3A_261 = arith.maximumf %max3A_254, %get3A_260 : vector<32xbf16>
      %add3A_262 = arith.constant 3 : i32
      %add3A_263 = arith.addi %mul3A_30, %add3A_262 : i32
      %get3A_264 = arith.index_cast %add3A_263 : i32 to index
      %get3A_265 = arith.constant 96 : index
      %get3A_266 = tpu.vector_load %arg6[%get3A_264, %get3A_265] {strides = array<i32>} : memref<320x128xbf16, #tpu.memory_space<vmem>>, vector<1x32xbf16>,
      %get3A_267 = vector.shape_cast %get3A_266 : vector<1x32xbf16> to vector<32xbf16>
      %max3A_268 = arith.maximumf %max3A_261, %get3A_267 : vector<32xbf16>
      %add3A_269 = arith.constant 4 : i32
      %add3A_270 = arith.addi %mul3A_30, %add3A_269 : i32
      %get3A_271 = arith.index_cast %add3A_270 : i32 to index
      %get3A_272 = arith.constant 96 : index
      %get3A_273 = tpu.vector_load %arg6[%get3A_271, %get3A_272] {strides = array<i32>} : memref<320x128xbf16, #tpu.memory_space<vmem>>, vector<1x32xbf16>,
      %get3A_274 = vector.shape_cast %get3A_273 : vector<1x32xbf16> to vector<32xbf16>
      %max3A_275 = arith.maximumf %max3A_268, %get3A_274 : vector<32xbf16>
      %add3A_276 = arith.constant 5 : i32
      %add3A_277 = arith.addi %mul3A_30, %add3A_276 : i32
      %get3A_278 = arith.index_cast %add3A_277 : i32 to index
      %get3A_279 = arith.constant 96 : index
      %get3A_280 = tpu.vector_load %arg6[%get3A_278, %get3A_279] {strides = array<i32>} : memref<320x128xbf16, #tpu.memory_space<vmem>>, vector<1x32xbf16>,
      %get3A_281 = vector.shape_cast %get3A_280 : vector<1x32xbf16> to vector<32xbf16>
      %max3A_282 = arith.maximumf %max3A_275, %get3A_281 : vector<32xbf16>
      %add3A_283 = arith.constant 6 : i32
      %add3A_284 = arith.addi %mul3A_30, %add3A_283 : i32
      %get3A_285 = arith.index_cast %add3A_284 : i32 to index
      %get3A_286 = arith.constant 96 : index
      %get3A_287 = tpu.vector_load %arg6[%get3A_285, %get3A_286] {strides = array<i32>} : memref<320x128xbf16, #tpu.memory_space<vmem>>, vector<1x32xbf16>,
      %get3A_288 = vector.shape_cast %get3A_287 : vector<1x32xbf16> to vector<32xbf16>
      %max3A_289 = arith.maximumf %max3A_282, %get3A_288 : vector<32xbf16>
      %add3A_290 = arith.constant 7 : i32
      %add3A_291 = arith.addi %mul3A_30, %add3A_290 : i32
      %get3A_292 = arith.index_cast %add3A_291 : i32 to index
      %get3A_293 = arith.constant 96 : index
      %get3A_294 = tpu.vector_load %arg6[%get3A_292, %get3A_293] {strides = array<i32>} : memref<320x128xbf16, #tpu.memory_space<vmem>>, vector<1x32xbf16>,
      %get3A_295 = vector.shape_cast %get3A_294 : vector<1x32xbf16> to vector<32xbf16>
      %max3A_296 = arith.maximumf %max3A_289, %get3A_295 : vector<32xbf16>
      %add3A_297 = arith.constant 8 : i32
      %add3A_298 = arith.addi %mul3A_30, %add3A_297 : i32
      %get3A_299 = arith.index_cast %add3A_298 : i32 to index
      %get3A_300 = arith.constant 96 : index
      %get3A_301 = tpu.vector_load %arg6[%get3A_299, %get3A_300] {strides = array<i32>} : memref<320x128xbf16, #tpu.memory_space<vmem>>, vector<1x32xbf16>,
      %get3A_302 = vector.shape_cast %get3A_301 : vector<1x32xbf16> to vector<32xbf16>
      %max3A_303 = arith.maximumf %max3A_296, %get3A_302 : vector<32xbf16>
      %add3A_304 = arith.constant 9 : i32
      %add3A_305 = arith.addi %mul3A_30, %add3A_304 : i32
      %get3A_306 = arith.index_cast %add3A_305 : i32 to index
      %get3A_307 = arith.constant 96 : index
      %get3A_308 = tpu.vector_load %arg6[%get3A_306, %get3A_307] {strides = array<i32>} : memref<320x128xbf16, #tpu.memory_space<vmem>>, vector<1x32xbf16>,
      %get3A_309 = vector.shape_cast %get3A_308 : vector<1x32xbf16> to vector<32xbf16>
      %max3A_310 = arith.maximumf %max3A_303, %get3A_309 : vector<32xbf16>
      %swap3A_311 = arith.index_cast %scan3A_28 : i32 to index
      %swap3A_312 = arith.constant 96 : index
      %swap3A_313 = tpu.vector_load %arg8[%swap3A_311, %swap3A_312] {strides = array<i32>} : memref<32x128xbf16, #tpu.memory_space<vmem>>, vector<1x32xbf16>,
      %swap3A_314 = vector.shape_cast %swap3A_313 : vector<1x32xbf16> to vector<32xbf16>
      %swap3A_315 = vector.shape_cast %max3A_310 : vector<32xbf16> to vector<1x32xbf16>
      tpu.vector_store %arg8[%swap3A_311, %swap3A_312], %swap3A_315 {strides = array<i32>} : memref<32x128xbf16, #tpu.memory_space<vmem>>, vector<1x32xbf16>,
    }
    %scan3A_25 = arith.constant 32 : i32
    %add3A_26 = arith.constant 1536 : i32
    %add3A_27 = arith.addi %mul3A_2, %add3A_26 : i32
    "tpu.region"() ({
      %run_scoped3A = tpu.sem_alloc : memref<!tpu.dma_semaphore, #tpu.memory_space<semaphore_mem>>
      %dma_start3A_28 = arith.constant 0 : i32
      %dma_start3A_29 = tpu.memref_slice %arg4[%add3A_27, %dma_start3A_28] : memref<50176x128xbf16, #tpu.memory_space<hbm>> -> memref<32x128xbf16, #tpu.memory_space<hbm>>
      %dma_start3A_30 = arith.constant 0 : i32
      %dma_start3A_31 = tpu.memref_slice %arg4[%add3A_27, %dma_start3A_30] : memref<50176x128xbf16, #tpu.memory_space<hbm>> -> memref<32x128xbf16, #tpu.memory_space<hbm>>
      tpu.enqueue_dma source(%arg8 : memref<32x128xbf16, #tpu.memory_space<vmem>>) target(%dma_start3A_31 : memref<32x128xbf16, #tpu.memory_space<hbm>>) target_semaphore(%run_scoped3A : memref<!tpu.dma_semaphore, #tpu.memory_space<semaphore_mem>>)
      %dma_wait3A_32 = arith.constant 0 : i32
      %dma_wait3A_33 = tpu.memref_slice %arg4[%add3A_27, %dma_wait3A_32] : memref<50176x128xbf16, #tpu.memory_space<hbm>> -> memref<32x128xbf16, #tpu.memory_space<hbm>>
      %dma_wait3A_34 = arith.constant 0 : i32
      %dma_wait3A_35 = tpu.memref_slice %arg4[%add3A_27, %dma_wait3A_34] : memref<50176x128xbf16, #tpu.memory_space<hbm>> -> memref<32x128xbf16, #tpu.memory_space<hbm>>
      tpu.wait_dma2 semaphore(%run_scoped3A : memref<!tpu.dma_semaphore, #tpu.memory_space<semaphore_mem>>) src(%arg8 : memref<32x128xbf16, #tpu.memory_space<vmem>>) dst(%dma_wait3A_35 : memref<32x128xbf16, #tpu.memory_space<hbm>>)
      tpu.yield
    }) : () -> ()
    return
  }
}

#map = affine_map<(d0, d1) -> (0, 0)>
#map1 = affine_map<(d0, d1) -> (0, 0, 0)>
module attributes {stable_mosaic.version = 14 : i64} {
  func.func @body(%arg0: i32, %arg1: i32, %arg2: memref<50000x128xbf16, #tpu.memory_space<hbm>>, %arg3: memref<32x49x320xi32, #tpu.memory_space<hbm>>, %arg4: memref<50176x128xbf16, #tpu.memory_space<hbm>>, %arg5: memref<49x320xi32, #tpu.memory_space<vmem>>, %arg6: memref<320x128xbf16, #tpu.memory_space<vmem>>, %arg7: memref<320x128xbf16, #tpu.memory_space<vmem>>, %arg8: memref<32x128xbf16, #tpu.memory_space<vmem>>, %arg9: memref<!tpu.dma_semaphore, #tpu.memory_space<semaphore_mem>>, %arg10: memref<!tpu.dma_semaphore, #tpu.memory_space<semaphore_mem>>) attributes {dimension_semantics = [#tpu.dimension_semantics<core_parallel>, #tpu.dimension_semantics<subcore_parallel>], iteration_bounds = array<i64: 2, 16>, scalar_prefetch = 0 : i64, scratch_operands = 6 : i64, tpu.core_type = #tpu.core_type<sc_vector_subcore>, window_params = [{transform_indices = #map}, {transform_indices = #map1}, {transform_indices = #map}]} {
    %mul3A = arith.constant 2 : i32
    %mul3A_0 = arith.muli %arg1, %mul3A : i32
    %add3A = arith.addi %mul3A_0, %arg0 : i32
    "tpu.region"() ({
      %run_scoped3A = tpu.sem_alloc : memref<!tpu.dma_semaphore, #tpu.memory_space<semaphore_mem>>
      %dma_start3A_28 = arith.constant 0 : i32
      %dma_start3A_29 = arith.constant 0 : i32
      %dma_start3A_30 = tpu.memref_slice %arg3[%add3A, %dma_start3A_28, %dma_start3A_29] : memref<32x49x320xi32, #tpu.memory_space<hbm>> -> memref<1x49x320xi32, #tpu.memory_space<hbm>>
      %dma_start3A_31 = tpu.memref_squeeze %dma_start3A_30 : memref<1x49x320xi32, #tpu.memory_space<hbm>> -> memref<49x320xi32, #tpu.memory_space<hbm>>
      %dma_start3A_32 = arith.constant 0 : i32
      %dma_start3A_33 = arith.constant 0 : i32
      %dma_start3A_34 = tpu.memref_slice %arg3[%add3A, %dma_start3A_32, %dma_start3A_33] : memref<32x49x320xi32, #tpu.memory_space<hbm>> -> memref<1x49x320xi32, #tpu.memory_space<hbm>>
      %dma_start3A_35 = tpu.memref_squeeze %dma_start3A_34 : memref<1x49x320xi32, #tpu.memory_space<hbm>> -> memref<49x320xi32, #tpu.memory_space<hbm>>
      tpu.enqueue_dma source(%dma_start3A_35 : memref<49x320xi32, #tpu.memory_space<hbm>>) target(%arg5 : memref<49x320xi32, #tpu.memory_space<vmem>>) target_semaphore(%run_scoped3A : memref<!tpu.dma_semaphore, #tpu.memory_space<semaphore_mem>>)
      %dma_wait3A_36 = arith.constant 0 : i32
      %dma_wait3A_37 = arith.constant 0 : i32
      %dma_wait3A_38 = tpu.memref_slice %arg3[%add3A, %dma_wait3A_36, %dma_wait3A_37] : memref<32x49x320xi32, #tpu.memory_space<hbm>> -> memref<1x49x320xi32, #tpu.memory_space<hbm>>
      %dma_wait3A_39 = tpu.memref_squeeze %dma_wait3A_38 : memref<1x49x320xi32, #tpu.memory_space<hbm>> -> memref<49x320xi32, #tpu.memory_space<hbm>>
      %dma_wait3A_40 = arith.constant 0 : i32
      %dma_wait3A_41 = arith.constant 0 : i32
      %dma_wait3A_42 = tpu.memref_slice %arg3[%add3A, %dma_wait3A_40, %dma_wait3A_41] : memref<32x49x320xi32, #tpu.memory_space<hbm>> -> memref<1x49x320xi32, #tpu.memory_space<hbm>>
      %dma_wait3A_43 = tpu.memref_squeeze %dma_wait3A_42 : memref<1x49x320xi32, #tpu.memory_space<hbm>> -> memref<49x320xi32, #tpu.memory_space<hbm>>
      tpu.wait_dma2 semaphore(%run_scoped3A : memref<!tpu.dma_semaphore, #tpu.memory_space<semaphore_mem>>) src(%dma_wait3A_43 : memref<49x320xi32, #tpu.memory_space<hbm>>) dst(%arg5 : memref<49x320xi32, #tpu.memory_space<vmem>>)
      tpu.yield
    }) : () -> ()
    %mul3A_1 = arith.constant 1568 : i32
    %mul3A_2 = arith.muli %add3A, %mul3A_1 : i32
    %dma_start3A = arith.constant 0 : i32
    %dma_start3A_3 = arith.constant 0 : i32
    %dma_start3A_4 = tpu.memref_slice %arg5[%dma_start3A, %dma_start3A_3] : memref<49x320xi32, #tpu.memory_space<vmem>> -> memref<1x320xi32, #tpu.memory_space<vmem>>
    %dma_start3A_5 = tpu.memref_squeeze %dma_start3A_4 : memref<1x320xi32, #tpu.memory_space<vmem>> -> memref<320xi32, #tpu.memory_space<vmem>>
    %dma_start3A_6 = arith.constant 0 : i32
    %dma_start3A_7 = arith.constant 0 : i32
    %dma_start3A_8 = tpu.memref_slice %arg2[%dma_start3A_6, %dma_start3A_7] : memref<50000x128xbf16, #tpu.memory_space<hbm>> -> memref<50000x128xbf16, #tpu.memory_space<hbm>>
    tpu.enqueue_indirect_dma source(%dma_start3A_8 : memref<50000x128xbf16, #tpu.memory_space<hbm>>) target(%arg6 : memref<320x128xbf16, #tpu.memory_space<vmem>>) offsets(%dma_start3A_5 : memref<320xi32, #tpu.memory_space<vmem>>) semaphore(%arg9 : memref<!tpu.dma_semaphore, #tpu.memory_space<semaphore_mem>>)
    %scan3A = arith.constant 0 : i32
    %scan3A_9 = arith.constant 0 : i32
    %scan3A_10 = arith.constant 24 : i32
    %scan3A_11 = arith.addi %scan3A_9, %scan3A_10 : i32
    %scan3A_12 = arith.constant 1 : i32
    scf.for %scan3A_28 = %scan3A_9 to %scan3A_11 step %scan3A_12  : i32 {
      %mul3A_29 = arith.constant 2 : i32
      %mul3A_30 = arith.muli %mul3A_29, %scan3A_28 : i32
      %add3A_31 = arith.constant 1 : i32
      %add3A_32 = arith.addi %mul3A_30, %add3A_31 : i32
      %lt3A = arith.constant 49 : i32
      %lt3A_33 = arith.cmpi slt, %add3A_32, %lt3A : i32
      %convert_element_type3A = arith.extui %lt3A_33 : i1 to i32
      %cond3A = arith.constant 0 : i32
      %cond3A_34 = arith.cmpi ne, %convert_element_type3A, %cond3A : i32
      scf.if %cond3A_34 {
        %add3A_76 = arith.constant 1 : i32
        %add3A_77 = arith.addi %mul3A_30, %add3A_76 : i32
        %dma_start3A_78 = arith.constant 0 : i32
        %dma_start3A_79 = tpu.memref_slice %arg5[%add3A_77, %dma_start3A_78] : memref<49x320xi32, #tpu.memory_space<vmem>> -> memref<1x320xi32, #tpu.memory_space<vmem>>
        %dma_start3A_80 = tpu.memref_squeeze %dma_start3A_79 : memref<1x320xi32, #tpu.memory_space<vmem>> -> memref<320xi32, #tpu.memory_space<vmem>>
        %dma_start3A_81 = arith.constant 0 : i32
        %dma_start3A_82 = arith.constant 0 : i32
        %dma_start3A_83 = tpu.memref_slice %arg2[%dma_start3A_81, %dma_start3A_82] : memref<50000x128xbf16, #tpu.memory_space<hbm>> -> memref<50000x128xbf16, #tpu.memory_space<hbm>>
        tpu.enqueue_indirect_dma source(%dma_start3A_83 : memref<50000x128xbf16, #tpu.memory_space<hbm>>) target(%arg7 : memref<320x128xbf16, #tpu.memory_space<vmem>>) offsets(%dma_start3A_80 : memref<320xi32, #tpu.memory_space<vmem>>) semaphore(%arg10 : memref<!tpu.dma_semaphore, #tpu.memory_space<semaphore_mem>>)
      } else {
      }
      %dma_wait3A_35 = arith.constant 0 : i32
      %dma_wait3A_36 = tpu.memref_slice %arg5[%mul3A_30, %dma_wait3A_35] : memref<49x320xi32, #tpu.memory_space<vmem>> -> memref<1x320xi32, #tpu.memory_space<vmem>>
      %dma_wait3A_37 = tpu.memref_squeeze %dma_wait3A_36 : memref<1x320xi32, #tpu.memory_space<vmem>> -> memref<320xi32, #tpu.memory_space<vmem>>
      %dma_wait3A_38 = arith.constant 0 : i32
      %dma_wait3A_39 = arith.constant 0 : i32
      %dma_wait3A_40 = tpu.memref_slice %arg2[%dma_wait3A_38, %dma_wait3A_39] : memref<50000x128xbf16, #tpu.memory_space<hbm>> -> memref<50000x128xbf16, #tpu.memory_space<hbm>>
      tpu.wait_indirect_dma semaphore(%arg9 : memref<!tpu.dma_semaphore, #tpu.memory_space<semaphore_mem>>) src(%dma_wait3A_40 : memref<50000x128xbf16, #tpu.memory_space<hbm>>) dst(%arg6 : memref<320x128xbf16, #tpu.memory_space<vmem>>)
      %scan3A_41 = arith.constant 0 : i32
      %scan3A_42 = arith.constant 0 : i32
      %scan3A_43 = arith.constant 32 : i32
      %scan3A_44 = arith.addi %scan3A_42, %scan3A_43 : i32
      %scan3A_45 = arith.constant 1 : i32
      scf.for %scan3A_76 = %scan3A_42 to %scan3A_44 step %scan3A_45  : i32 {
        %mul3A_77 = arith.constant 10 : i32
        %mul3A_78 = arith.muli %scan3A_76, %mul3A_77 : i32
        %get3A = arith.index_cast %mul3A_78 : i32 to index
        %get3A_79 = arith.constant 0 : index
        %get3A_80 = tpu.vector_load %arg6[%get3A, %get3A_79] {strides = array<i32>} : memref<320x128xbf16, #tpu.memory_space<vmem>>, vector<1x32xbf16>,
        %get3A_81 = vector.shape_cast %get3A_80 : vector<1x32xbf16> to vector<32xbf16>
        %add3A_82 = arith.constant 1 : i32
        %add3A_83 = arith.addi %mul3A_78, %add3A_82 : i32
        %get3A_84 = arith.index_cast %add3A_83 : i32 to index
        %get3A_85 = arith.constant 0 : index
        %get3A_86 = tpu.vector_load %arg6[%get3A_84, %get3A_85] {strides = array<i32>} : memref<320x128xbf16, #tpu.memory_space<vmem>>, vector<1x32xbf16>,
        %get3A_87 = vector.shape_cast %get3A_86 : vector<1x32xbf16> to vector<32xbf16>
        %max3A = arith.maximumf %get3A_81, %get3A_87 : vector<32xbf16>
        %add3A_88 = arith.constant 2 : i32
        %add3A_89 = arith.addi %mul3A_78, %add3A_88 : i32
        %get3A_90 = arith.index_cast %add3A_89 : i32 to index
        %get3A_91 = arith.constant 0 : index
        %get3A_92 = tpu.vector_load %arg6[%get3A_90, %get3A_91] {strides = array<i32>} : memref<320x128xbf16, #tpu.memory_space<vmem>>, vector<1x32xbf16>,
        %get3A_93 = vector.shape_cast %get3A_92 : vector<1x32xbf16> to vector<32xbf16>
        %max3A_94 = arith.maximumf %max3A, %get3A_93 : vector<32xbf16>
        %add3A_95 = arith.constant 3 : i32
        %add3A_96 = arith.addi %mul3A_78, %add3A_95 : i32
        %get3A_97 = arith.index_cast %add3A_96 : i32 to index
        %get3A_98 = arith.constant 0 : index
        %get3A_99 = tpu.vector_load %arg6[%get3A_97, %get3A_98] {strides = array<i32>} : memref<320x128xbf16, #tpu.memory_space<vmem>>, vector<1x32xbf16>,
        %get3A_100 = vector.shape_cast %get3A_99 : vector<1x32xbf16> to vector<32xbf16>
        %max3A_101 = arith.maximumf %max3A_94, %get3A_100 : vector<32xbf16>
        %add3A_102 = arith.constant 4 : i32
        %add3A_103 = arith.addi %mul3A_78, %add3A_102 : i32
        %get3A_104 = arith.index_cast %add3A_103 : i32 to index
        %get3A_105 = arith.constant 0 : index
        %get3A_106 = tpu.vector_load %arg6[%get3A_104, %get3A_105] {strides = array<i32>} : memref<320x128xbf16, #tpu.memory_space<vmem>>, vector<1x32xbf16>,
        %get3A_107 = vector.shape_cast %get3A_106 : vector<1x32xbf16> to vector<32xbf16>
        %max3A_108 = arith.maximumf %max3A_101, %get3A_107 : vector<32xbf16>
        %add3A_109 = arith.constant 5 : i32
        %add3A_110 = arith.addi %mul3A_78, %add3A_109 : i32
        %get3A_111 = arith.index_cast %add3A_110 : i32 to index
        %get3A_112 = arith.constant 0 : index
        %get3A_113 = tpu.vector_load %arg6[%get3A_111, %get3A_112] {strides = array<i32>} : memref<320x128xbf16, #tpu.memory_space<vmem>>, vector<1x32xbf16>,
        %get3A_114 = vector.shape_cast %get3A_113 : vector<1x32xbf16> to vector<32xbf16>
        %max3A_115 = arith.maximumf %max3A_108, %get3A_114 : vector<32xbf16>
        %add3A_116 = arith.constant 6 : i32
        %add3A_117 = arith.addi %mul3A_78, %add3A_116 : i32
        %get3A_118 = arith.index_cast %add3A_117 : i32 to index
        %get3A_119 = arith.constant 0 : index
        %get3A_120 = tpu.vector_load %arg6[%get3A_118, %get3A_119] {strides = array<i32>} : memref<320x128xbf16, #tpu.memory_space<vmem>>, vector<1x32xbf16>,
        %get3A_121 = vector.shape_cast %get3A_120 : vector<1x32xbf16> to vector<32xbf16>
        %max3A_122 = arith.maximumf %max3A_115, %get3A_121 : vector<32xbf16>
        %add3A_123 = arith.constant 7 : i32
        %add3A_124 = arith.addi %mul3A_78, %add3A_123 : i32
        %get3A_125 = arith.index_cast %add3A_124 : i32 to index
        %get3A_126 = arith.constant 0 : index
        %get3A_127 = tpu.vector_load %arg6[%get3A_125, %get3A_126] {strides = array<i32>} : memref<320x128xbf16, #tpu.memory_space<vmem>>, vector<1x32xbf16>,
        %get3A_128 = vector.shape_cast %get3A_127 : vector<1x32xbf16> to vector<32xbf16>
        %max3A_129 = arith.maximumf %max3A_122, %get3A_128 : vector<32xbf16>
        %add3A_130 = arith.constant 8 : i32
        %add3A_131 = arith.addi %mul3A_78, %add3A_130 : i32
        %get3A_132 = arith.index_cast %add3A_131 : i32 to index
        %get3A_133 = arith.constant 0 : index
        %get3A_134 = tpu.vector_load %arg6[%get3A_132, %get3A_133] {strides = array<i32>} : memref<320x128xbf16, #tpu.memory_space<vmem>>, vector<1x32xbf16>,
        %get3A_135 = vector.shape_cast %get3A_134 : vector<1x32xbf16> to vector<32xbf16>
        %max3A_136 = arith.maximumf %max3A_129, %get3A_135 : vector<32xbf16>
        %add3A_137 = arith.constant 9 : i32
        %add3A_138 = arith.addi %mul3A_78, %add3A_137 : i32
        %get3A_139 = arith.index_cast %add3A_138 : i32 to index
        %get3A_140 = arith.constant 0 : index
        %get3A_141 = tpu.vector_load %arg6[%get3A_139, %get3A_140] {strides = array<i32>} : memref<320x128xbf16, #tpu.memory_space<vmem>>, vector<1x32xbf16>,
        %get3A_142 = vector.shape_cast %get3A_141 : vector<1x32xbf16> to vector<32xbf16>
        %max3A_143 = arith.maximumf %max3A_136, %get3A_142 : vector<32xbf16>
        %swap3A = arith.index_cast %scan3A_76 : i32 to index
        %swap3A_144 = arith.constant 0 : index
        %swap3A_145 = tpu.vector_load %arg8[%swap3A, %swap3A_144] {strides = array<i32>} : memref<32x128xbf16, #tpu.memory_space<vmem>>, vector<1x32xbf16>,
        %swap3A_146 = vector.shape_cast %swap3A_145 : vector<1x32xbf16> to vector<32xbf16>
        %swap3A_147 = vector.shape_cast %max3A_143 : vector<32xbf16> to vector<1x32xbf16>
        tpu.vector_store %arg8[%swap3A, %swap3A_144], %swap3A_147 {strides = array<i32>} : memref<32x128xbf16, #tpu.memory_space<vmem>>, vector<1x32xbf16>,
        %get3A_148 = arith.index_cast %mul3A_78 : i32 to index
        %get3A_149 = arith.constant 32 : index
        %get3A_150 = tpu.vector_load %arg6[%get3A_148, %get3A_149] {strides = array<i32>} : memref<320x128xbf16, #tpu.memory_space<vmem>>, vector<1x32xbf16>,
        %get3A_151 = vector.shape_cast %get3A_150 : vector<1x32xbf16> to vector<32xbf16>
        %add3A_152 = arith.constant 1 : i32
        %add3A_153 = arith.addi %mul3A_78, %add3A_152 : i32
        %get3A_154 = arith.index_cast %add3A_153 : i32 to index
        %get3A_155 = arith.constant 32 : index
        %get3A_156 = tpu.vector_load %arg6[%get3A_154, %get3A_155] {strides = array<i32>} : memref<320x128xbf16, #tpu.memory_space<vmem>>, vector<1x32xbf16>,
        %get3A_157 = vector.shape_cast %get3A_156 : vector<1x32xbf16> to vector<32xbf16>
        %max3A_158 = arith.maximumf %get3A_151, %get3A_157 : vector<32xbf16>
        %add3A_159 = arith.constant 2 : i32
        %add3A_160 = arith.addi %mul3A_78, %add3A_159 : i32
        %get3A_161 = arith.index_cast %add3A_160 : i32 to index
        %get3A_162 = arith.constant 32 : index
        %get3A_163 = tpu.vector_load %arg6[%get3A_161, %get3A_162] {strides = array<i32>} : memref<320x128xbf16, #tpu.memory_space<vmem>>, vector<1x32xbf16>,
        %get3A_164 = vector.shape_cast %get3A_163 : vector<1x32xbf16> to vector<32xbf16>
        %max3A_165 = arith.maximumf %max3A_158, %get3A_164 : vector<32xbf16>
        %add3A_166 = arith.constant 3 : i32
        %add3A_167 = arith.addi %mul3A_78, %add3A_166 : i32
        %get3A_168 = arith.index_cast %add3A_167 : i32 to index
        %get3A_169 = arith.constant 32 : index
        %get3A_170 = tpu.vector_load %arg6[%get3A_168, %get3A_169] {strides = array<i32>} : memref<320x128xbf16, #tpu.memory_space<vmem>>, vector<1x32xbf16>,
        %get3A_171 = vector.shape_cast %get3A_170 : vector<1x32xbf16> to vector<32xbf16>
        %max3A_172 = arith.maximumf %max3A_165, %get3A_171 : vector<32xbf16>
        %add3A_173 = arith.constant 4 : i32
        %add3A_174 = arith.addi %mul3A_78, %add3A_173 : i32
        %get3A_175 = arith.index_cast %add3A_174 : i32 to index
        %get3A_176 = arith.constant 32 : index
        %get3A_177 = tpu.vector_load %arg6[%get3A_175, %get3A_176] {strides = array<i32>} : memref<320x128xbf16, #tpu.memory_space<vmem>>, vector<1x32xbf16>,
        %get3A_178 = vector.shape_cast %get3A_177 : vector<1x32xbf16> to vector<32xbf16>
        %max3A_179 = arith.maximumf %max3A_172, %get3A_178 : vector<32xbf16>
        %add3A_180 = arith.constant 5 : i32
        %add3A_181 = arith.addi %mul3A_78, %add3A_180 : i32
        %get3A_182 = arith.index_cast %add3A_181 : i32 to index
        %get3A_183 = arith.constant 32 : index
        %get3A_184 = tpu.vector_load %arg6[%get3A_182, %get3A_183] {strides = array<i32>} : memref<320x128xbf16, #tpu.memory_space<vmem>>, vector<1x32xbf16>,
        %get3A_185 = vector.shape_cast %get3A_184 : vector<1x32xbf16> to vector<32xbf16>
        %max3A_186 = arith.maximumf %max3A_179, %get3A_185 : vector<32xbf16>
        %add3A_187 = arith.constant 6 : i32
        %add3A_188 = arith.addi %mul3A_78, %add3A_187 : i32
        %get3A_189 = arith.index_cast %add3A_188 : i32 to index
        %get3A_190 = arith.constant 32 : index
        %get3A_191 = tpu.vector_load %arg6[%get3A_189, %get3A_190] {strides = array<i32>} : memref<320x128xbf16, #tpu.memory_space<vmem>>, vector<1x32xbf16>,
        %get3A_192 = vector.shape_cast %get3A_191 : vector<1x32xbf16> to vector<32xbf16>
        %max3A_193 = arith.maximumf %max3A_186, %get3A_192 : vector<32xbf16>
        %add3A_194 = arith.constant 7 : i32
        %add3A_195 = arith.addi %mul3A_78, %add3A_194 : i32
        %get3A_196 = arith.index_cast %add3A_195 : i32 to index
        %get3A_197 = arith.constant 32 : index
        %get3A_198 = tpu.vector_load %arg6[%get3A_196, %get3A_197] {strides = array<i32>} : memref<320x128xbf16, #tpu.memory_space<vmem>>, vector<1x32xbf16>,
        %get3A_199 = vector.shape_cast %get3A_198 : vector<1x32xbf16> to vector<32xbf16>
        %max3A_200 = arith.maximumf %max3A_193, %get3A_199 : vector<32xbf16>
        %add3A_201 = arith.constant 8 : i32
        %add3A_202 = arith.addi %mul3A_78, %add3A_201 : i32
        %get3A_203 = arith.index_cast %add3A_202 : i32 to index
        %get3A_204 = arith.constant 32 : index
        %get3A_205 = tpu.vector_load %arg6[%get3A_203, %get3A_204] {strides = array<i32>} : memref<320x128xbf16, #tpu.memory_space<vmem>>, vector<1x32xbf16>,
        %get3A_206 = vector.shape_cast %get3A_205 : vector<1x32xbf16> to vector<32xbf16>
        %max3A_207 = arith.maximumf %max3A_200, %get3A_206 : vector<32xbf16>
        %add3A_208 = arith.constant 9 : i32
        %add3A_209 = arith.addi %mul3A_78, %add3A_208 : i32
        %get3A_210 = arith.index_cast %add3A_209 : i32 to index
        %get3A_211 = arith.constant 32 : index
        %get3A_212 = tpu.vector_load %arg6[%get3A_210, %get3A_211] {strides = array<i32>} : memref<320x128xbf16, #tpu.memory_space<vmem>>, vector<1x32xbf16>,
        %get3A_213 = vector.shape_cast %get3A_212 : vector<1x32xbf16> to vector<32xbf16>
        %max3A_214 = arith.maximumf %max3A_207, %get3A_213 : vector<32xbf16>
        %swap3A_215 = arith.index_cast %scan3A_76 : i32 to index
        %swap3A_216 = arith.constant 32 : index
        %swap3A_217 = tpu.vector_load %arg8[%swap3A_215, %swap3A_216] {strides = array<i32>} : memref<32x128xbf16, #tpu.memory_space<vmem>>, vector<1x32xbf16>,
        %swap3A_218 = vector.shape_cast %swap3A_217 : vector<1x32xbf16> to vector<32xbf16>
        %swap3A_219 = vector.shape_cast %max3A_214 : vector<32xbf16> to vector<1x32xbf16>
        tpu.vector_store %arg8[%swap3A_215, %swap3A_216], %swap3A_219 {strides = array<i32>} : memref<32x128xbf16, #tpu.memory_space<vmem>>, vector<1x32xbf16>,
        %get3A_220 = arith.index_cast %mul3A_78 : i32 to index
        %get3A_221 = arith.constant 64 : index
        %get3A_222 = tpu.vector_load %arg6[%get3A_220, %get3A_221] {strides = array<i32>} : memref<320x128xbf16, #tpu.memory_space<vmem>>, vector<1x32xbf16>,
        %get3A_223 = vector.shape_cast %get3A_222 : vector<1x32xbf16> to vector<32xbf16>
        %add3A_224 = arith.constant 1 : i32
        %add3A_225 = arith.addi %mul3A_78, %add3A_224 : i32
        %get3A_226 = arith.index_cast %add3A_225 : i32 to index
        %get3A_227 = arith.constant 64 : index
        %get3A_228 = tpu.vector_load %arg6[%get3A_226, %get3A_227] {strides = array<i32>} : memref<320x128xbf16, #tpu.memory_space<vmem>>, vector<1x32xbf16>,
        %get3A_229 = vector.shape_cast %get3A_228 : vector<1x32xbf16> to vector<32xbf16>
        %max3A_230 = arith.maximumf %get3A_223, %get3A_229 : vector<32xbf16>
        %add3A_231 = arith.constant 2 : i32
        %add3A_232 = arith.addi %mul3A_78, %add3A_231 : i32
        %get3A_233 = arith.index_cast %add3A_232 : i32 to index
        %get3A_234 = arith.constant 64 : index
        %get3A_235 = tpu.vector_load %arg6[%get3A_233, %get3A_234] {strides = array<i32>} : memref<320x128xbf16, #tpu.memory_space<vmem>>, vector<1x32xbf16>,
        %get3A_236 = vector.shape_cast %get3A_235 : vector<1x32xbf16> to vector<32xbf16>
        %max3A_237 = arith.maximumf %max3A_230, %get3A_236 : vector<32xbf16>
        %add3A_238 = arith.constant 3 : i32
        %add3A_239 = arith.addi %mul3A_78, %add3A_238 : i32
        %get3A_240 = arith.index_cast %add3A_239 : i32 to index
        %get3A_241 = arith.constant 64 : index
        %get3A_242 = tpu.vector_load %arg6[%get3A_240, %get3A_241] {strides = array<i32>} : memref<320x128xbf16, #tpu.memory_space<vmem>>, vector<1x32xbf16>,
        %get3A_243 = vector.shape_cast %get3A_242 : vector<1x32xbf16> to vector<32xbf16>
        %max3A_244 = arith.maximumf %max3A_237, %get3A_243 : vector<32xbf16>
        %add3A_245 = arith.constant 4 : i32
        %add3A_246 = arith.addi %mul3A_78, %add3A_245 : i32
        %get3A_247 = arith.index_cast %add3A_246 : i32 to index
        %get3A_248 = arith.constant 64 : index
        %get3A_249 = tpu.vector_load %arg6[%get3A_247, %get3A_248] {strides = array<i32>} : memref<320x128xbf16, #tpu.memory_space<vmem>>, vector<1x32xbf16>,
        %get3A_250 = vector.shape_cast %get3A_249 : vector<1x32xbf16> to vector<32xbf16>
        %max3A_251 = arith.maximumf %max3A_244, %get3A_250 : vector<32xbf16>
        %add3A_252 = arith.constant 5 : i32
        %add3A_253 = arith.addi %mul3A_78, %add3A_252 : i32
        %get3A_254 = arith.index_cast %add3A_253 : i32 to index
        %get3A_255 = arith.constant 64 : index
        %get3A_256 = tpu.vector_load %arg6[%get3A_254, %get3A_255] {strides = array<i32>} : memref<320x128xbf16, #tpu.memory_space<vmem>>, vector<1x32xbf16>,
        %get3A_257 = vector.shape_cast %get3A_256 : vector<1x32xbf16> to vector<32xbf16>
        %max3A_258 = arith.maximumf %max3A_251, %get3A_257 : vector<32xbf16>
        %add3A_259 = arith.constant 6 : i32
        %add3A_260 = arith.addi %mul3A_78, %add3A_259 : i32
        %get3A_261 = arith.index_cast %add3A_260 : i32 to index
        %get3A_262 = arith.constant 64 : index
        %get3A_263 = tpu.vector_load %arg6[%get3A_261, %get3A_262] {strides = array<i32>} : memref<320x128xbf16, #tpu.memory_space<vmem>>, vector<1x32xbf16>,
        %get3A_264 = vector.shape_cast %get3A_263 : vector<1x32xbf16> to vector<32xbf16>
        %max3A_265 = arith.maximumf %max3A_258, %get3A_264 : vector<32xbf16>
        %add3A_266 = arith.constant 7 : i32
        %add3A_267 = arith.addi %mul3A_78, %add3A_266 : i32
        %get3A_268 = arith.index_cast %add3A_267 : i32 to index
        %get3A_269 = arith.constant 64 : index
        %get3A_270 = tpu.vector_load %arg6[%get3A_268, %get3A_269] {strides = array<i32>} : memref<320x128xbf16, #tpu.memory_space<vmem>>, vector<1x32xbf16>,
        %get3A_271 = vector.shape_cast %get3A_270 : vector<1x32xbf16> to vector<32xbf16>
        %max3A_272 = arith.maximumf %max3A_265, %get3A_271 : vector<32xbf16>
        %add3A_273 = arith.constant 8 : i32
        %add3A_274 = arith.addi %mul3A_78, %add3A_273 : i32
        %get3A_275 = arith.index_cast %add3A_274 : i32 to index
        %get3A_276 = arith.constant 64 : index
        %get3A_277 = tpu.vector_load %arg6[%get3A_275, %get3A_276] {strides = array<i32>} : memref<320x128xbf16, #tpu.memory_space<vmem>>, vector<1x32xbf16>,
        %get3A_278 = vector.shape_cast %get3A_277 : vector<1x32xbf16> to vector<32xbf16>
        %max3A_279 = arith.maximumf %max3A_272, %get3A_278 : vector<32xbf16>
        %add3A_280 = arith.constant 9 : i32
        %add3A_281 = arith.addi %mul3A_78, %add3A_280 : i32
        %get3A_282 = arith.index_cast %add3A_281 : i32 to index
        %get3A_283 = arith.constant 64 : index
        %get3A_284 = tpu.vector_load %arg6[%get3A_282, %get3A_283] {strides = array<i32>} : memref<320x128xbf16, #tpu.memory_space<vmem>>, vector<1x32xbf16>,
        %get3A_285 = vector.shape_cast %get3A_284 : vector<1x32xbf16> to vector<32xbf16>
        %max3A_286 = arith.maximumf %max3A_279, %get3A_285 : vector<32xbf16>
        %swap3A_287 = arith.index_cast %scan3A_76 : i32 to index
        %swap3A_288 = arith.constant 64 : index
        %swap3A_289 = tpu.vector_load %arg8[%swap3A_287, %swap3A_288] {strides = array<i32>} : memref<32x128xbf16, #tpu.memory_space<vmem>>, vector<1x32xbf16>,
        %swap3A_290 = vector.shape_cast %swap3A_289 : vector<1x32xbf16> to vector<32xbf16>
        %swap3A_291 = vector.shape_cast %max3A_286 : vector<32xbf16> to vector<1x32xbf16>
        tpu.vector_store %arg8[%swap3A_287, %swap3A_288], %swap3A_291 {strides = array<i32>} : memref<32x128xbf16, #tpu.memory_space<vmem>>, vector<1x32xbf16>,
        %get3A_292 = arith.index_cast %mul3A_78 : i32 to index
        %get3A_293 = arith.constant 96 : index
        %get3A_294 = tpu.vector_load %arg6[%get3A_292, %get3A_293] {strides = array<i32>} : memref<320x128xbf16, #tpu.memory_space<vmem>>, vector<1x32xbf16>,
        %get3A_295 = vector.shape_cast %get3A_294 : vector<1x32xbf16> to vector<32xbf16>
        %add3A_296 = arith.constant 1 : i32
        %add3A_297 = arith.addi %mul3A_78, %add3A_296 : i32
        %get3A_298 = arith.index_cast %add3A_297 : i32 to index
        %get3A_299 = arith.constant 96 : index
        %get3A_300 = tpu.vector_load %arg6[%get3A_298, %get3A_299] {strides = array<i32>} : memref<320x128xbf16, #tpu.memory_space<vmem>>, vector<1x32xbf16>,
        %get3A_301 = vector.shape_cast %get3A_300 : vector<1x32xbf16> to vector<32xbf16>
        %max3A_302 = arith.maximumf %get3A_295, %get3A_301 : vector<32xbf16>
        %add3A_303 = arith.constant 2 : i32
        %add3A_304 = arith.addi %mul3A_78, %add3A_303 : i32
        %get3A_305 = arith.index_cast %add3A_304 : i32 to index
        %get3A_306 = arith.constant 96 : index
        %get3A_307 = tpu.vector_load %arg6[%get3A_305, %get3A_306] {strides = array<i32>} : memref<320x128xbf16, #tpu.memory_space<vmem>>, vector<1x32xbf16>,
        %get3A_308 = vector.shape_cast %get3A_307 : vector<1x32xbf16> to vector<32xbf16>
        %max3A_309 = arith.maximumf %max3A_302, %get3A_308 : vector<32xbf16>
        %add3A_310 = arith.constant 3 : i32
        %add3A_311 = arith.addi %mul3A_78, %add3A_310 : i32
        %get3A_312 = arith.index_cast %add3A_311 : i32 to index
        %get3A_313 = arith.constant 96 : index
        %get3A_314 = tpu.vector_load %arg6[%get3A_312, %get3A_313] {strides = array<i32>} : memref<320x128xbf16, #tpu.memory_space<vmem>>, vector<1x32xbf16>,
        %get3A_315 = vector.shape_cast %get3A_314 : vector<1x32xbf16> to vector<32xbf16>
        %max3A_316 = arith.maximumf %max3A_309, %get3A_315 : vector<32xbf16>
        %add3A_317 = arith.constant 4 : i32
        %add3A_318 = arith.addi %mul3A_78, %add3A_317 : i32
        %get3A_319 = arith.index_cast %add3A_318 : i32 to index
        %get3A_320 = arith.constant 96 : index
        %get3A_321 = tpu.vector_load %arg6[%get3A_319, %get3A_320] {strides = array<i32>} : memref<320x128xbf16, #tpu.memory_space<vmem>>, vector<1x32xbf16>,
        %get3A_322 = vector.shape_cast %get3A_321 : vector<1x32xbf16> to vector<32xbf16>
        %max3A_323 = arith.maximumf %max3A_316, %get3A_322 : vector<32xbf16>
        %add3A_324 = arith.constant 5 : i32
        %add3A_325 = arith.addi %mul3A_78, %add3A_324 : i32
        %get3A_326 = arith.index_cast %add3A_325 : i32 to index
        %get3A_327 = arith.constant 96 : index
        %get3A_328 = tpu.vector_load %arg6[%get3A_326, %get3A_327] {strides = array<i32>} : memref<320x128xbf16, #tpu.memory_space<vmem>>, vector<1x32xbf16>,
        %get3A_329 = vector.shape_cast %get3A_328 : vector<1x32xbf16> to vector<32xbf16>
        %max3A_330 = arith.maximumf %max3A_323, %get3A_329 : vector<32xbf16>
        %add3A_331 = arith.constant 6 : i32
        %add3A_332 = arith.addi %mul3A_78, %add3A_331 : i32
        %get3A_333 = arith.index_cast %add3A_332 : i32 to index
        %get3A_334 = arith.constant 96 : index
        %get3A_335 = tpu.vector_load %arg6[%get3A_333, %get3A_334] {strides = array<i32>} : memref<320x128xbf16, #tpu.memory_space<vmem>>, vector<1x32xbf16>,
        %get3A_336 = vector.shape_cast %get3A_335 : vector<1x32xbf16> to vector<32xbf16>
        %max3A_337 = arith.maximumf %max3A_330, %get3A_336 : vector<32xbf16>
        %add3A_338 = arith.constant 7 : i32
        %add3A_339 = arith.addi %mul3A_78, %add3A_338 : i32
        %get3A_340 = arith.index_cast %add3A_339 : i32 to index
        %get3A_341 = arith.constant 96 : index
        %get3A_342 = tpu.vector_load %arg6[%get3A_340, %get3A_341] {strides = array<i32>} : memref<320x128xbf16, #tpu.memory_space<vmem>>, vector<1x32xbf16>,
        %get3A_343 = vector.shape_cast %get3A_342 : vector<1x32xbf16> to vector<32xbf16>
        %max3A_344 = arith.maximumf %max3A_337, %get3A_343 : vector<32xbf16>
        %add3A_345 = arith.constant 8 : i32
        %add3A_346 = arith.addi %mul3A_78, %add3A_345 : i32
        %get3A_347 = arith.index_cast %add3A_346 : i32 to index
        %get3A_348 = arith.constant 96 : index
        %get3A_349 = tpu.vector_load %arg6[%get3A_347, %get3A_348] {strides = array<i32>} : memref<320x128xbf16, #tpu.memory_space<vmem>>, vector<1x32xbf16>,
        %get3A_350 = vector.shape_cast %get3A_349 : vector<1x32xbf16> to vector<32xbf16>
        %max3A_351 = arith.maximumf %max3A_344, %get3A_350 : vector<32xbf16>
        %add3A_352 = arith.constant 9 : i32
        %add3A_353 = arith.addi %mul3A_78, %add3A_352 : i32
        %get3A_354 = arith.index_cast %add3A_353 : i32 to index
        %get3A_355 = arith.constant 96 : index
        %get3A_356 = tpu.vector_load %arg6[%get3A_354, %get3A_355] {strides = array<i32>} : memref<320x128xbf16, #tpu.memory_space<vmem>>, vector<1x32xbf16>,
        %get3A_357 = vector.shape_cast %get3A_356 : vector<1x32xbf16> to vector<32xbf16>
        %max3A_358 = arith.maximumf %max3A_351, %get3A_357 : vector<32xbf16>
        %swap3A_359 = arith.index_cast %scan3A_76 : i32 to index
        %swap3A_360 = arith.constant 96 : index
        %swap3A_361 = tpu.vector_load %arg8[%swap3A_359, %swap3A_360] {strides = array<i32>} : memref<32x128xbf16, #tpu.memory_space<vmem>>, vector<1x32xbf16>,
        %swap3A_362 = vector.shape_cast %swap3A_361 : vector<1x32xbf16> to vector<32xbf16>
        %swap3A_363 = vector.shape_cast %max3A_358 : vector<32xbf16> to vector<1x32xbf16>
        tpu.vector_store %arg8[%swap3A_359, %swap3A_360], %swap3A_363 {strides = array<i32>} : memref<32x128xbf16, #tpu.memory_space<vmem>>, vector<1x32xbf16>,
      }
      %scan3A_46 = arith.constant 32 : i32
      %mul3A_47 = arith.constant 32 : i32
      %mul3A_48 = arith.muli %mul3A_30, %mul3A_47 : i32
      %add3A_49 = arith.addi %mul3A_2, %mul3A_48 : i32
      "tpu.region"() ({
        %run_scoped3A = tpu.sem_alloc : memref<!tpu.dma_semaphore, #tpu.memory_space<semaphore_mem>>
        %dma_start3A_76 = arith.constant 0 : i32
        %dma_start3A_77 = tpu.memref_slice %arg4[%add3A_49, %dma_start3A_76] : memref<50176x128xbf16, #tpu.memory_space<hbm>> -> memref<32x128xbf16, #tpu.memory_space<hbm>>
        %dma_start3A_78 = arith.constant 0 : i32
        %dma_start3A_79 = tpu.memref_slice %arg4[%add3A_49, %dma_start3A_78] : memref<50176x128xbf16, #tpu.memory_space<hbm>> -> memref<32x128xbf16, #tpu.memory_space<hbm>>
        tpu.enqueue_dma source(%arg8 : memref<32x128xbf16, #tpu.memory_space<vmem>>) target(%dma_start3A_79 : memref<32x128xbf16, #tpu.memory_space<hbm>>) target_semaphore(%run_scoped3A : memref<!tpu.dma_semaphore, #tpu.memory_space<semaphore_mem>>)
        %dma_wait3A_80 = arith.constant 0 : i32
        %dma_wait3A_81 = tpu.memref_slice %arg4[%add3A_49, %dma_wait3A_80] : memref<50176x128xbf16, #tpu.memory_space<hbm>> -> memref<32x128xbf16, #tpu.memory_space<hbm>>
        %dma_wait3A_82 = arith.constant 0 : i32
        %dma_wait3A_83 = tpu.memref_slice %arg4[%add3A_49, %dma_wait3A_82] : memref<50176x128xbf16, #tpu.memory_space<hbm>> -> memref<32x128xbf16, #tpu.memory_space<hbm>>
        tpu.wait_dma2 semaphore(%run_scoped3A : memref<!tpu.dma_semaphore, #tpu.memory_space<semaphore_mem>>) src(%arg8 : memref<32x128xbf16, #tpu.memory_space<vmem>>) dst(%dma_wait3A_83 : memref<32x128xbf16, #tpu.memory_space<hbm>>)
        tpu.yield
      }) : () -> ()
      %mul3A_50 = arith.constant 2 : i32
      %mul3A_51 = arith.muli %mul3A_50, %scan3A_28 : i32
      %add3A_52 = arith.constant 1 : i32
      %add3A_53 = arith.addi %mul3A_51, %add3A_52 : i32
      %add3A_54 = arith.constant 1 : i32
      %add3A_55 = arith.addi %add3A_53, %add3A_54 : i32
      %lt3A_56 = arith.constant 49 : i32
      %lt3A_57 = arith.cmpi slt, %add3A_55, %lt3A_56 : i32
      %convert_element_type3A_58 = arith.extui %lt3A_57 : i1 to i32
      %cond3A_59 = arith.constant 0 : i32
      %cond3A_60 = arith.cmpi ne, %convert_element_type3A_58, %cond3A_59 : i32
      scf.if %cond3A_60 {
        %add3A_76 = arith.constant 1 : i32
        %add3A_77 = arith.addi %add3A_53, %add3A_76 : i32
        %dma_start3A_78 = arith.constant 0 : i32
        %dma_start3A_79 = tpu.memref_slice %arg5[%add3A_77, %dma_start3A_78] : memref<49x320xi32, #tpu.memory_space<vmem>> -> memref<1x320xi32, #tpu.memory_space<vmem>>
        %dma_start3A_80 = tpu.memref_squeeze %dma_start3A_79 : memref<1x320xi32, #tpu.memory_space<vmem>> -> memref<320xi32, #tpu.memory_space<vmem>>
        %dma_start3A_81 = arith.constant 0 : i32
        %dma_start3A_82 = arith.constant 0 : i32
        %dma_start3A_83 = tpu.memref_slice %arg2[%dma_start3A_81, %dma_start3A_82] : memref<50000x128xbf16, #tpu.memory_space<hbm>> -> memref<50000x128xbf16, #tpu.memory_space<hbm>>
        tpu.enqueue_indirect_dma source(%dma_start3A_83 : memref<50000x128xbf16, #tpu.memory_space<hbm>>) target(%arg6 : memref<320x128xbf16, #tpu.memory_space<vmem>>) offsets(%dma_start3A_80 : memref<320xi32, #tpu.memory_space<vmem>>) semaphore(%arg9 : memref<!tpu.dma_semaphore, #tpu.memory_space<semaphore_mem>>)
      } else {
      }
      %dma_wait3A_61 = arith.constant 0 : i32
      %dma_wait3A_62 = tpu.memref_slice %arg5[%add3A_53, %dma_wait3A_61] : memref<49x320xi32, #tpu.memory_space<vmem>> -> memref<1x320xi32, #tpu.memory_space<vmem>>
      %dma_wait3A_63 = tpu.memref_squeeze %dma_wait3A_62 : memref<1x320xi32, #tpu.memory_space<vmem>> -> memref<320xi32, #tpu.memory_space<vmem>>
      %dma_wait3A_64 = arith.constant 0 : i32
      %dma_wait3A_65 = arith.constant 0 : i32
      %dma_wait3A_66 = tpu.memref_slice %arg2[%dma_wait3A_64, %dma_wait3A_65] : memref<50000x128xbf16, #tpu.memory_space<hbm>> -> memref<50000x128xbf16, #tpu.memory_space<hbm>>
      tpu.wait_indirect_dma semaphore(%arg10 : memref<!tpu.dma_semaphore, #tpu.memory_space<semaphore_mem>>) src(%dma_wait3A_66 : memref<50000x128xbf16, #tpu.memory_space<hbm>>) dst(%arg7 : memref<320x128xbf16, #tpu.memory_space<vmem>>)
      %scan3A_67 = arith.constant 0 : i32
      %scan3A_68 = arith.constant 0 : i32
      %scan3A_69 = arith.constant 32 : i32
      %scan3A_70 = arith.addi %scan3A_68, %scan3A_69 : i32
      %scan3A_71 = arith.constant 1 : i32
      scf.for %scan3A_76 = %scan3A_68 to %scan3A_70 step %scan3A_71  : i32 {
        %mul3A_77 = arith.constant 10 : i32
        %mul3A_78 = arith.muli %scan3A_76, %mul3A_77 : i32
        %get3A = arith.index_cast %mul3A_78 : i32 to index
        %get3A_79 = arith.constant 0 : index
        %get3A_80 = tpu.vector_load %arg7[%get3A, %get3A_79] {strides = array<i32>} : memref<320x128xbf16, #tpu.memory_space<vmem>>, vector<1x32xbf16>,
        %get3A_81 = vector.shape_cast %get3A_80 : vector<1x32xbf16> to vector<32xbf16>
        %add3A_82 = arith.constant 1 : i32
        %add3A_83 = arith.addi %mul3A_78, %add3A_82 : i32
        %get3A_84 = arith.index_cast %add3A_83 : i32 to index
        %get3A_85 = arith.constant 0 : index
        %get3A_86 = tpu.vector_load %arg7[%get3A_84, %get3A_85] {strides = array<i32>} : memref<320x128xbf16, #tpu.memory_space<vmem>>, vector<1x32xbf16>,
        %get3A_87 = vector.shape_cast %get3A_86 : vector<1x32xbf16> to vector<32xbf16>
        %max3A = arith.maximumf %get3A_81, %get3A_87 : vector<32xbf16>
        %add3A_88 = arith.constant 2 : i32
        %add3A_89 = arith.addi %mul3A_78, %add3A_88 : i32
        %get3A_90 = arith.index_cast %add3A_89 : i32 to index
        %get3A_91 = arith.constant 0 : index
        %get3A_92 = tpu.vector_load %arg7[%get3A_90, %get3A_91] {strides = array<i32>} : memref<320x128xbf16, #tpu.memory_space<vmem>>, vector<1x32xbf16>,
        %get3A_93 = vector.shape_cast %get3A_92 : vector<1x32xbf16> to vector<32xbf16>
        %max3A_94 = arith.maximumf %max3A, %get3A_93 : vector<32xbf16>
        %add3A_95 = arith.constant 3 : i32
        %add3A_96 = arith.addi %mul3A_78, %add3A_95 : i32
        %get3A_97 = arith.index_cast %add3A_96 : i32 to index
        %get3A_98 = arith.constant 0 : index
        %get3A_99 = tpu.vector_load %arg7[%get3A_97, %get3A_98] {strides = array<i32>} : memref<320x128xbf16, #tpu.memory_space<vmem>>, vector<1x32xbf16>,
        %get3A_100 = vector.shape_cast %get3A_99 : vector<1x32xbf16> to vector<32xbf16>
        %max3A_101 = arith.maximumf %max3A_94, %get3A_100 : vector<32xbf16>
        %add3A_102 = arith.constant 4 : i32
        %add3A_103 = arith.addi %mul3A_78, %add3A_102 : i32
        %get3A_104 = arith.index_cast %add3A_103 : i32 to index
        %get3A_105 = arith.constant 0 : index
        %get3A_106 = tpu.vector_load %arg7[%get3A_104, %get3A_105] {strides = array<i32>} : memref<320x128xbf16, #tpu.memory_space<vmem>>, vector<1x32xbf16>,
        %get3A_107 = vector.shape_cast %get3A_106 : vector<1x32xbf16> to vector<32xbf16>
        %max3A_108 = arith.maximumf %max3A_101, %get3A_107 : vector<32xbf16>
        %add3A_109 = arith.constant 5 : i32
        %add3A_110 = arith.addi %mul3A_78, %add3A_109 : i32
        %get3A_111 = arith.index_cast %add3A_110 : i32 to index
        %get3A_112 = arith.constant 0 : index
        %get3A_113 = tpu.vector_load %arg7[%get3A_111, %get3A_112] {strides = array<i32>} : memref<320x128xbf16, #tpu.memory_space<vmem>>, vector<1x32xbf16>,
        %get3A_114 = vector.shape_cast %get3A_113 : vector<1x32xbf16> to vector<32xbf16>
        %max3A_115 = arith.maximumf %max3A_108, %get3A_114 : vector<32xbf16>
        %add3A_116 = arith.constant 6 : i32
        %add3A_117 = arith.addi %mul3A_78, %add3A_116 : i32
        %get3A_118 = arith.index_cast %add3A_117 : i32 to index
        %get3A_119 = arith.constant 0 : index
        %get3A_120 = tpu.vector_load %arg7[%get3A_118, %get3A_119] {strides = array<i32>} : memref<320x128xbf16, #tpu.memory_space<vmem>>, vector<1x32xbf16>,
        %get3A_121 = vector.shape_cast %get3A_120 : vector<1x32xbf16> to vector<32xbf16>
        %max3A_122 = arith.maximumf %max3A_115, %get3A_121 : vector<32xbf16>
        %add3A_123 = arith.constant 7 : i32
        %add3A_124 = arith.addi %mul3A_78, %add3A_123 : i32
        %get3A_125 = arith.index_cast %add3A_124 : i32 to index
        %get3A_126 = arith.constant 0 : index
        %get3A_127 = tpu.vector_load %arg7[%get3A_125, %get3A_126] {strides = array<i32>} : memref<320x128xbf16, #tpu.memory_space<vmem>>, vector<1x32xbf16>,
        %get3A_128 = vector.shape_cast %get3A_127 : vector<1x32xbf16> to vector<32xbf16>
        %max3A_129 = arith.maximumf %max3A_122, %get3A_128 : vector<32xbf16>
        %add3A_130 = arith.constant 8 : i32
        %add3A_131 = arith.addi %mul3A_78, %add3A_130 : i32
        %get3A_132 = arith.index_cast %add3A_131 : i32 to index
        %get3A_133 = arith.constant 0 : index
        %get3A_134 = tpu.vector_load %arg7[%get3A_132, %get3A_133] {strides = array<i32>} : memref<320x128xbf16, #tpu.memory_space<vmem>>, vector<1x32xbf16>,
        %get3A_135 = vector.shape_cast %get3A_134 : vector<1x32xbf16> to vector<32xbf16>
        %max3A_136 = arith.maximumf %max3A_129, %get3A_135 : vector<32xbf16>
        %add3A_137 = arith.constant 9 : i32
        %add3A_138 = arith.addi %mul3A_78, %add3A_137 : i32
        %get3A_139 = arith.index_cast %add3A_138 : i32 to index
        %get3A_140 = arith.constant 0 : index
        %get3A_141 = tpu.vector_load %arg7[%get3A_139, %get3A_140] {strides = array<i32>} : memref<320x128xbf16, #tpu.memory_space<vmem>>, vector<1x32xbf16>,
        %get3A_142 = vector.shape_cast %get3A_141 : vector<1x32xbf16> to vector<32xbf16>
        %max3A_143 = arith.maximumf %max3A_136, %get3A_142 : vector<32xbf16>
        %swap3A = arith.index_cast %scan3A_76 : i32 to index
        %swap3A_144 = arith.constant 0 : index
        %swap3A_145 = tpu.vector_load %arg8[%swap3A, %swap3A_144] {strides = array<i32>} : memref<32x128xbf16, #tpu.memory_space<vmem>>, vector<1x32xbf16>,
        %swap3A_146 = vector.shape_cast %swap3A_145 : vector<1x32xbf16> to vector<32xbf16>
        %swap3A_147 = vector.shape_cast %max3A_143 : vector<32xbf16> to vector<1x32xbf16>
        tpu.vector_store %arg8[%swap3A, %swap3A_144], %swap3A_147 {strides = array<i32>} : memref<32x128xbf16, #tpu.memory_space<vmem>>, vector<1x32xbf16>,
        %get3A_148 = arith.index_cast %mul3A_78 : i32 to index
        %get3A_149 = arith.constant 32 : index
        %get3A_150 = tpu.vector_load %arg7[%get3A_148, %get3A_149] {strides = array<i32>} : memref<320x128xbf16, #tpu.memory_space<vmem>>, vector<1x32xbf16>,
        %get3A_151 = vector.shape_cast %get3A_150 : vector<1x32xbf16> to vector<32xbf16>
        %add3A_152 = arith.constant 1 : i32
        %add3A_153 = arith.addi %mul3A_78, %add3A_152 : i32
        %get3A_154 = arith.index_cast %add3A_153 : i32 to index
        %get3A_155 = arith.constant 32 : index
        %get3A_156 = tpu.vector_load %arg7[%get3A_154, %get3A_155] {strides = array<i32>} : memref<320x128xbf16, #tpu.memory_space<vmem>>, vector<1x32xbf16>,
        %get3A_157 = vector.shape_cast %get3A_156 : vector<1x32xbf16> to vector<32xbf16>
        %max3A_158 = arith.maximumf %get3A_151, %get3A_157 : vector<32xbf16>
        %add3A_159 = arith.constant 2 : i32
        %add3A_160 = arith.addi %mul3A_78, %add3A_159 : i32
        %get3A_161 = arith.index_cast %add3A_160 : i32 to index
        %get3A_162 = arith.constant 32 : index
        %get3A_163 = tpu.vector_load %arg7[%get3A_161, %get3A_162] {strides = array<i32>} : memref<320x128xbf16, #tpu.memory_space<vmem>>, vector<1x32xbf16>,
        %get3A_164 = vector.shape_cast %get3A_163 : vector<1x32xbf16> to vector<32xbf16>
        %max3A_165 = arith.maximumf %max3A_158, %get3A_164 : vector<32xbf16>
        %add3A_166 = arith.constant 3 : i32
        %add3A_167 = arith.addi %mul3A_78, %add3A_166 : i32
        %get3A_168 = arith.index_cast %add3A_167 : i32 to index
        %get3A_169 = arith.constant 32 : index
        %get3A_170 = tpu.vector_load %arg7[%get3A_168, %get3A_169] {strides = array<i32>} : memref<320x128xbf16, #tpu.memory_space<vmem>>, vector<1x32xbf16>,
        %get3A_171 = vector.shape_cast %get3A_170 : vector<1x32xbf16> to vector<32xbf16>
        %max3A_172 = arith.maximumf %max3A_165, %get3A_171 : vector<32xbf16>
        %add3A_173 = arith.constant 4 : i32
        %add3A_174 = arith.addi %mul3A_78, %add3A_173 : i32
        %get3A_175 = arith.index_cast %add3A_174 : i32 to index
        %get3A_176 = arith.constant 32 : index
        %get3A_177 = tpu.vector_load %arg7[%get3A_175, %get3A_176] {strides = array<i32>} : memref<320x128xbf16, #tpu.memory_space<vmem>>, vector<1x32xbf16>,
        %get3A_178 = vector.shape_cast %get3A_177 : vector<1x32xbf16> to vector<32xbf16>
        %max3A_179 = arith.maximumf %max3A_172, %get3A_178 : vector<32xbf16>
        %add3A_180 = arith.constant 5 : i32
        %add3A_181 = arith.addi %mul3A_78, %add3A_180 : i32
        %get3A_182 = arith.index_cast %add3A_181 : i32 to index
        %get3A_183 = arith.constant 32 : index
        %get3A_184 = tpu.vector_load %arg7[%get3A_182, %get3A_183] {strides = array<i32>} : memref<320x128xbf16, #tpu.memory_space<vmem>>, vector<1x32xbf16>,
        %get3A_185 = vector.shape_cast %get3A_184 : vector<1x32xbf16> to vector<32xbf16>
        %max3A_186 = arith.maximumf %max3A_179, %get3A_185 : vector<32xbf16>
        %add3A_187 = arith.constant 6 : i32
        %add3A_188 = arith.addi %mul3A_78, %add3A_187 : i32
        %get3A_189 = arith.index_cast %add3A_188 : i32 to index
        %get3A_190 = arith.constant 32 : index
        %get3A_191 = tpu.vector_load %arg7[%get3A_189, %get3A_190] {strides = array<i32>} : memref<320x128xbf16, #tpu.memory_space<vmem>>, vector<1x32xbf16>,
        %get3A_192 = vector.shape_cast %get3A_191 : vector<1x32xbf16> to vector<32xbf16>
        %max3A_193 = arith.maximumf %max3A_186, %get3A_192 : vector<32xbf16>
        %add3A_194 = arith.constant 7 : i32
        %add3A_195 = arith.addi %mul3A_78, %add3A_194 : i32
        %get3A_196 = arith.index_cast %add3A_195 : i32 to index
        %get3A_197 = arith.constant 32 : index
        %get3A_198 = tpu.vector_load %arg7[%get3A_196, %get3A_197] {strides = array<i32>} : memref<320x128xbf16, #tpu.memory_space<vmem>>, vector<1x32xbf16>,
        %get3A_199 = vector.shape_cast %get3A_198 : vector<1x32xbf16> to vector<32xbf16>
        %max3A_200 = arith.maximumf %max3A_193, %get3A_199 : vector<32xbf16>
        %add3A_201 = arith.constant 8 : i32
        %add3A_202 = arith.addi %mul3A_78, %add3A_201 : i32
        %get3A_203 = arith.index_cast %add3A_202 : i32 to index
        %get3A_204 = arith.constant 32 : index
        %get3A_205 = tpu.vector_load %arg7[%get3A_203, %get3A_204] {strides = array<i32>} : memref<320x128xbf16, #tpu.memory_space<vmem>>, vector<1x32xbf16>,
        %get3A_206 = vector.shape_cast %get3A_205 : vector<1x32xbf16> to vector<32xbf16>
        %max3A_207 = arith.maximumf %max3A_200, %get3A_206 : vector<32xbf16>
        %add3A_208 = arith.constant 9 : i32
        %add3A_209 = arith.addi %mul3A_78, %add3A_208 : i32
        %get3A_210 = arith.index_cast %add3A_209 : i32 to index
        %get3A_211 = arith.constant 32 : index
        %get3A_212 = tpu.vector_load %arg7[%get3A_210, %get3A_211] {strides = array<i32>} : memref<320x128xbf16, #tpu.memory_space<vmem>>, vector<1x32xbf16>,
        %get3A_213 = vector.shape_cast %get3A_212 : vector<1x32xbf16> to vector<32xbf16>
        %max3A_214 = arith.maximumf %max3A_207, %get3A_213 : vector<32xbf16>
        %swap3A_215 = arith.index_cast %scan3A_76 : i32 to index
        %swap3A_216 = arith.constant 32 : index
        %swap3A_217 = tpu.vector_load %arg8[%swap3A_215, %swap3A_216] {strides = array<i32>} : memref<32x128xbf16, #tpu.memory_space<vmem>>, vector<1x32xbf16>,
        %swap3A_218 = vector.shape_cast %swap3A_217 : vector<1x32xbf16> to vector<32xbf16>
        %swap3A_219 = vector.shape_cast %max3A_214 : vector<32xbf16> to vector<1x32xbf16>
        tpu.vector_store %arg8[%swap3A_215, %swap3A_216], %swap3A_219 {strides = array<i32>} : memref<32x128xbf16, #tpu.memory_space<vmem>>, vector<1x32xbf16>,
        %get3A_220 = arith.index_cast %mul3A_78 : i32 to index
        %get3A_221 = arith.constant 64 : index
        %get3A_222 = tpu.vector_load %arg7[%get3A_220, %get3A_221] {strides = array<i32>} : memref<320x128xbf16, #tpu.memory_space<vmem>>, vector<1x32xbf16>,
        %get3A_223 = vector.shape_cast %get3A_222 : vector<1x32xbf16> to vector<32xbf16>
        %add3A_224 = arith.constant 1 : i32
        %add3A_225 = arith.addi %mul3A_78, %add3A_224 : i32
        %get3A_226 = arith.index_cast %add3A_225 : i32 to index
        %get3A_227 = arith.constant 64 : index
        %get3A_228 = tpu.vector_load %arg7[%get3A_226, %get3A_227] {strides = array<i32>} : memref<320x128xbf16, #tpu.memory_space<vmem>>, vector<1x32xbf16>,
        %get3A_229 = vector.shape_cast %get3A_228 : vector<1x32xbf16> to vector<32xbf16>
        %max3A_230 = arith.maximumf %get3A_223, %get3A_229 : vector<32xbf16>
        %add3A_231 = arith.constant 2 : i32
        %add3A_232 = arith.addi %mul3A_78, %add3A_231 : i32
        %get3A_233 = arith.index_cast %add3A_232 : i32 to index
        %get3A_234 = arith.constant 64 : index
        %get3A_235 = tpu.vector_load %arg7[%get3A_233, %get3A_234] {strides = array<i32>} : memref<320x128xbf16, #tpu.memory_space<vmem>>, vector<1x32xbf16>,
        %get3A_236 = vector.shape_cast %get3A_235 : vector<1x32xbf16> to vector<32xbf16>
        %max3A_237 = arith.maximumf %max3A_230, %get3A_236 : vector<32xbf16>
        %add3A_238 = arith.constant 3 : i32
        %add3A_239 = arith.addi %mul3A_78, %add3A_238 : i32
        %get3A_240 = arith.index_cast %add3A_239 : i32 to index
        %get3A_241 = arith.constant 64 : index
        %get3A_242 = tpu.vector_load %arg7[%get3A_240, %get3A_241] {strides = array<i32>} : memref<320x128xbf16, #tpu.memory_space<vmem>>, vector<1x32xbf16>,
        %get3A_243 = vector.shape_cast %get3A_242 : vector<1x32xbf16> to vector<32xbf16>
        %max3A_244 = arith.maximumf %max3A_237, %get3A_243 : vector<32xbf16>
        %add3A_245 = arith.constant 4 : i32
        %add3A_246 = arith.addi %mul3A_78, %add3A_245 : i32
        %get3A_247 = arith.index_cast %add3A_246 : i32 to index
        %get3A_248 = arith.constant 64 : index
        %get3A_249 = tpu.vector_load %arg7[%get3A_247, %get3A_248] {strides = array<i32>} : memref<320x128xbf16, #tpu.memory_space<vmem>>, vector<1x32xbf16>,
        %get3A_250 = vector.shape_cast %get3A_249 : vector<1x32xbf16> to vector<32xbf16>
        %max3A_251 = arith.maximumf %max3A_244, %get3A_250 : vector<32xbf16>
        %add3A_252 = arith.constant 5 : i32
        %add3A_253 = arith.addi %mul3A_78, %add3A_252 : i32
        %get3A_254 = arith.index_cast %add3A_253 : i32 to index
        %get3A_255 = arith.constant 64 : index
        %get3A_256 = tpu.vector_load %arg7[%get3A_254, %get3A_255] {strides = array<i32>} : memref<320x128xbf16, #tpu.memory_space<vmem>>, vector<1x32xbf16>,
        %get3A_257 = vector.shape_cast %get3A_256 : vector<1x32xbf16> to vector<32xbf16>
        %max3A_258 = arith.maximumf %max3A_251, %get3A_257 : vector<32xbf16>
        %add3A_259 = arith.constant 6 : i32
        %add3A_260 = arith.addi %mul3A_78, %add3A_259 : i32
        %get3A_261 = arith.index_cast %add3A_260 : i32 to index
        %get3A_262 = arith.constant 64 : index
        %get3A_263 = tpu.vector_load %arg7[%get3A_261, %get3A_262] {strides = array<i32>} : memref<320x128xbf16, #tpu.memory_space<vmem>>, vector<1x32xbf16>,
        %get3A_264 = vector.shape_cast %get3A_263 : vector<1x32xbf16> to vector<32xbf16>
        %max3A_265 = arith.maximumf %max3A_258, %get3A_264 : vector<32xbf16>
        %add3A_266 = arith.constant 7 : i32
        %add3A_267 = arith.addi %mul3A_78, %add3A_266 : i32
        %get3A_268 = arith.index_cast %add3A_267 : i32 to index
        %get3A_269 = arith.constant 64 : index
        %get3A_270 = tpu.vector_load %arg7[%get3A_268, %get3A_269] {strides = array<i32>} : memref<320x128xbf16, #tpu.memory_space<vmem>>, vector<1x32xbf16>,
        %get3A_271 = vector.shape_cast %get3A_270 : vector<1x32xbf16> to vector<32xbf16>
        %max3A_272 = arith.maximumf %max3A_265, %get3A_271 : vector<32xbf16>
        %add3A_273 = arith.constant 8 : i32
        %add3A_274 = arith.addi %mul3A_78, %add3A_273 : i32
        %get3A_275 = arith.index_cast %add3A_274 : i32 to index
        %get3A_276 = arith.constant 64 : index
        %get3A_277 = tpu.vector_load %arg7[%get3A_275, %get3A_276] {strides = array<i32>} : memref<320x128xbf16, #tpu.memory_space<vmem>>, vector<1x32xbf16>,
        %get3A_278 = vector.shape_cast %get3A_277 : vector<1x32xbf16> to vector<32xbf16>
        %max3A_279 = arith.maximumf %max3A_272, %get3A_278 : vector<32xbf16>
        %add3A_280 = arith.constant 9 : i32
        %add3A_281 = arith.addi %mul3A_78, %add3A_280 : i32
        %get3A_282 = arith.index_cast %add3A_281 : i32 to index
        %get3A_283 = arith.constant 64 : index
        %get3A_284 = tpu.vector_load %arg7[%get3A_282, %get3A_283] {strides = array<i32>} : memref<320x128xbf16, #tpu.memory_space<vmem>>, vector<1x32xbf16>,
        %get3A_285 = vector.shape_cast %get3A_284 : vector<1x32xbf16> to vector<32xbf16>
        %max3A_286 = arith.maximumf %max3A_279, %get3A_285 : vector<32xbf16>
        %swap3A_287 = arith.index_cast %scan3A_76 : i32 to index
        %swap3A_288 = arith.constant 64 : index
        %swap3A_289 = tpu.vector_load %arg8[%swap3A_287, %swap3A_288] {strides = array<i32>} : memref<32x128xbf16, #tpu.memory_space<vmem>>, vector<1x32xbf16>,
        %swap3A_290 = vector.shape_cast %swap3A_289 : vector<1x32xbf16> to vector<32xbf16>
        %swap3A_291 = vector.shape_cast %max3A_286 : vector<32xbf16> to vector<1x32xbf16>
        tpu.vector_store %arg8[%swap3A_287, %swap3A_288], %swap3A_291 {strides = array<i32>} : memref<32x128xbf16, #tpu.memory_space<vmem>>, vector<1x32xbf16>,
        %get3A_292 = arith.index_cast %mul3A_78 : i32 to index
        %get3A_293 = arith.constant 96 : index
        %get3A_294 = tpu.vector_load %arg7[%get3A_292, %get3A_293] {strides = array<i32>} : memref<320x128xbf16, #tpu.memory_space<vmem>>, vector<1x32xbf16>,
        %get3A_295 = vector.shape_cast %get3A_294 : vector<1x32xbf16> to vector<32xbf16>
        %add3A_296 = arith.constant 1 : i32
        %add3A_297 = arith.addi %mul3A_78, %add3A_296 : i32
        %get3A_298 = arith.index_cast %add3A_297 : i32 to index
        %get3A_299 = arith.constant 96 : index
        %get3A_300 = tpu.vector_load %arg7[%get3A_298, %get3A_299] {strides = array<i32>} : memref<320x128xbf16, #tpu.memory_space<vmem>>, vector<1x32xbf16>,
        %get3A_301 = vector.shape_cast %get3A_300 : vector<1x32xbf16> to vector<32xbf16>
        %max3A_302 = arith.maximumf %get3A_295, %get3A_301 : vector<32xbf16>
        %add3A_303 = arith.constant 2 : i32
        %add3A_304 = arith.addi %mul3A_78, %add3A_303 : i32
        %get3A_305 = arith.index_cast %add3A_304 : i32 to index
        %get3A_306 = arith.constant 96 : index
        %get3A_307 = tpu.vector_load %arg7[%get3A_305, %get3A_306] {strides = array<i32>} : memref<320x128xbf16, #tpu.memory_space<vmem>>, vector<1x32xbf16>,
        %get3A_308 = vector.shape_cast %get3A_307 : vector<1x32xbf16> to vector<32xbf16>
        %max3A_309 = arith.maximumf %max3A_302, %get3A_308 : vector<32xbf16>
        %add3A_310 = arith.constant 3 : i32
        %add3A_311 = arith.addi %mul3A_78, %add3A_310 : i32
        %get3A_312 = arith.index_cast %add3A_311 : i32 to index
        %get3A_313 = arith.constant 96 : index
        %get3A_314 = tpu.vector_load %arg7[%get3A_312, %get3A_313] {strides = array<i32>} : memref<320x128xbf16, #tpu.memory_space<vmem>>, vector<1x32xbf16>,
        %get3A_315 = vector.shape_cast %get3A_314 : vector<1x32xbf16> to vector<32xbf16>
        %max3A_316 = arith.maximumf %max3A_309, %get3A_315 : vector<32xbf16>
        %add3A_317 = arith.constant 4 : i32
        %add3A_318 = arith.addi %mul3A_78, %add3A_317 : i32
        %get3A_319 = arith.index_cast %add3A_318 : i32 to index
        %get3A_320 = arith.constant 96 : index
        %get3A_321 = tpu.vector_load %arg7[%get3A_319, %get3A_320] {strides = array<i32>} : memref<320x128xbf16, #tpu.memory_space<vmem>>, vector<1x32xbf16>,
        %get3A_322 = vector.shape_cast %get3A_321 : vector<1x32xbf16> to vector<32xbf16>
        %max3A_323 = arith.maximumf %max3A_316, %get3A_322 : vector<32xbf16>
        %add3A_324 = arith.constant 5 : i32
        %add3A_325 = arith.addi %mul3A_78, %add3A_324 : i32
        %get3A_326 = arith.index_cast %add3A_325 : i32 to index
        %get3A_327 = arith.constant 96 : index
        %get3A_328 = tpu.vector_load %arg7[%get3A_326, %get3A_327] {strides = array<i32>} : memref<320x128xbf16, #tpu.memory_space<vmem>>, vector<1x32xbf16>,
        %get3A_329 = vector.shape_cast %get3A_328 : vector<1x32xbf16> to vector<32xbf16>
        %max3A_330 = arith.maximumf %max3A_323, %get3A_329 : vector<32xbf16>
        %add3A_331 = arith.constant 6 : i32
        %add3A_332 = arith.addi %mul3A_78, %add3A_331 : i32
        %get3A_333 = arith.index_cast %add3A_332 : i32 to index
        %get3A_334 = arith.constant 96 : index
        %get3A_335 = tpu.vector_load %arg7[%get3A_333, %get3A_334] {strides = array<i32>} : memref<320x128xbf16, #tpu.memory_space<vmem>>, vector<1x32xbf16>,
        %get3A_336 = vector.shape_cast %get3A_335 : vector<1x32xbf16> to vector<32xbf16>
        %max3A_337 = arith.maximumf %max3A_330, %get3A_336 : vector<32xbf16>
        %add3A_338 = arith.constant 7 : i32
        %add3A_339 = arith.addi %mul3A_78, %add3A_338 : i32
        %get3A_340 = arith.index_cast %add3A_339 : i32 to index
        %get3A_341 = arith.constant 96 : index
        %get3A_342 = tpu.vector_load %arg7[%get3A_340, %get3A_341] {strides = array<i32>} : memref<320x128xbf16, #tpu.memory_space<vmem>>, vector<1x32xbf16>,
        %get3A_343 = vector.shape_cast %get3A_342 : vector<1x32xbf16> to vector<32xbf16>
        %max3A_344 = arith.maximumf %max3A_337, %get3A_343 : vector<32xbf16>
        %add3A_345 = arith.constant 8 : i32
        %add3A_346 = arith.addi %mul3A_78, %add3A_345 : i32
        %get3A_347 = arith.index_cast %add3A_346 : i32 to index
        %get3A_348 = arith.constant 96 : index
        %get3A_349 = tpu.vector_load %arg7[%get3A_347, %get3A_348] {strides = array<i32>} : memref<320x128xbf16, #tpu.memory_space<vmem>>, vector<1x32xbf16>,
        %get3A_350 = vector.shape_cast %get3A_349 : vector<1x32xbf16> to vector<32xbf16>
        %max3A_351 = arith.maximumf %max3A_344, %get3A_350 : vector<32xbf16>
        %add3A_352 = arith.constant 9 : i32
        %add3A_353 = arith.addi %mul3A_78, %add3A_352 : i32
        %get3A_354 = arith.index_cast %add3A_353 : i32 to index
        %get3A_355 = arith.constant 96 : index
        %get3A_356 = tpu.vector_load %arg7[%get3A_354, %get3A_355] {strides = array<i32>} : memref<320x128xbf16, #tpu.memory_space<vmem>>, vector<1x32xbf16>,
        %get3A_357 = vector.shape_cast %get3A_356 : vector<1x32xbf16> to vector<32xbf16>
        %max3A_358 = arith.maximumf %max3A_351, %get3A_357 : vector<32xbf16>
        %swap3A_359 = arith.index_cast %scan3A_76 : i32 to index
        %swap3A_360 = arith.constant 96 : index
        %swap3A_361 = tpu.vector_load %arg8[%swap3A_359, %swap3A_360] {strides = array<i32>} : memref<32x128xbf16, #tpu.memory_space<vmem>>, vector<1x32xbf16>,
        %swap3A_362 = vector.shape_cast %swap3A_361 : vector<1x32xbf16> to vector<32xbf16>
        %swap3A_363 = vector.shape_cast %max3A_358 : vector<32xbf16> to vector<1x32xbf16>
        tpu.vector_store %arg8[%swap3A_359, %swap3A_360], %swap3A_363 {strides = array<i32>} : memref<32x128xbf16, #tpu.memory_space<vmem>>, vector<1x32xbf16>,
      }
      %scan3A_72 = arith.constant 32 : i32
      %mul3A_73 = arith.constant 32 : i32
      %mul3A_74 = arith.muli %add3A_53, %mul3A_73 : i32
      %add3A_75 = arith.addi %mul3A_2, %mul3A_74 : i32
      "tpu.region"() ({
        %run_scoped3A = tpu.sem_alloc : memref<!tpu.dma_semaphore, #tpu.memory_space<semaphore_mem>>
        %dma_start3A_76 = arith.constant 0 : i32
        %dma_start3A_77 = tpu.memref_slice %arg4[%add3A_75, %dma_start3A_76] : memref<50176x128xbf16, #tpu.memory_space<hbm>> -> memref<32x128xbf16, #tpu.memory_space<hbm>>
        %dma_start3A_78 = arith.constant 0 : i32
        %dma_start3A_79 = tpu.memref_slice %arg4[%add3A_75, %dma_start3A_78] : memref<50176x128xbf16, #tpu.memory_space<hbm>> -> memref<32x128xbf16, #tpu.memory_space<hbm>>
        tpu.enqueue_dma source(%arg8 : memref<32x128xbf16, #tpu.memory_space<vmem>>) target(%dma_start3A_79 : memref<32x128xbf16, #tpu.memory_space<hbm>>) target_semaphore(%run_scoped3A : memref<!tpu.dma_semaphore, #tpu.memory_space<semaphore_mem>>)
        %dma_wait3A_80 = arith.constant 0 : i32
        %dma_wait3A_81 = tpu.memref_slice %arg4[%add3A_75, %dma_wait3A_80] : memref<50176x128xbf16, #tpu.memory_space<hbm>> -> memref<32x128xbf16, #tpu.memory_space<hbm>>
        %dma_wait3A_82 = arith.constant 0 : i32
        %dma_wait3A_83 = tpu.memref_slice %arg4[%add3A_75, %dma_wait3A_82] : memref<50176x128xbf16, #tpu.memory_space<hbm>> -> memref<32x128xbf16, #tpu.memory_space<hbm>>
        tpu.wait_dma2 semaphore(%run_scoped3A : memref<!tpu.dma_semaphore, #tpu.memory_space<semaphore_mem>>) src(%arg8 : memref<32x128xbf16, #tpu.memory_space<vmem>>) dst(%dma_wait3A_83 : memref<32x128xbf16, #tpu.memory_space<hbm>>)
        tpu.yield
      }) : () -> ()
    }
    %scan3A_13 = arith.constant 24 : i32
    %dma_wait3A = arith.constant 48 : i32
    %dma_wait3A_14 = arith.constant 0 : i32
    %dma_wait3A_15 = tpu.memref_slice %arg5[%dma_wait3A, %dma_wait3A_14] : memref<49x320xi32, #tpu.memory_space<vmem>> -> memref<1x320xi32, #tpu.memory_space<vmem>>
    %dma_wait3A_16 = tpu.memref_squeeze %dma_wait3A_15 : memref<1x320xi32, #tpu.memory_space<vmem>> -> memref<320xi32, #tpu.memory_space<vmem>>
    %dma_wait3A_17 = arith.constant 0 : i32
    %dma_wait3A_18 = arith.constant 0 : i32
    %dma_wait3A_19 = tpu.memref_slice %arg2[%dma_wait3A_17, %dma_wait3A_18] : memref<50000x128xbf16, #tpu.memory_space<hbm>> -> memref<50000x128xbf16, #tpu.memory_space<hbm>>
    tpu.wait_indirect_dma semaphore(%arg9 : memref<!tpu.dma_semaphore, #tpu.memory_space<semaphore_mem>>) src(%dma_wait3A_19 : memref<50000x128xbf16, #tpu.memory_space<hbm>>) dst(%arg6 : memref<320x128xbf16, #tpu.memory_space<vmem>>)
    %scan3A_20 = arith.constant 0 : i32
    %scan3A_21 = arith.constant 0 : i32
    %scan3A_22 = arith.constant 32 : i32
    %scan3A_23 = arith.addi %scan3A_21, %scan3A_22 : i32
    %scan3A_24 = arith.constant 1 : i32
    scf.for %scan3A_28 = %scan3A_21 to %scan3A_23 step %scan3A_24  : i32 {
      %mul3A_29 = arith.constant 10 : i32
      %mul3A_30 = arith.muli %scan3A_28, %mul3A_29 : i32
      %get3A = arith.index_cast %mul3A_30 : i32 to index
      %get3A_31 = arith.constant 0 : index
      %get3A_32 = tpu.vector_load %arg6[%get3A, %get3A_31] {strides = array<i32>} : memref<320x128xbf16, #tpu.memory_space<vmem>>, vector<1x32xbf16>,
      %get3A_33 = vector.shape_cast %get3A_32 : vector<1x32xbf16> to vector<32xbf16>
      %add3A_34 = arith.constant 1 : i32
      %add3A_35 = arith.addi %mul3A_30, %add3A_34 : i32
      %get3A_36 = arith.index_cast %add3A_35 : i32 to index
      %get3A_37 = arith.constant 0 : index
      %get3A_38 = tpu.vector_load %arg6[%get3A_36, %get3A_37] {strides = array<i32>} : memref<320x128xbf16, #tpu.memory_space<vmem>>, vector<1x32xbf16>,
      %get3A_39 = vector.shape_cast %get3A_38 : vector<1x32xbf16> to vector<32xbf16>
      %max3A = arith.maximumf %get3A_33, %get3A_39 : vector<32xbf16>
      %add3A_40 = arith.constant 2 : i32
      %add3A_41 = arith.addi %mul3A_30, %add3A_40 : i32
      %get3A_42 = arith.index_cast %add3A_41 : i32 to index
      %get3A_43 = arith.constant 0 : index
      %get3A_44 = tpu.vector_load %arg6[%get3A_42, %get3A_43] {strides = array<i32>} : memref<320x128xbf16, #tpu.memory_space<vmem>>, vector<1x32xbf16>,
      %get3A_45 = vector.shape_cast %get3A_44 : vector<1x32xbf16> to vector<32xbf16>
      %max3A_46 = arith.maximumf %max3A, %get3A_45 : vector<32xbf16>
      %add3A_47 = arith.constant 3 : i32
      %add3A_48 = arith.addi %mul3A_30, %add3A_47 : i32
      %get3A_49 = arith.index_cast %add3A_48 : i32 to index
      %get3A_50 = arith.constant 0 : index
      %get3A_51 = tpu.vector_load %arg6[%get3A_49, %get3A_50] {strides = array<i32>} : memref<320x128xbf16, #tpu.memory_space<vmem>>, vector<1x32xbf16>,
      %get3A_52 = vector.shape_cast %get3A_51 : vector<1x32xbf16> to vector<32xbf16>
      %max3A_53 = arith.maximumf %max3A_46, %get3A_52 : vector<32xbf16>
      %add3A_54 = arith.constant 4 : i32
      %add3A_55 = arith.addi %mul3A_30, %add3A_54 : i32
      %get3A_56 = arith.index_cast %add3A_55 : i32 to index
      %get3A_57 = arith.constant 0 : index
      %get3A_58 = tpu.vector_load %arg6[%get3A_56, %get3A_57] {strides = array<i32>} : memref<320x128xbf16, #tpu.memory_space<vmem>>, vector<1x32xbf16>,
      %get3A_59 = vector.shape_cast %get3A_58 : vector<1x32xbf16> to vector<32xbf16>
      %max3A_60 = arith.maximumf %max3A_53, %get3A_59 : vector<32xbf16>
      %add3A_61 = arith.constant 5 : i32
      %add3A_62 = arith.addi %mul3A_30, %add3A_61 : i32
      %get3A_63 = arith.index_cast %add3A_62 : i32 to index
      %get3A_64 = arith.constant 0 : index
      %get3A_65 = tpu.vector_load %arg6[%get3A_63, %get3A_64] {strides = array<i32>} : memref<320x128xbf16, #tpu.memory_space<vmem>>, vector<1x32xbf16>,
      %get3A_66 = vector.shape_cast %get3A_65 : vector<1x32xbf16> to vector<32xbf16>
      %max3A_67 = arith.maximumf %max3A_60, %get3A_66 : vector<32xbf16>
      %add3A_68 = arith.constant 6 : i32
      %add3A_69 = arith.addi %mul3A_30, %add3A_68 : i32
      %get3A_70 = arith.index_cast %add3A_69 : i32 to index
      %get3A_71 = arith.constant 0 : index
      %get3A_72 = tpu.vector_load %arg6[%get3A_70, %get3A_71] {strides = array<i32>} : memref<320x128xbf16, #tpu.memory_space<vmem>>, vector<1x32xbf16>,
      %get3A_73 = vector.shape_cast %get3A_72 : vector<1x32xbf16> to vector<32xbf16>
      %max3A_74 = arith.maximumf %max3A_67, %get3A_73 : vector<32xbf16>
      %add3A_75 = arith.constant 7 : i32
      %add3A_76 = arith.addi %mul3A_30, %add3A_75 : i32
      %get3A_77 = arith.index_cast %add3A_76 : i32 to index
      %get3A_78 = arith.constant 0 : index
      %get3A_79 = tpu.vector_load %arg6[%get3A_77, %get3A_78] {strides = array<i32>} : memref<320x128xbf16, #tpu.memory_space<vmem>>, vector<1x32xbf16>,
      %get3A_80 = vector.shape_cast %get3A_79 : vector<1x32xbf16> to vector<32xbf16>
      %max3A_81 = arith.maximumf %max3A_74, %get3A_80 : vector<32xbf16>
      %add3A_82 = arith.constant 8 : i32
      %add3A_83 = arith.addi %mul3A_30, %add3A_82 : i32
      %get3A_84 = arith.index_cast %add3A_83 : i32 to index
      %get3A_85 = arith.constant 0 : index
      %get3A_86 = tpu.vector_load %arg6[%get3A_84, %get3A_85] {strides = array<i32>} : memref<320x128xbf16, #tpu.memory_space<vmem>>, vector<1x32xbf16>,
      %get3A_87 = vector.shape_cast %get3A_86 : vector<1x32xbf16> to vector<32xbf16>
      %max3A_88 = arith.maximumf %max3A_81, %get3A_87 : vector<32xbf16>
      %add3A_89 = arith.constant 9 : i32
      %add3A_90 = arith.addi %mul3A_30, %add3A_89 : i32
      %get3A_91 = arith.index_cast %add3A_90 : i32 to index
      %get3A_92 = arith.constant 0 : index
      %get3A_93 = tpu.vector_load %arg6[%get3A_91, %get3A_92] {strides = array<i32>} : memref<320x128xbf16, #tpu.memory_space<vmem>>, vector<1x32xbf16>,
      %get3A_94 = vector.shape_cast %get3A_93 : vector<1x32xbf16> to vector<32xbf16>
      %max3A_95 = arith.maximumf %max3A_88, %get3A_94 : vector<32xbf16>
      %swap3A = arith.index_cast %scan3A_28 : i32 to index
      %swap3A_96 = arith.constant 0 : index
      %swap3A_97 = tpu.vector_load %arg8[%swap3A, %swap3A_96] {strides = array<i32>} : memref<32x128xbf16, #tpu.memory_space<vmem>>, vector<1x32xbf16>,
      %swap3A_98 = vector.shape_cast %swap3A_97 : vector<1x32xbf16> to vector<32xbf16>
      %swap3A_99 = vector.shape_cast %max3A_95 : vector<32xbf16> to vector<1x32xbf16>
      tpu.vector_store %arg8[%swap3A, %swap3A_96], %swap3A_99 {strides = array<i32>} : memref<32x128xbf16, #tpu.memory_space<vmem>>, vector<1x32xbf16>,
      %get3A_100 = arith.index_cast %mul3A_30 : i32 to index
      %get3A_101 = arith.constant 32 : index
      %get3A_102 = tpu.vector_load %arg6[%get3A_100, %get3A_101] {strides = array<i32>} : memref<320x128xbf16, #tpu.memory_space<vmem>>, vector<1x32xbf16>,
      %get3A_103 = vector.shape_cast %get3A_102 : vector<1x32xbf16> to vector<32xbf16>
      %add3A_104 = arith.constant 1 : i32
      %add3A_105 = arith.addi %mul3A_30, %add3A_104 : i32
      %get3A_106 = arith.index_cast %add3A_105 : i32 to index
      %get3A_107 = arith.constant 32 : index
      %get3A_108 = tpu.vector_load %arg6[%get3A_106, %get3A_107] {strides = array<i32>} : memref<320x128xbf16, #tpu.memory_space<vmem>>, vector<1x32xbf16>,
      %get3A_109 = vector.shape_cast %get3A_108 : vector<1x32xbf16> to vector<32xbf16>
      %max3A_110 = arith.maximumf %get3A_103, %get3A_109 : vector<32xbf16>
      %add3A_111 = arith.constant 2 : i32
      %add3A_112 = arith.addi %mul3A_30, %add3A_111 : i32
      %get3A_113 = arith.index_cast %add3A_112 : i32 to index
      %get3A_114 = arith.constant 32 : index
      %get3A_115 = tpu.vector_load %arg6[%get3A_113, %get3A_114] {strides = array<i32>} : memref<320x128xbf16, #tpu.memory_space<vmem>>, vector<1x32xbf16>,
      %get3A_116 = vector.shape_cast %get3A_115 : vector<1x32xbf16> to vector<32xbf16>
      %max3A_117 = arith.maximumf %max3A_110, %get3A_116 : vector<32xbf16>
      %add3A_118 = arith.constant 3 : i32
      %add3A_119 = arith.addi %mul3A_30, %add3A_118 : i32
      %get3A_120 = arith.index_cast %add3A_119 : i32 to index
      %get3A_121 = arith.constant 32 : index
      %get3A_122 = tpu.vector_load %arg6[%get3A_120, %get3A_121] {strides = array<i32>} : memref<320x128xbf16, #tpu.memory_space<vmem>>, vector<1x32xbf16>,
      %get3A_123 = vector.shape_cast %get3A_122 : vector<1x32xbf16> to vector<32xbf16>
      %max3A_124 = arith.maximumf %max3A_117, %get3A_123 : vector<32xbf16>
      %add3A_125 = arith.constant 4 : i32
      %add3A_126 = arith.addi %mul3A_30, %add3A_125 : i32
      %get3A_127 = arith.index_cast %add3A_126 : i32 to index
      %get3A_128 = arith.constant 32 : index
      %get3A_129 = tpu.vector_load %arg6[%get3A_127, %get3A_128] {strides = array<i32>} : memref<320x128xbf16, #tpu.memory_space<vmem>>, vector<1x32xbf16>,
      %get3A_130 = vector.shape_cast %get3A_129 : vector<1x32xbf16> to vector<32xbf16>
      %max3A_131 = arith.maximumf %max3A_124, %get3A_130 : vector<32xbf16>
      %add3A_132 = arith.constant 5 : i32
      %add3A_133 = arith.addi %mul3A_30, %add3A_132 : i32
      %get3A_134 = arith.index_cast %add3A_133 : i32 to index
      %get3A_135 = arith.constant 32 : index
      %get3A_136 = tpu.vector_load %arg6[%get3A_134, %get3A_135] {strides = array<i32>} : memref<320x128xbf16, #tpu.memory_space<vmem>>, vector<1x32xbf16>,
      %get3A_137 = vector.shape_cast %get3A_136 : vector<1x32xbf16> to vector<32xbf16>
      %max3A_138 = arith.maximumf %max3A_131, %get3A_137 : vector<32xbf16>
      %add3A_139 = arith.constant 6 : i32
      %add3A_140 = arith.addi %mul3A_30, %add3A_139 : i32
      %get3A_141 = arith.index_cast %add3A_140 : i32 to index
      %get3A_142 = arith.constant 32 : index
      %get3A_143 = tpu.vector_load %arg6[%get3A_141, %get3A_142] {strides = array<i32>} : memref<320x128xbf16, #tpu.memory_space<vmem>>, vector<1x32xbf16>,
      %get3A_144 = vector.shape_cast %get3A_143 : vector<1x32xbf16> to vector<32xbf16>
      %max3A_145 = arith.maximumf %max3A_138, %get3A_144 : vector<32xbf16>
      %add3A_146 = arith.constant 7 : i32
      %add3A_147 = arith.addi %mul3A_30, %add3A_146 : i32
      %get3A_148 = arith.index_cast %add3A_147 : i32 to index
      %get3A_149 = arith.constant 32 : index
      %get3A_150 = tpu.vector_load %arg6[%get3A_148, %get3A_149] {strides = array<i32>} : memref<320x128xbf16, #tpu.memory_space<vmem>>, vector<1x32xbf16>,
      %get3A_151 = vector.shape_cast %get3A_150 : vector<1x32xbf16> to vector<32xbf16>
      %max3A_152 = arith.maximumf %max3A_145, %get3A_151 : vector<32xbf16>
      %add3A_153 = arith.constant 8 : i32
      %add3A_154 = arith.addi %mul3A_30, %add3A_153 : i32
      %get3A_155 = arith.index_cast %add3A_154 : i32 to index
      %get3A_156 = arith.constant 32 : index
      %get3A_157 = tpu.vector_load %arg6[%get3A_155, %get3A_156] {strides = array<i32>} : memref<320x128xbf16, #tpu.memory_space<vmem>>, vector<1x32xbf16>,
      %get3A_158 = vector.shape_cast %get3A_157 : vector<1x32xbf16> to vector<32xbf16>
      %max3A_159 = arith.maximumf %max3A_152, %get3A_158 : vector<32xbf16>
      %add3A_160 = arith.constant 9 : i32
      %add3A_161 = arith.addi %mul3A_30, %add3A_160 : i32
      %get3A_162 = arith.index_cast %add3A_161 : i32 to index
      %get3A_163 = arith.constant 32 : index
      %get3A_164 = tpu.vector_load %arg6[%get3A_162, %get3A_163] {strides = array<i32>} : memref<320x128xbf16, #tpu.memory_space<vmem>>, vector<1x32xbf16>,
      %get3A_165 = vector.shape_cast %get3A_164 : vector<1x32xbf16> to vector<32xbf16>
      %max3A_166 = arith.maximumf %max3A_159, %get3A_165 : vector<32xbf16>
      %swap3A_167 = arith.index_cast %scan3A_28 : i32 to index
      %swap3A_168 = arith.constant 32 : index
      %swap3A_169 = tpu.vector_load %arg8[%swap3A_167, %swap3A_168] {strides = array<i32>} : memref<32x128xbf16, #tpu.memory_space<vmem>>, vector<1x32xbf16>,
      %swap3A_170 = vector.shape_cast %swap3A_169 : vector<1x32xbf16> to vector<32xbf16>
      %swap3A_171 = vector.shape_cast %max3A_166 : vector<32xbf16> to vector<1x32xbf16>
      tpu.vector_store %arg8[%swap3A_167, %swap3A_168], %swap3A_171 {strides = array<i32>} : memref<32x128xbf16, #tpu.memory_space<vmem>>, vector<1x32xbf16>,
      %get3A_172 = arith.index_cast %mul3A_30 : i32 to index
      %get3A_173 = arith.constant 64 : index
      %get3A_174 = tpu.vector_load %arg6[%get3A_172, %get3A_173] {strides = array<i32>} : memref<320x128xbf16, #tpu.memory_space<vmem>>, vector<1x32xbf16>,
      %get3A_175 = vector.shape_cast %get3A_174 : vector<1x32xbf16> to vector<32xbf16>
      %add3A_176 = arith.constant 1 : i32
      %add3A_177 = arith.addi %mul3A_30, %add3A_176 : i32
      %get3A_178 = arith.index_cast %add3A_177 : i32 to index
      %get3A_179 = arith.constant 64 : index
      %get3A_180 = tpu.vector_load %arg6[%get3A_178, %get3A_179] {strides = array<i32>} : memref<320x128xbf16, #tpu.memory_space<vmem>>, vector<1x32xbf16>,
      %get3A_181 = vector.shape_cast %get3A_180 : vector<1x32xbf16> to vector<32xbf16>
      %max3A_182 = arith.maximumf %get3A_175, %get3A_181 : vector<32xbf16>
      %add3A_183 = arith.constant 2 : i32
      %add3A_184 = arith.addi %mul3A_30, %add3A_183 : i32
      %get3A_185 = arith.index_cast %add3A_184 : i32 to index
      %get3A_186 = arith.constant 64 : index
      %get3A_187 = tpu.vector_load %arg6[%get3A_185, %get3A_186] {strides = array<i32>} : memref<320x128xbf16, #tpu.memory_space<vmem>>, vector<1x32xbf16>,
      %get3A_188 = vector.shape_cast %get3A_187 : vector<1x32xbf16> to vector<32xbf16>
      %max3A_189 = arith.maximumf %max3A_182, %get3A_188 : vector<32xbf16>
      %add3A_190 = arith.constant 3 : i32
      %add3A_191 = arith.addi %mul3A_30, %add3A_190 : i32
      %get3A_192 = arith.index_cast %add3A_191 : i32 to index
      %get3A_193 = arith.constant 64 : index
      %get3A_194 = tpu.vector_load %arg6[%get3A_192, %get3A_193] {strides = array<i32>} : memref<320x128xbf16, #tpu.memory_space<vmem>>, vector<1x32xbf16>,
      %get3A_195 = vector.shape_cast %get3A_194 : vector<1x32xbf16> to vector<32xbf16>
      %max3A_196 = arith.maximumf %max3A_189, %get3A_195 : vector<32xbf16>
      %add3A_197 = arith.constant 4 : i32
      %add3A_198 = arith.addi %mul3A_30, %add3A_197 : i32
      %get3A_199 = arith.index_cast %add3A_198 : i32 to index
      %get3A_200 = arith.constant 64 : index
      %get3A_201 = tpu.vector_load %arg6[%get3A_199, %get3A_200] {strides = array<i32>} : memref<320x128xbf16, #tpu.memory_space<vmem>>, vector<1x32xbf16>,
      %get3A_202 = vector.shape_cast %get3A_201 : vector<1x32xbf16> to vector<32xbf16>
      %max3A_203 = arith.maximumf %max3A_196, %get3A_202 : vector<32xbf16>
      %add3A_204 = arith.constant 5 : i32
      %add3A_205 = arith.addi %mul3A_30, %add3A_204 : i32
      %get3A_206 = arith.index_cast %add3A_205 : i32 to index
      %get3A_207 = arith.constant 64 : index
      %get3A_208 = tpu.vector_load %arg6[%get3A_206, %get3A_207] {strides = array<i32>} : memref<320x128xbf16, #tpu.memory_space<vmem>>, vector<1x32xbf16>,
      %get3A_209 = vector.shape_cast %get3A_208 : vector<1x32xbf16> to vector<32xbf16>
      %max3A_210 = arith.maximumf %max3A_203, %get3A_209 : vector<32xbf16>
      %add3A_211 = arith.constant 6 : i32
      %add3A_212 = arith.addi %mul3A_30, %add3A_211 : i32
      %get3A_213 = arith.index_cast %add3A_212 : i32 to index
      %get3A_214 = arith.constant 64 : index
      %get3A_215 = tpu.vector_load %arg6[%get3A_213, %get3A_214] {strides = array<i32>} : memref<320x128xbf16, #tpu.memory_space<vmem>>, vector<1x32xbf16>,
      %get3A_216 = vector.shape_cast %get3A_215 : vector<1x32xbf16> to vector<32xbf16>
      %max3A_217 = arith.maximumf %max3A_210, %get3A_216 : vector<32xbf16>
      %add3A_218 = arith.constant 7 : i32
      %add3A_219 = arith.addi %mul3A_30, %add3A_218 : i32
      %get3A_220 = arith.index_cast %add3A_219 : i32 to index
      %get3A_221 = arith.constant 64 : index
      %get3A_222 = tpu.vector_load %arg6[%get3A_220, %get3A_221] {strides = array<i32>} : memref<320x128xbf16, #tpu.memory_space<vmem>>, vector<1x32xbf16>,
      %get3A_223 = vector.shape_cast %get3A_222 : vector<1x32xbf16> to vector<32xbf16>
      %max3A_224 = arith.maximumf %max3A_217, %get3A_223 : vector<32xbf16>
      %add3A_225 = arith.constant 8 : i32
      %add3A_226 = arith.addi %mul3A_30, %add3A_225 : i32
      %get3A_227 = arith.index_cast %add3A_226 : i32 to index
      %get3A_228 = arith.constant 64 : index
      %get3A_229 = tpu.vector_load %arg6[%get3A_227, %get3A_228] {strides = array<i32>} : memref<320x128xbf16, #tpu.memory_space<vmem>>, vector<1x32xbf16>,
      %get3A_230 = vector.shape_cast %get3A_229 : vector<1x32xbf16> to vector<32xbf16>
      %max3A_231 = arith.maximumf %max3A_224, %get3A_230 : vector<32xbf16>
      %add3A_232 = arith.constant 9 : i32
      %add3A_233 = arith.addi %mul3A_30, %add3A_232 : i32
      %get3A_234 = arith.index_cast %add3A_233 : i32 to index
      %get3A_235 = arith.constant 64 : index
      %get3A_236 = tpu.vector_load %arg6[%get3A_234, %get3A_235] {strides = array<i32>} : memref<320x128xbf16, #tpu.memory_space<vmem>>, vector<1x32xbf16>,
      %get3A_237 = vector.shape_cast %get3A_236 : vector<1x32xbf16> to vector<32xbf16>
      %max3A_238 = arith.maximumf %max3A_231, %get3A_237 : vector<32xbf16>
      %swap3A_239 = arith.index_cast %scan3A_28 : i32 to index
      %swap3A_240 = arith.constant 64 : index
      %swap3A_241 = tpu.vector_load %arg8[%swap3A_239, %swap3A_240] {strides = array<i32>} : memref<32x128xbf16, #tpu.memory_space<vmem>>, vector<1x32xbf16>,
      %swap3A_242 = vector.shape_cast %swap3A_241 : vector<1x32xbf16> to vector<32xbf16>
      %swap3A_243 = vector.shape_cast %max3A_238 : vector<32xbf16> to vector<1x32xbf16>
      tpu.vector_store %arg8[%swap3A_239, %swap3A_240], %swap3A_243 {strides = array<i32>} : memref<32x128xbf16, #tpu.memory_space<vmem>>, vector<1x32xbf16>,
      %get3A_244 = arith.index_cast %mul3A_30 : i32 to index
      %get3A_245 = arith.constant 96 : index
      %get3A_246 = tpu.vector_load %arg6[%get3A_244, %get3A_245] {strides = array<i32>} : memref<320x128xbf16, #tpu.memory_space<vmem>>, vector<1x32xbf16>,
      %get3A_247 = vector.shape_cast %get3A_246 : vector<1x32xbf16> to vector<32xbf16>
      %add3A_248 = arith.constant 1 : i32
      %add3A_249 = arith.addi %mul3A_30, %add3A_248 : i32
      %get3A_250 = arith.index_cast %add3A_249 : i32 to index
      %get3A_251 = arith.constant 96 : index
      %get3A_252 = tpu.vector_load %arg6[%get3A_250, %get3A_251] {strides = array<i32>} : memref<320x128xbf16, #tpu.memory_space<vmem>>, vector<1x32xbf16>,
      %get3A_253 = vector.shape_cast %get3A_252 : vector<1x32xbf16> to vector<32xbf16>
      %max3A_254 = arith.maximumf %get3A_247, %get3A_253 : vector<32xbf16>
      %add3A_255 = arith.constant 2 : i32
      %add3A_256 = arith.addi %mul3A_30, %add3A_255 : i32
      %get3A_257 = arith.index_cast %add3A_256 : i32 to index
      %get3A_258 = arith.constant 96 : index
      %get3A_259 = tpu.vector_load %arg6[%get3A_257, %get3A_258] {strides = array<i32>} : memref<320x128xbf16, #tpu.memory_space<vmem>>, vector<1x32xbf16>,
      %get3A_260 = vector.shape_cast %get3A_259 : vector<1x32xbf16> to vector<32xbf16>
      %max3A_261 = arith.maximumf %max3A_254, %get3A_260 : vector<32xbf16>
      %add3A_262 = arith.constant 3 : i32
      %add3A_263 = arith.addi %mul3A_30, %add3A_262 : i32
      %get3A_264 = arith.index_cast %add3A_263 : i32 to index
      %get3A_265 = arith.constant 96 : index
      %get3A_266 = tpu.vector_load %arg6[%get3A_264, %get3A_265] {strides = array<i32>} : memref<320x128xbf16, #tpu.memory_space<vmem>>, vector<1x32xbf16>,
      %get3A_267 = vector.shape_cast %get3A_266 : vector<1x32xbf16> to vector<32xbf16>
      %max3A_268 = arith.maximumf %max3A_261, %get3A_267 : vector<32xbf16>
      %add3A_269 = arith.constant 4 : i32
      %add3A_270 = arith.addi %mul3A_30, %add3A_269 : i32
      %get3A_271 = arith.index_cast %add3A_270 : i32 to index
      %get3A_272 = arith.constant 96 : index
      %get3A_273 = tpu.vector_load %arg6[%get3A_271, %get3A_272] {strides = array<i32>} : memref<320x128xbf16, #tpu.memory_space<vmem>>, vector<1x32xbf16>,
      %get3A_274 = vector.shape_cast %get3A_273 : vector<1x32xbf16> to vector<32xbf16>
      %max3A_275 = arith.maximumf %max3A_268, %get3A_274 : vector<32xbf16>
      %add3A_276 = arith.constant 5 : i32
      %add3A_277 = arith.addi %mul3A_30, %add3A_276 : i32
      %get3A_278 = arith.index_cast %add3A_277 : i32 to index
      %get3A_279 = arith.constant 96 : index
      %get3A_280 = tpu.vector_load %arg6[%get3A_278, %get3A_279] {strides = array<i32>} : memref<320x128xbf16, #tpu.memory_space<vmem>>, vector<1x32xbf16>,
      %get3A_281 = vector.shape_cast %get3A_280 : vector<1x32xbf16> to vector<32xbf16>
      %max3A_282 = arith.maximumf %max3A_275, %get3A_281 : vector<32xbf16>
      %add3A_283 = arith.constant 6 : i32
      %add3A_284 = arith.addi %mul3A_30, %add3A_283 : i32
      %get3A_285 = arith.index_cast %add3A_284 : i32 to index
      %get3A_286 = arith.constant 96 : index
      %get3A_287 = tpu.vector_load %arg6[%get3A_285, %get3A_286] {strides = array<i32>} : memref<320x128xbf16, #tpu.memory_space<vmem>>, vector<1x32xbf16>,
      %get3A_288 = vector.shape_cast %get3A_287 : vector<1x32xbf16> to vector<32xbf16>
      %max3A_289 = arith.maximumf %max3A_282, %get3A_288 : vector<32xbf16>
      %add3A_290 = arith.constant 7 : i32
      %add3A_291 = arith.addi %mul3A_30, %add3A_290 : i32
      %get3A_292 = arith.index_cast %add3A_291 : i32 to index
      %get3A_293 = arith.constant 96 : index
      %get3A_294 = tpu.vector_load %arg6[%get3A_292, %get3A_293] {strides = array<i32>} : memref<320x128xbf16, #tpu.memory_space<vmem>>, vector<1x32xbf16>,
      %get3A_295 = vector.shape_cast %get3A_294 : vector<1x32xbf16> to vector<32xbf16>
      %max3A_296 = arith.maximumf %max3A_289, %get3A_295 : vector<32xbf16>
      %add3A_297 = arith.constant 8 : i32
      %add3A_298 = arith.addi %mul3A_30, %add3A_297 : i32
      %get3A_299 = arith.index_cast %add3A_298 : i32 to index
      %get3A_300 = arith.constant 96 : index
      %get3A_301 = tpu.vector_load %arg6[%get3A_299, %get3A_300] {strides = array<i32>} : memref<320x128xbf16, #tpu.memory_space<vmem>>, vector<1x32xbf16>,
      %get3A_302 = vector.shape_cast %get3A_301 : vector<1x32xbf16> to vector<32xbf16>
      %max3A_303 = arith.maximumf %max3A_296, %get3A_302 : vector<32xbf16>
      %add3A_304 = arith.constant 9 : i32
      %add3A_305 = arith.addi %mul3A_30, %add3A_304 : i32
      %get3A_306 = arith.index_cast %add3A_305 : i32 to index
      %get3A_307 = arith.constant 96 : index
      %get3A_308 = tpu.vector_load %arg6[%get3A_306, %get3A_307] {strides = array<i32>} : memref<320x128xbf16, #tpu.memory_space<vmem>>, vector<1x32xbf16>,
      %get3A_309 = vector.shape_cast %get3A_308 : vector<1x32xbf16> to vector<32xbf16>
      %max3A_310 = arith.maximumf %max3A_303, %get3A_309 : vector<32xbf16>
      %swap3A_311 = arith.index_cast %scan3A_28 : i32 to index
      %swap3A_312 = arith.constant 96 : index
      %swap3A_313 = tpu.vector_load %arg8[%swap3A_311, %swap3A_312] {strides = array<i32>} : memref<32x128xbf16, #tpu.memory_space<vmem>>, vector<1x32xbf16>,
      %swap3A_314 = vector.shape_cast %swap3A_313 : vector<1x32xbf16> to vector<32xbf16>
      %swap3A_315 = vector.shape_cast %max3A_310 : vector<32xbf16> to vector<1x32xbf16>
      tpu.vector_store %arg8[%swap3A_311, %swap3A_312], %swap3A_315 {strides = array<i32>} : memref<32x128xbf16, #tpu.memory_space<vmem>>, vector<1x32xbf16>,
    }
    %scan3A_25 = arith.constant 32 : i32
    %add3A_26 = arith.constant 1536 : i32
    %add3A_27 = arith.addi %mul3A_2, %add3A_26 : i32
    "tpu.region"() ({
      %run_scoped3A = tpu.sem_alloc : memref<!tpu.dma_semaphore, #tpu.memory_space<semaphore_mem>>
      %dma_start3A_28 = arith.constant 0 : i32
      %dma_start3A_29 = tpu.memref_slice %arg4[%add3A_27, %dma_start3A_28] : memref<50176x128xbf16, #tpu.memory_space<hbm>> -> memref<32x128xbf16, #tpu.memory_space<hbm>>
      %dma_start3A_30 = arith.constant 0 : i32
      %dma_start3A_31 = tpu.memref_slice %arg4[%add3A_27, %dma_start3A_30] : memref<50176x128xbf16, #tpu.memory_space<hbm>> -> memref<32x128xbf16, #tpu.memory_space<hbm>>
      tpu.enqueue_dma source(%arg8 : memref<32x128xbf16, #tpu.memory_space<vmem>>) target(%dma_start3A_31 : memref<32x128xbf16, #tpu.memory_space<hbm>>) target_semaphore(%run_scoped3A : memref<!tpu.dma_semaphore, #tpu.memory_space<semaphore_mem>>)
      %dma_wait3A_32 = arith.constant 0 : i32
      %dma_wait3A_33 = tpu.memref_slice %arg4[%add3A_27, %dma_wait3A_32] : memref<50176x128xbf16, #tpu.memory_space<hbm>> -> memref<32x128xbf16, #tpu.memory_space<hbm>>
      %dma_wait3A_34 = arith.constant 0 : i32
      %dma_wait3A_35 = tpu.memref_slice %arg4[%add3A_27, %dma_wait3A_34] : memref<50176x128xbf16, #tpu.memory_space<hbm>> -> memref<32x128xbf16, #tpu.memory_space<hbm>>
      tpu.wait_dma2 semaphore(%run_scoped3A : memref<!tpu.dma_semaphore, #tpu.memory_space<semaphore_mem>>) src(%arg8 : memref<32x128xbf16, #tpu.memory_space<vmem>>) dst(%dma_wait3A_35 : memref<32x128xbf16, #tpu.memory_space<hbm>>)
      tpu.yield
    }) : () -> ()
    return
  }
}

module attributes {stable_mosaic.version = 14 : i64} {
  func.func @_mm_body(%arg0: i32, %arg1: memref<2000x128xf32, #tpu.memory_space<vmem>>, %arg2: memref<128x128xf32, #tpu.memory_space<vmem>>, %arg3: memref<2000x128xbf16, #tpu.memory_space<vmem>>) attributes {dimension_semantics = [#tpu.dimension_semantics<arbitrary>], iteration_bounds = array<i64: 25>, scalar_prefetch = 0 : i64, scratch_operands = 0 : i64, tpu.core_type = #tpu.core_type<tc>, window_params = [{transform_indices = @transform_0, window_bounds = array<i64: 2000, 128>}, {pipeline_mode = #tpu.pipeline_mode<synchronous>, transform_indices = @transform_1, window_bounds = array<i64: 128, 128>}, {transform_indices = @transform_2, window_bounds = array<i64: 2000, 128>}]} {
    %get3A = arith.constant 0 : index
    %get3A_0 = arith.constant 0 : index
    %get3A_1 = vector.load %arg1[%get3A, %get3A_0] : memref<2000x128xf32, #tpu.memory_space<vmem>>, vector<2000x128xf32>
    %get3A_2 = arith.constant 0 : index
    %get3A_3 = arith.constant 0 : index
    %get3A_4 = vector.load %arg2[%get3A_2, %get3A_3] : memref<128x128xf32, #tpu.memory_space<vmem>>, vector<128x128xf32>
    %dot_general3A = arith.constant dense<0.000000e+00> : vector<2000x128xf32>
    %dot_general3A_5 = tpu.matmul %get3A_1, %get3A_4, %dot_general3A {dimension_numbers = #tpu.dot_dimension_numbers<[1], [0], [0], [1], [0, 0, 1, 1], [], []>, transpose_lhs_hint = false} : vector<2000x128xf32>, vector<128x128xf32>, vector<2000x128xf32> -> vector<2000x128xf32>
    %convert_element_type3A = arith.truncf %dot_general3A_5 : vector<2000x128xf32> to vector<2000x128xbf16>
    %swap3A = arith.constant 0 : index
    %swap3A_6 = arith.constant 0 : index
    %swap3A_7 = vector.load %arg3[%swap3A, %swap3A_6] : memref<2000x128xbf16, #tpu.memory_space<vmem>>, vector<2000x128xbf16>
    tpu.vector_store %arg3[%swap3A, %swap3A_6], %convert_element_type3A {strides = array<i32>} : memref<2000x128xbf16, #tpu.memory_space<vmem>>, vector<2000x128xbf16>,
    return
  }
  func.func @transform_0(%arg0: i32) -> (i32, i32) {
    %c0_i32 = arith.constant 0 : i32
    %c0_i32_0 = arith.constant 0 : i32
    return %arg0, %c0_i32 : i32, i32
  }
  func.func @transform_1(%arg0: i32) -> (i32, i32) {
    %c0_i32 = arith.constant 0 : i32
    %c0_i32_0 = arith.constant 0 : i32
    %c0_i32_1 = arith.constant 0 : i32
    return %c0_i32, %c0_i32_0 : i32, i32
  }
  func.func @transform_2(%arg0: i32) -> (i32, i32) {
    %c0_i32 = arith.constant 0 : i32
    %c0_i32_0 = arith.constant 0 : i32
    return %arg0, %c0_i32 : i32, i32
  }
}

module attributes {stable_mosaic.version = 14 : i64} {
  func.func @_combine_mid_body(%arg0: i32, %arg1: memref<2000x128xf32, #tpu.memory_space<vmem>>, %arg2: memref<2000x128xbf16, #tpu.memory_space<vmem>>, %arg3: memref<128x128xf32, #tpu.memory_space<vmem>>, %arg4: memref<128x128xf32, #tpu.memory_space<vmem>>, %arg5: memref<1x128xf32, #tpu.memory_space<vmem>>, %arg6: memref<1x128xf32, #tpu.memory_space<vmem>>, %arg7: memref<1x128xf32, #tpu.memory_space<vmem>>, %arg8: memref<1x128xf32, #tpu.memory_space<vmem>>, %arg9: memref<128x128xf32, #tpu.memory_space<vmem>>, %arg10: memref<2000x128xbf16, #tpu.memory_space<vmem>>, %arg11: memref<2000x128xbf16, #tpu.memory_space<vmem>>) attributes {dimension_semantics = [#tpu.dimension_semantics<arbitrary>], iteration_bounds = array<i64: 25>, scalar_prefetch = 0 : i64, scratch_operands = 0 : i64, tpu.core_type = #tpu.core_type<tc>, window_params = [{transform_indices = @transform_0, window_bounds = array<i64: 2000, 128>}, {transform_indices = @transform_1, window_bounds = array<i64: 2000, 128>}, {pipeline_mode = #tpu.pipeline_mode<synchronous>, transform_indices = @transform_2, window_bounds = array<i64: 128, 128>}, {pipeline_mode = #tpu.pipeline_mode<synchronous>, transform_indices = @transform_3, window_bounds = array<i64: 128, 128>}, {pipeline_mode = #tpu.pipeline_mode<synchronous>, transform_indices = @transform_4, window_bounds = array<i64: 1, 128>}, {pipeline_mode = #tpu.pipeline_mode<synchronous>, transform_indices = @transform_5, window_bounds = array<i64: 1, 128>}, {pipeline_mode = #tpu.pipeline_mode<synchronous>, transform_indices = @transform_6, window_bounds = array<i64: 1, 128>}, {pipeline_mode = #tpu.pipeline_mode<synchronous>, transform_indices = @transform_7, window_bounds = array<i64: 1, 128>}, {pipeline_mode = #tpu.pipeline_mode<synchronous>, transform_indices = @transform_8, window_bounds = array<i64: 128, 128>}, {transform_indices = @transform_9, window_bounds = array<i64: 2000, 128>}, {transform_indices = @transform_10, window_bounds = array<i64: 2000, 128>}]} {
    %get3A = arith.constant 0 : index
    %get3A_0 = arith.constant 0 : index
    %get3A_1 = vector.load %arg2[%get3A, %get3A_0] : memref<2000x128xbf16, #tpu.memory_space<vmem>>, vector<2000x128xbf16>
    %convert_element_type3A = arith.extf %get3A_1 : vector<2000x128xbf16> to vector<2000x128xf32>
    %get3A_2 = arith.constant 0 : index
    %get3A_3 = arith.constant 0 : index
    %get3A_4 = vector.load %arg6[%get3A_2, %get3A_3] : memref<1x128xf32, #tpu.memory_space<vmem>>, vector<1x128xf32>
    %get3A_5 = vector.shape_cast %get3A_4 : vector<1x128xf32> to vector<128xf32>
    %broadcast_in_dim3A = vector.shape_cast %get3A_5 : vector<128xf32> to vector<1x128xf32>
    %add3A = vector.broadcast %broadcast_in_dim3A : vector<1x128xf32> to vector<2000x128xf32>
    %add3A_6 = arith.addf %convert_element_type3A, %add3A : vector<2000x128xf32>
    %max3A = arith.constant 0.000000e+00 : f32
    %max3A_7 = vector.broadcast %max3A : f32 to vector<2000x128xf32>
    %max3A_8 = arith.maximumf %add3A_6, %max3A_7 : vector<2000x128xf32>
    %get3A_9 = arith.constant 0 : index
    %get3A_10 = arith.constant 0 : index
    %get3A_11 = vector.load %arg1[%get3A_9, %get3A_10] : memref<2000x128xf32, #tpu.memory_space<vmem>>, vector<2000x128xf32>
    %get3A_12 = arith.constant 0 : index
    %get3A_13 = arith.constant 0 : index
    %get3A_14 = vector.load %arg3[%get3A_12, %get3A_13] : memref<128x128xf32, #tpu.memory_space<vmem>>, vector<128x128xf32>
    %dot_general3A = arith.constant dense<0.000000e+00> : vector<2000x128xf32>
    %dot_general3A_15 = tpu.matmul %get3A_11, %get3A_14, %dot_general3A {dimension_numbers = #tpu.dot_dimension_numbers<[1], [0], [0], [1], [0, 0, 1, 1], [], []>, transpose_lhs_hint = false} : vector<2000x128xf32>, vector<128x128xf32>, vector<2000x128xf32> -> vector<2000x128xf32>
    %get3A_16 = arith.constant 0 : index
    %get3A_17 = arith.constant 0 : index
    %get3A_18 = vector.load %arg4[%get3A_16, %get3A_17] : memref<128x128xf32, #tpu.memory_space<vmem>>, vector<128x128xf32>
    %dot_general3A_19 = arith.constant dense<0.000000e+00> : vector<2000x128xf32>
    %dot_general3A_20 = tpu.matmul %max3A_8, %get3A_18, %dot_general3A_19 {dimension_numbers = #tpu.dot_dimension_numbers<[1], [0], [0], [1], [0, 0, 1, 1], [], []>, transpose_lhs_hint = false} : vector<2000x128xf32>, vector<128x128xf32>, vector<2000x128xf32> -> vector<2000x128xf32>
    %add3A_21 = arith.addf %dot_general3A_15, %dot_general3A_20 : vector<2000x128xf32>
    %get3A_22 = arith.constant 0 : index
    %get3A_23 = arith.constant 0 : index
    %get3A_24 = vector.load %arg5[%get3A_22, %get3A_23] : memref<1x128xf32, #tpu.memory_space<vmem>>, vector<1x128xf32>
    %get3A_25 = vector.shape_cast %get3A_24 : vector<1x128xf32> to vector<128xf32>
    %broadcast_in_dim3A_26 = vector.shape_cast %get3A_25 : vector<128xf32> to vector<1x128xf32>
    %add3A_27 = vector.broadcast %broadcast_in_dim3A_26 : vector<1x128xf32> to vector<2000x128xf32>
    %add3A_28 = arith.addf %add3A_21, %add3A_27 : vector<2000x128xf32>
    %reduce_sum3A = arith.constant dense<0.000000e+00> : vector<2000xf32>
    %reduce_sum3A_29 = vector.multi_reduction <add>, %add3A_28, %reduce_sum3A [1] : vector<2000x128xf32> to vector<2000xf32>
    %broadcast_in_dim3A_30 = vector.shape_cast %reduce_sum3A_29 : vector<2000xf32> to vector<2000x1xf32>
    %div3A = arith.constant 1.280000e+02 : f32
    %div3A_31 = vector.broadcast %div3A : f32 to vector<2000x1xf32>
    %div3A_32 = arith.divf %broadcast_in_dim3A_30, %div3A_31 : vector<2000x1xf32>
    %sub3A = vector.broadcast %div3A_32 : vector<2000x1xf32> to vector<2000x128xf32>
    %sub3A_33 = arith.subf %add3A_28, %sub3A : vector<2000x128xf32>
    %integer_pow3A = arith.mulf %sub3A_33, %sub3A_33 : vector<2000x128xf32>
    %reduce_sum3A_34 = arith.constant dense<0.000000e+00> : vector<2000xf32>
    %reduce_sum3A_35 = vector.multi_reduction <add>, %integer_pow3A, %reduce_sum3A_34 [1] : vector<2000x128xf32> to vector<2000xf32>
    %broadcast_in_dim3A_36 = vector.shape_cast %reduce_sum3A_35 : vector<2000xf32> to vector<2000x1xf32>
    %div3A_37 = arith.constant 1.280000e+02 : f32
    %div3A_38 = vector.broadcast %div3A_37 : f32 to vector<2000x1xf32>
    %div3A_39 = arith.divf %broadcast_in_dim3A_36, %div3A_38 : vector<2000x1xf32>
    %sub3A_40 = vector.broadcast %div3A_32 : vector<2000x1xf32> to vector<2000x128xf32>
    %sub3A_41 = arith.subf %add3A_28, %sub3A_40 : vector<2000x128xf32>
    %add3A_42 = arith.constant 9.99999974E-6 : f32
    %add3A_43 = vector.broadcast %add3A_42 : f32 to vector<2000x1xf32>
    %add3A_44 = arith.addf %div3A_39, %add3A_43 : vector<2000x1xf32>
    %rsqrt3A = math.rsqrt %add3A_44 : vector<2000x1xf32>
    %mul3A = vector.broadcast %rsqrt3A : vector<2000x1xf32> to vector<2000x128xf32>
    %mul3A_45 = arith.mulf %sub3A_41, %mul3A : vector<2000x128xf32>
    %get3A_46 = arith.constant 0 : index
    %get3A_47 = arith.constant 0 : index
    %get3A_48 = vector.load %arg7[%get3A_46, %get3A_47] : memref<1x128xf32, #tpu.memory_space<vmem>>, vector<1x128xf32>
    %get3A_49 = vector.shape_cast %get3A_48 : vector<1x128xf32> to vector<128xf32>
    %broadcast_in_dim3A_50 = vector.shape_cast %get3A_49 : vector<128xf32> to vector<1x128xf32>
    %mul3A_51 = vector.broadcast %broadcast_in_dim3A_50 : vector<1x128xf32> to vector<2000x128xf32>
    %mul3A_52 = arith.mulf %mul3A_45, %mul3A_51 : vector<2000x128xf32>
    %get3A_53 = arith.constant 0 : index
    %get3A_54 = arith.constant 0 : index
    %get3A_55 = vector.load %arg8[%get3A_53, %get3A_54] : memref<1x128xf32, #tpu.memory_space<vmem>>, vector<1x128xf32>
    %get3A_56 = vector.shape_cast %get3A_55 : vector<1x128xf32> to vector<128xf32>
    %broadcast_in_dim3A_57 = vector.shape_cast %get3A_56 : vector<128xf32> to vector<1x128xf32>
    %add3A_58 = vector.broadcast %broadcast_in_dim3A_57 : vector<1x128xf32> to vector<2000x128xf32>
    %add3A_59 = arith.addf %mul3A_52, %add3A_58 : vector<2000x128xf32>
    %max3A_60 = arith.constant 0.000000e+00 : f32
    %max3A_61 = vector.broadcast %max3A_60 : f32 to vector<2000x128xf32>
    %max3A_62 = arith.maximumf %add3A_59, %max3A_61 : vector<2000x128xf32>
    %add3A_63 = arith.addf %max3A_62, %add3A_28 : vector<2000x128xf32>
    %convert_element_type3A_64 = arith.truncf %add3A_63 : vector<2000x128xf32> to vector<2000x128xbf16>
    %swap3A = arith.constant 0 : index
    %swap3A_65 = arith.constant 0 : index
    %swap3A_66 = vector.load %arg10[%swap3A, %swap3A_65] : memref<2000x128xbf16, #tpu.memory_space<vmem>>, vector<2000x128xbf16>
    tpu.vector_store %arg10[%swap3A, %swap3A_65], %convert_element_type3A_64 {strides = array<i32>} : memref<2000x128xbf16, #tpu.memory_space<vmem>>, vector<2000x128xbf16>,
    %get3A_67 = arith.constant 0 : index
    %get3A_68 = arith.constant 0 : index
    %get3A_69 = vector.load %arg9[%get3A_67, %get3A_68] : memref<128x128xf32, #tpu.memory_space<vmem>>, vector<128x128xf32>
    %dot_general3A_70 = arith.constant dense<0.000000e+00> : vector<2000x128xf32>
    %dot_general3A_71 = tpu.matmul %add3A_63, %get3A_69, %dot_general3A_70 {dimension_numbers = #tpu.dot_dimension_numbers<[1], [0], [0], [1], [0, 0, 1, 1], [], []>, transpose_lhs_hint = false} : vector<2000x128xf32>, vector<128x128xf32>, vector<2000x128xf32> -> vector<2000x128xf32>
    %convert_element_type3A_72 = arith.truncf %dot_general3A_71 : vector<2000x128xf32> to vector<2000x128xbf16>
    %swap3A_73 = arith.constant 0 : index
    %swap3A_74 = arith.constant 0 : index
    %swap3A_75 = vector.load %arg11[%swap3A_73, %swap3A_74] : memref<2000x128xbf16, #tpu.memory_space<vmem>>, vector<2000x128xbf16>
    tpu.vector_store %arg11[%swap3A_73, %swap3A_74], %convert_element_type3A_72 {strides = array<i32>} : memref<2000x128xbf16, #tpu.memory_space<vmem>>, vector<2000x128xbf16>,
    return
  }
  func.func @transform_0(%arg0: i32) -> (i32, i32) {
    %c0_i32 = arith.constant 0 : i32
    %c0_i32_0 = arith.constant 0 : i32
    return %arg0, %c0_i32 : i32, i32
  }
  func.func @transform_1(%arg0: i32) -> (i32, i32) {
    %c0_i32 = arith.constant 0 : i32
    %c0_i32_0 = arith.constant 0 : i32
    return %arg0, %c0_i32 : i32, i32
  }
  func.func @transform_2(%arg0: i32) -> (i32, i32) {
    %c0_i32 = arith.constant 0 : i32
    %c0_i32_0 = arith.constant 0 : i32
    %c0_i32_1 = arith.constant 0 : i32
    return %c0_i32, %c0_i32_0 : i32, i32
  }
  func.func @transform_3(%arg0: i32) -> (i32, i32) {
    %c0_i32 = arith.constant 0 : i32
    %c0_i32_0 = arith.constant 0 : i32
    %c0_i32_1 = arith.constant 0 : i32
    return %c0_i32, %c0_i32_0 : i32, i32
  }
  func.func @transform_4(%arg0: i32) -> (i32, i32) {
    %c0_i32 = arith.constant 0 : i32
    %c0_i32_0 = arith.constant 0 : i32
    %c0_i32_1 = arith.constant 0 : i32
    return %c0_i32, %c0_i32_0 : i32, i32
  }
  func.func @transform_5(%arg0: i32) -> (i32, i32) {
    %c0_i32 = arith.constant 0 : i32
    %c0_i32_0 = arith.constant 0 : i32
    %c0_i32_1 = arith.constant 0 : i32
    return %c0_i32, %c0_i32_0 : i32, i32
  }
  func.func @transform_6(%arg0: i32) -> (i32, i32) {
    %c0_i32 = arith.constant 0 : i32
    %c0_i32_0 = arith.constant 0 : i32
    %c0_i32_1 = arith.constant 0 : i32
    return %c0_i32, %c0_i32_0 : i32, i32
  }
  func.func @transform_7(%arg0: i32) -> (i32, i32) {
    %c0_i32 = arith.constant 0 : i32
    %c0_i32_0 = arith.constant 0 : i32
    %c0_i32_1 = arith.constant 0 : i32
    return %c0_i32, %c0_i32_0 : i32, i32
  }
  func.func @transform_8(%arg0: i32) -> (i32, i32) {
    %c0_i32 = arith.constant 0 : i32
    %c0_i32_0 = arith.constant 0 : i32
    %c0_i32_1 = arith.constant 0 : i32
    return %c0_i32, %c0_i32_0 : i32, i32
  }
  func.func @transform_9(%arg0: i32) -> (i32, i32) {
    %c0_i32 = arith.constant 0 : i32
    %c0_i32_0 = arith.constant 0 : i32
    return %arg0, %c0_i32 : i32, i32
  }
  func.func @transform_10(%arg0: i32) -> (i32, i32) {
    %c0_i32 = arith.constant 0 : i32
    %c0_i32_0 = arith.constant 0 : i32
    return %arg0, %c0_i32 : i32, i32
  }
}

module attributes {stable_mosaic.version = 14 : i64} {
  func.func @_combine_mid_body(%arg0: i32, %arg1: memref<2000x128xbf16, #tpu.memory_space<vmem>>, %arg2: memref<2000x128xbf16, #tpu.memory_space<vmem>>, %arg3: memref<128x128xf32, #tpu.memory_space<vmem>>, %arg4: memref<128x128xf32, #tpu.memory_space<vmem>>, %arg5: memref<1x128xf32, #tpu.memory_space<vmem>>, %arg6: memref<1x128xf32, #tpu.memory_space<vmem>>, %arg7: memref<1x128xf32, #tpu.memory_space<vmem>>, %arg8: memref<1x128xf32, #tpu.memory_space<vmem>>, %arg9: memref<128x128xf32, #tpu.memory_space<vmem>>, %arg10: memref<2000x128xbf16, #tpu.memory_space<vmem>>, %arg11: memref<2000x128xbf16, #tpu.memory_space<vmem>>) attributes {dimension_semantics = [#tpu.dimension_semantics<arbitrary>], iteration_bounds = array<i64: 25>, scalar_prefetch = 0 : i64, scratch_operands = 0 : i64, tpu.core_type = #tpu.core_type<tc>, window_params = [{transform_indices = @transform_0, window_bounds = array<i64: 2000, 128>}, {transform_indices = @transform_1, window_bounds = array<i64: 2000, 128>}, {pipeline_mode = #tpu.pipeline_mode<synchronous>, transform_indices = @transform_2, window_bounds = array<i64: 128, 128>}, {pipeline_mode = #tpu.pipeline_mode<synchronous>, transform_indices = @transform_3, window_bounds = array<i64: 128, 128>}, {pipeline_mode = #tpu.pipeline_mode<synchronous>, transform_indices = @transform_4, window_bounds = array<i64: 1, 128>}, {pipeline_mode = #tpu.pipeline_mode<synchronous>, transform_indices = @transform_5, window_bounds = array<i64: 1, 128>}, {pipeline_mode = #tpu.pipeline_mode<synchronous>, transform_indices = @transform_6, window_bounds = array<i64: 1, 128>}, {pipeline_mode = #tpu.pipeline_mode<synchronous>, transform_indices = @transform_7, window_bounds = array<i64: 1, 128>}, {pipeline_mode = #tpu.pipeline_mode<synchronous>, transform_indices = @transform_8, window_bounds = array<i64: 128, 128>}, {transform_indices = @transform_9, window_bounds = array<i64: 2000, 128>}, {transform_indices = @transform_10, window_bounds = array<i64: 2000, 128>}]} {
    %get3A = arith.constant 0 : index
    %get3A_0 = arith.constant 0 : index
    %get3A_1 = vector.load %arg2[%get3A, %get3A_0] : memref<2000x128xbf16, #tpu.memory_space<vmem>>, vector<2000x128xbf16>
    %convert_element_type3A = arith.extf %get3A_1 : vector<2000x128xbf16> to vector<2000x128xf32>
    %get3A_2 = arith.constant 0 : index
    %get3A_3 = arith.constant 0 : index
    %get3A_4 = vector.load %arg6[%get3A_2, %get3A_3] : memref<1x128xf32, #tpu.memory_space<vmem>>, vector<1x128xf32>
    %get3A_5 = vector.shape_cast %get3A_4 : vector<1x128xf32> to vector<128xf32>
    %broadcast_in_dim3A = vector.shape_cast %get3A_5 : vector<128xf32> to vector<1x128xf32>
    %add3A = vector.broadcast %broadcast_in_dim3A : vector<1x128xf32> to vector<2000x128xf32>
    %add3A_6 = arith.addf %convert_element_type3A, %add3A : vector<2000x128xf32>
    %max3A = arith.constant 0.000000e+00 : f32
    %max3A_7 = vector.broadcast %max3A : f32 to vector<2000x128xf32>
    %max3A_8 = arith.maximumf %add3A_6, %max3A_7 : vector<2000x128xf32>
    %get3A_9 = arith.constant 0 : index
    %get3A_10 = arith.constant 0 : index
    %get3A_11 = vector.load %arg1[%get3A_9, %get3A_10] : memref<2000x128xbf16, #tpu.memory_space<vmem>>, vector<2000x128xbf16>
    %convert_element_type3A_12 = arith.extf %get3A_11 : vector<2000x128xbf16> to vector<2000x128xf32>
    %get3A_13 = arith.constant 0 : index
    %get3A_14 = arith.constant 0 : index
    %get3A_15 = vector.load %arg3[%get3A_13, %get3A_14] : memref<128x128xf32, #tpu.memory_space<vmem>>, vector<128x128xf32>
    %dot_general3A = arith.constant dense<0.000000e+00> : vector<2000x128xf32>
    %dot_general3A_16 = tpu.matmul %convert_element_type3A_12, %get3A_15, %dot_general3A {dimension_numbers = #tpu.dot_dimension_numbers<[1], [0], [0], [1], [0, 0, 1, 1], [], []>, transpose_lhs_hint = false} : vector<2000x128xf32>, vector<128x128xf32>, vector<2000x128xf32> -> vector<2000x128xf32>
    %get3A_17 = arith.constant 0 : index
    %get3A_18 = arith.constant 0 : index
    %get3A_19 = vector.load %arg4[%get3A_17, %get3A_18] : memref<128x128xf32, #tpu.memory_space<vmem>>, vector<128x128xf32>
    %dot_general3A_20 = arith.constant dense<0.000000e+00> : vector<2000x128xf32>
    %dot_general3A_21 = tpu.matmul %max3A_8, %get3A_19, %dot_general3A_20 {dimension_numbers = #tpu.dot_dimension_numbers<[1], [0], [0], [1], [0, 0, 1, 1], [], []>, transpose_lhs_hint = false} : vector<2000x128xf32>, vector<128x128xf32>, vector<2000x128xf32> -> vector<2000x128xf32>
    %add3A_22 = arith.addf %dot_general3A_16, %dot_general3A_21 : vector<2000x128xf32>
    %get3A_23 = arith.constant 0 : index
    %get3A_24 = arith.constant 0 : index
    %get3A_25 = vector.load %arg5[%get3A_23, %get3A_24] : memref<1x128xf32, #tpu.memory_space<vmem>>, vector<1x128xf32>
    %get3A_26 = vector.shape_cast %get3A_25 : vector<1x128xf32> to vector<128xf32>
    %broadcast_in_dim3A_27 = vector.shape_cast %get3A_26 : vector<128xf32> to vector<1x128xf32>
    %add3A_28 = vector.broadcast %broadcast_in_dim3A_27 : vector<1x128xf32> to vector<2000x128xf32>
    %add3A_29 = arith.addf %add3A_22, %add3A_28 : vector<2000x128xf32>
    %reduce_sum3A = arith.constant dense<0.000000e+00> : vector<2000xf32>
    %reduce_sum3A_30 = vector.multi_reduction <add>, %add3A_29, %reduce_sum3A [1] : vector<2000x128xf32> to vector<2000xf32>
    %broadcast_in_dim3A_31 = vector.shape_cast %reduce_sum3A_30 : vector<2000xf32> to vector<2000x1xf32>
    %div3A = arith.constant 1.280000e+02 : f32
    %div3A_32 = vector.broadcast %div3A : f32 to vector<2000x1xf32>
    %div3A_33 = arith.divf %broadcast_in_dim3A_31, %div3A_32 : vector<2000x1xf32>
    %sub3A = vector.broadcast %div3A_33 : vector<2000x1xf32> to vector<2000x128xf32>
    %sub3A_34 = arith.subf %add3A_29, %sub3A : vector<2000x128xf32>
    %integer_pow3A = arith.mulf %sub3A_34, %sub3A_34 : vector<2000x128xf32>
    %reduce_sum3A_35 = arith.constant dense<0.000000e+00> : vector<2000xf32>
    %reduce_sum3A_36 = vector.multi_reduction <add>, %integer_pow3A, %reduce_sum3A_35 [1] : vector<2000x128xf32> to vector<2000xf32>
    %broadcast_in_dim3A_37 = vector.shape_cast %reduce_sum3A_36 : vector<2000xf32> to vector<2000x1xf32>
    %div3A_38 = arith.constant 1.280000e+02 : f32
    %div3A_39 = vector.broadcast %div3A_38 : f32 to vector<2000x1xf32>
    %div3A_40 = arith.divf %broadcast_in_dim3A_37, %div3A_39 : vector<2000x1xf32>
    %sub3A_41 = vector.broadcast %div3A_33 : vector<2000x1xf32> to vector<2000x128xf32>
    %sub3A_42 = arith.subf %add3A_29, %sub3A_41 : vector<2000x128xf32>
    %add3A_43 = arith.constant 9.99999974E-6 : f32
    %add3A_44 = vector.broadcast %add3A_43 : f32 to vector<2000x1xf32>
    %add3A_45 = arith.addf %div3A_40, %add3A_44 : vector<2000x1xf32>
    %rsqrt3A = math.rsqrt %add3A_45 : vector<2000x1xf32>
    %mul3A = vector.broadcast %rsqrt3A : vector<2000x1xf32> to vector<2000x128xf32>
    %mul3A_46 = arith.mulf %sub3A_42, %mul3A : vector<2000x128xf32>
    %get3A_47 = arith.constant 0 : index
    %get3A_48 = arith.constant 0 : index
    %get3A_49 = vector.load %arg7[%get3A_47, %get3A_48] : memref<1x128xf32, #tpu.memory_space<vmem>>, vector<1x128xf32>
    %get3A_50 = vector.shape_cast %get3A_49 : vector<1x128xf32> to vector<128xf32>
    %broadcast_in_dim3A_51 = vector.shape_cast %get3A_50 : vector<128xf32> to vector<1x128xf32>
    %mul3A_52 = vector.broadcast %broadcast_in_dim3A_51 : vector<1x128xf32> to vector<2000x128xf32>
    %mul3A_53 = arith.mulf %mul3A_46, %mul3A_52 : vector<2000x128xf32>
    %get3A_54 = arith.constant 0 : index
    %get3A_55 = arith.constant 0 : index
    %get3A_56 = vector.load %arg8[%get3A_54, %get3A_55] : memref<1x128xf32, #tpu.memory_space<vmem>>, vector<1x128xf32>
    %get3A_57 = vector.shape_cast %get3A_56 : vector<1x128xf32> to vector<128xf32>
    %broadcast_in_dim3A_58 = vector.shape_cast %get3A_57 : vector<128xf32> to vector<1x128xf32>
    %add3A_59 = vector.broadcast %broadcast_in_dim3A_58 : vector<1x128xf32> to vector<2000x128xf32>
    %add3A_60 = arith.addf %mul3A_53, %add3A_59 : vector<2000x128xf32>
    %max3A_61 = arith.constant 0.000000e+00 : f32
    %max3A_62 = vector.broadcast %max3A_61 : f32 to vector<2000x128xf32>
    %max3A_63 = arith.maximumf %add3A_60, %max3A_62 : vector<2000x128xf32>
    %add3A_64 = arith.addf %max3A_63, %add3A_29 : vector<2000x128xf32>
    %convert_element_type3A_65 = arith.truncf %add3A_64 : vector<2000x128xf32> to vector<2000x128xbf16>
    %swap3A = arith.constant 0 : index
    %swap3A_66 = arith.constant 0 : index
    %swap3A_67 = vector.load %arg10[%swap3A, %swap3A_66] : memref<2000x128xbf16, #tpu.memory_space<vmem>>, vector<2000x128xbf16>
    tpu.vector_store %arg10[%swap3A, %swap3A_66], %convert_element_type3A_65 {strides = array<i32>} : memref<2000x128xbf16, #tpu.memory_space<vmem>>, vector<2000x128xbf16>,
    %get3A_68 = arith.constant 0 : index
    %get3A_69 = arith.constant 0 : index
    %get3A_70 = vector.load %arg9[%get3A_68, %get3A_69] : memref<128x128xf32, #tpu.memory_space<vmem>>, vector<128x128xf32>
    %dot_general3A_71 = arith.constant dense<0.000000e+00> : vector<2000x128xf32>
    %dot_general3A_72 = tpu.matmul %add3A_64, %get3A_70, %dot_general3A_71 {dimension_numbers = #tpu.dot_dimension_numbers<[1], [0], [0], [1], [0, 0, 1, 1], [], []>, transpose_lhs_hint = false} : vector<2000x128xf32>, vector<128x128xf32>, vector<2000x128xf32> -> vector<2000x128xf32>
    %convert_element_type3A_73 = arith.truncf %dot_general3A_72 : vector<2000x128xf32> to vector<2000x128xbf16>
    %swap3A_74 = arith.constant 0 : index
    %swap3A_75 = arith.constant 0 : index
    %swap3A_76 = vector.load %arg11[%swap3A_74, %swap3A_75] : memref<2000x128xbf16, #tpu.memory_space<vmem>>, vector<2000x128xbf16>
    tpu.vector_store %arg11[%swap3A_74, %swap3A_75], %convert_element_type3A_73 {strides = array<i32>} : memref<2000x128xbf16, #tpu.memory_space<vmem>>, vector<2000x128xbf16>,
    return
  }
  func.func @transform_0(%arg0: i32) -> (i32, i32) {
    %c0_i32 = arith.constant 0 : i32
    %c0_i32_0 = arith.constant 0 : i32
    return %arg0, %c0_i32 : i32, i32
  }
  func.func @transform_1(%arg0: i32) -> (i32, i32) {
    %c0_i32 = arith.constant 0 : i32
    %c0_i32_0 = arith.constant 0 : i32
    return %arg0, %c0_i32 : i32, i32
  }
  func.func @transform_2(%arg0: i32) -> (i32, i32) {
    %c0_i32 = arith.constant 0 : i32
    %c0_i32_0 = arith.constant 0 : i32
    %c0_i32_1 = arith.constant 0 : i32
    return %c0_i32, %c0_i32_0 : i32, i32
  }
  func.func @transform_3(%arg0: i32) -> (i32, i32) {
    %c0_i32 = arith.constant 0 : i32
    %c0_i32_0 = arith.constant 0 : i32
    %c0_i32_1 = arith.constant 0 : i32
    return %c0_i32, %c0_i32_0 : i32, i32
  }
  func.func @transform_4(%arg0: i32) -> (i32, i32) {
    %c0_i32 = arith.constant 0 : i32
    %c0_i32_0 = arith.constant 0 : i32
    %c0_i32_1 = arith.constant 0 : i32
    return %c0_i32, %c0_i32_0 : i32, i32
  }
  func.func @transform_5(%arg0: i32) -> (i32, i32) {
    %c0_i32 = arith.constant 0 : i32
    %c0_i32_0 = arith.constant 0 : i32
    %c0_i32_1 = arith.constant 0 : i32
    return %c0_i32, %c0_i32_0 : i32, i32
  }
  func.func @transform_6(%arg0: i32) -> (i32, i32) {
    %c0_i32 = arith.constant 0 : i32
    %c0_i32_0 = arith.constant 0 : i32
    %c0_i32_1 = arith.constant 0 : i32
    return %c0_i32, %c0_i32_0 : i32, i32
  }
  func.func @transform_7(%arg0: i32) -> (i32, i32) {
    %c0_i32 = arith.constant 0 : i32
    %c0_i32_0 = arith.constant 0 : i32
    %c0_i32_1 = arith.constant 0 : i32
    return %c0_i32, %c0_i32_0 : i32, i32
  }
  func.func @transform_8(%arg0: i32) -> (i32, i32) {
    %c0_i32 = arith.constant 0 : i32
    %c0_i32_0 = arith.constant 0 : i32
    %c0_i32_1 = arith.constant 0 : i32
    return %c0_i32, %c0_i32_0 : i32, i32
  }
  func.func @transform_9(%arg0: i32) -> (i32, i32) {
    %c0_i32 = arith.constant 0 : i32
    %c0_i32_0 = arith.constant 0 : i32
    return %arg0, %c0_i32 : i32, i32
  }
  func.func @transform_10(%arg0: i32) -> (i32, i32) {
    %c0_i32 = arith.constant 0 : i32
    %c0_i32_0 = arith.constant 0 : i32
    return %arg0, %c0_i32 : i32, i32
  }
}

module attributes {stable_mosaic.version = 14 : i64} {
  func.func @_combine_last_body(%arg0: i32, %arg1: memref<2000x128xbf16, #tpu.memory_space<vmem>>, %arg2: memref<2000x128xbf16, #tpu.memory_space<vmem>>, %arg3: memref<128x128xf32, #tpu.memory_space<vmem>>, %arg4: memref<128x128xf32, #tpu.memory_space<vmem>>, %arg5: memref<1x128xf32, #tpu.memory_space<vmem>>, %arg6: memref<1x128xf32, #tpu.memory_space<vmem>>, %arg7: memref<2000x128xf32, #tpu.memory_space<vmem>>) attributes {dimension_semantics = [#tpu.dimension_semantics<arbitrary>], iteration_bounds = array<i64: 25>, scalar_prefetch = 0 : i64, scratch_operands = 0 : i64, tpu.core_type = #tpu.core_type<tc>, window_params = [{transform_indices = @transform_0, window_bounds = array<i64: 2000, 128>}, {transform_indices = @transform_1, window_bounds = array<i64: 2000, 128>}, {pipeline_mode = #tpu.pipeline_mode<synchronous>, transform_indices = @transform_2, window_bounds = array<i64: 128, 128>}, {pipeline_mode = #tpu.pipeline_mode<synchronous>, transform_indices = @transform_3, window_bounds = array<i64: 128, 128>}, {pipeline_mode = #tpu.pipeline_mode<synchronous>, transform_indices = @transform_4, window_bounds = array<i64: 1, 128>}, {pipeline_mode = #tpu.pipeline_mode<synchronous>, transform_indices = @transform_5, window_bounds = array<i64: 1, 128>}, {transform_indices = @transform_6, window_bounds = array<i64: 2000, 128>}]} {
    %get3A = arith.constant 0 : index
    %get3A_0 = arith.constant 0 : index
    %get3A_1 = vector.load %arg2[%get3A, %get3A_0] : memref<2000x128xbf16, #tpu.memory_space<vmem>>, vector<2000x128xbf16>
    %convert_element_type3A = arith.extf %get3A_1 : vector<2000x128xbf16> to vector<2000x128xf32>
    %get3A_2 = arith.constant 0 : index
    %get3A_3 = arith.constant 0 : index
    %get3A_4 = vector.load %arg6[%get3A_2, %get3A_3] : memref<1x128xf32, #tpu.memory_space<vmem>>, vector<1x128xf32>
    %get3A_5 = vector.shape_cast %get3A_4 : vector<1x128xf32> to vector<128xf32>
    %broadcast_in_dim3A = vector.shape_cast %get3A_5 : vector<128xf32> to vector<1x128xf32>
    %add3A = vector.broadcast %broadcast_in_dim3A : vector<1x128xf32> to vector<2000x128xf32>
    %add3A_6 = arith.addf %convert_element_type3A, %add3A : vector<2000x128xf32>
    %max3A = arith.constant 0.000000e+00 : f32
    %max3A_7 = vector.broadcast %max3A : f32 to vector<2000x128xf32>
    %max3A_8 = arith.maximumf %add3A_6, %max3A_7 : vector<2000x128xf32>
    %get3A_9 = arith.constant 0 : index
    %get3A_10 = arith.constant 0 : index
    %get3A_11 = vector.load %arg1[%get3A_9, %get3A_10] : memref<2000x128xbf16, #tpu.memory_space<vmem>>, vector<2000x128xbf16>
    %convert_element_type3A_12 = arith.extf %get3A_11 : vector<2000x128xbf16> to vector<2000x128xf32>
    %get3A_13 = arith.constant 0 : index
    %get3A_14 = arith.constant 0 : index
    %get3A_15 = vector.load %arg3[%get3A_13, %get3A_14] : memref<128x128xf32, #tpu.memory_space<vmem>>, vector<128x128xf32>
    %dot_general3A = arith.constant dense<0.000000e+00> : vector<2000x128xf32>
    %dot_general3A_16 = tpu.matmul %convert_element_type3A_12, %get3A_15, %dot_general3A {dimension_numbers = #tpu.dot_dimension_numbers<[1], [0], [0], [1], [0, 0, 1, 1], [], []>, transpose_lhs_hint = false} : vector<2000x128xf32>, vector<128x128xf32>, vector<2000x128xf32> -> vector<2000x128xf32>
    %get3A_17 = arith.constant 0 : index
    %get3A_18 = arith.constant 0 : index
    %get3A_19 = vector.load %arg4[%get3A_17, %get3A_18] : memref<128x128xf32, #tpu.memory_space<vmem>>, vector<128x128xf32>
    %dot_general3A_20 = arith.constant dense<0.000000e+00> : vector<2000x128xf32>
    %dot_general3A_21 = tpu.matmul %max3A_8, %get3A_19, %dot_general3A_20 {dimension_numbers = #tpu.dot_dimension_numbers<[1], [0], [0], [1], [0, 0, 1, 1], [], []>, transpose_lhs_hint = false} : vector<2000x128xf32>, vector<128x128xf32>, vector<2000x128xf32> -> vector<2000x128xf32>
    %add3A_22 = arith.addf %dot_general3A_16, %dot_general3A_21 : vector<2000x128xf32>
    %get3A_23 = arith.constant 0 : index
    %get3A_24 = arith.constant 0 : index
    %get3A_25 = vector.load %arg5[%get3A_23, %get3A_24] : memref<1x128xf32, #tpu.memory_space<vmem>>, vector<1x128xf32>
    %get3A_26 = vector.shape_cast %get3A_25 : vector<1x128xf32> to vector<128xf32>
    %broadcast_in_dim3A_27 = vector.shape_cast %get3A_26 : vector<128xf32> to vector<1x128xf32>
    %add3A_28 = vector.broadcast %broadcast_in_dim3A_27 : vector<1x128xf32> to vector<2000x128xf32>
    %add3A_29 = arith.addf %add3A_22, %add3A_28 : vector<2000x128xf32>
    %swap3A = arith.constant 0 : index
    %swap3A_30 = arith.constant 0 : index
    %swap3A_31 = vector.load %arg7[%swap3A, %swap3A_30] : memref<2000x128xf32, #tpu.memory_space<vmem>>, vector<2000x128xf32>
    tpu.vector_store %arg7[%swap3A, %swap3A_30], %add3A_29 {strides = array<i32>} : memref<2000x128xf32, #tpu.memory_space<vmem>>, vector<2000x128xf32>,
    return
  }
  func.func @transform_0(%arg0: i32) -> (i32, i32) {
    %c0_i32 = arith.constant 0 : i32
    %c0_i32_0 = arith.constant 0 : i32
    return %arg0, %c0_i32 : i32, i32
  }
  func.func @transform_1(%arg0: i32) -> (i32, i32) {
    %c0_i32 = arith.constant 0 : i32
    %c0_i32_0 = arith.constant 0 : i32
    return %arg0, %c0_i32 : i32, i32
  }
  func.func @transform_2(%arg0: i32) -> (i32, i32) {
    %c0_i32 = arith.constant 0 : i32
    %c0_i32_0 = arith.constant 0 : i32
    %c0_i32_1 = arith.constant 0 : i32
    return %c0_i32, %c0_i32_0 : i32, i32
  }
  func.func @transform_3(%arg0: i32) -> (i32, i32) {
    %c0_i32 = arith.constant 0 : i32
    %c0_i32_0 = arith.constant 0 : i32
    %c0_i32_1 = arith.constant 0 : i32
    return %c0_i32, %c0_i32_0 : i32, i32
  }
  func.func @transform_4(%arg0: i32) -> (i32, i32) {
    %c0_i32 = arith.constant 0 : i32
    %c0_i32_0 = arith.constant 0 : i32
    %c0_i32_1 = arith.constant 0 : i32
    return %c0_i32, %c0_i32_0 : i32, i32
  }
  func.func @transform_5(%arg0: i32) -> (i32, i32) {
    %c0_i32 = arith.constant 0 : i32
    %c0_i32_0 = arith.constant 0 : i32
    %c0_i32_1 = arith.constant 0 : i32
    return %c0_i32, %c0_i32_0 : i32, i32
  }
  func.func @transform_6(%arg0: i32) -> (i32, i32) {
    %c0_i32 = arith.constant 0 : i32
    %c0_i32_0 = arith.constant 0 : i32
    return %arg0, %c0_i32 : i32, i32
  }
}

</mosaic_0001>

<sc_bundles>
// kernel: kernel.12.cloned.1.call-start
scs
__scs_entry_jumppad:
0x0: {  	(pc) =	sbr.rel $0x88, $3  }
0x1: {  	(tag) =	ssettag $0x0;
	lr =	simm.s32 $0x1  }
0x2: {  	[smem:$0x3F8F] =	sst lr;
	_ =	strace $0xD0000000  }
0x3: {  	_ = 	snop  }
0x4: {  	_ = 	snop  }
0x5: {  	_ = 	snop  }
0x6: {  	_ = 	snop  }
0x7: {  	_ = 	snop  }
__scs_overlays_trampoline_lowered:
0x8: {  	[smem:$0x3F9E] =	sst s0  }
0x9: {  	[smem:$0x3F9F] =	sst s1  }
0xa: {  	[smem:$0x3FA0] =	sst s2  }
0xb: {  	[smem:$0x3FA1] =	sst s3  }
0xc: {  	[smem:$0x3FA2] =	sst s4  }
0xd: {  	[smem:$0x3FA3] =	sst s5  }
0xe: {  	[smem:$0x3FA4] =	sst s6  }
0xf: {  	[smem:$0x3FA5] =	sst s7  }
0x10: {  	[smem:$0x3FA6] =	sst s8  }
0x11: {  	[smem:$0x3FA7] =	sst s9;
	s0 =	simm.s32 @!p0 $0x0  }
0x12: {  	s1 =	sld [smem:$0x3F8D];
	s0 =	simm.s32 @p0 $0x1  }
0x13: {  	[smem:$0x3FA8] =	sst s0;
	s0 =	simm.s32 @!p1 $0x0  }
0x14: {  	s2 =	sld [smem:$0x3F8C];
	s0 =	simm.s32 @p1 $0x1  }
0x15: {  	[smem:$0x3FA9] =	sst s0;
	s0 =	simm.s32 @!p2 $0x0  }
0x16: {  	s3 =	sld [smem:$0x3FDB];
	s0 =	simm.s32 @p2 $0x1  }
0x17: {  	s4 =	simm.s32 $0x1BF5;
	[smem:$0x3FAB] =	sst s0  }
0x18: {  	s0 =	sld [smem:$0x3F8E];
	_ =	swait.ge [sflag:s4], $0x0  }
0x19: {  	s7 =	sld [smem:$0x3F8F]  }
0x1a: {  	s8 =	sadd.s32 $0xFFFFE003, lr  }
0x1b: {  	s9 =	sadd.s32 $0xFFFFFEF7, lr;
	s5 =	simm.s32 $0xFFFFFFFF;
	p2 =	slt.u32 s8, $0xFFFFF086  }
0x1c: {  	p1 =	slt.u32 s9, $0xF7A;
	s5 =	simm.s32 @!p2 $0x0  }
0x1d: {  	s5 =	simm.s32 @p1 $0x1;
	p0 =	seq.s32 s7, s2  }
0x1e: {  	s7 =	smul.u32 @!p0 $0xF7A, s2;
	p2 =	seq.s32 @!p0 s5, $0x0  }
0x1f: {  	s9 =	smul.u32 $0xF7A, s1;
	s8 =	simm.s32 @!p0 $0x1BF5;
	p2 =	por !p2, p0  }
0x20: {  	[sflag:s8] =	ssyncset.s32 @!p0 $0xFFFFF086;
	s6 =	sadd.s32 @!p0 s3, s7;
	s7 =	simm.s32 @!p0 $0x108  }
0x21: {  	s3 =	sadd.s32 s3, s9;
	s6 =	sadd.s32 @!p0 $0x88, s6;
	s7 =	simm.s32 @p2 $0x1082  }
0x22: {  	[simem:s7], [sflag:s8] =	dma.local @!p0 [hbm:s6], $0xF7A  }
0x23: {  	s9 =	sor.u32 $0xD0000000, s2;
	s6 =	simm.s32 $0x108;
	_ =	swait.ge @!p0 [sflag:s8], $0x0  }
0x24: {  	s3 =	sadd.s32 $0x88, s3;
	s6 =	simm.s32 @!p1 $0x1082;
	[sflag:s4] =	ssyncset.s32 $0xFFFFF086  }
0x25: {  	[simem:s6], [sflag:s4] =	dma.local [hbm:s3], $0xF7A  }
0x26: {  	[smem:$0x3F8F] =	sst s1;
	(tag) =	ssettag s2;
	_ =	strace s9  }
0x27: {  	s1 =	sld [smem:$0x3F9F]  }
0x28: {  	s2 =	sld [smem:$0x3FA0]  }
0x29: {  	s4 =	sld [smem:$0x3FA2]  }
0x2a: {  	p0 =	seq.s32 s5, $0x0;
	s5 =	sld [smem:$0x3FA3]  }
0x2b: {  	s6 =	sld [smem:$0x3FA4]  }
0x2c: {  	s7 =	sld [smem:$0x3FA5]  }
0x2d: {  	s3 =	simm.s32 $0x108;
	s8 =	sld [smem:$0x3FA6]  }
0x2e: {  	s3 =	simm.s32 @!p0 $0x1082;
	s9 =	sld [smem:$0x3FA7]  }
0x2f: {  	lr =	sadd.s32 s0, s3;
	s0 =	sld [smem:$0x3F9E]  }
0x30: {  	s3 =	sld [smem:$0x3FA1]  }
0x31: {  	[smem:$0x3FAA] =	sst s10  }
0x32: {  	s10 =	sld [smem:$0x3FA8];
	_ =	sdelay $0x3  }
0x33: {  	p0 =	seq.s32 s10, $0x1;
	s10 =	sld [smem:$0x3FAA];
	_ =	sdelay $0x3  }
0x34: {  	[smem:$0x3FAA] =	sst s10  }
0x35: {  	s10 =	sld [smem:$0x3FA9];
	_ =	sdelay $0x3  }
0x36: {  	p1 =	seq.s32 s10, $0x1;
	s10 =	sld [smem:$0x3FAA];
	_ =	sdelay $0x3  }
0x37: {  	[smem:$0x3FAA] =	sst s10  }
0x38: {  	s10 =	sld [smem:$0x3FAB]  }
0x39: {  	_ = 	snop;
	(pc) =	sbr.ind lr, $3  }
0x3a: {  	_ = 	snop  }
0x3b: {  	_ = 	snop  }
0x3c: {  	p2 =	seq.s32 s10, $0x1;
	s10 =	sld [smem:$0x3FAA]  }
0x3d: {  	_ =	shalt  }
0x3e: {  	_ =	shalt  }
0x3f: {  	_ =	shalt  }
0x40: {  	_ =	shalt  }
0x41: {  	_ =	shalt  }
0x42: {  	_ =	shalt  }
0x43: {  	_ =	shalt  }
0x44: {  	_ =	shalt  }
0x45: {  	_ =	shalt  }
0x46: {  	_ =	shalt  }
0x47: {  	_ =	shalt  }
0x48: {  	_ =	shalt  }
0x49: {  	_ =	shalt  }
0x4a: {  	_ =	shalt  }
0x4b: {  	_ =	shalt  }
0x4c: {  	_ =	shalt  }
0x4d: {  	_ =	shalt  }
0x4e: {  	_ =	shalt  }
0x4f: {  	_ =	shalt  }
0x50: {  	_ =	shalt  }
0x51: {  	_ =	shalt  }
0x52: {  	_ =	shalt  }
0x53: {  	_ =	shalt  }
0x54: {  	_ =	shalt  }
0x55: {  	_ =	shalt  }
0x56: {  	_ =	shalt  }
0x57: {  	_ =	shalt  }
0x58: {  	_ =	shalt  }
0x59: {  	_ =	shalt  }
0x5a: {  	_ =	shalt  }
0x5b: {  	_ =	shalt  }
0x5c: {  	_ =	shalt  }
0x5d: {  	_ =	shalt  }
0x5e: {  	_ =	shalt  }
0x5f: {  	_ =	shalt  }
0x60: {  	_ =	shalt  }
0x61: {  	_ =	shalt  }
0x62: {  	_ =	shalt  }
0x63: {  	_ =	shalt  }
0x64: {  	_ =	shalt  }
0x65: {  	_ =	shalt  }
0x66: {  	_ =	shalt  }
0x67: {  	_ =	shalt  }
0x68: {  	_ =	shalt  }
0x69: {  	_ =	shalt  }
0x6a: {  	_ =	shalt  }
0x6b: {  	_ =	shalt  }
0x6c: {  	_ =	shalt  }
0x6d: {  	_ =	shalt  }
0x6e: {  	_ =	shalt  }
0x6f: {  	_ =	shalt  }
0x70: {  	_ =	shalt  }
0x71: {  	_ =	shalt  }
0x72: {  	_ =	shalt  }
0x73: {  	_ =	shalt  }
0x74: {  	_ =	shalt  }
0x75: {  	_ =	shalt  }
0x76: {  	_ =	shalt  }
0x77: {  	_ =	shalt  }
0x78: {  	_ =	shalt  }
0x79: {  	_ =	shalt  }
0x7a: {  	_ =	shalt  }
0x7b: {  	_ =	shalt  }
0x7c: {  	_ =	shalt  }
0x7d: {  	_ =	shalt  }
0x7e: {  	_ =	shalt  }
0x7f: {  	_ =	shalt  }
0x80: {  	_ =	shalt  }
0x81: {  	_ =	shalt  }
0x82: {  	_ =	shalt  }
0x83: {  	_ =	shalt  }
0x84: {  	_ =	shalt  }
0x85: {  	_ =	shalt  }
0x86: {  	_ =	shalt  }
0x87: {  	_ =	shalt  }
.Lfunc_end0:
.L_simem_size_0:
called_computation.1_lowered:
.L_overlay_start_0:
0x88: {  	s2 =	sld [smem:$0x3FD9]  }
0x89: {  	s3 =	sld [smem:$0x3FFE];
	_ =	sdelay $0x1  }
0x8a: {  	s1 =	srdreg.scid  }
0x8b: {  	s0 =	sand.u32 $0x1, s1  }
0x8c: {  	s16 =	sshll.u32 s0, $0xA;
	s2 =	sadd.s32 s3, s2  }
0x8d: {  	s2 =	sadd.s32 s2, s16  }
0x8e: {  	[smem:$0x3FB6] =	sst s2  }
0x8f: {  	_ = 	snop  }
0x90: {  	(tm) =	ssettm $0x1  }
0x91: {  	s17 =	sld [smem:$0x3FFB];
	_ =	sdelay $0x3  }
0x92: {  	_ =	strace s17  }
0x93: {  	s2 =	sld [smem:$0x3FFC];
	_ =	sdelay $0x3  }
0x94: {  	_ =	strace s2  }
0x95: {  	s2 =	sld [smem:$0x3FFD];
	_ =	sdelay $0x3  }
0x96: {  	_ =	strace s2  }
0x97: {  	_ =	strace $0x8FFFFFFF  }
0x98: {  	s18 =	sld [smem:$0x3FDB];
	_ =	sdelay $0x1  }
0x99: {  	s19 =	simm.s32 $_scs_section_size  }
0x9a: {  	s4 =	simm.s32 $_size__tile_overlayer_lowered;
	s5 =	simm.s32 $_tile_overlayer_lowered  }
0x9b: {  	s22 =	simm.s32 $0x1BFF;
	s21 =	sshll.u32 s5, $0x1;
	s2 =	sadd.s32 s19, s18  }
0x9c: {  	s6 =	simm.s32 $0x0;
	s20 =	sshll.u32 s4, $0x1;
	s4 =	sadd.s32 s21, s2  }
0x9d: {  	[timem:s6], [sflag:s22] =	dma.local [hbm:s4], s20  }
0x9e: {  	_ =	swait.ge [sflag:s22], s20  }
0x9f: {  	s3 =	ssub.s32 $0x0, s20;
	[sflag:s22] =	ssyncset.done $0x0  }
0xa0: {  	[sflag:s22] =	ssyncadd.s32 s3;
	_ =	sdelay $0x1  }
0xa1: {  	s23 =	simm.s32 $0x1B8B  }
0xa2: {  	_ =	swait.ge [sflag:s23], $0x1  }
0xa3: {  	[sflag:s23] =	ssyncset.done $0x0  }
0xa4: {  	s25 =	simm.s32 $0x1B8E;
	s24 =	sld [smem:$0x3FFE];
	[sflag:s23] =	ssyncadd.s32 $0xFFFFFFFF  }
0xa5: {  	s26 =	simm.s32 $execute0_lowered;
	[smem:$0x3FD2] =	sst s25  }
0xa6: {  	s4 =	sshll.u32 s26, $0x1;
	_ =	strace $0x80000049;
	[dreg:$0x1] =	wrdreg $0xFFFFFFFF  }
0xa7: {  	s28 =	simm.s32 $_size_execute0_lowered;
	s2 =	sadd.s32 s2, s4;
	[dreg:$0x0] =	wrdreg $0x0  }
0xa8: {  	s4 =	sshll.u32 s28, $0x1;
	[dreg:$0x2] =	wrdreg s2  }
0xa9: {  	[dreg:$0x3] =	wrdreg s4  }
0xaa: {  	[dreg:$0x4] =	wrdreg $0xC0  }
0xab: {  	_ =	task [dreg:s6], $0x5FFFF  }
0xac: {  	[dreg:$0x1] =	wrdreg $0xFFFFFFFF  }
0xad: {  	[dreg:$0x0] =	wrdreg $0x60  }
0xae: {  	[dreg:$0x2] =	wrdreg s24  }
0xaf: {  	[dreg:$0x3] =	wrdreg $0x9  }
0xb0: {  	_ =	task.clear_ibuf [dreg:s6], $0x4FFFF;
	_ =	strace $0x90000049  }
0xb1: {  	s29 =	simm.s32 $0x9;
	_ =	strace $0x8000004B  }
0xb2: {  	_ =	swait.ge [sflag:s29], $0x1  }
0xb3: {  	[sflag:s29] =	ssyncadd.s32 $0xFFFFFFFF  }
0xb4: {  	_ =	strace $0x9000004B  }
0xb5: {  	_ =	sfence  }
0xb6: {  	s30 =	sld [smem:$0x0];
	_ =	sdelay $0x2  }
0xb7: {  	s31 =	sshll.u32 s1, $0xD;
	s1 =	sshrl.u32 s1, $0x2  }
0xb8: {  	s3 =	sand.u32 $0x4000, s31;
	s1 =	sadd.s32 s1, s30  }
0xb9: {  	s0 =	sor.u32 s3, s0;
	s1 =	sshll.u32 s1, $0x11  }
0xba: {  	s0 =	sor.u32 s1, s0  }
0xbb: {  	s0 =	sadd.s32 $0x8F2B, s0  }
0xbc: {  	[sflag:s0] =	ssyncadd.remote.s32 $0x1  }
0xbd: {  	_ =	sfence.sel $0xFFFF  }
0xbe: {  	[dreg:$0x0] =	wrdreg $0xFFFFFFFF;
	(pc) =	sbr.abs _section_cstart, $3  }
0xbf: {  	[dreg:$0x1] =	wrdreg $0xFFFFFFFF  }
0xc0: {  	_ =	task.clear_ibuf [dreg:s6], $0x2FFFF;
	_ =	strace $0x9FFFFFFF  }
0xc1: {  	(tm) =	ssettm $0x7FFFFFFF  }
tec
execute0_lowered:
.L_overlay_start_1:
0x0: {  	(tag) =	ssettag $0x1  }
0x1: {  	s1 =	srdreg.scid  }
0x2: {  	s0 =	stileid.u32;
	s6 =	rddreg [dreg:$0x0];
	s2 =	simm.s32 $0x0  }
0x3: {  	s10 =	simm.s32 $0x140;
	s11 =	simm.s32 $0x3D40;
	s12 =	simm.s32 $0x8D40  }
0x4: {  	s13 =	simm.s32 $0x1;
	s7 =	sand.u32 $0x1, s1;
	s3 =	sshll.u32 s0, $0x1  }
0x5: {  	s14 =	simm.s32 $0xDD40;
	s15 =	simm.s32 $0x2;
	s5 =	sor.u32 s7, s3  }
0x6: {  	s16 =	simm.s32 $0x0;
	s1 =	rddreg [dreg:$0x1];
	s3 =	smul.u32 $0x31000, s5  }
0x7: {  	[smem:$0x7FF] =	sst s2;
	s4 =	sadd.s32 $0x3800, s6;
	s8 =	smul.u32 $0x7A8, s5  }
0x8: {  	_ =	strace $0x8000004A;
	s7 =	ssub.s32 $0x2, s7;
	s5 =	sadd.s32 $0xD6600, s6  }
0x9: {  	s31 =	sshrl.u32 s7, $0x1;
	s9 =	sshrl.u32 s3, $0x4;
	s6 =	sadd.s32 s8, s6  }
0xa: {  	s8 =	ssub.s32 s7, s31;
	s9 =	sadd.s32 s5, s9;
	s6 =	sadd.s32 $0x65400, s6  }
0xb: {  	s8 =	smax.u32 s8, $0x1;
	s7 =	sadd.s32 $0x3000, s9;
	s9 =	simm.s32 $0x3  }
.LBB2_1:
0xc: {  	[tilespmem:s2], [sflag:$0x3] =	stream.linear.gather [hbm4b:s6+s2], $0x3D40, $0x38;
	[tilespmem:$0xE540] =	vst v63  }
0xd: {  	_ =	swait.ge [sflag:s9], $0x3D40  }
0xe: {  	[sflag:s9] =	ssyncset.done $0x0  }
0xf: {  	s17 =	simm.s32 $0x0;
	[sflag:s9] =	ssyncadd.s32 $0xFFFFC2C0  }
0x10: {  	[tilespmem:s11], [sflag:$0x1] =	stream.indirect.gather [hbm4b:s4+s10], $0x40, s2, s10, $0xb8;
	[tilespmem:$0xE540] =	vst v63  }
.LBB2_2:
0x11: {  	s18 =	sshllo.u32 s17, $0x1  }
0x12: {  	s19 =	smul.u32 $0x500, s18;
	_ =	sdelay $0x1  }
0x13: {  	s19 =	sshra.s32 s19, $0x2  }
0x14: {  	[tilespmem:s12], [sflag:$0x2] =	stream.indirect.gather [hbm4b:s4+s10], $0x40, s19, s10, $0xb8;
	[tilespmem:$0xE540] =	vst v63  }
0x15: {  	_ =	swait.ge [sflag:s13], $0x5000  }
0x16: {  	[sflag:s13] =	ssyncset.done $0x0  }
0x17: {  	s19 =	simm.s32 $0x3E80;
	[sflag:s13] =	ssyncadd.s32 $0xFFFFB000  }
0x18: {  	v0 =	vld [tilespmem:s19+$0xFFFFFF00]  }
0x19: {  	v1 =	vld [tilespmem:s19+$0xFFFFFEC0]  }
0x1a: {  	v2 =	vld [tilespmem:s19+$0xFFFFFF40]  }
0x1b: {  	v3 =	vld [tilespmem:s19+$0xFFFFFF80]  }
0x1c: {  	v4 =	vld [tilespmem:s19+$0xFFFFFFC0]  }
0x1d: {  	v5 =	vld [tilespmem:s19+$0x0]  }
0x1e: {  	v0 =	vmax.bf16 v1, v0;
	v1 =	vld [tilespmem:s19+$0x40]  }
0x1f: {  	v0 =	vmax.bf16 v0, v2;
	v2 =	vld [tilespmem:s19+$0x80]  }
0x20: {  	v0 =	vmax.bf16 v0, v3;
	v3 =	vld [tilespmem:s19+$0xC0]  }
0x21: {  	v0 =	vmax.bf16 v0, v4;
	v4 =	vld [tilespmem:s19+$0x100]  }
0x22: {  	v0 =	vmax.bf16 v0, v5  }
0x23: {  	v0 =	vmax.bf16 v0, v1  }
0x24: {  	v0 =	vmax.bf16 v0, v2  }
0x25: {  	v0 =	vmax.bf16 v0, v3  }
0x26: {  	s20 =	simm.s32 $0x0;
	v0 =	vmax.bf16 v0, v4  }
0x27: {  	[tilespmem:s20+$0xDD40] =	vst v0  }
0x28: {  	v0 =	vld [tilespmem:s19+$0xFFFFFED0]  }
0x29: {  	v1 =	vld [tilespmem:s19+$0xFFFFFF10]  }
0x2a: {  	v2 =	vld [tilespmem:s19+$0xFFFFFF50]  }
0x2b: {  	v3 =	vld [tilespmem:s19+$0xFFFFFF90]  }
0x2c: {  	v4 =	vld [tilespmem:s19+$0xFFFFFFD0]  }
0x2d: {  	v5 =	vld [tilespmem:s19+$0x10]  }
0x2e: {  	v0 =	vmax.bf16 v0, v1;
	v1 =	vld [tilespmem:s19+$0x50]  }
0x2f: {  	v0 =	vmax.bf16 v0, v2;
	v2 =	vld [tilespmem:s19+$0x90]  }
0x30: {  	v0 =	vmax.bf16 v0, v3;
	v3 =	vld [tilespmem:s19+$0xD0]  }
0x31: {  	v0 =	vmax.bf16 v0, v4;
	v4 =	vld [tilespmem:s19+$0x110]  }
0x32: {  	v0 =	vmax.bf16 v0, v5  }
0x33: {  	v0 =	vmax.bf16 v0, v1  }
0x34: {  	v0 =	vmax.bf16 v0, v2  }
0x35: {  	v0 =	vmax.bf16 v0, v3  }
0x36: {  	v0 =	vmax.bf16 v0, v4  }
0x37: {  	[tilespmem:s20+$0xDD50] =	vst v0  }
0x38: {  	v0 =	vld [tilespmem:s19+$0xFFFFFEE0]  }
0x39: {  	v1 =	vld [tilespmem:s19+$0xFFFFFF20]  }
0x3a: {  	v2 =	vld [tilespmem:s19+$0xFFFFFF60]  }
0x3b: {  	v3 =	vld [tilespmem:s19+$0xFFFFFFA0]  }
0x3c: {  	v4 =	vld [tilespmem:s19+$0xFFFFFFE0]  }
0x3d: {  	v5 =	vld [tilespmem:s19+$0x20]  }
0x3e: {  	v0 =	vmax.bf16 v0, v1;
	v1 =	vld [tilespmem:s19+$0x60]  }
0x3f: {  	v0 =	vmax.bf16 v0, v2;
	v2 =	vld [tilespmem:s19+$0xA0]  }
0x40: {  	v0 =	vmax.bf16 v0, v3;
	v3 =	vld [tilespmem:s19+$0xE0]  }
0x41: {  	v0 =	vmax.bf16 v0, v4;
	v4 =	vld [tilespmem:s19+$0x120]  }
0x42: {  	v0 =	vmax.bf16 v0, v5  }
0x43: {  	v0 =	vmax.bf16 v0, v1  }
0x44: {  	v0 =	vmax.bf16 v0, v2  }
0x45: {  	v0 =	vmax.bf16 v0, v3  }
0x46: {  	v0 =	vmax.bf16 v0, v4  }
0x47: {  	[tilespmem:s20+$0xDD60] =	vst v0  }
0x48: {  	v0 =	vld [tilespmem:s19+$0xFFFFFEF0]  }
0x49: {  	v1 =	vld [tilespmem:s19+$0xFFFFFF30]  }
0x4a: {  	v2 =	vld [tilespmem:s19+$0xFFFFFF70]  }
0x4b: {  	v3 =	vld [tilespmem:s19+$0xFFFFFFB0]  }
0x4c: {  	v4 =	vld [tilespmem:s19+$0xFFFFFFF0]  }
0x4d: {  	v5 =	vld [tilespmem:s19+$0x30]  }
0x4e: {  	v1 =	vmax.bf16 v0, v1  }
0x4f: {  	v0 =	vld [tilespmem:s19+$0x70];
	v2 =	vmax.bf16 v1, v2  }
0x50: {  	v1 =	vld [tilespmem:s19+$0xB0];
	v3 =	vmax.bf16 v2, v3  }
0x51: {  	v2 =	vld [tilespmem:s19+$0xF0];
	v4 =	vmax.bf16 v3, v4  }
0x52: {  	s21 =	simm.s32 $0x100;
	v3 =	vld [tilespmem:s19+$0x130];
	v4 =	vmax.bf16 v4, v5  }
.LBB2_3:
0x53: {  	p0 =	sne.s32 s21, $0x1F00  }
0x54: {  	s19 =	sadd.s32 $0x280, s19;
	s22 =	smov.u32 s21;
	s21 =	sadd.s32 $0x100, s21  }
0x55: {  	v0 =	vmax.bf16 v4, v0  }
0x56: {  	v0 =	vmax.bf16 v0, v1  }
0x57: {  	v0 =	vmax.bf16 v0, v2  }
0x58: {  	v0 =	vmax.bf16 v0, v3  }
0x59: {  	[tilespmem:s20+$0xDD70] =	vst v0  }
0x5a: {  	v0 =	vld [tilespmem:s19+$0xFFFFFF00]  }
0x5b: {  	v1 =	vld [tilespmem:s19+$0xFFFFFEC0]  }
0x5c: {  	v2 =	vld [tilespmem:s19+$0xFFFFFF40]  }
0x5d: {  	v3 =	vld [tilespmem:s19+$0xFFFFFF80]  }
0x5e: {  	v4 =	vld [tilespmem:s19+$0xFFFFFFC0]  }
0x5f: {  	v5 =	vld [tilespmem:s19+$0x0]  }
0x60: {  	v0 =	vmax.bf16 v1, v0;
	v1 =	vld [tilespmem:s19+$0x40]  }
0x61: {  	v0 =	vmax.bf16 v0, v2;
	v2 =	vld [tilespmem:s19+$0x80]  }
0x62: {  	v0 =	vmax.bf16 v0, v3;
	v3 =	vld [tilespmem:s19+$0xC0]  }
0x63: {  	v0 =	vmax.bf16 v0, v4;
	v4 =	vld [tilespmem:s19+$0x100]  }
0x64: {  	v0 =	vmax.bf16 v0, v5  }
0x65: {  	v0 =	vmax.bf16 v0, v1  }
0x66: {  	v0 =	vmax.bf16 v0, v2  }
0x67: {  	v0 =	vmax.bf16 v0, v3  }
0x68: {  	s20 =	sshra.s32 s22, $0x2;
	v0 =	vmax.bf16 v0, v4  }
0x69: {  	[tilespmem:s20+$0xDD40] =	vst v0  }
0x6a: {  	v0 =	vld [tilespmem:s19+$0xFFFFFED0]  }
0x6b: {  	v1 =	vld [tilespmem:s19+$0xFFFFFF10]  }
0x6c: {  	v2 =	vld [tilespmem:s19+$0xFFFFFF50]  }
0x6d: {  	v3 =	vld [tilespmem:s19+$0xFFFFFF90]  }
0x6e: {  	v4 =	vld [tilespmem:s19+$0xFFFFFFD0]  }
0x6f: {  	v5 =	vld [tilespmem:s19+$0x10]  }
0x70: {  	v0 =	vmax.bf16 v0, v1;
	v1 =	vld [tilespmem:s19+$0x50]  }
0x71: {  	v0 =	vmax.bf16 v0, v2;
	v2 =	vld [tilespmem:s19+$0x90]  }
0x72: {  	v0 =	vmax.bf16 v0, v3;
	v3 =	vld [tilespmem:s19+$0xD0]  }
0x73: {  	v0 =	vmax.bf16 v0, v4;
	v4 =	vld [tilespmem:s19+$0x110]  }
0x74: {  	v0 =	vmax.bf16 v0, v5  }
0x75: {  	v0 =	vmax.bf16 v0, v1  }
0x76: {  	v0 =	vmax.bf16 v0, v2  }
0x77: {  	v0 =	vmax.bf16 v0, v3  }
0x78: {  	v0 =	vmax.bf16 v0, v4  }
0x79: {  	[tilespmem:s20+$0xDD50] =	vst v0  }
0x7a: {  	v0 =	vld [tilespmem:s19+$0xFFFFFEE0]  }
0x7b: {  	v1 =	vld [tilespmem:s19+$0xFFFFFF20]  }
0x7c: {  	v2 =	vld [tilespmem:s19+$0xFFFFFF60]  }
0x7d: {  	v3 =	vld [tilespmem:s19+$0xFFFFFFA0]  }
0x7e: {  	v4 =	vld [tilespmem:s19+$0xFFFFFFE0]  }
0x7f: {  	v5 =	vld [tilespmem:s19+$0x20]  }
0x80: {  	v0 =	vmax.bf16 v0, v1;
	v1 =	vld [tilespmem:s19+$0x60]  }
0x81: {  	v0 =	vmax.bf16 v0, v2;
	v2 =	vld [tilespmem:s19+$0xA0]  }
0x82: {  	v0 =	vmax.bf16 v0, v3;
	v3 =	vld [tilespmem:s19+$0xE0]  }
0x83: {  	v0 =	vmax.bf16 v0, v4;
	v4 =	vld [tilespmem:s19+$0x120]  }
0x84: {  	v0 =	vmax.bf16 v0, v5  }
0x85: {  	v0 =	vmax.bf16 v0, v1  }
0x86: {  	v0 =	vmax.bf16 v0, v2  }
0x87: {  	v0 =	vmax.bf16 v0, v3  }
0x88: {  	v0 =	vmax.bf16 v0, v4  }
0x89: {  	[tilespmem:s20+$0xDD60] =	vst v0  }
0x8a: {  	v0 =	vld [tilespmem:s19+$0xFFFFFEF0]  }
0x8b: {  	v1 =	vld [tilespmem:s19+$0xFFFFFF30]  }
0x8c: {  	v2 =	vld [tilespmem:s19+$0xFFFFFF70]  }
0x8d: {  	v3 =	vld [tilespmem:s19+$0xFFFFFFB0]  }
0x8e: {  	v4 =	vld [tilespmem:s19+$0xFFFFFFF0]  }
0x8f: {  	v5 =	vld [tilespmem:s19+$0x30]  }
.Ltmp0:
0x90: {  	v1 =	vmax.bf16 v0, v1;
	v0 =	vld [tilespmem:s19+$0x70];
	(pc) =	sbr.rel @p0 .LBB2_3-.Ltmp0, $4  }
0x91: {  	v2 =	vmax.bf16 v1, v2;
	v1 =	vld [tilespmem:s19+$0xB0]  }
0x92: {  	v3 =	vmax.bf16 v2, v3;
	v2 =	vld [tilespmem:s19+$0xF0]  }
0x93: {  	v4 =	vmax.bf16 v3, v4;
	v3 =	vld [tilespmem:s19+$0x130]  }
0x94: {  	v4 =	vmax.bf16 v4, v5  }
0x95: {  	v0 =	vmax.bf16 v4, v0  }
0x96: {  	s19 =	sshll.u32 s17, $0xD;
	v0 =	vmax.bf16 v0, v1  }
0x97: {  	s19 =	sadd.s32 s3, s19;
	v0 =	vmax.bf16 v0, v2  }
0x98: {  	s19 =	sshrl.u32 s19, $0x4;
	v0 =	vmax.bf16 v0, v3  }
0x99: {  	s30 =	simm.s32 $0x0;
	s31 =	smul.u32 $0xA00, s17;
	s19 =	sadd.s32 s5, s19;
	[tilespmem:s20+$0xDD70] =	vst v0  }
0x9a: {  	[hbm4b:s19+s30] =	stream.linear.scatter [tilespmem:s14], [sflag:$0x3], $0x800, $0x38;
	[tilespmem:$0xE540] =	vst v63  }
0x9b: {  	_ =	swait.ge [sflag:s9], $0x800  }
0x9c: {  	s19 =	sshra.s32 s31, $0x2;
	[sflag:s9] =	ssyncset.done $0x0  }
0x9d: {  	s19 =	sadd.s32 $0x280, s19;
	[sflag:s9] =	ssyncadd.s32 $0xFFFFF800  }
0x9e: {  	[tilespmem:s11], [sflag:$0x1] =	stream.indirect.gather [hbm4b:s4+s10], $0x40, s19, s10, $0xb8;
	[tilespmem:$0xE540] =	vst v63  }
0x9f: {  	_ =	swait.ge [sflag:s15], $0x5000  }
0xa0: {  	[sflag:s15] =	ssyncset.done $0x0  }
0xa1: {  	s19 =	simm.s32 $0x8E80;
	[sflag:s15] =	ssyncadd.s32 $0xFFFFB000  }
0xa2: {  	v0 =	vld [tilespmem:s19+$0xFFFFFF00]  }
0xa3: {  	v1 =	vld [tilespmem:s19+$0xFFFFFEC0]  }
0xa4: {  	v2 =	vld [tilespmem:s19+$0xFFFFFF40]  }
0xa5: {  	v3 =	vld [tilespmem:s19+$0xFFFFFF80]  }
0xa6: {  	v4 =	vld [tilespmem:s19+$0xFFFFFFC0]  }
0xa7: {  	v5 =	vld [tilespmem:s19+$0x0]  }
0xa8: {  	v0 =	vmax.bf16 v1, v0;
	v1 =	vld [tilespmem:s19+$0x40]  }
0xa9: {  	v0 =	vmax.bf16 v0, v2;
	v2 =	vld [tilespmem:s19+$0x80]  }
0xaa: {  	v0 =	vmax.bf16 v0, v3;
	v3 =	vld [tilespmem:s19+$0xC0]  }
0xab: {  	v0 =	vmax.bf16 v0, v4;
	v4 =	vld [tilespmem:s19+$0x100]  }
0xac: {  	v0 =	vmax.bf16 v0, v5  }
0xad: {  	v0 =	vmax.bf16 v0, v1  }
0xae: {  	v0 =	vmax.bf16 v0, v2  }
0xaf: {  	v0 =	vmax.bf16 v0, v3  }
0xb0: {  	s20 =	simm.s32 $0x0;
	v0 =	vmax.bf16 v0, v4  }
0xb1: {  	[tilespmem:s20+$0xDD40] =	vst v0  }
0xb2: {  	v0 =	vld [tilespmem:s19+$0xFFFFFED0]  }
0xb3: {  	v1 =	vld [tilespmem:s19+$0xFFFFFF10]  }
0xb4: {  	v2 =	vld [tilespmem:s19+$0xFFFFFF50]  }
0xb5: {  	v3 =	vld [tilespmem:s19+$0xFFFFFF90]  }
0xb6: {  	v4 =	vld [tilespmem:s19+$0xFFFFFFD0]  }
0xb7: {  	v5 =	vld [tilespmem:s19+$0x10]  }
0xb8: {  	v0 =	vmax.bf16 v0, v1;
	v1 =	vld [tilespmem:s19+$0x50]  }
0xb9: {  	v0 =	vmax.bf16 v0, v2;
	v2 =	vld [tilespmem:s19+$0x90]  }
0xba: {  	v0 =	vmax.bf16 v0, v3;
	v3 =	vld [tilespmem:s19+$0xD0]  }
0xbb: {  	v0 =	vmax.bf16 v0, v4;
	v4 =	vld [tilespmem:s19+$0x110]  }
0xbc: {  	v0 =	vmax.bf16 v0, v5  }
0xbd: {  	v0 =	vmax.bf16 v0, v1  }
0xbe: {  	v0 =	vmax.bf16 v0, v2  }
0xbf: {  	v0 =	vmax.bf16 v0, v3  }
0xc0: {  	v0 =	vmax.bf16 v0, v4  }
0xc1: {  	[tilespmem:s20+$0xDD50] =	vst v0  }
0xc2: {  	v0 =	vld [tilespmem:s19+$0xFFFFFEE0]  }
0xc3: {  	v1 =	vld [tilespmem:s19+$0xFFFFFF20]  }
0xc4: {  	v2 =	vld [tilespmem:s19+$0xFFFFFF60]  }
0xc5: {  	v3 =	vld [tilespmem:s19+$0xFFFFFFA0]  }
0xc6: {  	v4 =	vld [tilespmem:s19+$0xFFFFFFE0]  }
0xc7: {  	v5 =	vld [tilespmem:s19+$0x20]  }
0xc8: {  	v0 =	vmax.bf16 v0, v1;
	v1 =	vld [tilespmem:s19+$0x60]  }
0xc9: {  	v0 =	vmax.bf16 v0, v2;
	v2 =	vld [tilespmem:s19+$0xA0]  }
0xca: {  	v0 =	vmax.bf16 v0, v3;
	v3 =	vld [tilespmem:s19+$0xE0]  }
0xcb: {  	v0 =	vmax.bf16 v0, v4;
	v4 =	vld [tilespmem:s19+$0x120]  }
0xcc: {  	v0 =	vmax.bf16 v0, v5  }
0xcd: {  	v0 =	vmax.bf16 v0, v1  }
0xce: {  	v0 =	vmax.bf16 v0, v2  }
0xcf: {  	v0 =	vmax.bf16 v0, v3  }
0xd0: {  	v0 =	vmax.bf16 v0, v4  }
0xd1: {  	[tilespmem:s20+$0xDD60] =	vst v0  }
0xd2: {  	v0 =	vld [tilespmem:s19+$0xFFFFFEF0]  }
0xd3: {  	v1 =	vld [tilespmem:s19+$0xFFFFFF30]  }
0xd4: {  	v2 =	vld [tilespmem:s19+$0xFFFFFF70]  }
0xd5: {  	v3 =	vld [tilespmem:s19+$0xFFFFFFB0]  }
0xd6: {  	v4 =	vld [tilespmem:s19+$0xFFFFFFF0]  }
0xd7: {  	v5 =	vld [tilespmem:s19+$0x30]  }
0xd8: {  	v1 =	vmax.bf16 v0, v1  }
0xd9: {  	v0 =	vld [tilespmem:s19+$0x70];
	v2 =	vmax.bf16 v1, v2  }
0xda: {  	v1 =	vld [tilespmem:s19+$0xB0];
	v3 =	vmax.bf16 v2, v3  }
0xdb: {  	v2 =	vld [tilespmem:s19+$0xF0];
	v4 =	vmax.bf16 v3, v4  }
0xdc: {  	s21 =	simm.s32 $0x100;
	v3 =	vld [tilespmem:s19+$0x130];
	v4 =	vmax.bf16 v4, v5  }
.LBB2_5:
0xdd: {  	p0 =	sne.s32 s21, $0x1F00  }
0xde: {  	s19 =	sadd.s32 $0x280, s19;
	s22 =	smov.u32 s21;
	s21 =	sadd.s32 $0x100, s21  }
0xdf: {  	v0 =	vmax.bf16 v4, v0  }
0xe0: {  	v0 =	vmax.bf16 v0, v1  }
0xe1: {  	v0 =	vmax.bf16 v0, v2  }
0xe2: {  	v0 =	vmax.bf16 v0, v3  }
0xe3: {  	[tilespmem:s20+$0xDD70] =	vst v0  }
0xe4: {  	v0 =	vld [tilespmem:s19+$0xFFFFFF00]  }
0xe5: {  	v1 =	vld [tilespmem:s19+$0xFFFFFEC0]  }
0xe6: {  	v2 =	vld [tilespmem:s19+$0xFFFFFF40]  }
0xe7: {  	v3 =	vld [tilespmem:s19+$0xFFFFFF80]  }
0xe8: {  	v4 =	vld [tilespmem:s19+$0xFFFFFFC0]  }
0xe9: {  	v5 =	vld [tilespmem:s19+$0x0]  }
0xea: {  	v0 =	vmax.bf16 v1, v0;
	v1 =	vld [tilespmem:s19+$0x40]  }
0xeb: {  	v0 =	vmax.bf16 v0, v2;
	v2 =	vld [tilespmem:s19+$0x80]  }
0xec: {  	v0 =	vmax.bf16 v0, v3;
	v3 =	vld [tilespmem:s19+$0xC0]  }
0xed: {  	v0 =	vmax.bf16 v0, v4;
	v4 =	vld [tilespmem:s19+$0x100]  }
0xee: {  	v0 =	vmax.bf16 v0, v5  }
0xef: {  	v0 =	vmax.bf16 v0, v1  }
0xf0: {  	v0 =	vmax.bf16 v0, v2  }
0xf1: {  	v0 =	vmax.bf16 v0, v3  }
0xf2: {  	s20 =	sshra.s32 s22, $0x2;
	v0 =	vmax.bf16 v0, v4  }
0xf3: {  	[tilespmem:s20+$0xDD40] =	vst v0  }
0xf4: {  	v0 =	vld [tilespmem:s19+$0xFFFFFED0]  }
0xf5: {  	v1 =	vld [tilespmem:s19+$0xFFFFFF10]  }
0xf6: {  	v2 =	vld [tilespmem:s19+$0xFFFFFF50]  }
0xf7: {  	v3 =	vld [tilespmem:s19+$0xFFFFFF90]  }
0xf8: {  	v4 =	vld [tilespmem:s19+$0xFFFFFFD0]  }
0xf9: {  	v5 =	vld [tilespmem:s19+$0x10]  }
0xfa: {  	v0 =	vmax.bf16 v0, v1;
	v1 =	vld [tilespmem:s19+$0x50]  }
0xfb: {  	v0 =	vmax.bf16 v0, v2;
	v2 =	vld [tilespmem:s19+$0x90]  }
0xfc: {  	v0 =	vmax.bf16 v0, v3;
	v3 =	vld [tilespmem:s19+$0xD0]  }
0xfd: {  	v0 =	vmax.bf16 v0, v4;
	v4 =	vld [tilespmem:s19+$0x110]  }
0xfe: {  	v0 =	vmax.bf16 v0, v5  }
0xff: {  	v0 =	vmax.bf16 v0, v1  }
0x100: {  	v0 =	vmax.bf16 v0, v2  }
0x101: {  	v0 =	vmax.bf16 v0, v3  }
0x102: {  	v0 =	vmax.bf16 v0, v4  }
0x103: {  	[tilespmem:s20+$0xDD50] =	vst v0  }
0x104: {  	v0 =	vld [tilespmem:s19+$0xFFFFFEE0]  }
0x105: {  	v1 =	vld [tilespmem:s19+$0xFFFFFF20]  }
0x106: {  	v2 =	vld [tilespmem:s19+$0xFFFFFF60]  }
0x107: {  	v3 =	vld [tilespmem:s19+$0xFFFFFFA0]  }
0x108: {  	v4 =	vld [tilespmem:s19+$0xFFFFFFE0]  }
0x109: {  	v5 =	vld [tilespmem:s19+$0x20]  }
0x10a: {  	v0 =	vmax.bf16 v0, v1;
	v1 =	vld [tilespmem:s19+$0x60]  }
0x10b: {  	v0 =	vmax.bf16 v0, v2;
	v2 =	vld [tilespmem:s19+$0xA0]  }
0x10c: {  	v0 =	vmax.bf16 v0, v3;
	v3 =	vld [tilespmem:s19+$0xE0]  }
0x10d: {  	v0 =	vmax.bf16 v0, v4;
	v4 =	vld [tilespmem:s19+$0x120]  }
0x10e: {  	v0 =	vmax.bf16 v0, v5  }
0x10f: {  	v0 =	vmax.bf16 v0, v1  }
0x110: {  	v0 =	vmax.bf16 v0, v2  }
0x111: {  	v0 =	vmax.bf16 v0, v3  }
0x112: {  	v0 =	vmax.bf16 v0, v4  }
0x113: {  	[tilespmem:s20+$0xDD60] =	vst v0  }
0x114: {  	v0 =	vld [tilespmem:s19+$0xFFFFFEF0]  }
0x115: {  	v1 =	vld [tilespmem:s19+$0xFFFFFF30]  }
0x116: {  	v2 =	vld [tilespmem:s19+$0xFFFFFF70]  }
0x117: {  	v3 =	vld [tilespmem:s19+$0xFFFFFFB0]  }
0x118: {  	v4 =	vld [tilespmem:s19+$0xFFFFFFF0]  }
0x119: {  	v5 =	vld [tilespmem:s19+$0x30]  }
.Ltmp1:
0x11a: {  	v1 =	vmax.bf16 v0, v1;
	v0 =	vld [tilespmem:s19+$0x70];
	(pc) =	sbr.rel @p0 .LBB2_5-.Ltmp1, $4  }
0x11b: {  	v2 =	vmax.bf16 v1, v2;
	v1 =	vld [tilespmem:s19+$0xB0]  }
0x11c: {  	v3 =	vmax.bf16 v2, v3;
	v2 =	vld [tilespmem:s19+$0xF0]  }
0x11d: {  	v4 =	vmax.bf16 v3, v4;
	v3 =	vld [tilespmem:s19+$0x130]  }
0x11e: {  	v4 =	vmax.bf16 v4, v5  }
0x11f: {  	v0 =	vmax.bf16 v4, v0  }
0x120: {  	s18 =	sshll.u32 s18, $0xC;
	v0 =	vmax.bf16 v0, v1  }
0x121: {  	s17 =	sadd.s32 $0x1, s17;
	s18 =	sadd.s32 s3, s18;
	v0 =	vmax.bf16 v0, v2  }
0x122: {  	p0 =	sne.s32 s17, $0x18;
	s18 =	sshrl.u32 s18, $0x4;
	v0 =	vmax.bf16 v0, v3  }
.Ltmp2:
0x123: {  	s18 =	sadd.s32 s5, s18;
	[tilespmem:s20+$0xDD70] =	vst v0;
	(pc) =	sbr.rel @p0 .LBB2_2-.Ltmp2, $4  }
0x124: {  	[hbm4b:s18+s2] =	stream.linear.scatter [tilespmem:s14], [sflag:$0x3], $0x800, $0x38;
	[tilespmem:$0xE540] =	vst v63  }
0x125: {  	_ =	swait.ge [sflag:s9], $0x800  }
0x126: {  	[sflag:s9] =	ssyncset.done $0x0  }
0x127: {  	[sflag:s9] =	ssyncadd.s32 $0xFFFFF800  }
0x128: {  	_ =	swait.ge [sflag:s13], $0x5000  }
0x129: {  	[sflag:s13] =	ssyncset.done $0x0  }
0x12a: {  	s17 =	simm.s32 $0x3E80;
	[sflag:s13] =	ssyncadd.s32 $0xFFFFB000  }
0x12b: {  	v0 =	vld [tilespmem:s17+$0xFFFFFF00]  }
0x12c: {  	v1 =	vld [tilespmem:s17+$0xFFFFFEC0]  }
0x12d: {  	v2 =	vld [tilespmem:s17+$0xFFFFFF40]  }
0x12e: {  	v3 =	vld [tilespmem:s17+$0xFFFFFF80]  }
0x12f: {  	v4 =	vld [tilespmem:s17+$0xFFFFFFC0]  }
0x130: {  	v5 =	vld [tilespmem:s17+$0x0]  }
0x131: {  	v0 =	vmax.bf16 v1, v0;
	v1 =	vld [tilespmem:s17+$0x40]  }
0x132: {  	v0 =	vmax.bf16 v0, v2;
	v2 =	vld [tilespmem:s17+$0x80]  }
0x133: {  	v0 =	vmax.bf16 v0, v3;
	v3 =	vld [tilespmem:s17+$0xC0]  }
0x134: {  	v0 =	vmax.bf16 v0, v4;
	v4 =	vld [tilespmem:s17+$0x100]  }
0x135: {  	v0 =	vmax.bf16 v0, v5  }
0x136: {  	v0 =	vmax.bf16 v0, v1  }
0x137: {  	v0 =	vmax.bf16 v0, v2  }
0x138: {  	v0 =	vmax.bf16 v0, v3  }
0x139: {  	s18 =	simm.s32 $0x0;
	v0 =	vmax.bf16 v0, v4  }
0x13a: {  	[tilespmem:s18+$0xDD40] =	vst v0  }
0x13b: {  	v0 =	vld [tilespmem:s17+$0xFFFFFED0]  }
0x13c: {  	v1 =	vld [tilespmem:s17+$0xFFFFFF10]  }
0x13d: {  	v2 =	vld [tilespmem:s17+$0xFFFFFF50]  }
0x13e: {  	v3 =	vld [tilespmem:s17+$0xFFFFFF90]  }
0x13f: {  	v4 =	vld [tilespmem:s17+$0xFFFFFFD0]  }
0x140: {  	v5 =	vld [tilespmem:s17+$0x10]  }
0x141: {  	v0 =	vmax.bf16 v0, v1;
	v1 =	vld [tilespmem:s17+$0x50]  }
0x142: {  	v0 =	vmax.bf16 v0, v2;
	v2 =	vld [tilespmem:s17+$0x90]  }
0x143: {  	v0 =	vmax.bf16 v0, v3;
	v3 =	vld [tilespmem:s17+$0xD0]  }
0x144: {  	v0 =	vmax.bf16 v0, v4;
	v4 =	vld [tilespmem:s17+$0x110]  }
0x145: {  	v0 =	vmax.bf16 v0, v5  }
0x146: {  	v0 =	vmax.bf16 v0, v1  }
0x147: {  	v0 =	vmax.bf16 v0, v2  }
0x148: {  	v0 =	vmax.bf16 v0, v3  }
0x149: {  	v0 =	vmax.bf16 v0, v4  }
0x14a: {  	[tilespmem:s18+$0xDD50] =	vst v0  }
0x14b: {  	v0 =	vld [tilespmem:s17+$0xFFFFFEE0]  }
0x14c: {  	v1 =	vld [tilespmem:s17+$0xFFFFFF20]  }
0x14d: {  	v2 =	vld [tilespmem:s17+$0xFFFFFF60]  }
0x14e: {  	v3 =	vld [tilespmem:s17+$0xFFFFFFA0]  }
0x14f: {  	v4 =	vld [tilespmem:s17+$0xFFFFFFE0]  }
0x150: {  	v5 =	vld [tilespmem:s17+$0x20]  }
0x151: {  	v0 =	vmax.bf16 v0, v1;
	v1 =	vld [tilespmem:s17+$0x60]  }
0x152: {  	v0 =	vmax.bf16 v0, v2;
	v2 =	vld [tilespmem:s17+$0xA0]  }
0x153: {  	v0 =	vmax.bf16 v0, v3;
	v3 =	vld [tilespmem:s17+$0xE0]  }
0x154: {  	v0 =	vmax.bf16 v0, v4;
	v4 =	vld [tilespmem:s17+$0x120]  }
0x155: {  	v0 =	vmax.bf16 v0, v5  }
0x156: {  	v0 =	vmax.bf16 v0, v1  }
0x157: {  	v0 =	vmax.bf16 v0, v2  }
0x158: {  	v0 =	vmax.bf16 v0, v3  }
0x159: {  	v0 =	vmax.bf16 v0, v4  }
0x15a: {  	[tilespmem:s18+$0xDD60] =	vst v0  }
0x15b: {  	v0 =	vld [tilespmem:s17+$0xFFFFFEF0]  }
0x15c: {  	v1 =	vld [tilespmem:s17+$0xFFFFFF30]  }
0x15d: {  	v2 =	vld [tilespmem:s17+$0xFFFFFF70]  }
0x15e: {  	v3 =	vld [tilespmem:s17+$0xFFFFFFB0]  }
0x15f: {  	v4 =	vld [tilespmem:s17+$0xFFFFFFF0]  }
0x160: {  	v5 =	vld [tilespmem:s17+$0x30]  }
0x161: {  	v1 =	vmax.bf16 v0, v1  }
0x162: {  	v0 =	vld [tilespmem:s17+$0x70];
	v2 =	vmax.bf16 v1, v2  }
0x163: {  	v1 =	vld [tilespmem:s17+$0xB0];
	v3 =	vmax.bf16 v2, v3  }
0x164: {  	v2 =	vld [tilespmem:s17+$0xF0];
	v4 =	vmax.bf16 v3, v4  }
0x165: {  	s19 =	simm.s32 $0x100;
	v3 =	vld [tilespmem:s17+$0x130];
	v4 =	vmax.bf16 v4, v5  }
.LBB2_8:
0x166: {  	p0 =	sne.s32 s19, $0x1F00  }
0x167: {  	s17 =	sadd.s32 $0x280, s17;
	s20 =	smov.u32 s19;
	s19 =	sadd.s32 $0x100, s19  }
0x168: {  	v0 =	vmax.bf16 v4, v0  }
0x169: {  	v0 =	vmax.bf16 v0, v1  }
0x16a: {  	v0 =	vmax.bf16 v0, v2  }
0x16b: {  	v0 =	vmax.bf16 v0, v3  }
0x16c: {  	[tilespmem:s18+$0xDD70] =	vst v0  }
0x16d: {  	v0 =	vld [tilespmem:s17+$0xFFFFFF00]  }
0x16e: {  	v1 =	vld [tilespmem:s17+$0xFFFFFEC0]  }
0x16f: {  	v2 =	vld [tilespmem:s17+$0xFFFFFF40]  }
0x170: {  	v3 =	vld [tilespmem:s17+$0xFFFFFF80]  }
0x171: {  	v4 =	vld [tilespmem:s17+$0xFFFFFFC0]  }
0x172: {  	v5 =	vld [tilespmem:s17+$0x0]  }
0x173: {  	v0 =	vmax.bf16 v1, v0;
	v1 =	vld [tilespmem:s17+$0x40]  }
0x174: {  	v0 =	vmax.bf16 v0, v2;
	v2 =	vld [tilespmem:s17+$0x80]  }
0x175: {  	v0 =	vmax.bf16 v0, v3;
	v3 =	vld [tilespmem:s17+$0xC0]  }
0x176: {  	v0 =	vmax.bf16 v0, v4;
	v4 =	vld [tilespmem:s17+$0x100]  }
0x177: {  	v0 =	vmax.bf16 v0, v5  }
0x178: {  	v0 =	vmax.bf16 v0, v1  }
0x179: {  	v0 =	vmax.bf16 v0, v2  }
0x17a: {  	v0 =	vmax.bf16 v0, v3  }
0x17b: {  	s18 =	sshra.s32 s20, $0x2;
	v0 =	vmax.bf16 v0, v4  }
0x17c: {  	[tilespmem:s18+$0xDD40] =	vst v0  }
0x17d: {  	v0 =	vld [tilespmem:s17+$0xFFFFFED0]  }
0x17e: {  	v1 =	vld [tilespmem:s17+$0xFFFFFF10]  }
0x17f: {  	v2 =	vld [tilespmem:s17+$0xFFFFFF50]  }
0x180: {  	v3 =	vld [tilespmem:s17+$0xFFFFFF90]  }
0x181: {  	v4 =	vld [tilespmem:s17+$0xFFFFFFD0]  }
0x182: {  	v5 =	vld [tilespmem:s17+$0x10]  }
0x183: {  	v0 =	vmax.bf16 v0, v1;
	v1 =	vld [tilespmem:s17+$0x50]  }
0x184: {  	v0 =	vmax.bf16 v0, v2;
	v2 =	vld [tilespmem:s17+$0x90]  }
0x185: {  	v0 =	vmax.bf16 v0, v3;
	v3 =	vld [tilespmem:s17+$0xD0]  }
0x186: {  	v0 =	vmax.bf16 v0, v4;
	v4 =	vld [tilespmem:s17+$0x110]  }
0x187: {  	v0 =	vmax.bf16 v0, v5  }
0x188: {  	v0 =	vmax.bf16 v0, v1  }
0x189: {  	v0 =	vmax.bf16 v0, v2  }
0x18a: {  	v0 =	vmax.bf16 v0, v3  }
0x18b: {  	v0 =	vmax.bf16 v0, v4  }
0x18c: {  	[tilespmem:s18+$0xDD50] =	vst v0  }
0x18d: {  	v0 =	vld [tilespmem:s17+$0xFFFFFEE0]  }
0x18e: {  	v1 =	vld [tilespmem:s17+$0xFFFFFF20]  }
0x18f: {  	v2 =	vld [tilespmem:s17+$0xFFFFFF60]  }
0x190: {  	v3 =	vld [tilespmem:s17+$0xFFFFFFA0]  }
0x191: {  	v4 =	vld [tilespmem:s17+$0xFFFFFFE0]  }
0x192: {  	v5 =	vld [tilespmem:s17+$0x20]  }
0x193: {  	v0 =	vmax.bf16 v0, v1;
	v1 =	vld [tilespmem:s17+$0x60]  }
0x194: {  	v0 =	vmax.bf16 v0, v2;
	v2 =	vld [tilespmem:s17+$0xA0]  }
0x195: {  	v0 =	vmax.bf16 v0, v3;
	v3 =	vld [tilespmem:s17+$0xE0]  }
0x196: {  	v0 =	vmax.bf16 v0, v4;
	v4 =	vld [tilespmem:s17+$0x120]  }
0x197: {  	v0 =	vmax.bf16 v0, v5  }
0x198: {  	v0 =	vmax.bf16 v0, v1  }
0x199: {  	v0 =	vmax.bf16 v0, v2  }
0x19a: {  	v0 =	vmax.bf16 v0, v3  }
0x19b: {  	v0 =	vmax.bf16 v0, v4  }
0x19c: {  	[tilespmem:s18+$0xDD60] =	vst v0  }
0x19d: {  	v0 =	vld [tilespmem:s17+$0xFFFFFEF0]  }
0x19e: {  	v1 =	vld [tilespmem:s17+$0xFFFFFF30]  }
0x19f: {  	v2 =	vld [tilespmem:s17+$0xFFFFFF70]  }
0x1a0: {  	v3 =	vld [tilespmem:s17+$0xFFFFFFB0]  }
0x1a1: {  	v4 =	vld [tilespmem:s17+$0xFFFFFFF0]  }
0x1a2: {  	v5 =	vld [tilespmem:s17+$0x30]  }
.Ltmp3:
0x1a3: {  	v1 =	vmax.bf16 v0, v1;
	v0 =	vld [tilespmem:s17+$0x70];
	(pc) =	sbr.rel @p0 .LBB2_8-.Ltmp3, $4  }
0x1a4: {  	v2 =	vmax.bf16 v1, v2;
	v1 =	vld [tilespmem:s17+$0xB0]  }
0x1a5: {  	v3 =	vmax.bf16 v2, v3;
	v2 =	vld [tilespmem:s17+$0xF0]  }
0x1a6: {  	v4 =	vmax.bf16 v3, v4;
	v3 =	vld [tilespmem:s17+$0x130]  }
0x1a7: {  	v4 =	vmax.bf16 v4, v5  }
0x1a8: {  	v0 =	vmax.bf16 v4, v0  }
0x1a9: {  	v0 =	vmax.bf16 v0, v1  }
0x1aa: {  	s16 =	sadd.s32 $0x1, s16;
	v0 =	vmax.bf16 v0, v2  }
0x1ab: {  	p0 =	sne.s32 s16, s8;
	v0 =	vmax.bf16 v0, v3  }
.Ltmp4:
0x1ac: {  	[tilespmem:s18+$0xDD70] =	vst v0;
	(pc) =	sbr.rel @p0 .LBB2_1-.Ltmp4, $4  }
0x1ad: {  	[hbm4b:s7+s2] =	stream.linear.scatter [tilespmem:s14], [sflag:$0x3], $0x800, $0x38;
	[tilespmem:$0xE540] =	vst v63  }
0x1ae: {  	_ =	swait.ge [sflag:s9], $0x800  }
0x1af: {  	[sflag:s9] =	ssyncset.done $0x0  }
0x1b0: {  	[sflag:s9] =	ssyncadd.s32 $0xFFFFF800  }
0x1b1: {  	_ =	sfence.sel $0x180000  }
0x1b2: {  	[bflag:$0x0] =	sbarrier.arrive $0xFFFF  }
0x1b3: {  	p0 =	sne.s32 s0, $0x0;
	_ =	strace $0x9000004A  }
0x1b4: {  	s0 =	sadd.s32 @!p0 $0x100000, s1;
	[bflag:$0x2] =	sbarrier.arrive $0xFFFF  }
0x1b5: {  	[sflag:s0] =	ssyncadd.tile.s32 @!p0 $0x1;
	_ =	shalt  }
.Lfunc_end2:
_tile_overlayer_lowered:
.L_overlay_start_2:
0x1b6: {  	(tag) =	ssettag $0x2  }
0x1b7: {  	s0 =	rddreg [dreg:$0x0];
	s2 =	stileid.u32  }
0x1b8: {  	s1 =	rddreg [dreg:$0x1];
	p0 =	sne.s32 s2, $0x0  }
0x1b9: {  	s3 =	rddreg [dreg:$0x2];
	[bflag:$0x3] =	sbarrier.arrive $0xFFFF;
	s2 =	simm.s32 @!p0 $0x1C03  }
0x1ba: {  	[timem:s3], [sflag:s2] =	dma.local @!p0 [hbm:s0], s1  }
0x1bb: {  	s0 =	simm.s32 @!p0 $0x3  }
0x1bc: {  	_ =	swait.ge @!p0 [sflag:s0], s1  }
0x1bd: {  	s1 =	ssub.s32 @!p0 $0x0, s1;
	[sflag:s0] =	ssyncset.done @!p0 $0x0  }
0x1be: {  	[sflag:s0] =	ssyncadd.s32 @!p0 s1  }
0x1bf: {  	[bflag:$0x3] =	sbarrier.arrive $0xFFFF  }
0x1c0: {  	_ =	shalt  }

// kernel: kernel.15.cloned.1.call-start
scs
__scs_entry_jumppad:
0x0: {  	(pc) =	sbr.rel $0x88, $3  }
0x1: {  	(tag) =	ssettag $0x0;
	lr =	simm.s32 $0x1  }
0x2: {  	[smem:$0x3F8F] =	sst lr;
	_ =	strace $0xD0000000  }
0x3: {  	_ = 	snop  }
0x4: {  	_ = 	snop  }
0x5: {  	_ = 	snop  }
0x6: {  	_ = 	snop  }
0x7: {  	_ = 	snop  }
__scs_overlays_trampoline_lowered:
0x8: {  	[smem:$0x3F9E] =	sst s0  }
0x9: {  	[smem:$0x3F9F] =	sst s1  }
0xa: {  	[smem:$0x3FA0] =	sst s2  }
0xb: {  	[smem:$0x3FA1] =	sst s3  }
0xc: {  	[smem:$0x3FA2] =	sst s4  }
0xd: {  	[smem:$0x3FA3] =	sst s5  }
0xe: {  	[smem:$0x3FA4] =	sst s6  }
0xf: {  	[smem:$0x3FA5] =	sst s7  }
0x10: {  	[smem:$0x3FA6] =	sst s8  }
0x11: {  	[smem:$0x3FA7] =	sst s9;
	s0 =	simm.s32 @!p0 $0x0  }
0x12: {  	s1 =	sld [smem:$0x3F8D];
	s0 =	simm.s32 @p0 $0x1  }
0x13: {  	[smem:$0x3FA8] =	sst s0;
	s0 =	simm.s32 @!p1 $0x0  }
0x14: {  	s2 =	sld [smem:$0x3F8C];
	s0 =	simm.s32 @p1 $0x1  }
0x15: {  	[smem:$0x3FA9] =	sst s0;
	s0 =	simm.s32 @!p2 $0x0  }
0x16: {  	s3 =	sld [smem:$0x3FDB];
	s0 =	simm.s32 @p2 $0x1  }
0x17: {  	s4 =	simm.s32 $0x1BF5;
	[smem:$0x3FAB] =	sst s0  }
0x18: {  	s0 =	sld [smem:$0x3F8E];
	_ =	swait.ge [sflag:s4], $0x0  }
0x19: {  	s7 =	sld [smem:$0x3F8F]  }
0x1a: {  	s8 =	sadd.s32 $0xFFFFE003, lr  }
0x1b: {  	s9 =	sadd.s32 $0xFFFFFEF7, lr;
	s5 =	simm.s32 $0xFFFFFFFF;
	p2 =	slt.u32 s8, $0xFFFFF086  }
0x1c: {  	p1 =	slt.u32 s9, $0xF7A;
	s5 =	simm.s32 @!p2 $0x0  }
0x1d: {  	s5 =	simm.s32 @p1 $0x1;
	p0 =	seq.s32 s7, s2  }
0x1e: {  	s7 =	smul.u32 @!p0 $0xF7A, s2;
	p2 =	seq.s32 @!p0 s5, $0x0  }
0x1f: {  	s9 =	smul.u32 $0xF7A, s1;
	s8 =	simm.s32 @!p0 $0x1BF5;
	p2 =	por !p2, p0  }
0x20: {  	[sflag:s8] =	ssyncset.s32 @!p0 $0xFFFFF086;
	s6 =	sadd.s32 @!p0 s3, s7;
	s7 =	simm.s32 @!p0 $0x108  }
0x21: {  	s3 =	sadd.s32 s3, s9;
	s6 =	sadd.s32 @!p0 $0x88, s6;
	s7 =	simm.s32 @p2 $0x1082  }
0x22: {  	[simem:s7], [sflag:s8] =	dma.local @!p0 [hbm:s6], $0xF7A  }
0x23: {  	s9 =	sor.u32 $0xD0000000, s2;
	s6 =	simm.s32 $0x108;
	_ =	swait.ge @!p0 [sflag:s8], $0x0  }
0x24: {  	s3 =	sadd.s32 $0x88, s3;
	s6 =	simm.s32 @!p1 $0x1082;
	[sflag:s4] =	ssyncset.s32 $0xFFFFF086  }
0x25: {  	[simem:s6], [sflag:s4] =	dma.local [hbm:s3], $0xF7A  }
0x26: {  	[smem:$0x3F8F] =	sst s1;
	(tag) =	ssettag s2;
	_ =	strace s9  }
0x27: {  	s1 =	sld [smem:$0x3F9F]  }
0x28: {  	s2 =	sld [smem:$0x3FA0]  }
0x29: {  	s4 =	sld [smem:$0x3FA2]  }
0x2a: {  	p0 =	seq.s32 s5, $0x0;
	s5 =	sld [smem:$0x3FA3]  }
0x2b: {  	s6 =	sld [smem:$0x3FA4]  }
0x2c: {  	s7 =	sld [smem:$0x3FA5]  }
0x2d: {  	s3 =	simm.s32 $0x108;
	s8 =	sld [smem:$0x3FA6]  }
0x2e: {  	s3 =	simm.s32 @!p0 $0x1082;
	s9 =	sld [smem:$0x3FA7]  }
0x2f: {  	lr =	sadd.s32 s0, s3;
	s0 =	sld [smem:$0x3F9E]  }
0x30: {  	s3 =	sld [smem:$0x3FA1]  }
0x31: {  	[smem:$0x3FAA] =	sst s10  }
0x32: {  	s10 =	sld [smem:$0x3FA8];
	_ =	sdelay $0x3  }
0x33: {  	p0 =	seq.s32 s10, $0x1;
	s10 =	sld [smem:$0x3FAA];
	_ =	sdelay $0x3  }
0x34: {  	[smem:$0x3FAA] =	sst s10  }
0x35: {  	s10 =	sld [smem:$0x3FA9];
	_ =	sdelay $0x3  }
0x36: {  	p1 =	seq.s32 s10, $0x1;
	s10 =	sld [smem:$0x3FAA];
	_ =	sdelay $0x3  }
0x37: {  	[smem:$0x3FAA] =	sst s10  }
0x38: {  	s10 =	sld [smem:$0x3FAB]  }
0x39: {  	_ = 	snop;
	(pc) =	sbr.ind lr, $3  }
0x3a: {  	_ = 	snop  }
0x3b: {  	_ = 	snop  }
0x3c: {  	p2 =	seq.s32 s10, $0x1;
	s10 =	sld [smem:$0x3FAA]  }
0x3d: {  	_ =	shalt  }
0x3e: {  	_ =	shalt  }
0x3f: {  	_ =	shalt  }
0x40: {  	_ =	shalt  }
0x41: {  	_ =	shalt  }
0x42: {  	_ =	shalt  }
0x43: {  	_ =	shalt  }
0x44: {  	_ =	shalt  }
0x45: {  	_ =	shalt  }
0x46: {  	_ =	shalt  }
0x47: {  	_ =	shalt  }
0x48: {  	_ =	shalt  }
0x49: {  	_ =	shalt  }
0x4a: {  	_ =	shalt  }
0x4b: {  	_ =	shalt  }
0x4c: {  	_ =	shalt  }
0x4d: {  	_ =	shalt  }
0x4e: {  	_ =	shalt  }
0x4f: {  	_ =	shalt  }
0x50: {  	_ =	shalt  }
0x51: {  	_ =	shalt  }
0x52: {  	_ =	shalt  }
0x53: {  	_ =	shalt  }
0x54: {  	_ =	shalt  }
0x55: {  	_ =	shalt  }
0x56: {  	_ =	shalt  }
0x57: {  	_ =	shalt  }
0x58: {  	_ =	shalt  }
0x59: {  	_ =	shalt  }
0x5a: {  	_ =	shalt  }
0x5b: {  	_ =	shalt  }
0x5c: {  	_ =	shalt  }
0x5d: {  	_ =	shalt  }
0x5e: {  	_ =	shalt  }
0x5f: {  	_ =	shalt  }
0x60: {  	_ =	shalt  }
0x61: {  	_ =	shalt  }
0x62: {  	_ =	shalt  }
0x63: {  	_ =	shalt  }
0x64: {  	_ =	shalt  }
0x65: {  	_ =	shalt  }
0x66: {  	_ =	shalt  }
0x67: {  	_ =	shalt  }
0x68: {  	_ =	shalt  }
0x69: {  	_ =	shalt  }
0x6a: {  	_ =	shalt  }
0x6b: {  	_ =	shalt  }
0x6c: {  	_ =	shalt  }
0x6d: {  	_ =	shalt  }
0x6e: {  	_ =	shalt  }
0x6f: {  	_ =	shalt  }
0x70: {  	_ =	shalt  }
0x71: {  	_ =	shalt  }
0x72: {  	_ =	shalt  }
0x73: {  	_ =	shalt  }
0x74: {  	_ =	shalt  }
0x75: {  	_ =	shalt  }
0x76: {  	_ =	shalt  }
0x77: {  	_ =	shalt  }
0x78: {  	_ =	shalt  }
0x79: {  	_ =	shalt  }
0x7a: {  	_ =	shalt  }
0x7b: {  	_ =	shalt  }
0x7c: {  	_ =	shalt  }
0x7d: {  	_ =	shalt  }
0x7e: {  	_ =	shalt  }
0x7f: {  	_ =	shalt  }
0x80: {  	_ =	shalt  }
0x81: {  	_ =	shalt  }
0x82: {  	_ =	shalt  }
0x83: {  	_ =	shalt  }
0x84: {  	_ =	shalt  }
0x85: {  	_ =	shalt  }
0x86: {  	_ =	shalt  }
0x87: {  	_ =	shalt  }
.Lfunc_end0:
.L_simem_size_0:
called_computation.2_lowered:
.L_overlay_start_0:
0x88: {  	s2 =	sld [smem:$0x3FD9]  }
0x89: {  	s3 =	sld [smem:$0x3FFE];
	_ =	sdelay $0x1  }
0x8a: {  	s1 =	srdreg.scid  }
0x8b: {  	s0 =	sand.u32 $0x1, s1  }
0x8c: {  	s16 =	sshll.u32 s0, $0xA;
	s2 =	sadd.s32 s3, s2  }
0x8d: {  	s2 =	sadd.s32 s2, s16  }
0x8e: {  	[smem:$0x3FB6] =	sst s2  }
0x8f: {  	_ = 	snop  }
0x90: {  	(tm) =	ssettm $0x1  }
0x91: {  	s17 =	sld [smem:$0x3FFB];
	_ =	sdelay $0x3  }
0x92: {  	_ =	strace s17  }
0x93: {  	s2 =	sld [smem:$0x3FFC];
	_ =	sdelay $0x3  }
0x94: {  	_ =	strace s2  }
0x95: {  	s2 =	sld [smem:$0x3FFD];
	_ =	sdelay $0x3  }
0x96: {  	_ =	strace s2  }
0x97: {  	_ =	strace $0x8FFFFFFF  }
0x98: {  	s18 =	sld [smem:$0x3FDB];
	_ =	sdelay $0x1  }
0x99: {  	s19 =	simm.s32 $_scs_section_size  }
0x9a: {  	s4 =	simm.s32 $_size__tile_overlayer_lowered;
	s5 =	simm.s32 $_tile_overlayer_lowered  }
0x9b: {  	s22 =	simm.s32 $0x1BFF;
	s21 =	sshll.u32 s5, $0x1;
	s2 =	sadd.s32 s19, s18  }
0x9c: {  	s6 =	simm.s32 $0x0;
	s20 =	sshll.u32 s4, $0x1;
	s4 =	sadd.s32 s21, s2  }
0x9d: {  	[timem:s6], [sflag:s22] =	dma.local [hbm:s4], s20  }
0x9e: {  	_ =	swait.ge [sflag:s22], s20  }
0x9f: {  	s3 =	ssub.s32 $0x0, s20;
	[sflag:s22] =	ssyncset.done $0x0  }
0xa0: {  	[sflag:s22] =	ssyncadd.s32 s3;
	_ =	sdelay $0x1  }
0xa1: {  	s23 =	simm.s32 $0x1B8B  }
0xa2: {  	_ =	swait.ge [sflag:s23], $0x1  }
0xa3: {  	[sflag:s23] =	ssyncset.done $0x0  }
0xa4: {  	s25 =	simm.s32 $0x1B8E;
	s24 =	sld [smem:$0x3FFE];
	[sflag:s23] =	ssyncadd.s32 $0xFFFFFFFF  }
0xa5: {  	s26 =	simm.s32 $execute0_lowered;
	[smem:$0x3FD2] =	sst s25  }
0xa6: {  	s4 =	sshll.u32 s26, $0x1;
	_ =	strace $0x8000004C;
	[dreg:$0x1] =	wrdreg $0xFFFFFFFF  }
0xa7: {  	s28 =	simm.s32 $_size_execute0_lowered;
	s2 =	sadd.s32 s2, s4;
	[dreg:$0x0] =	wrdreg $0x0  }
0xa8: {  	s4 =	sshll.u32 s28, $0x1;
	[dreg:$0x2] =	wrdreg s2  }
0xa9: {  	[dreg:$0x3] =	wrdreg s4  }
0xaa: {  	[dreg:$0x4] =	wrdreg $0xC0  }
0xab: {  	_ =	task [dreg:s6], $0x5FFFF  }
0xac: {  	[dreg:$0x1] =	wrdreg $0xFFFFFFFF  }
0xad: {  	[dreg:$0x0] =	wrdreg $0x60  }
0xae: {  	[dreg:$0x2] =	wrdreg s24  }
0xaf: {  	[dreg:$0x3] =	wrdreg $0x9  }
0xb0: {  	_ =	task.clear_ibuf [dreg:s6], $0x4FFFF;
	_ =	strace $0x9000004C  }
0xb1: {  	s29 =	simm.s32 $0x9;
	_ =	strace $0x8000004E  }
0xb2: {  	_ =	swait.ge [sflag:s29], $0x1  }
0xb3: {  	[sflag:s29] =	ssyncadd.s32 $0xFFFFFFFF  }
0xb4: {  	_ =	strace $0x9000004E  }
0xb5: {  	_ =	sfence  }
0xb6: {  	s30 =	sld [smem:$0x0];
	_ =	sdelay $0x2  }
0xb7: {  	s31 =	sshll.u32 s1, $0xD;
	s1 =	sshrl.u32 s1, $0x2  }
0xb8: {  	s3 =	sand.u32 $0x4000, s31;
	s1 =	sadd.s32 s1, s30  }
0xb9: {  	s0 =	sor.u32 s3, s0;
	s1 =	sshll.u32 s1, $0x11  }
0xba: {  	s0 =	sor.u32 s1, s0  }
0xbb: {  	s0 =	sadd.s32 $0x8F2B, s0  }
0xbc: {  	[sflag:s0] =	ssyncadd.remote.s32 $0x1  }
0xbd: {  	_ =	sfence.sel $0xFFFF  }
0xbe: {  	[dreg:$0x0] =	wrdreg $0xFFFFFFFF;
	(pc) =	sbr.abs _section_cstart, $3  }
0xbf: {  	[dreg:$0x1] =	wrdreg $0xFFFFFFFF  }
0xc0: {  	_ =	task.clear_ibuf [dreg:s6], $0x2FFFF;
	_ =	strace $0x9FFFFFFF  }
0xc1: {  	(tm) =	ssettm $0x7FFFFFFF  }
tec
execute0_lowered:
.L_overlay_start_1:
0x0: {  	(tag) =	ssettag $0x1  }
0x1: {  	s1 =	srdreg.scid  }
0x2: {  	s0 =	stileid.u32;
	s6 =	rddreg [dreg:$0x0];
	s2 =	simm.s32 $0x0  }
0x3: {  	s10 =	simm.s32 $0x140;
	s11 =	simm.s32 $0x3D40;
	s12 =	simm.s32 $0x8D40  }
0x4: {  	s13 =	simm.s32 $0x1;
	s7 =	sand.u32 $0x1, s1;
	s3 =	sshll.u32 s0, $0x1  }
0x5: {  	s14 =	simm.s32 $0xDD40;
	s15 =	simm.s32 $0x2;
	s5 =	sor.u32 s7, s3  }
0x6: {  	s16 =	simm.s32 $0x0;
	s1 =	rddreg [dreg:$0x1];
	s3 =	smul.u32 $0x31000, s5  }
0x7: {  	[smem:$0x7FF] =	sst s2;
	s4 =	sadd.s32 $0x3800, s6;
	s8 =	smul.u32 $0x7A8, s5  }
0x8: {  	_ =	strace $0x8000004D;
	s7 =	ssub.s32 $0x2, s7;
	s5 =	sadd.s32 $0x74A00, s6  }
0x9: {  	s31 =	sshrl.u32 s7, $0x1;
	s9 =	sshrl.u32 s3, $0x4;
	s6 =	sadd.s32 s8, s6  }
0xa: {  	s8 =	ssub.s32 s7, s31;
	s9 =	sadd.s32 s5, s9;
	s6 =	sadd.s32 $0x65400, s6  }
0xb: {  	s8 =	smax.u32 s8, $0x1;
	s7 =	sadd.s32 $0x3000, s9;
	s9 =	simm.s32 $0x3  }
.LBB2_1:
0xc: {  	[tilespmem:s2], [sflag:$0x3] =	stream.linear.gather [hbm4b:s6+s2], $0x3D40, $0x38;
	[tilespmem:$0xE540] =	vst v63  }
0xd: {  	_ =	swait.ge [sflag:s9], $0x3D40  }
0xe: {  	[sflag:s9] =	ssyncset.done $0x0  }
0xf: {  	s17 =	simm.s32 $0x0;
	[sflag:s9] =	ssyncadd.s32 $0xFFFFC2C0  }
0x10: {  	[tilespmem:s11], [sflag:$0x1] =	stream.indirect.gather [hbm4b:s4+s10], $0x40, s2, s10, $0xb8;
	[tilespmem:$0xE540] =	vst v63  }
.LBB2_2:
0x11: {  	s18 =	sshllo.u32 s17, $0x1  }
0x12: {  	s19 =	smul.u32 $0x500, s18;
	_ =	sdelay $0x1  }
0x13: {  	s19 =	sshra.s32 s19, $0x2  }
0x14: {  	[tilespmem:s12], [sflag:$0x2] =	stream.indirect.gather [hbm4b:s4+s10], $0x40, s19, s10, $0xb8;
	[tilespmem:$0xE540] =	vst v63  }
0x15: {  	_ =	swait.ge [sflag:s13], $0x5000  }
0x16: {  	[sflag:s13] =	ssyncset.done $0x0  }
0x17: {  	s19 =	simm.s32 $0x3E80;
	[sflag:s13] =	ssyncadd.s32 $0xFFFFB000  }
0x18: {  	v0 =	vld [tilespmem:s19+$0xFFFFFF00]  }
0x19: {  	v1 =	vld [tilespmem:s19+$0xFFFFFEC0]  }
0x1a: {  	v2 =	vld [tilespmem:s19+$0xFFFFFF40]  }
0x1b: {  	v3 =	vld [tilespmem:s19+$0xFFFFFF80]  }
0x1c: {  	v4 =	vld [tilespmem:s19+$0xFFFFFFC0]  }
0x1d: {  	v5 =	vld [tilespmem:s19+$0x0]  }
0x1e: {  	v0 =	vmax.bf16 v1, v0;
	v1 =	vld [tilespmem:s19+$0x40]  }
0x1f: {  	v0 =	vmax.bf16 v0, v2;
	v2 =	vld [tilespmem:s19+$0x80]  }
0x20: {  	v0 =	vmax.bf16 v0, v3;
	v3 =	vld [tilespmem:s19+$0xC0]  }
0x21: {  	v0 =	vmax.bf16 v0, v4;
	v4 =	vld [tilespmem:s19+$0x100]  }
0x22: {  	v0 =	vmax.bf16 v0, v5  }
0x23: {  	v0 =	vmax.bf16 v0, v1  }
0x24: {  	v0 =	vmax.bf16 v0, v2  }
0x25: {  	v0 =	vmax.bf16 v0, v3  }
0x26: {  	s20 =	simm.s32 $0x0;
	v0 =	vmax.bf16 v0, v4  }
0x27: {  	[tilespmem:s20+$0xDD40] =	vst v0  }
0x28: {  	v0 =	vld [tilespmem:s19+$0xFFFFFED0]  }
0x29: {  	v1 =	vld [tilespmem:s19+$0xFFFFFF10]  }
0x2a: {  	v2 =	vld [tilespmem:s19+$0xFFFFFF50]  }
0x2b: {  	v3 =	vld [tilespmem:s19+$0xFFFFFF90]  }
0x2c: {  	v4 =	vld [tilespmem:s19+$0xFFFFFFD0]  }
0x2d: {  	v5 =	vld [tilespmem:s19+$0x10]  }
0x2e: {  	v0 =	vmax.bf16 v0, v1;
	v1 =	vld [tilespmem:s19+$0x50]  }
0x2f: {  	v0 =	vmax.bf16 v0, v2;
	v2 =	vld [tilespmem:s19+$0x90]  }
0x30: {  	v0 =	vmax.bf16 v0, v3;
	v3 =	vld [tilespmem:s19+$0xD0]  }
0x31: {  	v0 =	vmax.bf16 v0, v4;
	v4 =	vld [tilespmem:s19+$0x110]  }
0x32: {  	v0 =	vmax.bf16 v0, v5  }
0x33: {  	v0 =	vmax.bf16 v0, v1  }
0x34: {  	v0 =	vmax.bf16 v0, v2  }
0x35: {  	v0 =	vmax.bf16 v0, v3  }
0x36: {  	v0 =	vmax.bf16 v0, v4  }
0x37: {  	[tilespmem:s20+$0xDD50] =	vst v0  }
0x38: {  	v0 =	vld [tilespmem:s19+$0xFFFFFEE0]  }
0x39: {  	v1 =	vld [tilespmem:s19+$0xFFFFFF20]  }
0x3a: {  	v2 =	vld [tilespmem:s19+$0xFFFFFF60]  }
0x3b: {  	v3 =	vld [tilespmem:s19+$0xFFFFFFA0]  }
0x3c: {  	v4 =	vld [tilespmem:s19+$0xFFFFFFE0]  }
0x3d: {  	v5 =	vld [tilespmem:s19+$0x20]  }
0x3e: {  	v0 =	vmax.bf16 v0, v1;
	v1 =	vld [tilespmem:s19+$0x60]  }
0x3f: {  	v0 =	vmax.bf16 v0, v2;
	v2 =	vld [tilespmem:s19+$0xA0]  }
0x40: {  	v0 =	vmax.bf16 v0, v3;
	v3 =	vld [tilespmem:s19+$0xE0]  }
0x41: {  	v0 =	vmax.bf16 v0, v4;
	v4 =	vld [tilespmem:s19+$0x120]  }
0x42: {  	v0 =	vmax.bf16 v0, v5  }
0x43: {  	v0 =	vmax.bf16 v0, v1  }
0x44: {  	v0 =	vmax.bf16 v0, v2  }
0x45: {  	v0 =	vmax.bf16 v0, v3  }
0x46: {  	v0 =	vmax.bf16 v0, v4  }
0x47: {  	[tilespmem:s20+$0xDD60] =	vst v0  }
0x48: {  	v0 =	vld [tilespmem:s19+$0xFFFFFEF0]  }
0x49: {  	v1 =	vld [tilespmem:s19+$0xFFFFFF30]  }
0x4a: {  	v2 =	vld [tilespmem:s19+$0xFFFFFF70]  }
0x4b: {  	v3 =	vld [tilespmem:s19+$0xFFFFFFB0]  }
0x4c: {  	v4 =	vld [tilespmem:s19+$0xFFFFFFF0]  }
0x4d: {  	v5 =	vld [tilespmem:s19+$0x30]  }
0x4e: {  	v1 =	vmax.bf16 v0, v1  }
0x4f: {  	v0 =	vld [tilespmem:s19+$0x70];
	v2 =	vmax.bf16 v1, v2  }
0x50: {  	v1 =	vld [tilespmem:s19+$0xB0];
	v3 =	vmax.bf16 v2, v3  }
0x51: {  	v2 =	vld [tilespmem:s19+$0xF0];
	v4 =	vmax.bf16 v3, v4  }
0x52: {  	s21 =	simm.s32 $0x100;
	v3 =	vld [tilespmem:s19+$0x130];
	v4 =	vmax.bf16 v4, v5  }
.LBB2_3:
0x53: {  	p0 =	sne.s32 s21, $0x1F00  }
0x54: {  	s19 =	sadd.s32 $0x280, s19;
	s22 =	smov.u32 s21;
	s21 =	sadd.s32 $0x100, s21  }
0x55: {  	v0 =	vmax.bf16 v4, v0  }
0x56: {  	v0 =	vmax.bf16 v0, v1  }
0x57: {  	v0 =	vmax.bf16 v0, v2  }
0x58: {  	v0 =	vmax.bf16 v0, v3  }
0x59: {  	[tilespmem:s20+$0xDD70] =	vst v0  }
0x5a: {  	v0 =	vld [tilespmem:s19+$0xFFFFFF00]  }
0x5b: {  	v1 =	vld [tilespmem:s19+$0xFFFFFEC0]  }
0x5c: {  	v2 =	vld [tilespmem:s19+$0xFFFFFF40]  }
0x5d: {  	v3 =	vld [tilespmem:s19+$0xFFFFFF80]  }
0x5e: {  	v4 =	vld [tilespmem:s19+$0xFFFFFFC0]  }
0x5f: {  	v5 =	vld [tilespmem:s19+$0x0]  }
0x60: {  	v0 =	vmax.bf16 v1, v0;
	v1 =	vld [tilespmem:s19+$0x40]  }
0x61: {  	v0 =	vmax.bf16 v0, v2;
	v2 =	vld [tilespmem:s19+$0x80]  }
0x62: {  	v0 =	vmax.bf16 v0, v3;
	v3 =	vld [tilespmem:s19+$0xC0]  }
0x63: {  	v0 =	vmax.bf16 v0, v4;
	v4 =	vld [tilespmem:s19+$0x100]  }
0x64: {  	v0 =	vmax.bf16 v0, v5  }
0x65: {  	v0 =	vmax.bf16 v0, v1  }
0x66: {  	v0 =	vmax.bf16 v0, v2  }
0x67: {  	v0 =	vmax.bf16 v0, v3  }
0x68: {  	s20 =	sshra.s32 s22, $0x2;
	v0 =	vmax.bf16 v0, v4  }
0x69: {  	[tilespmem:s20+$0xDD40] =	vst v0  }
0x6a: {  	v0 =	vld [tilespmem:s19+$0xFFFFFED0]  }
0x6b: {  	v1 =	vld [tilespmem:s19+$0xFFFFFF10]  }
0x6c: {  	v2 =	vld [tilespmem:s19+$0xFFFFFF50]  }
0x6d: {  	v3 =	vld [tilespmem:s19+$0xFFFFFF90]  }
0x6e: {  	v4 =	vld [tilespmem:s19+$0xFFFFFFD0]  }
0x6f: {  	v5 =	vld [tilespmem:s19+$0x10]  }
0x70: {  	v0 =	vmax.bf16 v0, v1;
	v1 =	vld [tilespmem:s19+$0x50]  }
0x71: {  	v0 =	vmax.bf16 v0, v2;
	v2 =	vld [tilespmem:s19+$0x90]  }
0x72: {  	v0 =	vmax.bf16 v0, v3;
	v3 =	vld [tilespmem:s19+$0xD0]  }
0x73: {  	v0 =	vmax.bf16 v0, v4;
	v4 =	vld [tilespmem:s19+$0x110]  }
0x74: {  	v0 =	vmax.bf16 v0, v5  }
0x75: {  	v0 =	vmax.bf16 v0, v1  }
0x76: {  	v0 =	vmax.bf16 v0, v2  }
0x77: {  	v0 =	vmax.bf16 v0, v3  }
0x78: {  	v0 =	vmax.bf16 v0, v4  }
0x79: {  	[tilespmem:s20+$0xDD50] =	vst v0  }
0x7a: {  	v0 =	vld [tilespmem:s19+$0xFFFFFEE0]  }
0x7b: {  	v1 =	vld [tilespmem:s19+$0xFFFFFF20]  }
0x7c: {  	v2 =	vld [tilespmem:s19+$0xFFFFFF60]  }
0x7d: {  	v3 =	vld [tilespmem:s19+$0xFFFFFFA0]  }
0x7e: {  	v4 =	vld [tilespmem:s19+$0xFFFFFFE0]  }
0x7f: {  	v5 =	vld [tilespmem:s19+$0x20]  }
0x80: {  	v0 =	vmax.bf16 v0, v1;
	v1 =	vld [tilespmem:s19+$0x60]  }
0x81: {  	v0 =	vmax.bf16 v0, v2;
	v2 =	vld [tilespmem:s19+$0xA0]  }
0x82: {  	v0 =	vmax.bf16 v0, v3;
	v3 =	vld [tilespmem:s19+$0xE0]  }
0x83: {  	v0 =	vmax.bf16 v0, v4;
	v4 =	vld [tilespmem:s19+$0x120]  }
0x84: {  	v0 =	vmax.bf16 v0, v5  }
0x85: {  	v0 =	vmax.bf16 v0, v1  }
0x86: {  	v0 =	vmax.bf16 v0, v2  }
0x87: {  	v0 =	vmax.bf16 v0, v3  }
0x88: {  	v0 =	vmax.bf16 v0, v4  }
0x89: {  	[tilespmem:s20+$0xDD60] =	vst v0  }
0x8a: {  	v0 =	vld [tilespmem:s19+$0xFFFFFEF0]  }
0x8b: {  	v1 =	vld [tilespmem:s19+$0xFFFFFF30]  }
0x8c: {  	v2 =	vld [tilespmem:s19+$0xFFFFFF70]  }
0x8d: {  	v3 =	vld [tilespmem:s19+$0xFFFFFFB0]  }
0x8e: {  	v4 =	vld [tilespmem:s19+$0xFFFFFFF0]  }
0x8f: {  	v5 =	vld [tilespmem:s19+$0x30]  }
.Ltmp0:
0x90: {  	v1 =	vmax.bf16 v0, v1;
	v0 =	vld [tilespmem:s19+$0x70];
	(pc) =	sbr.rel @p0 .LBB2_3-.Ltmp0, $4  }
0x91: {  	v2 =	vmax.bf16 v1, v2;
	v1 =	vld [tilespmem:s19+$0xB0]  }
0x92: {  	v3 =	vmax.bf16 v2, v3;
	v2 =	vld [tilespmem:s19+$0xF0]  }
0x93: {  	v4 =	vmax.bf16 v3, v4;
	v3 =	vld [tilespmem:s19+$0x130]  }
0x94: {  	v4 =	vmax.bf16 v4, v5  }
0x95: {  	v0 =	vmax.bf16 v4, v0  }
0x96: {  	s19 =	sshll.u32 s17, $0xD;
	v0 =	vmax.bf16 v0, v1  }
0x97: {  	s19 =	sadd.s32 s3, s19;
	v0 =	vmax.bf16 v0, v2  }
0x98: {  	s19 =	sshrl.u32 s19, $0x4;
	v0 =	vmax.bf16 v0, v3  }
0x99: {  	s30 =	simm.s32 $0x0;
	s31 =	smul.u32 $0xA00, s17;
	s19 =	sadd.s32 s5, s19;
	[tilespmem:s20+$0xDD70] =	vst v0  }
0x9a: {  	[hbm4b:s19+s30] =	stream.linear.scatter [tilespmem:s14], [sflag:$0x3], $0x800, $0x38;
	[tilespmem:$0xE540] =	vst v63  }
0x9b: {  	_ =	swait.ge [sflag:s9], $0x800  }
0x9c: {  	s19 =	sshra.s32 s31, $0x2;
	[sflag:s9] =	ssyncset.done $0x0  }
0x9d: {  	s19 =	sadd.s32 $0x280, s19;
	[sflag:s9] =	ssyncadd.s32 $0xFFFFF800  }
0x9e: {  	[tilespmem:s11], [sflag:$0x1] =	stream.indirect.gather [hbm4b:s4+s10], $0x40, s19, s10, $0xb8;
	[tilespmem:$0xE540] =	vst v63  }
0x9f: {  	_ =	swait.ge [sflag:s15], $0x5000  }
0xa0: {  	[sflag:s15] =	ssyncset.done $0x0  }
0xa1: {  	s19 =	simm.s32 $0x8E80;
	[sflag:s15] =	ssyncadd.s32 $0xFFFFB000  }
0xa2: {  	v0 =	vld [tilespmem:s19+$0xFFFFFF00]  }
0xa3: {  	v1 =	vld [tilespmem:s19+$0xFFFFFEC0]  }
0xa4: {  	v2 =	vld [tilespmem:s19+$0xFFFFFF40]  }
0xa5: {  	v3 =	vld [tilespmem:s19+$0xFFFFFF80]  }
0xa6: {  	v4 =	vld [tilespmem:s19+$0xFFFFFFC0]  }
0xa7: {  	v5 =	vld [tilespmem:s19+$0x0]  }
0xa8: {  	v0 =	vmax.bf16 v1, v0;
	v1 =	vld [tilespmem:s19+$0x40]  }
0xa9: {  	v0 =	vmax.bf16 v0, v2;
	v2 =	vld [tilespmem:s19+$0x80]  }
0xaa: {  	v0 =	vmax.bf16 v0, v3;
	v3 =	vld [tilespmem:s19+$0xC0]  }
0xab: {  	v0 =	vmax.bf16 v0, v4;
	v4 =	vld [tilespmem:s19+$0x100]  }
0xac: {  	v0 =	vmax.bf16 v0, v5  }
0xad: {  	v0 =	vmax.bf16 v0, v1  }
0xae: {  	v0 =	vmax.bf16 v0, v2  }
0xaf: {  	v0 =	vmax.bf16 v0, v3  }
0xb0: {  	s20 =	simm.s32 $0x0;
	v0 =	vmax.bf16 v0, v4  }
0xb1: {  	[tilespmem:s20+$0xDD40] =	vst v0  }
0xb2: {  	v0 =	vld [tilespmem:s19+$0xFFFFFED0]  }
0xb3: {  	v1 =	vld [tilespmem:s19+$0xFFFFFF10]  }
0xb4: {  	v2 =	vld [tilespmem:s19+$0xFFFFFF50]  }
0xb5: {  	v3 =	vld [tilespmem:s19+$0xFFFFFF90]  }
0xb6: {  	v4 =	vld [tilespmem:s19+$0xFFFFFFD0]  }
0xb7: {  	v5 =	vld [tilespmem:s19+$0x10]  }
0xb8: {  	v0 =	vmax.bf16 v0, v1;
	v1 =	vld [tilespmem:s19+$0x50]  }
0xb9: {  	v0 =	vmax.bf16 v0, v2;
	v2 =	vld [tilespmem:s19+$0x90]  }
0xba: {  	v0 =	vmax.bf16 v0, v3;
	v3 =	vld [tilespmem:s19+$0xD0]  }
0xbb: {  	v0 =	vmax.bf16 v0, v4;
	v4 =	vld [tilespmem:s19+$0x110]  }
0xbc: {  	v0 =	vmax.bf16 v0, v5  }
0xbd: {  	v0 =	vmax.bf16 v0, v1  }
0xbe: {  	v0 =	vmax.bf16 v0, v2  }
0xbf: {  	v0 =	vmax.bf16 v0, v3  }
0xc0: {  	v0 =	vmax.bf16 v0, v4  }
0xc1: {  	[tilespmem:s20+$0xDD50] =	vst v0  }
0xc2: {  	v0 =	vld [tilespmem:s19+$0xFFFFFEE0]  }
0xc3: {  	v1 =	vld [tilespmem:s19+$0xFFFFFF20]  }
0xc4: {  	v2 =	vld [tilespmem:s19+$0xFFFFFF60]  }
0xc5: {  	v3 =	vld [tilespmem:s19+$0xFFFFFFA0]  }
0xc6: {  	v4 =	vld [tilespmem:s19+$0xFFFFFFE0]  }
0xc7: {  	v5 =	vld [tilespmem:s19+$0x20]  }
0xc8: {  	v0 =	vmax.bf16 v0, v1;
	v1 =	vld [tilespmem:s19+$0x60]  }
0xc9: {  	v0 =	vmax.bf16 v0, v2;
	v2 =	vld [tilespmem:s19+$0xA0]  }
0xca: {  	v0 =	vmax.bf16 v0, v3;
	v3 =	vld [tilespmem:s19+$0xE0]  }
0xcb: {  	v0 =	vmax.bf16 v0, v4;
	v4 =	vld [tilespmem:s19+$0x120]  }
0xcc: {  	v0 =	vmax.bf16 v0, v5  }
0xcd: {  	v0 =	vmax.bf16 v0, v1  }
0xce: {  	v0 =	vmax.bf16 v0, v2  }
0xcf: {  	v0 =	vmax.bf16 v0, v3  }
0xd0: {  	v0 =	vmax.bf16 v0, v4  }
0xd1: {  	[tilespmem:s20+$0xDD60] =	vst v0  }
0xd2: {  	v0 =	vld [tilespmem:s19+$0xFFFFFEF0]  }
0xd3: {  	v1 =	vld [tilespmem:s19+$0xFFFFFF30]  }
0xd4: {  	v2 =	vld [tilespmem:s19+$0xFFFFFF70]  }
0xd5: {  	v3 =	vld [tilespmem:s19+$0xFFFFFFB0]  }
0xd6: {  	v4 =	vld [tilespmem:s19+$0xFFFFFFF0]  }
0xd7: {  	v5 =	vld [tilespmem:s19+$0x30]  }
0xd8: {  	v1 =	vmax.bf16 v0, v1  }
0xd9: {  	v0 =	vld [tilespmem:s19+$0x70];
	v2 =	vmax.bf16 v1, v2  }
0xda: {  	v1 =	vld [tilespmem:s19+$0xB0];
	v3 =	vmax.bf16 v2, v3  }
0xdb: {  	v2 =	vld [tilespmem:s19+$0xF0];
	v4 =	vmax.bf16 v3, v4  }
0xdc: {  	s21 =	simm.s32 $0x100;
	v3 =	vld [tilespmem:s19+$0x130];
	v4 =	vmax.bf16 v4, v5  }
.LBB2_5:
0xdd: {  	p0 =	sne.s32 s21, $0x1F00  }
0xde: {  	s19 =	sadd.s32 $0x280, s19;
	s22 =	smov.u32 s21;
	s21 =	sadd.s32 $0x100, s21  }
0xdf: {  	v0 =	vmax.bf16 v4, v0  }
0xe0: {  	v0 =	vmax.bf16 v0, v1  }
0xe1: {  	v0 =	vmax.bf16 v0, v2  }
0xe2: {  	v0 =	vmax.bf16 v0, v3  }
0xe3: {  	[tilespmem:s20+$0xDD70] =	vst v0  }
0xe4: {  	v0 =	vld [tilespmem:s19+$0xFFFFFF00]  }
0xe5: {  	v1 =	vld [tilespmem:s19+$0xFFFFFEC0]  }
0xe6: {  	v2 =	vld [tilespmem:s19+$0xFFFFFF40]  }
0xe7: {  	v3 =	vld [tilespmem:s19+$0xFFFFFF80]  }
0xe8: {  	v4 =	vld [tilespmem:s19+$0xFFFFFFC0]  }
0xe9: {  	v5 =	vld [tilespmem:s19+$0x0]  }
0xea: {  	v0 =	vmax.bf16 v1, v0;
	v1 =	vld [tilespmem:s19+$0x40]  }
0xeb: {  	v0 =	vmax.bf16 v0, v2;
	v2 =	vld [tilespmem:s19+$0x80]  }
0xec: {  	v0 =	vmax.bf16 v0, v3;
	v3 =	vld [tilespmem:s19+$0xC0]  }
0xed: {  	v0 =	vmax.bf16 v0, v4;
	v4 =	vld [tilespmem:s19+$0x100]  }
0xee: {  	v0 =	vmax.bf16 v0, v5  }
0xef: {  	v0 =	vmax.bf16 v0, v1  }
0xf0: {  	v0 =	vmax.bf16 v0, v2  }
0xf1: {  	v0 =	vmax.bf16 v0, v3  }
0xf2: {  	s20 =	sshra.s32 s22, $0x2;
	v0 =	vmax.bf16 v0, v4  }
0xf3: {  	[tilespmem:s20+$0xDD40] =	vst v0  }
0xf4: {  	v0 =	vld [tilespmem:s19+$0xFFFFFED0]  }
0xf5: {  	v1 =	vld [tilespmem:s19+$0xFFFFFF10]  }
0xf6: {  	v2 =	vld [tilespmem:s19+$0xFFFFFF50]  }
0xf7: {  	v3 =	vld [tilespmem:s19+$0xFFFFFF90]  }
0xf8: {  	v4 =	vld [tilespmem:s19+$0xFFFFFFD0]  }
0xf9: {  	v5 =	vld [tilespmem:s19+$0x10]  }
0xfa: {  	v0 =	vmax.bf16 v0, v1;
	v1 =	vld [tilespmem:s19+$0x50]  }
0xfb: {  	v0 =	vmax.bf16 v0, v2;
	v2 =	vld [tilespmem:s19+$0x90]  }
0xfc: {  	v0 =	vmax.bf16 v0, v3;
	v3 =	vld [tilespmem:s19+$0xD0]  }
0xfd: {  	v0 =	vmax.bf16 v0, v4;
	v4 =	vld [tilespmem:s19+$0x110]  }
0xfe: {  	v0 =	vmax.bf16 v0, v5  }
0xff: {  	v0 =	vmax.bf16 v0, v1  }
0x100: {  	v0 =	vmax.bf16 v0, v2  }
0x101: {  	v0 =	vmax.bf16 v0, v3  }
0x102: {  	v0 =	vmax.bf16 v0, v4  }
0x103: {  	[tilespmem:s20+$0xDD50] =	vst v0  }
0x104: {  	v0 =	vld [tilespmem:s19+$0xFFFFFEE0]  }
0x105: {  	v1 =	vld [tilespmem:s19+$0xFFFFFF20]  }
0x106: {  	v2 =	vld [tilespmem:s19+$0xFFFFFF60]  }
0x107: {  	v3 =	vld [tilespmem:s19+$0xFFFFFFA0]  }
0x108: {  	v4 =	vld [tilespmem:s19+$0xFFFFFFE0]  }
0x109: {  	v5 =	vld [tilespmem:s19+$0x20]  }
0x10a: {  	v0 =	vmax.bf16 v0, v1;
	v1 =	vld [tilespmem:s19+$0x60]  }
0x10b: {  	v0 =	vmax.bf16 v0, v2;
	v2 =	vld [tilespmem:s19+$0xA0]  }
0x10c: {  	v0 =	vmax.bf16 v0, v3;
	v3 =	vld [tilespmem:s19+$0xE0]  }
0x10d: {  	v0 =	vmax.bf16 v0, v4;
	v4 =	vld [tilespmem:s19+$0x120]  }
0x10e: {  	v0 =	vmax.bf16 v0, v5  }
0x10f: {  	v0 =	vmax.bf16 v0, v1  }
0x110: {  	v0 =	vmax.bf16 v0, v2  }
0x111: {  	v0 =	vmax.bf16 v0, v3  }
0x112: {  	v0 =	vmax.bf16 v0, v4  }
0x113: {  	[tilespmem:s20+$0xDD60] =	vst v0  }
0x114: {  	v0 =	vld [tilespmem:s19+$0xFFFFFEF0]  }
0x115: {  	v1 =	vld [tilespmem:s19+$0xFFFFFF30]  }
0x116: {  	v2 =	vld [tilespmem:s19+$0xFFFFFF70]  }
0x117: {  	v3 =	vld [tilespmem:s19+$0xFFFFFFB0]  }
0x118: {  	v4 =	vld [tilespmem:s19+$0xFFFFFFF0]  }
0x119: {  	v5 =	vld [tilespmem:s19+$0x30]  }
.Ltmp1:
0x11a: {  	v1 =	vmax.bf16 v0, v1;
	v0 =	vld [tilespmem:s19+$0x70];
	(pc) =	sbr.rel @p0 .LBB2_5-.Ltmp1, $4  }
0x11b: {  	v2 =	vmax.bf16 v1, v2;
	v1 =	vld [tilespmem:s19+$0xB0]  }
0x11c: {  	v3 =	vmax.bf16 v2, v3;
	v2 =	vld [tilespmem:s19+$0xF0]  }
0x11d: {  	v4 =	vmax.bf16 v3, v4;
	v3 =	vld [tilespmem:s19+$0x130]  }
0x11e: {  	v4 =	vmax.bf16 v4, v5  }
0x11f: {  	v0 =	vmax.bf16 v4, v0  }
0x120: {  	s18 =	sshll.u32 s18, $0xC;
	v0 =	vmax.bf16 v0, v1  }
0x121: {  	s17 =	sadd.s32 $0x1, s17;
	s18 =	sadd.s32 s3, s18;
	v0 =	vmax.bf16 v0, v2  }
0x122: {  	p0 =	sne.s32 s17, $0x18;
	s18 =	sshrl.u32 s18, $0x4;
	v0 =	vmax.bf16 v0, v3  }
.Ltmp2:
0x123: {  	s18 =	sadd.s32 s5, s18;
	[tilespmem:s20+$0xDD70] =	vst v0;
	(pc) =	sbr.rel @p0 .LBB2_2-.Ltmp2, $4  }
0x124: {  	[hbm4b:s18+s2] =	stream.linear.scatter [tilespmem:s14], [sflag:$0x3], $0x800, $0x38;
	[tilespmem:$0xE540] =	vst v63  }
0x125: {  	_ =	swait.ge [sflag:s9], $0x800  }
0x126: {  	[sflag:s9] =	ssyncset.done $0x0  }
0x127: {  	[sflag:s9] =	ssyncadd.s32 $0xFFFFF800  }
0x128: {  	_ =	swait.ge [sflag:s13], $0x5000  }
0x129: {  	[sflag:s13] =	ssyncset.done $0x0  }
0x12a: {  	s17 =	simm.s32 $0x3E80;
	[sflag:s13] =	ssyncadd.s32 $0xFFFFB000  }
0x12b: {  	v0 =	vld [tilespmem:s17+$0xFFFFFF00]  }
0x12c: {  	v1 =	vld [tilespmem:s17+$0xFFFFFEC0]  }
0x12d: {  	v2 =	vld [tilespmem:s17+$0xFFFFFF40]  }
0x12e: {  	v3 =	vld [tilespmem:s17+$0xFFFFFF80]  }
0x12f: {  	v4 =	vld [tilespmem:s17+$0xFFFFFFC0]  }
0x130: {  	v5 =	vld [tilespmem:s17+$0x0]  }
0x131: {  	v0 =	vmax.bf16 v1, v0;
	v1 =	vld [tilespmem:s17+$0x40]  }
0x132: {  	v0 =	vmax.bf16 v0, v2;
	v2 =	vld [tilespmem:s17+$0x80]  }
0x133: {  	v0 =	vmax.bf16 v0, v3;
	v3 =	vld [tilespmem:s17+$0xC0]  }
0x134: {  	v0 =	vmax.bf16 v0, v4;
	v4 =	vld [tilespmem:s17+$0x100]  }
0x135: {  	v0 =	vmax.bf16 v0, v5  }
0x136: {  	v0 =	vmax.bf16 v0, v1  }
0x137: {  	v0 =	vmax.bf16 v0, v2  }
0x138: {  	v0 =	vmax.bf16 v0, v3  }
0x139: {  	s18 =	simm.s32 $0x0;
	v0 =	vmax.bf16 v0, v4  }
0x13a: {  	[tilespmem:s18+$0xDD40] =	vst v0  }
0x13b: {  	v0 =	vld [tilespmem:s17+$0xFFFFFED0]  }
0x13c: {  	v1 =	vld [tilespmem:s17+$0xFFFFFF10]  }
0x13d: {  	v2 =	vld [tilespmem:s17+$0xFFFFFF50]  }
0x13e: {  	v3 =	vld [tilespmem:s17+$0xFFFFFF90]  }
0x13f: {  	v4 =	vld [tilespmem:s17+$0xFFFFFFD0]  }
0x140: {  	v5 =	vld [tilespmem:s17+$0x10]  }
0x141: {  	v0 =	vmax.bf16 v0, v1;
	v1 =	vld [tilespmem:s17+$0x50]  }
0x142: {  	v0 =	vmax.bf16 v0, v2;
	v2 =	vld [tilespmem:s17+$0x90]  }
0x143: {  	v0 =	vmax.bf16 v0, v3;
	v3 =	vld [tilespmem:s17+$0xD0]  }
0x144: {  	v0 =	vmax.bf16 v0, v4;
	v4 =	vld [tilespmem:s17+$0x110]  }
0x145: {  	v0 =	vmax.bf16 v0, v5  }
0x146: {  	v0 =	vmax.bf16 v0, v1  }
0x147: {  	v0 =	vmax.bf16 v0, v2  }
0x148: {  	v0 =	vmax.bf16 v0, v3  }
0x149: {  	v0 =	vmax.bf16 v0, v4  }
0x14a: {  	[tilespmem:s18+$0xDD50] =	vst v0  }
0x14b: {  	v0 =	vld [tilespmem:s17+$0xFFFFFEE0]  }
0x14c: {  	v1 =	vld [tilespmem:s17+$0xFFFFFF20]  }
0x14d: {  	v2 =	vld [tilespmem:s17+$0xFFFFFF60]  }
0x14e: {  	v3 =	vld [tilespmem:s17+$0xFFFFFFA0]  }
0x14f: {  	v4 =	vld [tilespmem:s17+$0xFFFFFFE0]  }
0x150: {  	v5 =	vld [tilespmem:s17+$0x20]  }
0x151: {  	v0 =	vmax.bf16 v0, v1;
	v1 =	vld [tilespmem:s17+$0x60]  }
0x152: {  	v0 =	vmax.bf16 v0, v2;
	v2 =	vld [tilespmem:s17+$0xA0]  }
0x153: {  	v0 =	vmax.bf16 v0, v3;
	v3 =	vld [tilespmem:s17+$0xE0]  }
0x154: {  	v0 =	vmax.bf16 v0, v4;
	v4 =	vld [tilespmem:s17+$0x120]  }
0x155: {  	v0 =	vmax.bf16 v0, v5  }
0x156: {  	v0 =	vmax.bf16 v0, v1  }
0x157: {  	v0 =	vmax.bf16 v0, v2  }
0x158: {  	v0 =	vmax.bf16 v0, v3  }
0x159: {  	v0 =	vmax.bf16 v0, v4  }
0x15a: {  	[tilespmem:s18+$0xDD60] =	vst v0  }
0x15b: {  	v0 =	vld [tilespmem:s17+$0xFFFFFEF0]  }
0x15c: {  	v1 =	vld [tilespmem:s17+$0xFFFFFF30]  }
0x15d: {  	v2 =	vld [tilespmem:s17+$0xFFFFFF70]  }
0x15e: {  	v3 =	vld [tilespmem:s17+$0xFFFFFFB0]  }
0x15f: {  	v4 =	vld [tilespmem:s17+$0xFFFFFFF0]  }
0x160: {  	v5 =	vld [tilespmem:s17+$0x30]  }
0x161: {  	v1 =	vmax.bf16 v0, v1  }
0x162: {  	v0 =	vld [tilespmem:s17+$0x70];
	v2 =	vmax.bf16 v1, v2  }
0x163: {  	v1 =	vld [tilespmem:s17+$0xB0];
	v3 =	vmax.bf16 v2, v3  }
0x164: {  	v2 =	vld [tilespmem:s17+$0xF0];
	v4 =	vmax.bf16 v3, v4  }
0x165: {  	s19 =	simm.s32 $0x100;
	v3 =	vld [tilespmem:s17+$0x130];
	v4 =	vmax.bf16 v4, v5  }
.LBB2_8:
0x166: {  	p0 =	sne.s32 s19, $0x1F00  }
0x167: {  	s17 =	sadd.s32 $0x280, s17;
	s20 =	smov.u32 s19;
	s19 =	sadd.s32 $0x100, s19  }
0x168: {  	v0 =	vmax.bf16 v4, v0  }
0x169: {  	v0 =	vmax.bf16 v0, v1  }
0x16a: {  	v0 =	vmax.bf16 v0, v2  }
0x16b: {  	v0 =	vmax.bf16 v0, v3  }
0x16c: {  	[tilespmem:s18+$0xDD70] =	vst v0  }
0x16d: {  	v0 =	vld [tilespmem:s17+$0xFFFFFF00]  }
0x16e: {  	v1 =	vld [tilespmem:s17+$0xFFFFFEC0]  }
0x16f: {  	v2 =	vld [tilespmem:s17+$0xFFFFFF40]  }
0x170: {  	v3 =	vld [tilespmem:s17+$0xFFFFFF80]  }
0x171: {  	v4 =	vld [tilespmem:s17+$0xFFFFFFC0]  }
0x172: {  	v5 =	vld [tilespmem:s17+$0x0]  }
0x173: {  	v0 =	vmax.bf16 v1, v0;
	v1 =	vld [tilespmem:s17+$0x40]  }
0x174: {  	v0 =	vmax.bf16 v0, v2;
	v2 =	vld [tilespmem:s17+$0x80]  }
0x175: {  	v0 =	vmax.bf16 v0, v3;
	v3 =	vld [tilespmem:s17+$0xC0]  }
0x176: {  	v0 =	vmax.bf16 v0, v4;
	v4 =	vld [tilespmem:s17+$0x100]  }
0x177: {  	v0 =	vmax.bf16 v0, v5  }
0x178: {  	v0 =	vmax.bf16 v0, v1  }
0x179: {  	v0 =	vmax.bf16 v0, v2  }
0x17a: {  	v0 =	vmax.bf16 v0, v3  }
0x17b: {  	s18 =	sshra.s32 s20, $0x2;
	v0 =	vmax.bf16 v0, v4  }
0x17c: {  	[tilespmem:s18+$0xDD40] =	vst v0  }
0x17d: {  	v0 =	vld [tilespmem:s17+$0xFFFFFED0]  }
0x17e: {  	v1 =	vld [tilespmem:s17+$0xFFFFFF10]  }
0x17f: {  	v2 =	vld [tilespmem:s17+$0xFFFFFF50]  }
0x180: {  	v3 =	vld [tilespmem:s17+$0xFFFFFF90]  }
0x181: {  	v4 =	vld [tilespmem:s17+$0xFFFFFFD0]  }
0x182: {  	v5 =	vld [tilespmem:s17+$0x10]  }
0x183: {  	v0 =	vmax.bf16 v0, v1;
	v1 =	vld [tilespmem:s17+$0x50]  }
0x184: {  	v0 =	vmax.bf16 v0, v2;
	v2 =	vld [tilespmem:s17+$0x90]  }
0x185: {  	v0 =	vmax.bf16 v0, v3;
	v3 =	vld [tilespmem:s17+$0xD0]  }
0x186: {  	v0 =	vmax.bf16 v0, v4;
	v4 =	vld [tilespmem:s17+$0x110]  }
0x187: {  	v0 =	vmax.bf16 v0, v5  }
0x188: {  	v0 =	vmax.bf16 v0, v1  }
0x189: {  	v0 =	vmax.bf16 v0, v2  }
0x18a: {  	v0 =	vmax.bf16 v0, v3  }
0x18b: {  	v0 =	vmax.bf16 v0, v4  }
0x18c: {  	[tilespmem:s18+$0xDD50] =	vst v0  }
0x18d: {  	v0 =	vld [tilespmem:s17+$0xFFFFFEE0]  }
0x18e: {  	v1 =	vld [tilespmem:s17+$0xFFFFFF20]  }
0x18f: {  	v2 =	vld [tilespmem:s17+$0xFFFFFF60]  }
0x190: {  	v3 =	vld [tilespmem:s17+$0xFFFFFFA0]  }
0x191: {  	v4 =	vld [tilespmem:s17+$0xFFFFFFE0]  }
0x192: {  	v5 =	vld [tilespmem:s17+$0x20]  }
0x193: {  	v0 =	vmax.bf16 v0, v1;
	v1 =	vld [tilespmem:s17+$0x60]  }
0x194: {  	v0 =	vmax.bf16 v0, v2;
	v2 =	vld [tilespmem:s17+$0xA0]  }
0x195: {  	v0 =	vmax.bf16 v0, v3;
	v3 =	vld [tilespmem:s17+$0xE0]  }
0x196: {  	v0 =	vmax.bf16 v0, v4;
	v4 =	vld [tilespmem:s17+$0x120]  }
0x197: {  	v0 =	vmax.bf16 v0, v5  }
0x198: {  	v0 =	vmax.bf16 v0, v1  }
0x199: {  	v0 =	vmax.bf16 v0, v2  }
0x19a: {  	v0 =	vmax.bf16 v0, v3  }
0x19b: {  	v0 =	vmax.bf16 v0, v4  }
0x19c: {  	[tilespmem:s18+$0xDD60] =	vst v0  }
0x19d: {  	v0 =	vld [tilespmem:s17+$0xFFFFFEF0]  }
0x19e: {  	v1 =	vld [tilespmem:s17+$0xFFFFFF30]  }
0x19f: {  	v2 =	vld [tilespmem:s17+$0xFFFFFF70]  }
0x1a0: {  	v3 =	vld [tilespmem:s17+$0xFFFFFFB0]  }
0x1a1: {  	v4 =	vld [tilespmem:s17+$0xFFFFFFF0]  }
0x1a2: {  	v5 =	vld [tilespmem:s17+$0x30]  }
.Ltmp3:
0x1a3: {  	v1 =	vmax.bf16 v0, v1;
	v0 =	vld [tilespmem:s17+$0x70];
	(pc) =	sbr.rel @p0 .LBB2_8-.Ltmp3, $4  }
0x1a4: {  	v2 =	vmax.bf16 v1, v2;
	v1 =	vld [tilespmem:s17+$0xB0]  }
0x1a5: {  	v3 =	vmax.bf16 v2, v3;
	v2 =	vld [tilespmem:s17+$0xF0]  }
0x1a6: {  	v4 =	vmax.bf16 v3, v4;
	v3 =	vld [tilespmem:s17+$0x130]  }
0x1a7: {  	v4 =	vmax.bf16 v4, v5  }
0x1a8: {  	v0 =	vmax.bf16 v4, v0  }
0x1a9: {  	v0 =	vmax.bf16 v0, v1  }
0x1aa: {  	s16 =	sadd.s32 $0x1, s16;
	v0 =	vmax.bf16 v0, v2  }
0x1ab: {  	p0 =	sne.s32 s16, s8;
	v0 =	vmax.bf16 v0, v3  }
.Ltmp4:
0x1ac: {  	[tilespmem:s18+$0xDD70] =	vst v0;
	(pc) =	sbr.rel @p0 .LBB2_1-.Ltmp4, $4  }
0x1ad: {  	[hbm4b:s7+s2] =	stream.linear.scatter [tilespmem:s14], [sflag:$0x3], $0x800, $0x38;
	[tilespmem:$0xE540] =	vst v63  }
0x1ae: {  	_ =	swait.ge [sflag:s9], $0x800  }
0x1af: {  	[sflag:s9] =	ssyncset.done $0x0  }
0x1b0: {  	[sflag:s9] =	ssyncadd.s32 $0xFFFFF800  }
0x1b1: {  	_ =	sfence.sel $0x180000  }
0x1b2: {  	[bflag:$0x0] =	sbarrier.arrive $0xFFFF  }
0x1b3: {  	p0 =	sne.s32 s0, $0x0;
	_ =	strace $0x9000004D  }
0x1b4: {  	s0 =	sadd.s32 @!p0 $0x100000, s1;
	[bflag:$0x2] =	sbarrier.arrive $0xFFFF  }
0x1b5: {  	[sflag:s0] =	ssyncadd.tile.s32 @!p0 $0x1;
	_ =	shalt  }
.Lfunc_end2:
_tile_overlayer_lowered:
.L_overlay_start_2:
0x1b6: {  	(tag) =	ssettag $0x2  }
0x1b7: {  	s0 =	rddreg [dreg:$0x0];
	s2 =	stileid.u32  }
0x1b8: {  	s1 =	rddreg [dreg:$0x1];
	p0 =	sne.s32 s2, $0x0  }
0x1b9: {  	s3 =	rddreg [dreg:$0x2];
	[bflag:$0x3] =	sbarrier.arrive $0xFFFF;
	s2 =	simm.s32 @!p0 $0x1C03  }
0x1ba: {  	[timem:s3], [sflag:s2] =	dma.local @!p0 [hbm:s0], s1  }
0x1bb: {  	s0 =	simm.s32 @!p0 $0x3  }
0x1bc: {  	_ =	swait.ge @!p0 [sflag:s0], s1  }
0x1bd: {  	s1 =	ssub.s32 @!p0 $0x0, s1;
	[sflag:s0] =	ssyncset.done @!p0 $0x0  }
0x1be: {  	[sflag:s0] =	ssyncadd.s32 @!p0 s1  }
0x1bf: {  	[bflag:$0x3] =	sbarrier.arrive $0xFFFF  }
0x1c0: {  	_ =	shalt  }

// kernel: kernel.9.cloned.1.call-start
scs
__scs_entry_jumppad:
0x0: {  	(pc) =	sbr.rel $0x88, $3  }
0x1: {  	(tag) =	ssettag $0x0;
	lr =	simm.s32 $0x1  }
0x2: {  	[smem:$0x3F8F] =	sst lr;
	_ =	strace $0xD0000000  }
0x3: {  	_ = 	snop  }
0x4: {  	_ = 	snop  }
0x5: {  	_ = 	snop  }
0x6: {  	_ = 	snop  }
0x7: {  	_ = 	snop  }
__scs_overlays_trampoline_lowered:
0x8: {  	[smem:$0x3F9E] =	sst s0  }
0x9: {  	[smem:$0x3F9F] =	sst s1  }
0xa: {  	[smem:$0x3FA0] =	sst s2  }
0xb: {  	[smem:$0x3FA1] =	sst s3  }
0xc: {  	[smem:$0x3FA2] =	sst s4  }
0xd: {  	[smem:$0x3FA3] =	sst s5  }
0xe: {  	[smem:$0x3FA4] =	sst s6  }
0xf: {  	[smem:$0x3FA5] =	sst s7  }
0x10: {  	[smem:$0x3FA6] =	sst s8  }
0x11: {  	[smem:$0x3FA7] =	sst s9;
	s0 =	simm.s32 @!p0 $0x0  }
0x12: {  	s1 =	sld [smem:$0x3F8D];
	s0 =	simm.s32 @p0 $0x1  }
0x13: {  	[smem:$0x3FA8] =	sst s0;
	s0 =	simm.s32 @!p1 $0x0  }
0x14: {  	s2 =	sld [smem:$0x3F8C];
	s0 =	simm.s32 @p1 $0x1  }
0x15: {  	[smem:$0x3FA9] =	sst s0;
	s0 =	simm.s32 @!p2 $0x0  }
0x16: {  	s3 =	sld [smem:$0x3FDB];
	s0 =	simm.s32 @p2 $0x1  }
0x17: {  	s4 =	simm.s32 $0x1BF5;
	[smem:$0x3FAB] =	sst s0  }
0x18: {  	s0 =	sld [smem:$0x3F8E];
	_ =	swait.ge [sflag:s4], $0x0  }
0x19: {  	s7 =	sld [smem:$0x3F8F]  }
0x1a: {  	s8 =	sadd.s32 $0xFFFFE003, lr  }
0x1b: {  	s9 =	sadd.s32 $0xFFFFFEF7, lr;
	s5 =	simm.s32 $0xFFFFFFFF;
	p2 =	slt.u32 s8, $0xFFFFF086  }
0x1c: {  	p1 =	slt.u32 s9, $0xF7A;
	s5 =	simm.s32 @!p2 $0x0  }
0x1d: {  	s5 =	simm.s32 @p1 $0x1;
	p0 =	seq.s32 s7, s2  }
0x1e: {  	s7 =	smul.u32 @!p0 $0xF7A, s2;
	p2 =	seq.s32 @!p0 s5, $0x0  }
0x1f: {  	s9 =	smul.u32 $0xF7A, s1;
	s8 =	simm.s32 @!p0 $0x1BF5;
	p2 =	por !p2, p0  }
0x20: {  	[sflag:s8] =	ssyncset.s32 @!p0 $0xFFFFF086;
	s6 =	sadd.s32 @!p0 s3, s7;
	s7 =	simm.s32 @!p0 $0x108  }
0x21: {  	s3 =	sadd.s32 s3, s9;
	s6 =	sadd.s32 @!p0 $0x88, s6;
	s7 =	simm.s32 @p2 $0x1082  }
0x22: {  	[simem:s7], [sflag:s8] =	dma.local @!p0 [hbm:s6], $0xF7A  }
0x23: {  	s9 =	sor.u32 $0xD0000000, s2;
	s6 =	simm.s32 $0x108;
	_ =	swait.ge @!p0 [sflag:s8], $0x0  }
0x24: {  	s3 =	sadd.s32 $0x88, s3;
	s6 =	simm.s32 @!p1 $0x1082;
	[sflag:s4] =	ssyncset.s32 $0xFFFFF086  }
0x25: {  	[simem:s6], [sflag:s4] =	dma.local [hbm:s3], $0xF7A  }
0x26: {  	[smem:$0x3F8F] =	sst s1;
	(tag) =	ssettag s2;
	_ =	strace s9  }
0x27: {  	s1 =	sld [smem:$0x3F9F]  }
0x28: {  	s2 =	sld [smem:$0x3FA0]  }
0x29: {  	s4 =	sld [smem:$0x3FA2]  }
0x2a: {  	p0 =	seq.s32 s5, $0x0;
	s5 =	sld [smem:$0x3FA3]  }
0x2b: {  	s6 =	sld [smem:$0x3FA4]  }
0x2c: {  	s7 =	sld [smem:$0x3FA5]  }
0x2d: {  	s3 =	simm.s32 $0x108;
	s8 =	sld [smem:$0x3FA6]  }
0x2e: {  	s3 =	simm.s32 @!p0 $0x1082;
	s9 =	sld [smem:$0x3FA7]  }
0x2f: {  	lr =	sadd.s32 s0, s3;
	s0 =	sld [smem:$0x3F9E]  }
0x30: {  	s3 =	sld [smem:$0x3FA1]  }
0x31: {  	[smem:$0x3FAA] =	sst s10  }
0x32: {  	s10 =	sld [smem:$0x3FA8];
	_ =	sdelay $0x3  }
0x33: {  	p0 =	seq.s32 s10, $0x1;
	s10 =	sld [smem:$0x3FAA];
	_ =	sdelay $0x3  }
0x34: {  	[smem:$0x3FAA] =	sst s10  }
0x35: {  	s10 =	sld [smem:$0x3FA9];
	_ =	sdelay $0x3  }
0x36: {  	p1 =	seq.s32 s10, $0x1;
	s10 =	sld [smem:$0x3FAA];
	_ =	sdelay $0x3  }
0x37: {  	[smem:$0x3FAA] =	sst s10  }
0x38: {  	s10 =	sld [smem:$0x3FAB]  }
0x39: {  	_ = 	snop;
	(pc) =	sbr.ind lr, $3  }
0x3a: {  	_ = 	snop  }
0x3b: {  	_ = 	snop  }
0x3c: {  	p2 =	seq.s32 s10, $0x1;
	s10 =	sld [smem:$0x3FAA]  }
0x3d: {  	_ =	shalt  }
0x3e: {  	_ =	shalt  }
0x3f: {  	_ =	shalt  }
0x40: {  	_ =	shalt  }
0x41: {  	_ =	shalt  }
0x42: {  	_ =	shalt  }
0x43: {  	_ =	shalt  }
0x44: {  	_ =	shalt  }
0x45: {  	_ =	shalt  }
0x46: {  	_ =	shalt  }
0x47: {  	_ =	shalt  }
0x48: {  	_ =	shalt  }
0x49: {  	_ =	shalt  }
0x4a: {  	_ =	shalt  }
0x4b: {  	_ =	shalt  }
0x4c: {  	_ =	shalt  }
0x4d: {  	_ =	shalt  }
0x4e: {  	_ =	shalt  }
0x4f: {  	_ =	shalt  }
0x50: {  	_ =	shalt  }
0x51: {  	_ =	shalt  }
0x52: {  	_ =	shalt  }
0x53: {  	_ =	shalt  }
0x54: {  	_ =	shalt  }
0x55: {  	_ =	shalt  }
0x56: {  	_ =	shalt  }
0x57: {  	_ =	shalt  }
0x58: {  	_ =	shalt  }
0x59: {  	_ =	shalt  }
0x5a: {  	_ =	shalt  }
0x5b: {  	_ =	shalt  }
0x5c: {  	_ =	shalt  }
0x5d: {  	_ =	shalt  }
0x5e: {  	_ =	shalt  }
0x5f: {  	_ =	shalt  }
0x60: {  	_ =	shalt  }
0x61: {  	_ =	shalt  }
0x62: {  	_ =	shalt  }
0x63: {  	_ =	shalt  }
0x64: {  	_ =	shalt  }
0x65: {  	_ =	shalt  }
0x66: {  	_ =	shalt  }
0x67: {  	_ =	shalt  }
0x68: {  	_ =	shalt  }
0x69: {  	_ =	shalt  }
0x6a: {  	_ =	shalt  }
0x6b: {  	_ =	shalt  }
0x6c: {  	_ =	shalt  }
0x6d: {  	_ =	shalt  }
0x6e: {  	_ =	shalt  }
0x6f: {  	_ =	shalt  }
0x70: {  	_ =	shalt  }
0x71: {  	_ =	shalt  }
0x72: {  	_ =	shalt  }
0x73: {  	_ =	shalt  }
0x74: {  	_ =	shalt  }
0x75: {  	_ =	shalt  }
0x76: {  	_ =	shalt  }
0x77: {  	_ =	shalt  }
0x78: {  	_ =	shalt  }
0x79: {  	_ =	shalt  }
0x7a: {  	_ =	shalt  }
0x7b: {  	_ =	shalt  }
0x7c: {  	_ =	shalt  }
0x7d: {  	_ =	shalt  }
0x7e: {  	_ =	shalt  }
0x7f: {  	_ =	shalt  }
0x80: {  	_ =	shalt  }
0x81: {  	_ =	shalt  }
0x82: {  	_ =	shalt  }
0x83: {  	_ =	shalt  }
0x84: {  	_ =	shalt  }
0x85: {  	_ =	shalt  }
0x86: {  	_ =	shalt  }
0x87: {  	_ =	shalt  }
.Lfunc_end0:
.L_simem_size_0:
called_computation_lowered:
.L_overlay_start_0:
0x88: {  	s2 =	sld [smem:$0x3FD9]  }
0x89: {  	s3 =	sld [smem:$0x3FFE];
	_ =	sdelay $0x1  }
0x8a: {  	s1 =	srdreg.scid  }
0x8b: {  	s0 =	sand.u32 $0x1, s1  }
0x8c: {  	s17 =	sshll.u32 s0, $0xA;
	s2 =	sadd.s32 s3, s2  }
0x8d: {  	s2 =	sadd.s32 s2, s17  }
0x8e: {  	[smem:$0x3FB6] =	sst s2  }
0x8f: {  	_ = 	snop  }
0x90: {  	s2 =	sld [smem:$0x3FD0];
	(tm) =	ssettm $0x1  }
0x91: {  	s18 =	sld [smem:$0x3FFB];
	_ =	sdelay $0x3  }
0x92: {  	_ =	strace s18  }
0x93: {  	s3 =	sld [smem:$0x3FFC];
	_ =	sdelay $0x3  }
0x94: {  	_ =	strace s3  }
0x95: {  	s3 =	sld [smem:$0x3FFD];
	_ =	sdelay $0x3  }
0x96: {  	_ =	strace s3  }
0x97: {  	_ =	strace $0x8FFFFFFF  }
0x98: {  	s19 =	sld [smem:$0x3FDB];
	_ =	sdelay $0x1  }
0x99: {  	s4 =	simm.s32 $_scs_section_size  }
0x9a: {  	s5 =	simm.s32 $_size__tile_overlayer_lowered;
	s6 =	simm.s32 $_tile_overlayer_lowered  }
0x9b: {  	s22 =	simm.s32 $0x1BFF;
	s21 =	sshll.u32 s6, $0x1;
	s3 =	sadd.s32 s4, s19  }
0x9c: {  	s7 =	simm.s32 $0x0;
	s20 =	sshll.u32 s5, $0x1;
	s5 =	sadd.s32 s21, s3  }
0x9d: {  	[timem:s7], [sflag:s22] =	dma.local [hbm:s5], s20  }
0x9e: {  	_ =	swait.ge [sflag:s22], s20  }
0x9f: {  	s4 =	ssub.s32 $0x0, s20;
	[sflag:s22] =	ssyncset.done $0x0  }
0xa0: {  	[sflag:s22] =	ssyncadd.s32 s4;
	_ =	sdelay $0x1  }
0xa1: {  	s23 =	simm.s32 $0x1B8B  }
0xa2: {  	_ =	swait.ge [sflag:s23], $0x1  }
0xa3: {  	[sflag:s23] =	ssyncset.done $0x0  }
0xa4: {  	s25 =	simm.s32 $0x1B8E;
	s24 =	sld [smem:$0x3FFE];
	[sflag:s23] =	ssyncadd.s32 $0xFFFFFFFF  }
0xa5: {  	s26 =	simm.s32 $execute0_lowered;
	[smem:$0x3FD2] =	sst s25  }
0xa6: {  	s5 =	sshll.u32 s26, $0x1;
	_ =	strace $0x80000046;
	[dreg:$0x1] =	wrdreg $0xFFFFFFFF  }
0xa7: {  	s28 =	simm.s32 $_size_execute0_lowered;
	s3 =	sadd.s32 s3, s5;
	[dreg:$0x0] =	wrdreg $0x0  }
0xa8: {  	s5 =	sshll.u32 s28, $0x1;
	[dreg:$0x2] =	wrdreg s3  }
0xa9: {  	[dreg:$0x3] =	wrdreg s5  }
0xaa: {  	[dreg:$0x4] =	wrdreg $0xC0  }
0xab: {  	_ =	task [dreg:s7], $0x5FFFF  }
0xac: {  	[dreg:$0x1] =	wrdreg $0xFFFFFFFF  }
0xad: {  	[dreg:$0x0] =	wrdreg $0x60  }
0xae: {  	[dreg:$0x2] =	wrdreg s24  }
0xaf: {  	[dreg:$0x3] =	wrdreg s2  }
0xb0: {  	[dreg:$0x4] =	wrdreg $0x9  }
0xb1: {  	_ =	task.clear_ibuf [dreg:s7], $0x5FFFF;
	_ =	strace $0x90000046  }
0xb2: {  	s29 =	simm.s32 $0x9;
	_ =	strace $0x80000048  }
0xb3: {  	_ =	swait.ge [sflag:s29], $0x1  }
0xb4: {  	[sflag:s29] =	ssyncadd.s32 $0xFFFFFFFF  }
0xb5: {  	_ =	strace $0x90000048  }
0xb6: {  	_ =	sfence  }
0xb7: {  	s30 =	sld [smem:$0x0];
	_ =	sdelay $0x2  }
0xb8: {  	s31 =	sshll.u32 s1, $0xD;
	s1 =	sshrl.u32 s1, $0x2  }
0xb9: {  	s3 =	sand.u32 $0x4000, s31;
	s1 =	sadd.s32 s1, s30  }
0xba: {  	s0 =	sor.u32 s3, s0;
	s1 =	sshll.u32 s1, $0x11  }
0xbb: {  	s0 =	sor.u32 s1, s0  }
0xbc: {  	s0 =	sadd.s32 $0x8F2B, s0  }
0xbd: {  	[sflag:s0] =	ssyncadd.remote.s32 $0x1  }
0xbe: {  	_ =	sfence.sel $0xFFFF  }
0xbf: {  	[dreg:$0x0] =	wrdreg $0xFFFFFFFF;
	(pc) =	sbr.abs _section_cstart, $3  }
0xc0: {  	[dreg:$0x1] =	wrdreg $0xFFFFFFFF  }
0xc1: {  	_ =	task.clear_ibuf [dreg:s7], $0x2FFFF;
	_ =	strace $0x9FFFFFFF  }
0xc2: {  	(tm) =	ssettm $0x7FFFFFFF  }
0xc3: {  	_ =	shalt  }
tec
execute0_lowered:
.L_overlay_start_1:
0x0: {  	(tag) =	ssettag $0x1  }
0x1: {  	s6 =	rddreg [dreg:$0x0];
	s1 =	srdreg.scid  }
0x2: {  	s0 =	stileid.u32;
	s2 =	rddreg [dreg:$0x1]  }
0x3: {  	s3 =	simm.s32 $0x0;
	s10 =	simm.s32 $0x140;
	s11 =	simm.s32 $0x3D40  }
0x4: {  	s12 =	simm.s32 $0x8D40;
	s7 =	sand.u32 $0x1, s1;
	s4 =	sshll.u32 s0, $0x1  }
0x5: {  	s13 =	simm.s32 $0x1;
	s14 =	simm.s32 $0xDD40;
	s5 =	sor.u32 s7, s4  }
0x6: {  	s15 =	simm.s32 $0x2;
	s1 =	rddreg [dreg:$0x2];
	s4 =	smul.u32 $0x31000, s5  }
0x7: {  	s16 =	simm.s32 $0x0;
	[smem:$0x7FF] =	sst s3;
	s8 =	smul.u32 $0x7A8, s5  }
0x8: {  	_ =	strace $0x80000047;
	s7 =	ssub.s32 $0x2, s7;
	s5 =	sadd.s32 $0x3800, s6  }
0x9: {  	s31 =	sshrl.u32 s7, $0x1;
	s9 =	sshrl.u32 s4, $0x4;
	s6 =	sadd.s32 s8, s6  }
0xa: {  	s8 =	ssub.s32 s7, s31;
	s9 =	sadd.s32 s2, s9;
	s6 =	sadd.s32 $0x65400, s6  }
0xb: {  	s8 =	smax.u32 s8, $0x1;
	s7 =	sadd.s32 $0x3000, s9;
	s9 =	simm.s32 $0x3  }
.LBB2_1:
0xc: {  	[tilespmem:s3], [sflag:$0x3] =	stream.linear.gather [hbm4b:s6+s3], $0x3D40, $0x38;
	[tilespmem:$0xE540] =	vst v63  }
0xd: {  	_ =	swait.ge [sflag:s9], $0x3D40  }
0xe: {  	[sflag:s9] =	ssyncset.done $0x0  }
0xf: {  	s17 =	simm.s32 $0x0;
	[sflag:s9] =	ssyncadd.s32 $0xFFFFC2C0  }
0x10: {  	[tilespmem:s11], [sflag:$0x1] =	stream.indirect.gather [hbm4b:s5+s10], $0x40, s3, s10, $0xb8;
	[tilespmem:$0xE540] =	vst v63  }
.LBB2_2:
0x11: {  	s18 =	sshllo.u32 s17, $0x1  }
0x12: {  	s19 =	smul.u32 $0x500, s18;
	_ =	sdelay $0x1  }
0x13: {  	s19 =	sshra.s32 s19, $0x2  }
0x14: {  	[tilespmem:s12], [sflag:$0x2] =	stream.indirect.gather [hbm4b:s5+s10], $0x40, s19, s10, $0xb8;
	[tilespmem:$0xE540] =	vst v63  }
0x15: {  	_ =	swait.ge [sflag:s13], $0x5000  }
0x16: {  	[sflag:s13] =	ssyncset.done $0x0  }
0x17: {  	s19 =	simm.s32 $0x3E80;
	[sflag:s13] =	ssyncadd.s32 $0xFFFFB000  }
0x18: {  	v0 =	vld [tilespmem:s19+$0xFFFFFF00]  }
0x19: {  	v1 =	vld [tilespmem:s19+$0xFFFFFEC0]  }
0x1a: {  	v2 =	vld [tilespmem:s19+$0xFFFFFF40]  }
0x1b: {  	v3 =	vld [tilespmem:s19+$0xFFFFFF80]  }
0x1c: {  	v4 =	vld [tilespmem:s19+$0xFFFFFFC0]  }
0x1d: {  	v5 =	vld [tilespmem:s19+$0x0]  }
0x1e: {  	v0 =	vmax.bf16 v1, v0;
	v1 =	vld [tilespmem:s19+$0x40]  }
0x1f: {  	v0 =	vmax.bf16 v0, v2;
	v2 =	vld [tilespmem:s19+$0x80]  }
0x20: {  	v0 =	vmax.bf16 v0, v3;
	v3 =	vld [tilespmem:s19+$0xC0]  }
0x21: {  	v0 =	vmax.bf16 v0, v4;
	v4 =	vld [tilespmem:s19+$0x100]  }
0x22: {  	v0 =	vmax.bf16 v0, v5  }
0x23: {  	v0 =	vmax.bf16 v0, v1  }
0x24: {  	v0 =	vmax.bf16 v0, v2  }
0x25: {  	v0 =	vmax.bf16 v0, v3  }
0x26: {  	s20 =	simm.s32 $0x0;
	v0 =	vmax.bf16 v0, v4  }
0x27: {  	[tilespmem:s20+$0xDD40] =	vst v0  }
0x28: {  	v0 =	vld [tilespmem:s19+$0xFFFFFED0]  }
0x29: {  	v1 =	vld [tilespmem:s19+$0xFFFFFF10]  }
0x2a: {  	v2 =	vld [tilespmem:s19+$0xFFFFFF50]  }
0x2b: {  	v3 =	vld [tilespmem:s19+$0xFFFFFF90]  }
0x2c: {  	v4 =	vld [tilespmem:s19+$0xFFFFFFD0]  }
0x2d: {  	v5 =	vld [tilespmem:s19+$0x10]  }
0x2e: {  	v0 =	vmax.bf16 v0, v1;
	v1 =	vld [tilespmem:s19+$0x50]  }
0x2f: {  	v0 =	vmax.bf16 v0, v2;
	v2 =	vld [tilespmem:s19+$0x90]  }
0x30: {  	v0 =	vmax.bf16 v0, v3;
	v3 =	vld [tilespmem:s19+$0xD0]  }
0x31: {  	v0 =	vmax.bf16 v0, v4;
	v4 =	vld [tilespmem:s19+$0x110]  }
0x32: {  	v0 =	vmax.bf16 v0, v5  }
0x33: {  	v0 =	vmax.bf16 v0, v1  }
0x34: {  	v0 =	vmax.bf16 v0, v2  }
0x35: {  	v0 =	vmax.bf16 v0, v3  }
0x36: {  	v0 =	vmax.bf16 v0, v4  }
0x37: {  	[tilespmem:s20+$0xDD50] =	vst v0  }
0x38: {  	v0 =	vld [tilespmem:s19+$0xFFFFFEE0]  }
0x39: {  	v1 =	vld [tilespmem:s19+$0xFFFFFF20]  }
0x3a: {  	v2 =	vld [tilespmem:s19+$0xFFFFFF60]  }
0x3b: {  	v3 =	vld [tilespmem:s19+$0xFFFFFFA0]  }
0x3c: {  	v4 =	vld [tilespmem:s19+$0xFFFFFFE0]  }
0x3d: {  	v5 =	vld [tilespmem:s19+$0x20]  }
0x3e: {  	v0 =	vmax.bf16 v0, v1;
	v1 =	vld [tilespmem:s19+$0x60]  }
0x3f: {  	v0 =	vmax.bf16 v0, v2;
	v2 =	vld [tilespmem:s19+$0xA0]  }
0x40: {  	v0 =	vmax.bf16 v0, v3;
	v3 =	vld [tilespmem:s19+$0xE0]  }
0x41: {  	v0 =	vmax.bf16 v0, v4;
	v4 =	vld [tilespmem:s19+$0x120]  }
0x42: {  	v0 =	vmax.bf16 v0, v5  }
0x43: {  	v0 =	vmax.bf16 v0, v1  }
0x44: {  	v0 =	vmax.bf16 v0, v2  }
0x45: {  	v0 =	vmax.bf16 v0, v3  }
0x46: {  	v0 =	vmax.bf16 v0, v4  }
0x47: {  	[tilespmem:s20+$0xDD60] =	vst v0  }
0x48: {  	v0 =	vld [tilespmem:s19+$0xFFFFFEF0]  }
0x49: {  	v1 =	vld [tilespmem:s19+$0xFFFFFF30]  }
0x4a: {  	v2 =	vld [tilespmem:s19+$0xFFFFFF70]  }
0x4b: {  	v3 =	vld [tilespmem:s19+$0xFFFFFFB0]  }
0x4c: {  	v4 =	vld [tilespmem:s19+$0xFFFFFFF0]  }
0x4d: {  	v5 =	vld [tilespmem:s19+$0x30]  }
0x4e: {  	v1 =	vmax.bf16 v0, v1  }
0x4f: {  	v0 =	vld [tilespmem:s19+$0x70];
	v2 =	vmax.bf16 v1, v2  }
0x50: {  	v1 =	vld [tilespmem:s19+$0xB0];
	v3 =	vmax.bf16 v2, v3  }
0x51: {  	v2 =	vld [tilespmem:s19+$0xF0];
	v4 =	vmax.bf16 v3, v4  }
0x52: {  	s21 =	simm.s32 $0x100;
	v3 =	vld [tilespmem:s19+$0x130];
	v4 =	vmax.bf16 v4, v5  }
.LBB2_3:
0x53: {  	p0 =	sne.s32 s21, $0x1F00  }
0x54: {  	s19 =	sadd.s32 $0x280, s19;
	s22 =	smov.u32 s21;
	s21 =	sadd.s32 $0x100, s21  }
0x55: {  	v0 =	vmax.bf16 v4, v0  }
0x56: {  	v0 =	vmax.bf16 v0, v1  }
0x57: {  	v0 =	vmax.bf16 v0, v2  }
0x58: {  	v0 =	vmax.bf16 v0, v3  }
0x59: {  	[tilespmem:s20+$0xDD70] =	vst v0  }
0x5a: {  	v0 =	vld [tilespmem:s19+$0xFFFFFF00]  }
0x5b: {  	v1 =	vld [tilespmem:s19+$0xFFFFFEC0]  }
0x5c: {  	v2 =	vld [tilespmem:s19+$0xFFFFFF40]  }
0x5d: {  	v3 =	vld [tilespmem:s19+$0xFFFFFF80]  }
0x5e: {  	v4 =	vld [tilespmem:s19+$0xFFFFFFC0]  }
0x5f: {  	v5 =	vld [tilespmem:s19+$0x0]  }
0x60: {  	v0 =	vmax.bf16 v1, v0;
	v1 =	vld [tilespmem:s19+$0x40]  }
0x61: {  	v0 =	vmax.bf16 v0, v2;
	v2 =	vld [tilespmem:s19+$0x80]  }
0x62: {  	v0 =	vmax.bf16 v0, v3;
	v3 =	vld [tilespmem:s19+$0xC0]  }
0x63: {  	v0 =	vmax.bf16 v0, v4;
	v4 =	vld [tilespmem:s19+$0x100]  }
0x64: {  	v0 =	vmax.bf16 v0, v5  }
0x65: {  	v0 =	vmax.bf16 v0, v1  }
0x66: {  	v0 =	vmax.bf16 v0, v2  }
0x67: {  	v0 =	vmax.bf16 v0, v3  }
0x68: {  	s20 =	sshra.s32 s22, $0x2;
	v0 =	vmax.bf16 v0, v4  }
0x69: {  	[tilespmem:s20+$0xDD40] =	vst v0  }
0x6a: {  	v0 =	vld [tilespmem:s19+$0xFFFFFED0]  }
0x6b: {  	v1 =	vld [tilespmem:s19+$0xFFFFFF10]  }
0x6c: {  	v2 =	vld [tilespmem:s19+$0xFFFFFF50]  }
0x6d: {  	v3 =	vld [tilespmem:s19+$0xFFFFFF90]  }
0x6e: {  	v4 =	vld [tilespmem:s19+$0xFFFFFFD0]  }
0x6f: {  	v5 =	vld [tilespmem:s19+$0x10]  }
0x70: {  	v0 =	vmax.bf16 v0, v1;
	v1 =	vld [tilespmem:s19+$0x50]  }
0x71: {  	v0 =	vmax.bf16 v0, v2;
	v2 =	vld [tilespmem:s19+$0x90]  }
0x72: {  	v0 =	vmax.bf16 v0, v3;
	v3 =	vld [tilespmem:s19+$0xD0]  }
0x73: {  	v0 =	vmax.bf16 v0, v4;
	v4 =	vld [tilespmem:s19+$0x110]  }
0x74: {  	v0 =	vmax.bf16 v0, v5  }
0x75: {  	v0 =	vmax.bf16 v0, v1  }
0x76: {  	v0 =	vmax.bf16 v0, v2  }
0x77: {  	v0 =	vmax.bf16 v0, v3  }
0x78: {  	v0 =	vmax.bf16 v0, v4  }
0x79: {  	[tilespmem:s20+$0xDD50] =	vst v0  }
0x7a: {  	v0 =	vld [tilespmem:s19+$0xFFFFFEE0]  }
0x7b: {  	v1 =	vld [tilespmem:s19+$0xFFFFFF20]  }
0x7c: {  	v2 =	vld [tilespmem:s19+$0xFFFFFF60]  }
0x7d: {  	v3 =	vld [tilespmem:s19+$0xFFFFFFA0]  }
0x7e: {  	v4 =	vld [tilespmem:s19+$0xFFFFFFE0]  }
0x7f: {  	v5 =	vld [tilespmem:s19+$0x20]  }
0x80: {  	v0 =	vmax.bf16 v0, v1;
	v1 =	vld [tilespmem:s19+$0x60]  }
0x81: {  	v0 =	vmax.bf16 v0, v2;
	v2 =	vld [tilespmem:s19+$0xA0]  }
0x82: {  	v0 =	vmax.bf16 v0, v3;
	v3 =	vld [tilespmem:s19+$0xE0]  }
0x83: {  	v0 =	vmax.bf16 v0, v4;
	v4 =	vld [tilespmem:s19+$0x120]  }
0x84: {  	v0 =	vmax.bf16 v0, v5  }
0x85: {  	v0 =	vmax.bf16 v0, v1  }
0x86: {  	v0 =	vmax.bf16 v0, v2  }
0x87: {  	v0 =	vmax.bf16 v0, v3  }
0x88: {  	v0 =	vmax.bf16 v0, v4  }
0x89: {  	[tilespmem:s20+$0xDD60] =	vst v0  }
0x8a: {  	v0 =	vld [tilespmem:s19+$0xFFFFFEF0]  }
0x8b: {  	v1 =	vld [tilespmem:s19+$0xFFFFFF30]  }
0x8c: {  	v2 =	vld [tilespmem:s19+$0xFFFFFF70]  }
0x8d: {  	v3 =	vld [tilespmem:s19+$0xFFFFFFB0]  }
0x8e: {  	v4 =	vld [tilespmem:s19+$0xFFFFFFF0]  }
0x8f: {  	v5 =	vld [tilespmem:s19+$0x30]  }
.Ltmp0:
0x90: {  	v1 =	vmax.bf16 v0, v1;
	v0 =	vld [tilespmem:s19+$0x70];
	(pc) =	sbr.rel @p0 .LBB2_3-.Ltmp0, $4  }
0x91: {  	v2 =	vmax.bf16 v1, v2;
	v1 =	vld [tilespmem:s19+$0xB0]  }
0x92: {  	v3 =	vmax.bf16 v2, v3;
	v2 =	vld [tilespmem:s19+$0xF0]  }
0x93: {  	v4 =	vmax.bf16 v3, v4;
	v3 =	vld [tilespmem:s19+$0x130]  }
0x94: {  	v4 =	vmax.bf16 v4, v5  }
0x95: {  	v0 =	vmax.bf16 v4, v0  }
0x96: {  	s19 =	sshll.u32 s17, $0xD;
	v0 =	vmax.bf16 v0, v1  }
0x97: {  	s19 =	sadd.s32 s4, s19;
	v0 =	vmax.bf16 v0, v2  }
0x98: {  	s19 =	sshrl.u32 s19, $0x4;
	v0 =	vmax.bf16 v0, v3  }
0x99: {  	s30 =	simm.s32 $0x0;
	s31 =	smul.u32 $0xA00, s17;
	s19 =	sadd.s32 s2, s19;
	[tilespmem:s20+$0xDD70] =	vst v0  }
0x9a: {  	[hbm4b:s19+s30] =	stream.linear.scatter [tilespmem:s14], [sflag:$0x3], $0x800, $0x38;
	[tilespmem:$0xE540] =	vst v63  }
0x9b: {  	_ =	swait.ge [sflag:s9], $0x800  }
0x9c: {  	s19 =	sshra.s32 s31, $0x2;
	[sflag:s9] =	ssyncset.done $0x0  }
0x9d: {  	s19 =	sadd.s32 $0x280, s19;
	[sflag:s9] =	ssyncadd.s32 $0xFFFFF800  }
0x9e: {  	[tilespmem:s11], [sflag:$0x1] =	stream.indirect.gather [hbm4b:s5+s10], $0x40, s19, s10, $0xb8;
	[tilespmem:$0xE540] =	vst v63  }
0x9f: {  	_ =	swait.ge [sflag:s15], $0x5000  }
0xa0: {  	[sflag:s15] =	ssyncset.done $0x0  }
0xa1: {  	s19 =	simm.s32 $0x8E80;
	[sflag:s15] =	ssyncadd.s32 $0xFFFFB000  }
0xa2: {  	v0 =	vld [tilespmem:s19+$0xFFFFFF00]  }
0xa3: {  	v1 =	vld [tilespmem:s19+$0xFFFFFEC0]  }
0xa4: {  	v2 =	vld [tilespmem:s19+$0xFFFFFF40]  }
0xa5: {  	v3 =	vld [tilespmem:s19+$0xFFFFFF80]  }
0xa6: {  	v4 =	vld [tilespmem:s19+$0xFFFFFFC0]  }
0xa7: {  	v5 =	vld [tilespmem:s19+$0x0]  }
0xa8: {  	v0 =	vmax.bf16 v1, v0;
	v1 =	vld [tilespmem:s19+$0x40]  }
0xa9: {  	v0 =	vmax.bf16 v0, v2;
	v2 =	vld [tilespmem:s19+$0x80]  }
0xaa: {  	v0 =	vmax.bf16 v0, v3;
	v3 =	vld [tilespmem:s19+$0xC0]  }
0xab: {  	v0 =	vmax.bf16 v0, v4;
	v4 =	vld [tilespmem:s19+$0x100]  }
0xac: {  	v0 =	vmax.bf16 v0, v5  }
0xad: {  	v0 =	vmax.bf16 v0, v1  }
0xae: {  	v0 =	vmax.bf16 v0, v2  }
0xaf: {  	v0 =	vmax.bf16 v0, v3  }
0xb0: {  	s20 =	simm.s32 $0x0;
	v0 =	vmax.bf16 v0, v4  }
0xb1: {  	[tilespmem:s20+$0xDD40] =	vst v0  }
0xb2: {  	v0 =	vld [tilespmem:s19+$0xFFFFFED0]  }
0xb3: {  	v1 =	vld [tilespmem:s19+$0xFFFFFF10]  }
0xb4: {  	v2 =	vld [tilespmem:s19+$0xFFFFFF50]  }
0xb5: {  	v3 =	vld [tilespmem:s19+$0xFFFFFF90]  }
0xb6: {  	v4 =	vld [tilespmem:s19+$0xFFFFFFD0]  }
0xb7: {  	v5 =	vld [tilespmem:s19+$0x10]  }
0xb8: {  	v0 =	vmax.bf16 v0, v1;
	v1 =	vld [tilespmem:s19+$0x50]  }
0xb9: {  	v0 =	vmax.bf16 v0, v2;
	v2 =	vld [tilespmem:s19+$0x90]  }
0xba: {  	v0 =	vmax.bf16 v0, v3;
	v3 =	vld [tilespmem:s19+$0xD0]  }
0xbb: {  	v0 =	vmax.bf16 v0, v4;
	v4 =	vld [tilespmem:s19+$0x110]  }
0xbc: {  	v0 =	vmax.bf16 v0, v5  }
0xbd: {  	v0 =	vmax.bf16 v0, v1  }
0xbe: {  	v0 =	vmax.bf16 v0, v2  }
0xbf: {  	v0 =	vmax.bf16 v0, v3  }
0xc0: {  	v0 =	vmax.bf16 v0, v4  }
0xc1: {  	[tilespmem:s20+$0xDD50] =	vst v0  }
0xc2: {  	v0 =	vld [tilespmem:s19+$0xFFFFFEE0]  }
0xc3: {  	v1 =	vld [tilespmem:s19+$0xFFFFFF20]  }
0xc4: {  	v2 =	vld [tilespmem:s19+$0xFFFFFF60]  }
0xc5: {  	v3 =	vld [tilespmem:s19+$0xFFFFFFA0]  }
0xc6: {  	v4 =	vld [tilespmem:s19+$0xFFFFFFE0]  }
0xc7: {  	v5 =	vld [tilespmem:s19+$0x20]  }
0xc8: {  	v0 =	vmax.bf16 v0, v1;
	v1 =	vld [tilespmem:s19+$0x60]  }
0xc9: {  	v0 =	vmax.bf16 v0, v2;
	v2 =	vld [tilespmem:s19+$0xA0]  }
0xca: {  	v0 =	vmax.bf16 v0, v3;
	v3 =	vld [tilespmem:s19+$0xE0]  }
0xcb: {  	v0 =	vmax.bf16 v0, v4;
	v4 =	vld [tilespmem:s19+$0x120]  }
0xcc: {  	v0 =	vmax.bf16 v0, v5  }
0xcd: {  	v0 =	vmax.bf16 v0, v1  }
0xce: {  	v0 =	vmax.bf16 v0, v2  }
0xcf: {  	v0 =	vmax.bf16 v0, v3  }
0xd0: {  	v0 =	vmax.bf16 v0, v4  }
0xd1: {  	[tilespmem:s20+$0xDD60] =	vst v0  }
0xd2: {  	v0 =	vld [tilespmem:s19+$0xFFFFFEF0]  }
0xd3: {  	v1 =	vld [tilespmem:s19+$0xFFFFFF30]  }
0xd4: {  	v2 =	vld [tilespmem:s19+$0xFFFFFF70]  }
0xd5: {  	v3 =	vld [tilespmem:s19+$0xFFFFFFB0]  }
0xd6: {  	v4 =	vld [tilespmem:s19+$0xFFFFFFF0]  }
0xd7: {  	v5 =	vld [tilespmem:s19+$0x30]  }
0xd8: {  	v1 =	vmax.bf16 v0, v1  }
0xd9: {  	v0 =	vld [tilespmem:s19+$0x70];
	v2 =	vmax.bf16 v1, v2  }
0xda: {  	v1 =	vld [tilespmem:s19+$0xB0];
	v3 =	vmax.bf16 v2, v3  }
0xdb: {  	v2 =	vld [tilespmem:s19+$0xF0];
	v4 =	vmax.bf16 v3, v4  }
0xdc: {  	s21 =	simm.s32 $0x100;
	v3 =	vld [tilespmem:s19+$0x130];
	v4 =	vmax.bf16 v4, v5  }
.LBB2_5:
0xdd: {  	p0 =	sne.s32 s21, $0x1F00  }
0xde: {  	s19 =	sadd.s32 $0x280, s19;
	s22 =	smov.u32 s21;
	s21 =	sadd.s32 $0x100, s21  }
0xdf: {  	v0 =	vmax.bf16 v4, v0  }
0xe0: {  	v0 =	vmax.bf16 v0, v1  }
0xe1: {  	v0 =	vmax.bf16 v0, v2  }
0xe2: {  	v0 =	vmax.bf16 v0, v3  }
0xe3: {  	[tilespmem:s20+$0xDD70] =	vst v0  }
0xe4: {  	v0 =	vld [tilespmem:s19+$0xFFFFFF00]  }
0xe5: {  	v1 =	vld [tilespmem:s19+$0xFFFFFEC0]  }
0xe6: {  	v2 =	vld [tilespmem:s19+$0xFFFFFF40]  }
0xe7: {  	v3 =	vld [tilespmem:s19+$0xFFFFFF80]  }
0xe8: {  	v4 =	vld [tilespmem:s19+$0xFFFFFFC0]  }
0xe9: {  	v5 =	vld [tilespmem:s19+$0x0]  }
0xea: {  	v0 =	vmax.bf16 v1, v0;
	v1 =	vld [tilespmem:s19+$0x40]  }
0xeb: {  	v0 =	vmax.bf16 v0, v2;
	v2 =	vld [tilespmem:s19+$0x80]  }
0xec: {  	v0 =	vmax.bf16 v0, v3;
	v3 =	vld [tilespmem:s19+$0xC0]  }
0xed: {  	v0 =	vmax.bf16 v0, v4;
	v4 =	vld [tilespmem:s19+$0x100]  }
0xee: {  	v0 =	vmax.bf16 v0, v5  }
0xef: {  	v0 =	vmax.bf16 v0, v1  }
0xf0: {  	v0 =	vmax.bf16 v0, v2  }
0xf1: {  	v0 =	vmax.bf16 v0, v3  }
0xf2: {  	s20 =	sshra.s32 s22, $0x2;
	v0 =	vmax.bf16 v0, v4  }
0xf3: {  	[tilespmem:s20+$0xDD40] =	vst v0  }
0xf4: {  	v0 =	vld [tilespmem:s19+$0xFFFFFED0]  }
0xf5: {  	v1 =	vld [tilespmem:s19+$0xFFFFFF10]  }
0xf6: {  	v2 =	vld [tilespmem:s19+$0xFFFFFF50]  }
0xf7: {  	v3 =	vld [tilespmem:s19+$0xFFFFFF90]  }
0xf8: {  	v4 =	vld [tilespmem:s19+$0xFFFFFFD0]  }
0xf9: {  	v5 =	vld [tilespmem:s19+$0x10]  }
0xfa: {  	v0 =	vmax.bf16 v0, v1;
	v1 =	vld [tilespmem:s19+$0x50]  }
0xfb: {  	v0 =	vmax.bf16 v0, v2;
	v2 =	vld [tilespmem:s19+$0x90]  }
0xfc: {  	v0 =	vmax.bf16 v0, v3;
	v3 =	vld [tilespmem:s19+$0xD0]  }
0xfd: {  	v0 =	vmax.bf16 v0, v4;
	v4 =	vld [tilespmem:s19+$0x110]  }
0xfe: {  	v0 =	vmax.bf16 v0, v5  }
0xff: {  	v0 =	vmax.bf16 v0, v1  }
0x100: {  	v0 =	vmax.bf16 v0, v2  }
0x101: {  	v0 =	vmax.bf16 v0, v3  }
0x102: {  	v0 =	vmax.bf16 v0, v4  }
0x103: {  	[tilespmem:s20+$0xDD50] =	vst v0  }
0x104: {  	v0 =	vld [tilespmem:s19+$0xFFFFFEE0]  }
0x105: {  	v1 =	vld [tilespmem:s19+$0xFFFFFF20]  }
0x106: {  	v2 =	vld [tilespmem:s19+$0xFFFFFF60]  }
0x107: {  	v3 =	vld [tilespmem:s19+$0xFFFFFFA0]  }
0x108: {  	v4 =	vld [tilespmem:s19+$0xFFFFFFE0]  }
0x109: {  	v5 =	vld [tilespmem:s19+$0x20]  }
0x10a: {  	v0 =	vmax.bf16 v0, v1;
	v1 =	vld [tilespmem:s19+$0x60]  }
0x10b: {  	v0 =	vmax.bf16 v0, v2;
	v2 =	vld [tilespmem:s19+$0xA0]  }
0x10c: {  	v0 =	vmax.bf16 v0, v3;
	v3 =	vld [tilespmem:s19+$0xE0]  }
0x10d: {  	v0 =	vmax.bf16 v0, v4;
	v4 =	vld [tilespmem:s19+$0x120]  }
0x10e: {  	v0 =	vmax.bf16 v0, v5  }
0x10f: {  	v0 =	vmax.bf16 v0, v1  }
0x110: {  	v0 =	vmax.bf16 v0, v2  }
0x111: {  	v0 =	vmax.bf16 v0, v3  }
0x112: {  	v0 =	vmax.bf16 v0, v4  }
0x113: {  	[tilespmem:s20+$0xDD60] =	vst v0  }
0x114: {  	v0 =	vld [tilespmem:s19+$0xFFFFFEF0]  }
0x115: {  	v1 =	vld [tilespmem:s19+$0xFFFFFF30]  }
0x116: {  	v2 =	vld [tilespmem:s19+$0xFFFFFF70]  }
0x117: {  	v3 =	vld [tilespmem:s19+$0xFFFFFFB0]  }
0x118: {  	v4 =	vld [tilespmem:s19+$0xFFFFFFF0]  }
0x119: {  	v5 =	vld [tilespmem:s19+$0x30]  }
.Ltmp1:
0x11a: {  	v1 =	vmax.bf16 v0, v1;
	v0 =	vld [tilespmem:s19+$0x70];
	(pc) =	sbr.rel @p0 .LBB2_5-.Ltmp1, $4  }
0x11b: {  	v2 =	vmax.bf16 v1, v2;
	v1 =	vld [tilespmem:s19+$0xB0]  }
0x11c: {  	v3 =	vmax.bf16 v2, v3;
	v2 =	vld [tilespmem:s19+$0xF0]  }
0x11d: {  	v4 =	vmax.bf16 v3, v4;
	v3 =	vld [tilespmem:s19+$0x130]  }
0x11e: {  	v4 =	vmax.bf16 v4, v5  }
0x11f: {  	v0 =	vmax.bf16 v4, v0  }
0x120: {  	s18 =	sshll.u32 s18, $0xC;
	v0 =	vmax.bf16 v0, v1  }
0x121: {  	s17 =	sadd.s32 $0x1, s17;
	s18 =	sadd.s32 s4, s18;
	v0 =	vmax.bf16 v0, v2  }
0x122: {  	p0 =	sne.s32 s17, $0x18;
	s18 =	sshrl.u32 s18, $0x4;
	v0 =	vmax.bf16 v0, v3  }
.Ltmp2:
0x123: {  	s18 =	sadd.s32 s2, s18;
	[tilespmem:s20+$0xDD70] =	vst v0;
	(pc) =	sbr.rel @p0 .LBB2_2-.Ltmp2, $4  }
0x124: {  	[hbm4b:s18+s3] =	stream.linear.scatter [tilespmem:s14], [sflag:$0x3], $0x800, $0x38;
	[tilespmem:$0xE540] =	vst v63  }
0x125: {  	_ =	swait.ge [sflag:s9], $0x800  }
0x126: {  	[sflag:s9] =	ssyncset.done $0x0  }
0x127: {  	[sflag:s9] =	ssyncadd.s32 $0xFFFFF800  }
0x128: {  	_ =	swait.ge [sflag:s13], $0x5000  }
0x129: {  	[sflag:s13] =	ssyncset.done $0x0  }
0x12a: {  	s17 =	simm.s32 $0x3E80;
	[sflag:s13] =	ssyncadd.s32 $0xFFFFB000  }
0x12b: {  	v0 =	vld [tilespmem:s17+$0xFFFFFF00]  }
0x12c: {  	v1 =	vld [tilespmem:s17+$0xFFFFFEC0]  }
0x12d: {  	v2 =	vld [tilespmem:s17+$0xFFFFFF40]  }
0x12e: {  	v3 =	vld [tilespmem:s17+$0xFFFFFF80]  }
0x12f: {  	v4 =	vld [tilespmem:s17+$0xFFFFFFC0]  }
0x130: {  	v5 =	vld [tilespmem:s17+$0x0]  }
0x131: {  	v0 =	vmax.bf16 v1, v0;
	v1 =	vld [tilespmem:s17+$0x40]  }
0x132: {  	v0 =	vmax.bf16 v0, v2;
	v2 =	vld [tilespmem:s17+$0x80]  }
0x133: {  	v0 =	vmax.bf16 v0, v3;
	v3 =	vld [tilespmem:s17+$0xC0]  }
0x134: {  	v0 =	vmax.bf16 v0, v4;
	v4 =	vld [tilespmem:s17+$0x100]  }
0x135: {  	v0 =	vmax.bf16 v0, v5  }
0x136: {  	v0 =	vmax.bf16 v0, v1  }
0x137: {  	v0 =	vmax.bf16 v0, v2  }
0x138: {  	v0 =	vmax.bf16 v0, v3  }
0x139: {  	s18 =	simm.s32 $0x0;
	v0 =	vmax.bf16 v0, v4  }
0x13a: {  	[tilespmem:s18+$0xDD40] =	vst v0  }
0x13b: {  	v0 =	vld [tilespmem:s17+$0xFFFFFED0]  }
0x13c: {  	v1 =	vld [tilespmem:s17+$0xFFFFFF10]  }
0x13d: {  	v2 =	vld [tilespmem:s17+$0xFFFFFF50]  }
0x13e: {  	v3 =	vld [tilespmem:s17+$0xFFFFFF90]  }
0x13f: {  	v4 =	vld [tilespmem:s17+$0xFFFFFFD0]  }
0x140: {  	v5 =	vld [tilespmem:s17+$0x10]  }
0x141: {  	v0 =	vmax.bf16 v0, v1;
	v1 =	vld [tilespmem:s17+$0x50]  }
0x142: {  	v0 =	vmax.bf16 v0, v2;
	v2 =	vld [tilespmem:s17+$0x90]  }
0x143: {  	v0 =	vmax.bf16 v0, v3;
	v3 =	vld [tilespmem:s17+$0xD0]  }
0x144: {  	v0 =	vmax.bf16 v0, v4;
	v4 =	vld [tilespmem:s17+$0x110]  }
0x145: {  	v0 =	vmax.bf16 v0, v5  }
0x146: {  	v0 =	vmax.bf16 v0, v1  }
0x147: {  	v0 =	vmax.bf16 v0, v2  }
0x148: {  	v0 =	vmax.bf16 v0, v3  }
0x149: {  	v0 =	vmax.bf16 v0, v4  }
0x14a: {  	[tilespmem:s18+$0xDD50] =	vst v0  }
0x14b: {  	v0 =	vld [tilespmem:s17+$0xFFFFFEE0]  }
0x14c: {  	v1 =	vld [tilespmem:s17+$0xFFFFFF20]  }
0x14d: {  	v2 =	vld [tilespmem:s17+$0xFFFFFF60]  }
0x14e: {  	v3 =	vld [tilespmem:s17+$0xFFFFFFA0]  }
0x14f: {  	v4 =	vld [tilespmem:s17+$0xFFFFFFE0]  }
0x150: {  	v5 =	vld [tilespmem:s17+$0x20]  }
0x151: {  	v0 =	vmax.bf16 v0, v1;
	v1 =	vld [tilespmem:s17+$0x60]  }
0x152: {  	v0 =	vmax.bf16 v0, v2;
	v2 =	vld [tilespmem:s17+$0xA0]  }
0x153: {  	v0 =	vmax.bf16 v0, v3;
	v3 =	vld [tilespmem:s17+$0xE0]  }
0x154: {  	v0 =	vmax.bf16 v0, v4;
	v4 =	vld [tilespmem:s17+$0x120]  }
0x155: {  	v0 =	vmax.bf16 v0, v5  }
0x156: {  	v0 =	vmax.bf16 v0, v1  }
0x157: {  	v0 =	vmax.bf16 v0, v2  }
0x158: {  	v0 =	vmax.bf16 v0, v3  }
0x159: {  	v0 =	vmax.bf16 v0, v4  }
0x15a: {  	[tilespmem:s18+$0xDD60] =	vst v0  }
0x15b: {  	v0 =	vld [tilespmem:s17+$0xFFFFFEF0]  }
0x15c: {  	v1 =	vld [tilespmem:s17+$0xFFFFFF30]  }
0x15d: {  	v2 =	vld [tilespmem:s17+$0xFFFFFF70]  }
0x15e: {  	v3 =	vld [tilespmem:s17+$0xFFFFFFB0]  }
0x15f: {  	v4 =	vld [tilespmem:s17+$0xFFFFFFF0]  }
0x160: {  	v5 =	vld [tilespmem:s17+$0x30]  }
0x161: {  	v1 =	vmax.bf16 v0, v1  }
0x162: {  	v0 =	vld [tilespmem:s17+$0x70];
	v2 =	vmax.bf16 v1, v2  }
0x163: {  	v1 =	vld [tilespmem:s17+$0xB0];
	v3 =	vmax.bf16 v2, v3  }
0x164: {  	v2 =	vld [tilespmem:s17+$0xF0];
	v4 =	vmax.bf16 v3, v4  }
0x165: {  	s19 =	simm.s32 $0x100;
	v3 =	vld [tilespmem:s17+$0x130];
	v4 =	vmax.bf16 v4, v5  }
.LBB2_8:
0x166: {  	p0 =	sne.s32 s19, $0x1F00  }
0x167: {  	s17 =	sadd.s32 $0x280, s17;
	s20 =	smov.u32 s19;
	s19 =	sadd.s32 $0x100, s19  }
0x168: {  	v0 =	vmax.bf16 v4, v0  }
0x169: {  	v0 =	vmax.bf16 v0, v1  }
0x16a: {  	v0 =	vmax.bf16 v0, v2  }
0x16b: {  	v0 =	vmax.bf16 v0, v3  }
0x16c: {  	[tilespmem:s18+$0xDD70] =	vst v0  }
0x16d: {  	v0 =	vld [tilespmem:s17+$0xFFFFFF00]  }
0x16e: {  	v1 =	vld [tilespmem:s17+$0xFFFFFEC0]  }
0x16f: {  	v2 =	vld [tilespmem:s17+$0xFFFFFF40]  }
0x170: {  	v3 =	vld [tilespmem:s17+$0xFFFFFF80]  }
0x171: {  	v4 =	vld [tilespmem:s17+$0xFFFFFFC0]  }
0x172: {  	v5 =	vld [tilespmem:s17+$0x0]  }
0x173: {  	v0 =	vmax.bf16 v1, v0;
	v1 =	vld [tilespmem:s17+$0x40]  }
0x174: {  	v0 =	vmax.bf16 v0, v2;
	v2 =	vld [tilespmem:s17+$0x80]  }
0x175: {  	v0 =	vmax.bf16 v0, v3;
	v3 =	vld [tilespmem:s17+$0xC0]  }
0x176: {  	v0 =	vmax.bf16 v0, v4;
	v4 =	vld [tilespmem:s17+$0x100]  }
0x177: {  	v0 =	vmax.bf16 v0, v5  }
0x178: {  	v0 =	vmax.bf16 v0, v1  }
0x179: {  	v0 =	vmax.bf16 v0, v2  }
0x17a: {  	v0 =	vmax.bf16 v0, v3  }
0x17b: {  	s18 =	sshra.s32 s20, $0x2;
	v0 =	vmax.bf16 v0, v4  }
0x17c: {  	[tilespmem:s18+$0xDD40] =	vst v0  }
0x17d: {  	v0 =	vld [tilespmem:s17+$0xFFFFFED0]  }
0x17e: {  	v1 =	vld [tilespmem:s17+$0xFFFFFF10]  }
0x17f: {  	v2 =	vld [tilespmem:s17+$0xFFFFFF50]  }
0x180: {  	v3 =	vld [tilespmem:s17+$0xFFFFFF90]  }
0x181: {  	v4 =	vld [tilespmem:s17+$0xFFFFFFD0]  }
0x182: {  	v5 =	vld [tilespmem:s17+$0x10]  }
0x183: {  	v0 =	vmax.bf16 v0, v1;
	v1 =	vld [tilespmem:s17+$0x50]  }
0x184: {  	v0 =	vmax.bf16 v0, v2;
	v2 =	vld [tilespmem:s17+$0x90]  }
0x185: {  	v0 =	vmax.bf16 v0, v3;
	v3 =	vld [tilespmem:s17+$0xD0]  }
0x186: {  	v0 =	vmax.bf16 v0, v4;
	v4 =	vld [tilespmem:s17+$0x110]  }
0x187: {  	v0 =	vmax.bf16 v0, v5  }
0x188: {  	v0 =	vmax.bf16 v0, v1  }
0x189: {  	v0 =	vmax.bf16 v0, v2  }
0x18a: {  	v0 =	vmax.bf16 v0, v3  }
0x18b: {  	v0 =	vmax.bf16 v0, v4  }
0x18c: {  	[tilespmem:s18+$0xDD50] =	vst v0  }
0x18d: {  	v0 =	vld [tilespmem:s17+$0xFFFFFEE0]  }
0x18e: {  	v1 =	vld [tilespmem:s17+$0xFFFFFF20]  }
0x18f: {  	v2 =	vld [tilespmem:s17+$0xFFFFFF60]  }
0x190: {  	v3 =	vld [tilespmem:s17+$0xFFFFFFA0]  }
0x191: {  	v4 =	vld [tilespmem:s17+$0xFFFFFFE0]  }
0x192: {  	v5 =	vld [tilespmem:s17+$0x20]  }
0x193: {  	v0 =	vmax.bf16 v0, v1;
	v1 =	vld [tilespmem:s17+$0x60]  }
0x194: {  	v0 =	vmax.bf16 v0, v2;
	v2 =	vld [tilespmem:s17+$0xA0]  }
0x195: {  	v0 =	vmax.bf16 v0, v3;
	v3 =	vld [tilespmem:s17+$0xE0]  }
0x196: {  	v0 =	vmax.bf16 v0, v4;
	v4 =	vld [tilespmem:s17+$0x120]  }
0x197: {  	v0 =	vmax.bf16 v0, v5  }
0x198: {  	v0 =	vmax.bf16 v0, v1  }
0x199: {  	v0 =	vmax.bf16 v0, v2  }
0x19a: {  	v0 =	vmax.bf16 v0, v3  }
0x19b: {  	v0 =	vmax.bf16 v0, v4  }
0x19c: {  	[tilespmem:s18+$0xDD60] =	vst v0  }
0x19d: {  	v0 =	vld [tilespmem:s17+$0xFFFFFEF0]  }
0x19e: {  	v1 =	vld [tilespmem:s17+$0xFFFFFF30]  }
0x19f: {  	v2 =	vld [tilespmem:s17+$0xFFFFFF70]  }
0x1a0: {  	v3 =	vld [tilespmem:s17+$0xFFFFFFB0]  }
0x1a1: {  	v4 =	vld [tilespmem:s17+$0xFFFFFFF0]  }
0x1a2: {  	v5 =	vld [tilespmem:s17+$0x30]  }
.Ltmp3:
0x1a3: {  	v1 =	vmax.bf16 v0, v1;
	v0 =	vld [tilespmem:s17+$0x70];
	(pc) =	sbr.rel @p0 .LBB2_8-.Ltmp3, $4  }
0x1a4: {  	v2 =	vmax.bf16 v1, v2;
	v1 =	vld [tilespmem:s17+$0xB0]  }
0x1a5: {  	v3 =	vmax.bf16 v2, v3;
	v2 =	vld [tilespmem:s17+$0xF0]  }
0x1a6: {  	v4 =	vmax.bf16 v3, v4;
	v3 =	vld [tilespmem:s17+$0x130]  }
0x1a7: {  	v4 =	vmax.bf16 v4, v5  }
0x1a8: {  	v0 =	vmax.bf16 v4, v0  }
0x1a9: {  	v0 =	vmax.bf16 v0, v1  }
0x1aa: {  	s16 =	sadd.s32 $0x1, s16;
	v0 =	vmax.bf16 v0, v2  }
0x1ab: {  	p0 =	sne.s32 s16, s8;
	v0 =	vmax.bf16 v0, v3  }
.Ltmp4:
0x1ac: {  	[tilespmem:s18+$0xDD70] =	vst v0;
	(pc) =	sbr.rel @p0 .LBB2_1-.Ltmp4, $4  }
0x1ad: {  	[hbm4b:s7+s3] =	stream.linear.scatter [tilespmem:s14], [sflag:$0x3], $0x800, $0x38;
	[tilespmem:$0xE540] =	vst v63  }
0x1ae: {  	_ =	swait.ge [sflag:s9], $0x800  }
0x1af: {  	[sflag:s9] =	ssyncset.done $0x0  }
0x1b0: {  	[sflag:s9] =	ssyncadd.s32 $0xFFFFF800  }
0x1b1: {  	_ =	sfence.sel $0x180000  }
0x1b2: {  	[bflag:$0x0] =	sbarrier.arrive $0xFFFF  }
0x1b3: {  	p0 =	sne.s32 s0, $0x0;
	_ =	strace $0x90000047  }
0x1b4: {  	s0 =	sadd.s32 @!p0 $0x100000, s1;
	[bflag:$0x2] =	sbarrier.arrive $0xFFFF  }
0x1b5: {  	[sflag:s0] =	ssyncadd.tile.s32 @!p0 $0x1;
	_ =	shalt  }
.Lfunc_end2:
_tile_overlayer_lowered:
.L_overlay_start_2:
0x1b6: {  	(tag) =	ssettag $0x2  }
0x1b7: {  	s0 =	rddreg [dreg:$0x0];
	s2 =	stileid.u32  }
0x1b8: {  	s1 =	rddreg [dreg:$0x1];
	p0 =	sne.s32 s2, $0x0  }
0x1b9: {  	s3 =	rddreg [dreg:$0x2];
	[bflag:$0x3] =	sbarrier.arrive $0xFFFF;
	s2 =	simm.s32 @!p0 $0x1C03  }
0x1ba: {  	[timem:s3], [sflag:s2] =	dma.local @!p0 [hbm:s0], s1  }
0x1bb: {  	s0 =	simm.s32 @!p0 $0x3  }
0x1bc: {  	_ =	swait.ge @!p0 [sflag:s0], s1  }
0x1bd: {  	s1 =	ssub.s32 @!p0 $0x0, s1;
	[sflag:s0] =	ssyncset.done @!p0 $0x0  }
0x1be: {  	[sflag:s0] =	ssyncadd.s32 @!p0 s1  }
0x1bf: {  	[bflag:$0x3] =	sbarrier.arrive $0xFFFF  }
0x1c0: {  	_ =	shalt  }

</sc_bundles>
